<compile_context>
chip_gen: v7x
topology: tpu7x:2x2x1
jax: 0.10.2.dev20260603
libtpu: 0.0.44.dev20260713+nightly
codegen_flags: <defaults>
</compile_context>

<pallas_src>
import functools

import jax
import jax.numpy as jnp
from jax import lax
from jax.experimental import pallas as pl
from jax.experimental.pallas import tpu as pltpu
from jax.experimental.pallas import tpu_sc as plsc

N = 10000
E = 320000
D = 128
NW = 32
EB = 128
NB = 80
EP = NW * NB * EB
NPAD = 10112
ZROWS = NPAD // 16
CROWS = NPAD // 16

@functools.cache
def _sc_kernels():
    mesh = plsc.VectorSubcoreMesh(core_axis_name="c", subcore_axis_name="s")

    DSEM = 4

    @functools.partial(
        pl.kernel,
        mesh=mesh,
        out_type=jax.ShapeDtypeStruct((2, NPAD, D), jnp.float32),
        scratch_types=[
            pltpu.VMEM((NB, EB), jnp.int32),
            pltpu.VMEM((EB, D), jnp.float32),
            pltpu.VMEM_SHARED((NPAD, D), jnp.float32),
        ]
        + [pltpu.SemaphoreType.DMA] * DSEM,
    )
    def deg_kernel(dst_hbm, ones_hbm, z_hbm, out_hbm, dst_v, ones_v, deg_sh,
                   *dsem):
        c = lax.axis_index("c")
        s = lax.axis_index("s")
        w = s * 2 + c
        pltpu.sync_copy(z_hbm.at[pl.ds(s * ZROWS, ZROWS)],
                        deg_sh.at[pl.ds(s * ZROWS, ZROWS)])
        pltpu.sync_copy(ones_hbm, ones_v)
        pltpu.sync_copy(dst_hbm.at[pl.ds(w * NB, NB)], dst_v)
        plsc.subcore_barrier()

        for b in range(DSEM):
            pltpu.async_copy(ones_v, deg_sh.at[dst_v.at[b]], dsem[b],
                             add=True)

        def body(g, carry):
            for b in range(DSEM):
                pltpu.make_async_copy(ones_v, deg_sh.at[dst_v.at[0]],
                                      dsem[b]).wait()
                pltpu.async_copy(ones_v, deg_sh.at[dst_v.at[g * DSEM + b]],
                                 dsem[b], add=True)
            return carry

        lax.fori_loop(1, NB // DSEM, body, 0)
        for b in range(DSEM):
            pltpu.make_async_copy(ones_v, deg_sh.at[dst_v.at[0]],
                                  dsem[b]).wait()
        plsc.subcore_barrier()
        pltpu.sync_copy(deg_sh.at[pl.ds(s * CROWS, CROWS)],
                        out_hbm.at[c, pl.ds(s * CROWS, CROWS)])

    RBUF = 2
    CHK = 8
    NB0 = 152
    NB1 = 8

    @functools.partial(
        pl.kernel,
        mesh=mesh,
        out_type=jax.ShapeDtypeStruct((2, NPAD, D), jnp.float32),
        scratch_types=[
            pltpu.VMEM((CHK, EB), jnp.int32),
            pltpu.VMEM((CHK, EB), jnp.int32),
            pltpu.VMEM((RBUF, EB, D), jnp.float32),
            pltpu.VMEM_SHARED((NPAD, D), jnp.float32),
        ]
        + [pltpu.SemaphoreType.DMA] * (2 * RBUF),
    )
    def agg_kernel(hs_hbm, src_hbm, dst_hbm, z_hbm, out_hbm,
                   isrc, idst, rows_v, acc_sh, *sems):
        gsem = sems[:RBUF]
        ssem = sems[RBUF:]
        c = lax.axis_index("c")
        s = lax.axis_index("s")

        def start_gather(u, b2):
            pltpu.async_copy(hs_hbm.at[isrc.at[u]], rows_v.at[b2], gsem[b2])

        def wait_gather(b2):
            pltpu.make_async_copy(hs_hbm.at[isrc.at[0]],
                                  rows_v.at[b2], gsem[b2]).wait()

        pltpu.sync_copy(z_hbm.at[pl.ds(s * ZROWS, ZROWS)],
                        acc_sh.at[pl.ds(s * ZROWS, ZROWS)])
        plsc.subcore_barrier()

        def run_blocks(base, nchk):
            def body(kc, carry):
                off = base + kc * CHK
                pltpu.sync_copy(src_hbm.at[pl.ds(off, CHK)], isrc)
                pltpu.sync_copy(dst_hbm.at[pl.ds(off, CHK)], idst)
                for b2 in range(RBUF):
                    start_gather(b2, b2)
                for u in range(CHK):
                    b2 = u % RBUF
                    wait_gather(b2)
                    pltpu.async_copy(rows_v.at[b2], acc_sh.at[idst.at[u]],
                                     ssem[b2], add=True)
                    pltpu.make_async_copy(rows_v.at[b2],
                                          acc_sh.at[idst.at[0]],
                                          ssem[b2]).wait()
                    if u + RBUF < CHK:
                        start_gather(u + RBUF, b2)
                return carry

            lax.fori_loop(0, nchk, body, 0)

        @pl.when(c == 0)
        def _():
            run_blocks(s * NB0, NB0 // CHK)

        @pl.when(c == 1)
        def _():
            run_blocks(16 * NB0 + s * NB1, NB1 // CHK)
        plsc.subcore_barrier()
        pltpu.sync_copy(acc_sh.at[pl.ds(s * CROWS, CROWS)],
                        out_hbm.at[c, pl.ds(s * CROWS, CROWS)])

    return deg_kernel, agg_kernel


_RB = 1000


def _tc_in_body(x_ref, w_ref, dp_ref, hs_ref, dis_ref):
    deg = dp_ref[0, :, 0:1] + dp_ref[1, :, 0:1] + 1.0
    dis = lax.rsqrt(deg)
    h = jnp.dot(x_ref[...], w_ref[...], preferred_element_type=jnp.float32)
    hs_ref[...] = h * dis
    dis_ref[...] = dis


def _tc_in(x, W1, degparts):
    return pl.pallas_call(
        _tc_in_body,
        grid=(N // _RB,),
        in_specs=[
            pl.BlockSpec((_RB, D), lambda i: (i, 0)),
            pl.BlockSpec((D, D), lambda i: (0, 0)),
            pl.BlockSpec((2, _RB, D), lambda i: (0, i, 0)),
        ],
        out_specs=[
            pl.BlockSpec((_RB, D), lambda i: (i, 0)),
            pl.BlockSpec((_RB, 1), lambda i: (i, 0)),
        ],
        out_shape=[
            jax.ShapeDtypeStruct((N, D), jnp.float32),
            jax.ShapeDtypeStruct((N, 1), jnp.float32),
        ],
    )(x, W1, degparts)


def _tc_mid_body(p_ref, hs_ref, dis_ref, b_ref, w_ref, out_ref):
    acc = p_ref[0] + p_ref[1] + hs_ref[...]
    z = jnp.maximum(acc * dis_ref[...] + b_ref[...], 0.0)
    out_ref[...] = jnp.dot(z, w_ref[...],
                           preferred_element_type=jnp.float32) * dis_ref[...]


def _tc_mid(parts, hs, dis, b1, W2):
    return pl.pallas_call(
        _tc_mid_body,
        grid=(N // _RB,),
        in_specs=[
            pl.BlockSpec((2, _RB, D), lambda i: (0, i, 0)),
            pl.BlockSpec((_RB, D), lambda i: (i, 0)),
            pl.BlockSpec((_RB, 1), lambda i: (i, 0)),
            pl.BlockSpec((1, D), lambda i: (0, 0)),
            pl.BlockSpec((D, D), lambda i: (0, 0)),
        ],
        out_specs=pl.BlockSpec((_RB, D), lambda i: (i, 0)),
        out_shape=jax.ShapeDtypeStruct((N, D), jnp.float32),
    )(parts, hs, dis, b1, W2)


def _tc_out_body(p_ref, hs_ref, dis_ref, b_ref, out_ref):
    acc = p_ref[0] + p_ref[1] + hs_ref[...]
    out_ref[...] = acc * dis_ref[...] + b_ref[...]


def _tc_out(parts, hs, dis, b2):
    return pl.pallas_call(
        _tc_out_body,
        grid=(N // _RB,),
        in_specs=[
            pl.BlockSpec((2, _RB, D), lambda i: (0, i, 0)),
            pl.BlockSpec((_RB, D), lambda i: (i, 0)),
            pl.BlockSpec((_RB, 1), lambda i: (i, 0)),
            pl.BlockSpec((1, D), lambda i: (0, 0)),
        ],
        out_specs=pl.BlockSpec((_RB, D), lambda i: (i, 0)),
        out_shape=jax.ShapeDtypeStruct((N, D), jnp.float32),
    )(parts, hs, dis, b2)


def kernel(x, edge_index, W1, b1, W2, b2):
    pad = EP - E
    src_p = jnp.concatenate(
        [edge_index[0], jnp.zeros((pad,), jnp.int32)]).reshape(EP // EB, EB)
    dst_p = jnp.concatenate(
        [edge_index[1], jnp.full((pad,), N, jnp.int32)]).reshape(EP // EB, EB)
    zeros_d = jnp.zeros((NPAD, D), jnp.float32)
    ones_d = jnp.ones((EB, D), jnp.float32)

    deg_kernel, agg_kernel = _sc_kernels()
    degparts = deg_kernel(dst_p, ones_d, zeros_d)
    h1s, dis = _tc_in(x, W1, degparts)
    parts1 = agg_kernel(h1s, src_p, dst_p, zeros_d)
    h2s = _tc_mid(parts1, h1s, dis, b1.reshape(1, D), W2)
    parts2 = agg_kernel(h2s, src_p, dst_p, zeros_d)
    return _tc_out(parts2, h2s, dis, b2.reshape(1, D))

# --- scband reference (transcript-rebuilt; emitter-appended) ---
"""Pipeline reference for scband-gcnencoder-56616258895907 (READ-ONLY COPY).

The authoritative reference and input builder live on the scoring server;
editing this copy changes nothing except your own understanding.
"""

import jax, jax.numpy as jnp
import numpy as np

N_NODES = 10000
N_EDGES = 320000
D_IN = 128
D_HID = 128
D_OUT = 128


def setup_inputs(seed: int = 0) -> dict:
    key = jax.random.key(seed)
    k1, k2, k3, k4, k5, k6 = jax.random.split(key, 6)
    x = jax.random.normal(k1, (N_NODES, D_IN), dtype=jnp.float32)
    edge_index = jax.random.randint(k2, (2, N_EDGES), 0, N_NODES, dtype=jnp.int32)
    # Glorot-style init for GCN weights
    W1 = jax.random.normal(k3, (D_IN, D_HID), dtype=jnp.float32) * (1.0 / np.sqrt(D_IN))
    b1 = jnp.zeros((D_HID,), dtype=jnp.float32)
    W2 = jax.random.normal(k4, (D_HID, D_OUT), dtype=jnp.float32) * (1.0 / np.sqrt(D_HID))
    b2 = jnp.zeros((D_OUT,), dtype=jnp.float32)
    return {"x": x, "edge_index": edge_index, "W1": W1, "b1": b1, "W2": W2, "b2": b2}


def _gcn_conv(x, src, dst, W, b, num_nodes):
    # symmetric-normalized GCN convolution with self-loops (PyG GCNConv semantics)
    h = x @ W
    deg = jnp.zeros((num_nodes,), dtype=h.dtype).at[dst].add(1.0)
    deg_inv_sqrt = jnp.where(deg > 0, jax.lax.rsqrt(jnp.maximum(deg, 1.0)), 0.0)
    norm = deg_inv_sqrt[src] * deg_inv_sqrt[dst]
    msg = h[src] * norm[:, None]
    out = jnp.zeros((num_nodes, h.shape[1]), dtype=h.dtype).at[dst].add(msg)
    return out + b


def reference(x, edge_index, W1, b1, W2, b2):
    num_nodes = x.shape[0]
    loop = jnp.arange(num_nodes, dtype=edge_index.dtype)
    src = jnp.concatenate([edge_index[0], loop])
    dst = jnp.concatenate([edge_index[1], loop])
    h = _gcn_conv(x, src, dst, W1, b1, num_nodes)
    h = jax.nn.relu(h)
    out = _gcn_conv(h, src, dst, W2, b2, num_nodes)
    return out

if __name__ == "__main__":
    import jax
    _d = setup_inputs()
    print(jax.jit(kernel)(*tuple(_d.values())))

</pallas_src>

<mosaic_0001>
#map = affine_map<(d0, d1) -> (0, 0)>
#map1 = affine_map<(d0, d1) -> (0, 0, 0)>
module attributes {stable_mosaic.version = 14 : i64} {
  func.func @agg_kernel(%arg0: i32, %arg1: i32, %arg2: memref<10000x128xf32, #tpu.memory_space<hbm>>, %arg3: memref<2560x128xi32, #tpu.memory_space<hbm>>, %arg4: memref<2560x128xi32, #tpu.memory_space<hbm>>, %arg5: memref<10112x128xf32, #tpu.memory_space<hbm>>, %arg6: memref<2x10112x128xf32, #tpu.memory_space<hbm>>, %arg7: memref<8x128xi32, #tpu.memory_space<vmem>>, %arg8: memref<8x128xi32, #tpu.memory_space<vmem>>, %arg9: memref<2x128x128xf32, #tpu.memory_space<vmem>>, %arg10: memref<10112x128xf32, #tpu.memory_space<vmem_shared>>, %arg11: memref<!tpu.dma_semaphore, #tpu.memory_space<semaphore_mem>>, %arg12: memref<!tpu.dma_semaphore, #tpu.memory_space<semaphore_mem>>, %arg13: memref<!tpu.dma_semaphore, #tpu.memory_space<semaphore_mem>>, %arg14: memref<!tpu.dma_semaphore, #tpu.memory_space<semaphore_mem>>) attributes {dimension_semantics = [#tpu.dimension_semantics<core_parallel>, #tpu.dimension_semantics<subcore_parallel>], iteration_bounds = array<i64: 2, 16>, scalar_prefetch = 0 : i64, scratch_operands = 8 : i64, tpu.core_type = #tpu.core_type<sc_vector_subcore>, window_params = [{transform_indices = #map}, {transform_indices = #map}, {transform_indices = #map}, {transform_indices = #map}, {transform_indices = #map1}]} {
    %mul3A = arith.constant 632 : i32
    %mul3A_0 = arith.muli %arg1, %mul3A : i32
    %mul3A_1 = arith.constant 632 : i32
    %mul3A_2 = arith.muli %arg1, %mul3A_1 : i32
    "tpu.region"() ({
      %run_scoped3A = tpu.sem_alloc : memref<!tpu.dma_semaphore, #tpu.memory_space<semaphore_mem>>
      %dma_start3A = arith.constant 0 : i32
      %dma_start3A_15 = tpu.memref_slice %arg10[%mul3A_2, %dma_start3A] : memref<10112x128xf32, #tpu.memory_space<vmem_shared>> -> memref<632x128xf32, #tpu.memory_space<vmem_shared>>
      %dma_start3A_16 = arith.constant 0 : i32
      %dma_start3A_17 = tpu.memref_slice %arg5[%mul3A_0, %dma_start3A_16] : memref<10112x128xf32, #tpu.memory_space<hbm>> -> memref<632x128xf32, #tpu.memory_space<hbm>>
      tpu.enqueue_dma source(%dma_start3A_17 : memref<632x128xf32, #tpu.memory_space<hbm>>) target(%dma_start3A_15 : memref<632x128xf32, #tpu.memory_space<vmem_shared>>) target_semaphore(%run_scoped3A : memref<!tpu.dma_semaphore, #tpu.memory_space<semaphore_mem>>)
      %dma_wait3A = arith.constant 0 : i32
      %dma_wait3A_18 = tpu.memref_slice %arg10[%mul3A_2, %dma_wait3A] : memref<10112x128xf32, #tpu.memory_space<vmem_shared>> -> memref<632x128xf32, #tpu.memory_space<vmem_shared>>
      %dma_wait3A_19 = arith.constant 0 : i32
      %dma_wait3A_20 = tpu.memref_slice %arg5[%mul3A_0, %dma_wait3A_19] : memref<10112x128xf32, #tpu.memory_space<hbm>> -> memref<632x128xf32, #tpu.memory_space<hbm>>
      tpu.wait_dma2 semaphore(%run_scoped3A : memref<!tpu.dma_semaphore, #tpu.memory_space<semaphore_mem>>) src(%dma_wait3A_20 : memref<632x128xf32, #tpu.memory_space<hbm>>) dst(%dma_wait3A_18 : memref<632x128xf32, #tpu.memory_space<vmem_shared>>)
      tpu.yield
    }) : () -> ()
    %barrier3A = arith.constant 0 : index
    tpu.barrier barrier_id(%barrier3A)
    %eq3A = arith.constant 0 : i32
    %eq3A_3 = arith.cmpi eq, %arg0, %eq3A : i32
    %convert_element_type3A = arith.extui %eq3A_3 : i1 to i32
    %cond3A = arith.constant 0 : i32
    %cond3A_4 = arith.cmpi ne, %convert_element_type3A, %cond3A : i32
    scf.if %cond3A_4 {
      %mul3A_15 = arith.constant 152 : i32
      %mul3A_16 = arith.muli %arg1, %mul3A_15 : i32
      %scan3A = arith.constant 0 : i32
      %scan3A_17 = arith.constant 0 : i32
      %scan3A_18 = arith.constant 19 : i32
      %scan3A_19 = arith.addi %scan3A_17, %scan3A_18 : i32
      %scan3A_20 = arith.constant 1 : i32
      scf.for %scan3A_22 = %scan3A_17 to %scan3A_19 step %scan3A_20  : i32 {
        %mul3A_23 = arith.constant 8 : i32
        %mul3A_24 = arith.muli %scan3A_22, %mul3A_23 : i32
        %add3A = arith.addi %mul3A_16, %mul3A_24 : i32
        "tpu.region"() ({
          %run_scoped3A = tpu.sem_alloc : memref<!tpu.dma_semaphore, #tpu.memory_space<semaphore_mem>>
          %dma_start3A_407 = arith.constant 0 : i32
          %dma_start3A_408 = tpu.memref_slice %arg3[%add3A, %dma_start3A_407] : memref<2560x128xi32, #tpu.memory_space<hbm>> -> memref<8x128xi32, #tpu.memory_space<hbm>>
          %dma_start3A_409 = arith.constant 0 : i32
          %dma_start3A_410 = tpu.memref_slice %arg3[%add3A, %dma_start3A_409] : memref<2560x128xi32, #tpu.memory_space<hbm>> -> memref<8x128xi32, #tpu.memory_space<hbm>>
          tpu.enqueue_dma source(%dma_start3A_410 : memref<8x128xi32, #tpu.memory_space<hbm>>) target(%arg7 : memref<8x128xi32, #tpu.memory_space<vmem>>) target_semaphore(%run_scoped3A : memref<!tpu.dma_semaphore, #tpu.memory_space<semaphore_mem>>)
          %dma_wait3A_411 = arith.constant 0 : i32
          %dma_wait3A_412 = tpu.memref_slice %arg3[%add3A, %dma_wait3A_411] : memref<2560x128xi32, #tpu.memory_space<hbm>> -> memref<8x128xi32, #tpu.memory_space<hbm>>
          %dma_wait3A_413 = arith.constant 0 : i32
          %dma_wait3A_414 = tpu.memref_slice %arg3[%add3A, %dma_wait3A_413] : memref<2560x128xi32, #tpu.memory_space<hbm>> -> memref<8x128xi32, #tpu.memory_space<hbm>>
          tpu.wait_dma2 semaphore(%run_scoped3A : memref<!tpu.dma_semaphore, #tpu.memory_space<semaphore_mem>>) src(%dma_wait3A_414 : memref<8x128xi32, #tpu.memory_space<hbm>>) dst(%arg7 : memref<8x128xi32, #tpu.memory_space<vmem>>)
          tpu.yield
        }) : () -> ()
        "tpu.region"() ({
          %run_scoped3A = tpu.sem_alloc : memref<!tpu.dma_semaphore, #tpu.memory_space<semaphore_mem>>
          %dma_start3A_407 = arith.constant 0 : i32
          %dma_start3A_408 = tpu.memref_slice %arg4[%add3A, %dma_start3A_407] : memref<2560x128xi32, #tpu.memory_space<hbm>> -> memref<8x128xi32, #tpu.memory_space<hbm>>
          %dma_start3A_409 = arith.constant 0 : i32
          %dma_start3A_410 = tpu.memref_slice %arg4[%add3A, %dma_start3A_409] : memref<2560x128xi32, #tpu.memory_space<hbm>> -> memref<8x128xi32, #tpu.memory_space<hbm>>
          tpu.enqueue_dma source(%dma_start3A_410 : memref<8x128xi32, #tpu.memory_space<hbm>>) target(%arg8 : memref<8x128xi32, #tpu.memory_space<vmem>>) target_semaphore(%run_scoped3A : memref<!tpu.dma_semaphore, #tpu.memory_space<semaphore_mem>>)
          %dma_wait3A_411 = arith.constant 0 : i32
          %dma_wait3A_412 = tpu.memref_slice %arg4[%add3A, %dma_wait3A_411] : memref<2560x128xi32, #tpu.memory_space<hbm>> -> memref<8x128xi32, #tpu.memory_space<hbm>>
          %dma_wait3A_413 = arith.constant 0 : i32
          %dma_wait3A_414 = tpu.memref_slice %arg4[%add3A, %dma_wait3A_413] : memref<2560x128xi32, #tpu.memory_space<hbm>> -> memref<8x128xi32, #tpu.memory_space<hbm>>
          tpu.wait_dma2 semaphore(%run_scoped3A : memref<!tpu.dma_semaphore, #tpu.memory_space<semaphore_mem>>) src(%dma_wait3A_414 : memref<8x128xi32, #tpu.memory_space<hbm>>) dst(%arg8 : memref<8x128xi32, #tpu.memory_space<vmem>>)
          tpu.yield
        }) : () -> ()
        %dma_start3A = arith.constant 0 : i32
        %dma_start3A_25 = arith.constant 0 : i32
        %dma_start3A_26 = arith.constant 0 : i32
        %dma_start3A_27 = arith.constant 0 : i32
        %dma_start3A_28 = tpu.memref_slice %arg9[%dma_start3A_25, %dma_start3A_26, %dma_start3A_27] : memref<2x128x128xf32, #tpu.memory_space<vmem>> -> memref<1x128x128xf32, #tpu.memory_space<vmem>>
        %dma_start3A_29 = tpu.memref_squeeze %dma_start3A_28 : memref<1x128x128xf32, #tpu.memory_space<vmem>> -> memref<128x128xf32, #tpu.memory_space<vmem>>
        %dma_start3A_30 = arith.constant 0 : i32
        %dma_start3A_31 = tpu.memref_slice %arg7[%dma_start3A, %dma_start3A_30] : memref<8x128xi32, #tpu.memory_space<vmem>> -> memref<1x128xi32, #tpu.memory_space<vmem>>
        %dma_start3A_32 = tpu.memref_squeeze %dma_start3A_31 : memref<1x128xi32, #tpu.memory_space<vmem>> -> memref<128xi32, #tpu.memory_space<vmem>>
        %dma_start3A_33 = arith.constant 0 : i32
        %dma_start3A_34 = arith.constant 0 : i32
        %dma_start3A_35 = tpu.memref_slice %arg2[%dma_start3A_33, %dma_start3A_34] : memref<10000x128xf32, #tpu.memory_space<hbm>> -> memref<10000x128xf32, #tpu.memory_space<hbm>>
        tpu.enqueue_indirect_dma source(%dma_start3A_35 : memref<10000x128xf32, #tpu.memory_space<hbm>>) target(%dma_start3A_29 : memref<128x128xf32, #tpu.memory_space<vmem>>) offsets(%dma_start3A_32 : memref<128xi32, #tpu.memory_space<vmem>>) semaphore(%arg11 : memref<!tpu.dma_semaphore, #tpu.memory_space<semaphore_mem>>)
        %dma_start3A_36 = arith.constant 1 : i32
        %dma_start3A_37 = arith.constant 1 : i32
        %dma_start3A_38 = arith.constant 0 : i32
        %dma_start3A_39 = arith.constant 0 : i32
        %dma_start3A_40 = tpu.memref_slice %arg9[%dma_start3A_37, %dma_start3A_38, %dma_start3A_39] : memref<2x128x128xf32, #tpu.memory_space<vmem>> -> memref<1x128x128xf32, #tpu.memory_space<vmem>>
        %dma_start3A_41 = tpu.memref_squeeze %dma_start3A_40 : memref<1x128x128xf32, #tpu.memory_space<vmem>> -> memref<128x128xf32, #tpu.memory_space<vmem>>
        %dma_start3A_42 = arith.constant 0 : i32
        %dma_start3A_43 = tpu.memref_slice %arg7[%dma_start3A_36, %dma_start3A_42] : memref<8x128xi32, #tpu.memory_space<vmem>> -> memref<1x128xi32, #tpu.memory_space<vmem>>
        %dma_start3A_44 = tpu.memref_squeeze %dma_start3A_43 : memref<1x128xi32, #tpu.memory_space<vmem>> -> memref<128xi32, #tpu.memory_space<vmem>>
        %dma_start3A_45 = arith.constant 0 : i32
        %dma_start3A_46 = arith.constant 0 : i32
        %dma_start3A_47 = tpu.memref_slice %arg2[%dma_start3A_45, %dma_start3A_46] : memref<10000x128xf32, #tpu.memory_space<hbm>> -> memref<10000x128xf32, #tpu.memory_space<hbm>>
        tpu.enqueue_indirect_dma source(%dma_start3A_47 : memref<10000x128xf32, #tpu.memory_space<hbm>>) target(%dma_start3A_41 : memref<128x128xf32, #tpu.memory_space<vmem>>) offsets(%dma_start3A_44 : memref<128xi32, #tpu.memory_space<vmem>>) semaphore(%arg12 : memref<!tpu.dma_semaphore, #tpu.memory_space<semaphore_mem>>)
        %dma_wait3A = arith.constant 0 : i32
        %dma_wait3A_48 = arith.constant 0 : i32
        %dma_wait3A_49 = arith.constant 0 : i32
        %dma_wait3A_50 = arith.constant 0 : i32
        %dma_wait3A_51 = tpu.memref_slice %arg9[%dma_wait3A_48, %dma_wait3A_49, %dma_wait3A_50] : memref<2x128x128xf32, #tpu.memory_space<vmem>> -> memref<1x128x128xf32, #tpu.memory_space<vmem>>
        %dma_wait3A_52 = tpu.memref_squeeze %dma_wait3A_51 : memref<1x128x128xf32, #tpu.memory_space<vmem>> -> memref<128x128xf32, #tpu.memory_space<vmem>>
        %dma_wait3A_53 = arith.constant 0 : i32
        %dma_wait3A_54 = tpu.memref_slice %arg7[%dma_wait3A, %dma_wait3A_53] : memref<8x128xi32, #tpu.memory_space<vmem>> -> memref<1x128xi32, #tpu.memory_space<vmem>>
        %dma_wait3A_55 = tpu.memref_squeeze %dma_wait3A_54 : memref<1x128xi32, #tpu.memory_space<vmem>> -> memref<128xi32, #tpu.memory_space<vmem>>
        %dma_wait3A_56 = arith.constant 0 : i32
        %dma_wait3A_57 = arith.constant 0 : i32
        %dma_wait3A_58 = tpu.memref_slice %arg2[%dma_wait3A_56, %dma_wait3A_57] : memref<10000x128xf32, #tpu.memory_space<hbm>> -> memref<10000x128xf32, #tpu.memory_space<hbm>>
        tpu.wait_indirect_dma semaphore(%arg11 : memref<!tpu.dma_semaphore, #tpu.memory_space<semaphore_mem>>) src(%dma_wait3A_58 : memref<10000x128xf32, #tpu.memory_space<hbm>>) dst(%dma_wait3A_52 : memref<128x128xf32, #tpu.memory_space<vmem>>)
        %dma_start3A_59 = arith.constant 0 : i32
        %dma_start3A_60 = arith.constant 0 : i32
        %dma_start3A_61 = arith.constant 0 : i32
        %dma_start3A_62 = arith.constant 0 : i32
        %dma_start3A_63 = tpu.memref_slice %arg9[%dma_start3A_59, %dma_start3A_61, %dma_start3A_62] : memref<2x128x128xf32, #tpu.memory_space<vmem>> -> memref<1x128x128xf32, #tpu.memory_space<vmem>>
        %dma_start3A_64 = tpu.memref_squeeze %dma_start3A_63 : memref<1x128x128xf32, #tpu.memory_space<vmem>> -> memref<128x128xf32, #tpu.memory_space<vmem>>
        %dma_start3A_65 = arith.constant 0 : i32
        %dma_start3A_66 = tpu.memref_slice %arg8[%dma_start3A_60, %dma_start3A_65] : memref<8x128xi32, #tpu.memory_space<vmem>> -> memref<1x128xi32, #tpu.memory_space<vmem>>
        %dma_start3A_67 = tpu.memref_squeeze %dma_start3A_66 : memref<1x128xi32, #tpu.memory_space<vmem>> -> memref<128xi32, #tpu.memory_space<vmem>>
        %dma_start3A_68 = arith.constant 0 : i32
        %dma_start3A_69 = arith.constant 0 : i32
        %dma_start3A_70 = tpu.memref_slice %arg10[%dma_start3A_68, %dma_start3A_69] : memref<10112x128xf32, #tpu.memory_space<vmem_shared>> -> memref<10112x128xf32, #tpu.memory_space<vmem_shared>>
        tpu.enqueue_indirect_dma source(%dma_start3A_64 : memref<128x128xf32, #tpu.memory_space<vmem>>) target(%dma_start3A_70 : memref<10112x128xf32, #tpu.memory_space<vmem_shared>>) offsets(%dma_start3A_67 : memref<128xi32, #tpu.memory_space<vmem>>) semaphore(%arg13 : memref<!tpu.dma_semaphore, #tpu.memory_space<semaphore_mem>>) {add = true}
        %dma_wait3A_71 = arith.constant 0 : i32
        %dma_wait3A_72 = arith.constant 0 : i32
        %dma_wait3A_73 = arith.constant 0 : i32
        %dma_wait3A_74 = arith.constant 0 : i32
        %dma_wait3A_75 = tpu.memref_slice %arg9[%dma_wait3A_71, %dma_wait3A_73, %dma_wait3A_74] : memref<2x128x128xf32, #tpu.memory_space<vmem>> -> memref<1x128x128xf32, #tpu.memory_space<vmem>>
        %dma_wait3A_76 = tpu.memref_squeeze %dma_wait3A_75 : memref<1x128x128xf32, #tpu.memory_space<vmem>> -> memref<128x128xf32, #tpu.memory_space<vmem>>
        %dma_wait3A_77 = arith.constant 0 : i32
        %dma_wait3A_78 = tpu.memref_slice %arg8[%dma_wait3A_72, %dma_wait3A_77] : memref<8x128xi32, #tpu.memory_space<vmem>> -> memref<1x128xi32, #tpu.memory_space<vmem>>
        %dma_wait3A_79 = tpu.memref_squeeze %dma_wait3A_78 : memref<1x128xi32, #tpu.memory_space<vmem>> -> memref<128xi32, #tpu.memory_space<vmem>>
        %dma_wait3A_80 = arith.constant 0 : i32
        %dma_wait3A_81 = arith.constant 0 : i32
        %dma_wait3A_82 = tpu.memref_slice %arg10[%dma_wait3A_80, %dma_wait3A_81] : memref<10112x128xf32, #tpu.memory_space<vmem_shared>> -> memref<10112x128xf32, #tpu.memory_space<vmem_shared>>
        tpu.wait_indirect_dma semaphore(%arg13 : memref<!tpu.dma_semaphore, #tpu.memory_space<semaphore_mem>>) src(%dma_wait3A_76 : memref<128x128xf32, #tpu.memory_space<vmem>>) dst(%dma_wait3A_82 : memref<10112x128xf32, #tpu.memory_space<vmem_shared>>)
        %dma_start3A_83 = arith.constant 2 : i32
        %dma_start3A_84 = arith.constant 0 : i32
        %dma_start3A_85 = arith.constant 0 : i32
        %dma_start3A_86 = arith.constant 0 : i32
        %dma_start3A_87 = tpu.memref_slice %arg9[%dma_start3A_84, %dma_start3A_85, %dma_start3A_86] : memref<2x128x128xf32, #tpu.memory_space<vmem>> -> memref<1x128x128xf32, #tpu.memory_space<vmem>>
        %dma_start3A_88 = tpu.memref_squeeze %dma_start3A_87 : memref<1x128x128xf32, #tpu.memory_space<vmem>> -> memref<128x128xf32, #tpu.memory_space<vmem>>
        %dma_start3A_89 = arith.constant 0 : i32
        %dma_start3A_90 = tpu.memref_slice %arg7[%dma_start3A_83, %dma_start3A_89] : memref<8x128xi32, #tpu.memory_space<vmem>> -> memref<1x128xi32, #tpu.memory_space<vmem>>
        %dma_start3A_91 = tpu.memref_squeeze %dma_start3A_90 : memref<1x128xi32, #tpu.memory_space<vmem>> -> memref<128xi32, #tpu.memory_space<vmem>>
        %dma_start3A_92 = arith.constant 0 : i32
        %dma_start3A_93 = arith.constant 0 : i32
        %dma_start3A_94 = tpu.memref_slice %arg2[%dma_start3A_92, %dma_start3A_93] : memref<10000x128xf32, #tpu.memory_space<hbm>> -> memref<10000x128xf32, #tpu.memory_space<hbm>>
        tpu.enqueue_indirect_dma source(%dma_start3A_94 : memref<10000x128xf32, #tpu.memory_space<hbm>>) target(%dma_start3A_88 : memref<128x128xf32, #tpu.memory_space<vmem>>) offsets(%dma_start3A_91 : memref<128xi32, #tpu.memory_space<vmem>>) semaphore(%arg11 : memref<!tpu.dma_semaphore, #tpu.memory_space<semaphore_mem>>)
        %dma_wait3A_95 = arith.constant 0 : i32
        %dma_wait3A_96 = arith.constant 1 : i32
        %dma_wait3A_97 = arith.constant 0 : i32
        %dma_wait3A_98 = arith.constant 0 : i32
        %dma_wait3A_99 = tpu.memref_slice %arg9[%dma_wait3A_96, %dma_wait3A_97, %dma_wait3A_98] : memref<2x128x128xf32, #tpu.memory_space<vmem>> -> memref<1x128x128xf32, #tpu.memory_space<vmem>>
        %dma_wait3A_100 = tpu.memref_squeeze %dma_wait3A_99 : memref<1x128x128xf32, #tpu.memory_space<vmem>> -> memref<128x128xf32, #tpu.memory_space<vmem>>
        %dma_wait3A_101 = arith.constant 0 : i32
        %dma_wait3A_102 = tpu.memref_slice %arg7[%dma_wait3A_95, %dma_wait3A_101] : memref<8x128xi32, #tpu.memory_space<vmem>> -> memref<1x128xi32, #tpu.memory_space<vmem>>
        %dma_wait3A_103 = tpu.memref_squeeze %dma_wait3A_102 : memref<1x128xi32, #tpu.memory_space<vmem>> -> memref<128xi32, #tpu.memory_space<vmem>>
        %dma_wait3A_104 = arith.constant 0 : i32
        %dma_wait3A_105 = arith.constant 0 : i32
        %dma_wait3A_106 = tpu.memref_slice %arg2[%dma_wait3A_104, %dma_wait3A_105] : memref<10000x128xf32, #tpu.memory_space<hbm>> -> memref<10000x128xf32, #tpu.memory_space<hbm>>
        tpu.wait_indirect_dma semaphore(%arg12 : memref<!tpu.dma_semaphore, #tpu.memory_space<semaphore_mem>>) src(%dma_wait3A_106 : memref<10000x128xf32, #tpu.memory_space<hbm>>) dst(%dma_wait3A_100 : memref<128x128xf32, #tpu.memory_space<vmem>>)
        %dma_start3A_107 = arith.constant 1 : i32
        %dma_start3A_108 = arith.constant 1 : i32
        %dma_start3A_109 = arith.constant 0 : i32
        %dma_start3A_110 = arith.constant 0 : i32
        %dma_start3A_111 = tpu.memref_slice %arg9[%dma_start3A_107, %dma_start3A_109, %dma_start3A_110] : memref<2x128x128xf32, #tpu.memory_space<vmem>> -> memref<1x128x128xf32, #tpu.memory_space<vmem>>
        %dma_start3A_112 = tpu.memref_squeeze %dma_start3A_111 : memref<1x128x128xf32, #tpu.memory_space<vmem>> -> memref<128x128xf32, #tpu.memory_space<vmem>>
        %dma_start3A_113 = arith.constant 0 : i32
        %dma_start3A_114 = tpu.memref_slice %arg8[%dma_start3A_108, %dma_start3A_113] : memref<8x128xi32, #tpu.memory_space<vmem>> -> memref<1x128xi32, #tpu.memory_space<vmem>>
        %dma_start3A_115 = tpu.memref_squeeze %dma_start3A_114 : memref<1x128xi32, #tpu.memory_space<vmem>> -> memref<128xi32, #tpu.memory_space<vmem>>
        %dma_start3A_116 = arith.constant 0 : i32
        %dma_start3A_117 = arith.constant 0 : i32
        %dma_start3A_118 = tpu.memref_slice %arg10[%dma_start3A_116, %dma_start3A_117] : memref<10112x128xf32, #tpu.memory_space<vmem_shared>> -> memref<10112x128xf32, #tpu.memory_space<vmem_shared>>
        tpu.enqueue_indirect_dma source(%dma_start3A_112 : memref<128x128xf32, #tpu.memory_space<vmem>>) target(%dma_start3A_118 : memref<10112x128xf32, #tpu.memory_space<vmem_shared>>) offsets(%dma_start3A_115 : memref<128xi32, #tpu.memory_space<vmem>>) semaphore(%arg14 : memref<!tpu.dma_semaphore, #tpu.memory_space<semaphore_mem>>) {add = true}
        %dma_wait3A_119 = arith.constant 1 : i32
        %dma_wait3A_120 = arith.constant 0 : i32
        %dma_wait3A_121 = arith.constant 0 : i32
        %dma_wait3A_122 = arith.constant 0 : i32
        %dma_wait3A_123 = tpu.memref_slice %arg9[%dma_wait3A_119, %dma_wait3A_121, %dma_wait3A_122] : memref<2x128x128xf32, #tpu.memory_space<vmem>> -> memref<1x128x128xf32, #tpu.memory_space<vmem>>
        %dma_wait3A_124 = tpu.memref_squeeze %dma_wait3A_123 : memref<1x128x128xf32, #tpu.memory_space<vmem>> -> memref<128x128xf32, #tpu.memory_space<vmem>>
        %dma_wait3A_125 = arith.constant 0 : i32
        %dma_wait3A_126 = tpu.memref_slice %arg8[%dma_wait3A_120, %dma_wait3A_125] : memref<8x128xi32, #tpu.memory_space<vmem>> -> memref<1x128xi32, #tpu.memory_space<vmem>>
        %dma_wait3A_127 = tpu.memref_squeeze %dma_wait3A_126 : memref<1x128xi32, #tpu.memory_space<vmem>> -> memref<128xi32, #tpu.memory_space<vmem>>
        %dma_wait3A_128 = arith.constant 0 : i32
        %dma_wait3A_129 = arith.constant 0 : i32
        %dma_wait3A_130 = tpu.memref_slice %arg10[%dma_wait3A_128, %dma_wait3A_129] : memref<10112x128xf32, #tpu.memory_space<vmem_shared>> -> memref<10112x128xf32, #tpu.memory_space<vmem_shared>>
        tpu.wait_indirect_dma semaphore(%arg14 : memref<!tpu.dma_semaphore, #tpu.memory_space<semaphore_mem>>) src(%dma_wait3A_124 : memref<128x128xf32, #tpu.memory_space<vmem>>) dst(%dma_wait3A_130 : memref<10112x128xf32, #tpu.memory_space<vmem_shared>>)
        %dma_start3A_131 = arith.constant 3 : i32
        %dma_start3A_132 = arith.constant 1 : i32
        %dma_start3A_133 = arith.constant 0 : i32
        %dma_start3A_134 = arith.constant 0 : i32
        %dma_start3A_135 = tpu.memref_slice %arg9[%dma_start3A_132, %dma_start3A_133, %dma_start3A_134] : memref<2x128x128xf32, #tpu.memory_space<vmem>> -> memref<1x128x128xf32, #tpu.memory_space<vmem>>
        %dma_start3A_136 = tpu.memref_squeeze %dma_start3A_135 : memref<1x128x128xf32, #tpu.memory_space<vmem>> -> memref<128x128xf32, #tpu.memory_space<vmem>>
        %dma_start3A_137 = arith.constant 0 : i32
        %dma_start3A_138 = tpu.memref_slice %arg7[%dma_start3A_131, %dma_start3A_137] : memref<8x128xi32, #tpu.memory_space<vmem>> -> memref<1x128xi32, #tpu.memory_space<vmem>>
        %dma_start3A_139 = tpu.memref_squeeze %dma_start3A_138 : memref<1x128xi32, #tpu.memory_space<vmem>> -> memref<128xi32, #tpu.memory_space<vmem>>
        %dma_start3A_140 = arith.constant 0 : i32
        %dma_start3A_141 = arith.constant 0 : i32
        %dma_start3A_142 = tpu.memref_slice %arg2[%dma_start3A_140, %dma_start3A_141] : memref<10000x128xf32, #tpu.memory_space<hbm>> -> memref<10000x128xf32, #tpu.memory_space<hbm>>
        tpu.enqueue_indirect_dma source(%dma_start3A_142 : memref<10000x128xf32, #tpu.memory_space<hbm>>) target(%dma_start3A_136 : memref<128x128xf32, #tpu.memory_space<vmem>>) offsets(%dma_start3A_139 : memref<128xi32, #tpu.memory_space<vmem>>) semaphore(%arg12 : memref<!tpu.dma_semaphore, #tpu.memory_space<semaphore_mem>>)
        %dma_wait3A_143 = arith.constant 0 : i32
        %dma_wait3A_144 = arith.constant 0 : i32
        %dma_wait3A_145 = arith.constant 0 : i32
        %dma_wait3A_146 = arith.constant 0 : i32
        %dma_wait3A_147 = tpu.memref_slice %arg9[%dma_wait3A_144, %dma_wait3A_145, %dma_wait3A_146] : memref<2x128x128xf32, #tpu.memory_space<vmem>> -> memref<1x128x128xf32, #tpu.memory_space<vmem>>
        %dma_wait3A_148 = tpu.memref_squeeze %dma_wait3A_147 : memref<1x128x128xf32, #tpu.memory_space<vmem>> -> memref<128x128xf32, #tpu.memory_space<vmem>>
        %dma_wait3A_149 = arith.constant 0 : i32
        %dma_wait3A_150 = tpu.memref_slice %arg7[%dma_wait3A_143, %dma_wait3A_149] : memref<8x128xi32, #tpu.memory_space<vmem>> -> memref<1x128xi32, #tpu.memory_space<vmem>>
        %dma_wait3A_151 = tpu.memref_squeeze %dma_wait3A_150 : memref<1x128xi32, #tpu.memory_space<vmem>> -> memref<128xi32, #tpu.memory_space<vmem>>
        %dma_wait3A_152 = arith.constant 0 : i32
        %dma_wait3A_153 = arith.constant 0 : i32
        %dma_wait3A_154 = tpu.memref_slice %arg2[%dma_wait3A_152, %dma_wait3A_153] : memref<10000x128xf32, #tpu.memory_space<hbm>> -> memref<10000x128xf32, #tpu.memory_space<hbm>>
        tpu.wait_indirect_dma semaphore(%arg11 : memref<!tpu.dma_semaphore, #tpu.memory_space<semaphore_mem>>) src(%dma_wait3A_154 : memref<10000x128xf32, #tpu.memory_space<hbm>>) dst(%dma_wait3A_148 : memref<128x128xf32, #tpu.memory_space<vmem>>)
        %dma_start3A_155 = arith.constant 0 : i32
        %dma_start3A_156 = arith.constant 2 : i32
        %dma_start3A_157 = arith.constant 0 : i32
        %dma_start3A_158 = arith.constant 0 : i32
        %dma_start3A_159 = tpu.memref_slice %arg9[%dma_start3A_155, %dma_start3A_157, %dma_start3A_158] : memref<2x128x128xf32, #tpu.memory_space<vmem>> -> memref<1x128x128xf32, #tpu.memory_space<vmem>>
        %dma_start3A_160 = tpu.memref_squeeze %dma_start3A_159 : memref<1x128x128xf32, #tpu.memory_space<vmem>> -> memref<128x128xf32, #tpu.memory_space<vmem>>
        %dma_start3A_161 = arith.constant 0 : i32
        %dma_start3A_162 = tpu.memref_slice %arg8[%dma_start3A_156, %dma_start3A_161] : memref<8x128xi32, #tpu.memory_space<vmem>> -> memref<1x128xi32, #tpu.memory_space<vmem>>
        %dma_start3A_163 = tpu.memref_squeeze %dma_start3A_162 : memref<1x128xi32, #tpu.memory_space<vmem>> -> memref<128xi32, #tpu.memory_space<vmem>>
        %dma_start3A_164 = arith.constant 0 : i32
        %dma_start3A_165 = arith.constant 0 : i32
        %dma_start3A_166 = tpu.memref_slice %arg10[%dma_start3A_164, %dma_start3A_165] : memref<10112x128xf32, #tpu.memory_space<vmem_shared>> -> memref<10112x128xf32, #tpu.memory_space<vmem_shared>>
        tpu.enqueue_indirect_dma source(%dma_start3A_160 : memref<128x128xf32, #tpu.memory_space<vmem>>) target(%dma_start3A_166 : memref<10112x128xf32, #tpu.memory_space<vmem_shared>>) offsets(%dma_start3A_163 : memref<128xi32, #tpu.memory_space<vmem>>) semaphore(%arg13 : memref<!tpu.dma_semaphore, #tpu.memory_space<semaphore_mem>>) {add = true}
        %dma_wait3A_167 = arith.constant 0 : i32
        %dma_wait3A_168 = arith.constant 0 : i32
        %dma_wait3A_169 = arith.constant 0 : i32
        %dma_wait3A_170 = arith.constant 0 : i32
        %dma_wait3A_171 = tpu.memref_slice %arg9[%dma_wait3A_167, %dma_wait3A_169, %dma_wait3A_170] : memref<2x128x128xf32, #tpu.memory_space<vmem>> -> memref<1x128x128xf32, #tpu.memory_space<vmem>>
        %dma_wait3A_172 = tpu.memref_squeeze %dma_wait3A_171 : memref<1x128x128xf32, #tpu.memory_space<vmem>> -> memref<128x128xf32, #tpu.memory_space<vmem>>
        %dma_wait3A_173 = arith.constant 0 : i32
        %dma_wait3A_174 = tpu.memref_slice %arg8[%dma_wait3A_168, %dma_wait3A_173] : memref<8x128xi32, #tpu.memory_space<vmem>> -> memref<1x128xi32, #tpu.memory_space<vmem>>
        %dma_wait3A_175 = tpu.memref_squeeze %dma_wait3A_174 : memref<1x128xi32, #tpu.memory_space<vmem>> -> memref<128xi32, #tpu.memory_space<vmem>>
        %dma_wait3A_176 = arith.constant 0 : i32
        %dma_wait3A_177 = arith.constant 0 : i32
        %dma_wait3A_178 = tpu.memref_slice %arg10[%dma_wait3A_176, %dma_wait3A_177] : memref<10112x128xf32, #tpu.memory_space<vmem_shared>> -> memref<10112x128xf32, #tpu.memory_space<vmem_shared>>
        tpu.wait_indirect_dma semaphore(%arg13 : memref<!tpu.dma_semaphore, #tpu.memory_space<semaphore_mem>>) src(%dma_wait3A_172 : memref<128x128xf32, #tpu.memory_space<vmem>>) dst(%dma_wait3A_178 : memref<10112x128xf32, #tpu.memory_space<vmem_shared>>)
        %dma_start3A_179 = arith.constant 4 : i32
        %dma_start3A_180 = arith.constant 0 : i32
        %dma_start3A_181 = arith.constant 0 : i32
        %dma_start3A_182 = arith.constant 0 : i32
        %dma_start3A_183 = tpu.memref_slice %arg9[%dma_start3A_180, %dma_start3A_181, %dma_start3A_182] : memref<2x128x128xf32, #tpu.memory_space<vmem>> -> memref<1x128x128xf32, #tpu.memory_space<vmem>>
        %dma_start3A_184 = tpu.memref_squeeze %dma_start3A_183 : memref<1x128x128xf32, #tpu.memory_space<vmem>> -> memref<128x128xf32, #tpu.memory_space<vmem>>
        %dma_start3A_185 = arith.constant 0 : i32
        %dma_start3A_186 = tpu.memref_slice %arg7[%dma_start3A_179, %dma_start3A_185] : memref<8x128xi32, #tpu.memory_space<vmem>> -> memref<1x128xi32, #tpu.memory_space<vmem>>
        %dma_start3A_187 = tpu.memref_squeeze %dma_start3A_186 : memref<1x128xi32, #tpu.memory_space<vmem>> -> memref<128xi32, #tpu.memory_space<vmem>>
        %dma_start3A_188 = arith.constant 0 : i32
        %dma_start3A_189 = arith.constant 0 : i32
        %dma_start3A_190 = tpu.memref_slice %arg2[%dma_start3A_188, %dma_start3A_189] : memref<10000x128xf32, #tpu.memory_space<hbm>> -> memref<10000x128xf32, #tpu.memory_space<hbm>>
        tpu.enqueue_indirect_dma source(%dma_start3A_190 : memref<10000x128xf32, #tpu.memory_space<hbm>>) target(%dma_start3A_184 : memref<128x128xf32, #tpu.memory_space<vmem>>) offsets(%dma_start3A_187 : memref<128xi32, #tpu.memory_space<vmem>>) semaphore(%arg11 : memref<!tpu.dma_semaphore, #tpu.memory_space<semaphore_mem>>)
        %dma_wait3A_191 = arith.constant 0 : i32
        %dma_wait3A_192 = arith.constant 1 : i32
        %dma_wait3A_193 = arith.constant 0 : i32
        %dma_wait3A_194 = arith.constant 0 : i32
        %dma_wait3A_195 = tpu.memref_slice %arg9[%dma_wait3A_192, %dma_wait3A_193, %dma_wait3A_194] : memref<2x128x128xf32, #tpu.memory_space<vmem>> -> memref<1x128x128xf32, #tpu.memory_space<vmem>>
        %dma_wait3A_196 = tpu.memref_squeeze %dma_wait3A_195 : memref<1x128x128xf32, #tpu.memory_space<vmem>> -> memref<128x128xf32, #tpu.memory_space<vmem>>
        %dma_wait3A_197 = arith.constant 0 : i32
        %dma_wait3A_198 = tpu.memref_slice %arg7[%dma_wait3A_191, %dma_wait3A_197] : memref<8x128xi32, #tpu.memory_space<vmem>> -> memref<1x128xi32, #tpu.memory_space<vmem>>
        %dma_wait3A_199 = tpu.memref_squeeze %dma_wait3A_198 : memref<1x128xi32, #tpu.memory_space<vmem>> -> memref<128xi32, #tpu.memory_space<vmem>>
        %dma_wait3A_200 = arith.constant 0 : i32
        %dma_wait3A_201 = arith.constant 0 : i32
        %dma_wait3A_202 = tpu.memref_slice %arg2[%dma_wait3A_200, %dma_wait3A_201] : memref<10000x128xf32, #tpu.memory_space<hbm>> -> memref<10000x128xf32, #tpu.memory_space<hbm>>
        tpu.wait_indirect_dma semaphore(%arg12 : memref<!tpu.dma_semaphore, #tpu.memory_space<semaphore_mem>>) src(%dma_wait3A_202 : memref<10000x128xf32, #tpu.memory_space<hbm>>) dst(%dma_wait3A_196 : memref<128x128xf32, #tpu.memory_space<vmem>>)
        %dma_start3A_203 = arith.constant 1 : i32
        %dma_start3A_204 = arith.constant 3 : i32
        %dma_start3A_205 = arith.constant 0 : i32
        %dma_start3A_206 = arith.constant 0 : i32
        %dma_start3A_207 = tpu.memref_slice %arg9[%dma_start3A_203, %dma_start3A_205, %dma_start3A_206] : memref<2x128x128xf32, #tpu.memory_space<vmem>> -> memref<1x128x128xf32, #tpu.memory_space<vmem>>
        %dma_start3A_208 = tpu.memref_squeeze %dma_start3A_207 : memref<1x128x128xf32, #tpu.memory_space<vmem>> -> memref<128x128xf32, #tpu.memory_space<vmem>>
        %dma_start3A_209 = arith.constant 0 : i32
        %dma_start3A_210 = tpu.memref_slice %arg8[%dma_start3A_204, %dma_start3A_209] : memref<8x128xi32, #tpu.memory_space<vmem>> -> memref<1x128xi32, #tpu.memory_space<vmem>>
        %dma_start3A_211 = tpu.memref_squeeze %dma_start3A_210 : memref<1x128xi32, #tpu.memory_space<vmem>> -> memref<128xi32, #tpu.memory_space<vmem>>
        %dma_start3A_212 = arith.constant 0 : i32
        %dma_start3A_213 = arith.constant 0 : i32
        %dma_start3A_214 = tpu.memref_slice %arg10[%dma_start3A_212, %dma_start3A_213] : memref<10112x128xf32, #tpu.memory_space<vmem_shared>> -> memref<10112x128xf32, #tpu.memory_space<vmem_shared>>
        tpu.enqueue_indirect_dma source(%dma_start3A_208 : memref<128x128xf32, #tpu.memory_space<vmem>>) target(%dma_start3A_214 : memref<10112x128xf32, #tpu.memory_space<vmem_shared>>) offsets(%dma_start3A_211 : memref<128xi32, #tpu.memory_space<vmem>>) semaphore(%arg14 : memref<!tpu.dma_semaphore, #tpu.memory_space<semaphore_mem>>) {add = true}
        %dma_wait3A_215 = arith.constant 1 : i32
        %dma_wait3A_216 = arith.constant 0 : i32
        %dma_wait3A_217 = arith.constant 0 : i32
        %dma_wait3A_218 = arith.constant 0 : i32
        %dma_wait3A_219 = tpu.memref_slice %arg9[%dma_wait3A_215, %dma_wait3A_217, %dma_wait3A_218] : memref<2x128x128xf32, #tpu.memory_space<vmem>> -> memref<1x128x128xf32, #tpu.memory_space<vmem>>
        %dma_wait3A_220 = tpu.memref_squeeze %dma_wait3A_219 : memref<1x128x128xf32, #tpu.memory_space<vmem>> -> memref<128x128xf32, #tpu.memory_space<vmem>>
        %dma_wait3A_221 = arith.constant 0 : i32
        %dma_wait3A_222 = tpu.memref_slice %arg8[%dma_wait3A_216, %dma_wait3A_221] : memref<8x128xi32, #tpu.memory_space<vmem>> -> memref<1x128xi32, #tpu.memory_space<vmem>>
        %dma_wait3A_223 = tpu.memref_squeeze %dma_wait3A_222 : memref<1x128xi32, #tpu.memory_space<vmem>> -> memref<128xi32, #tpu.memory_space<vmem>>
        %dma_wait3A_224 = arith.constant 0 : i32
        %dma_wait3A_225 = arith.constant 0 : i32
        %dma_wait3A_226 = tpu.memref_slice %arg10[%dma_wait3A_224, %dma_wait3A_225] : memref<10112x128xf32, #tpu.memory_space<vmem_shared>> -> memref<10112x128xf32, #tpu.memory_space<vmem_shared>>
        tpu.wait_indirect_dma semaphore(%arg14 : memref<!tpu.dma_semaphore, #tpu.memory_space<semaphore_mem>>) src(%dma_wait3A_220 : memref<128x128xf32, #tpu.memory_space<vmem>>) dst(%dma_wait3A_226 : memref<10112x128xf32, #tpu.memory_space<vmem_shared>>)
        %dma_start3A_227 = arith.constant 5 : i32
        %dma_start3A_228 = arith.constant 1 : i32
        %dma_start3A_229 = arith.constant 0 : i32
        %dma_start3A_230 = arith.constant 0 : i32
        %dma_start3A_231 = tpu.memref_slice %arg9[%dma_start3A_228, %dma_start3A_229, %dma_start3A_230] : memref<2x128x128xf32, #tpu.memory_space<vmem>> -> memref<1x128x128xf32, #tpu.memory_space<vmem>>
        %dma_start3A_232 = tpu.memref_squeeze %dma_start3A_231 : memref<1x128x128xf32, #tpu.memory_space<vmem>> -> memref<128x128xf32, #tpu.memory_space<vmem>>
        %dma_start3A_233 = arith.constant 0 : i32
        %dma_start3A_234 = tpu.memref_slice %arg7[%dma_start3A_227, %dma_start3A_233] : memref<8x128xi32, #tpu.memory_space<vmem>> -> memref<1x128xi32, #tpu.memory_space<vmem>>
        %dma_start3A_235 = tpu.memref_squeeze %dma_start3A_234 : memref<1x128xi32, #tpu.memory_space<vmem>> -> memref<128xi32, #tpu.memory_space<vmem>>
        %dma_start3A_236 = arith.constant 0 : i32
        %dma_start3A_237 = arith.constant 0 : i32
        %dma_start3A_238 = tpu.memref_slice %arg2[%dma_start3A_236, %dma_start3A_237] : memref<10000x128xf32, #tpu.memory_space<hbm>> -> memref<10000x128xf32, #tpu.memory_space<hbm>>
        tpu.enqueue_indirect_dma source(%dma_start3A_238 : memref<10000x128xf32, #tpu.memory_space<hbm>>) target(%dma_start3A_232 : memref<128x128xf32, #tpu.memory_space<vmem>>) offsets(%dma_start3A_235 : memref<128xi32, #tpu.memory_space<vmem>>) semaphore(%arg12 : memref<!tpu.dma_semaphore, #tpu.memory_space<semaphore_mem>>)
        %dma_wait3A_239 = arith.constant 0 : i32
        %dma_wait3A_240 = arith.constant 0 : i32
        %dma_wait3A_241 = arith.constant 0 : i32
        %dma_wait3A_242 = arith.constant 0 : i32
        %dma_wait3A_243 = tpu.memref_slice %arg9[%dma_wait3A_240, %dma_wait3A_241, %dma_wait3A_242] : memref<2x128x128xf32, #tpu.memory_space<vmem>> -> memref<1x128x128xf32, #tpu.memory_space<vmem>>
        %dma_wait3A_244 = tpu.memref_squeeze %dma_wait3A_243 : memref<1x128x128xf32, #tpu.memory_space<vmem>> -> memref<128x128xf32, #tpu.memory_space<vmem>>
        %dma_wait3A_245 = arith.constant 0 : i32
        %dma_wait3A_246 = tpu.memref_slice %arg7[%dma_wait3A_239, %dma_wait3A_245] : memref<8x128xi32, #tpu.memory_space<vmem>> -> memref<1x128xi32, #tpu.memory_space<vmem>>
        %dma_wait3A_247 = tpu.memref_squeeze %dma_wait3A_246 : memref<1x128xi32, #tpu.memory_space<vmem>> -> memref<128xi32, #tpu.memory_space<vmem>>
        %dma_wait3A_248 = arith.constant 0 : i32
        %dma_wait3A_249 = arith.constant 0 : i32
        %dma_wait3A_250 = tpu.memref_slice %arg2[%dma_wait3A_248, %dma_wait3A_249] : memref<10000x128xf32, #tpu.memory_space<hbm>> -> memref<10000x128xf32, #tpu.memory_space<hbm>>
        tpu.wait_indirect_dma semaphore(%arg11 : memref<!tpu.dma_semaphore, #tpu.memory_space<semaphore_mem>>) src(%dma_wait3A_250 : memref<10000x128xf32, #tpu.memory_space<hbm>>) dst(%dma_wait3A_244 : memref<128x128xf32, #tpu.memory_space<vmem>>)
        %dma_start3A_251 = arith.constant 0 : i32
        %dma_start3A_252 = arith.constant 4 : i32
        %dma_start3A_253 = arith.constant 0 : i32
        %dma_start3A_254 = arith.constant 0 : i32
        %dma_start3A_255 = tpu.memref_slice %arg9[%dma_start3A_251, %dma_start3A_253, %dma_start3A_254] : memref<2x128x128xf32, #tpu.memory_space<vmem>> -> memref<1x128x128xf32, #tpu.memory_space<vmem>>
        %dma_start3A_256 = tpu.memref_squeeze %dma_start3A_255 : memref<1x128x128xf32, #tpu.memory_space<vmem>> -> memref<128x128xf32, #tpu.memory_space<vmem>>
        %dma_start3A_257 = arith.constant 0 : i32
        %dma_start3A_258 = tpu.memref_slice %arg8[%dma_start3A_252, %dma_start3A_257] : memref<8x128xi32, #tpu.memory_space<vmem>> -> memref<1x128xi32, #tpu.memory_space<vmem>>
        %dma_start3A_259 = tpu.memref_squeeze %dma_start3A_258 : memref<1x128xi32, #tpu.memory_space<vmem>> -> memref<128xi32, #tpu.memory_space<vmem>>
        %dma_start3A_260 = arith.constant 0 : i32
        %dma_start3A_261 = arith.constant 0 : i32
        %dma_start3A_262 = tpu.memref_slice %arg10[%dma_start3A_260, %dma_start3A_261] : memref<10112x128xf32, #tpu.memory_space<vmem_shared>> -> memref<10112x128xf32, #tpu.memory_space<vmem_shared>>
        tpu.enqueue_indirect_dma source(%dma_start3A_256 : memref<128x128xf32, #tpu.memory_space<vmem>>) target(%dma_start3A_262 : memref<10112x128xf32, #tpu.memory_space<vmem_shared>>) offsets(%dma_start3A_259 : memref<128xi32, #tpu.memory_space<vmem>>) semaphore(%arg13 : memref<!tpu.dma_semaphore, #tpu.memory_space<semaphore_mem>>) {add = true}
        %dma_wait3A_263 = arith.constant 0 : i32
        %dma_wait3A_264 = arith.constant 0 : i32
        %dma_wait3A_265 = arith.constant 0 : i32
        %dma_wait3A_266 = arith.constant 0 : i32
        %dma_wait3A_267 = tpu.memref_slice %arg9[%dma_wait3A_263, %dma_wait3A_265, %dma_wait3A_266] : memref<2x128x128xf32, #tpu.memory_space<vmem>> -> memref<1x128x128xf32, #tpu.memory_space<vmem>>
        %dma_wait3A_268 = tpu.memref_squeeze %dma_wait3A_267 : memref<1x128x128xf32, #tpu.memory_space<vmem>> -> memref<128x128xf32, #tpu.memory_space<vmem>>
        %dma_wait3A_269 = arith.constant 0 : i32
        %dma_wait3A_270 = tpu.memref_slice %arg8[%dma_wait3A_264, %dma_wait3A_269] : memref<8x128xi32, #tpu.memory_space<vmem>> -> memref<1x128xi32, #tpu.memory_space<vmem>>
        %dma_wait3A_271 = tpu.memref_squeeze %dma_wait3A_270 : memref<1x128xi32, #tpu.memory_space<vmem>> -> memref<128xi32, #tpu.memory_space<vmem>>
        %dma_wait3A_272 = arith.constant 0 : i32
        %dma_wait3A_273 = arith.constant 0 : i32
        %dma_wait3A_274 = tpu.memref_slice %arg10[%dma_wait3A_272, %dma_wait3A_273] : memref<10112x128xf32, #tpu.memory_space<vmem_shared>> -> memref<10112x128xf32, #tpu.memory_space<vmem_shared>>
        tpu.wait_indirect_dma semaphore(%arg13 : memref<!tpu.dma_semaphore, #tpu.memory_space<semaphore_mem>>) src(%dma_wait3A_268 : memref<128x128xf32, #tpu.memory_space<vmem>>) dst(%dma_wait3A_274 : memref<10112x128xf32, #tpu.memory_space<vmem_shared>>)
        %dma_start3A_275 = arith.constant 6 : i32
        %dma_start3A_276 = arith.constant 0 : i32
        %dma_start3A_277 = arith.constant 0 : i32
        %dma_start3A_278 = arith.constant 0 : i32
        %dma_start3A_279 = tpu.memref_slice %arg9[%dma_start3A_276, %dma_start3A_277, %dma_start3A_278] : memref<2x128x128xf32, #tpu.memory_space<vmem>> -> memref<1x128x128xf32, #tpu.memory_space<vmem>>
        %dma_start3A_280 = tpu.memref_squeeze %dma_start3A_279 : memref<1x128x128xf32, #tpu.memory_space<vmem>> -> memref<128x128xf32, #tpu.memory_space<vmem>>
        %dma_start3A_281 = arith.constant 0 : i32
        %dma_start3A_282 = tpu.memref_slice %arg7[%dma_start3A_275, %dma_start3A_281] : memref<8x128xi32, #tpu.memory_space<vmem>> -> memref<1x128xi32, #tpu.memory_space<vmem>>
        %dma_start3A_283 = tpu.memref_squeeze %dma_start3A_282 : memref<1x128xi32, #tpu.memory_space<vmem>> -> memref<128xi32, #tpu.memory_space<vmem>>
        %dma_start3A_284 = arith.constant 0 : i32
        %dma_start3A_285 = arith.constant 0 : i32
        %dma_start3A_286 = tpu.memref_slice %arg2[%dma_start3A_284, %dma_start3A_285] : memref<10000x128xf32, #tpu.memory_space<hbm>> -> memref<10000x128xf32, #tpu.memory_space<hbm>>
        tpu.enqueue_indirect_dma source(%dma_start3A_286 : memref<10000x128xf32, #tpu.memory_space<hbm>>) target(%dma_start3A_280 : memref<128x128xf32, #tpu.memory_space<vmem>>) offsets(%dma_start3A_283 : memref<128xi32, #tpu.memory_space<vmem>>) semaphore(%arg11 : memref<!tpu.dma_semaphore, #tpu.memory_space<semaphore_mem>>)
        %dma_wait3A_287 = arith.constant 0 : i32
        %dma_wait3A_288 = arith.constant 1 : i32
        %dma_wait3A_289 = arith.constant 0 : i32
        %dma_wait3A_290 = arith.constant 0 : i32
        %dma_wait3A_291 = tpu.memref_slice %arg9[%dma_wait3A_288, %dma_wait3A_289, %dma_wait3A_290] : memref<2x128x128xf32, #tpu.memory_space<vmem>> -> memref<1x128x128xf32, #tpu.memory_space<vmem>>
        %dma_wait3A_292 = tpu.memref_squeeze %dma_wait3A_291 : memref<1x128x128xf32, #tpu.memory_space<vmem>> -> memref<128x128xf32, #tpu.memory_space<vmem>>
        %dma_wait3A_293 = arith.constant 0 : i32
        %dma_wait3A_294 = tpu.memref_slice %arg7[%dma_wait3A_287, %dma_wait3A_293] : memref<8x128xi32, #tpu.memory_space<vmem>> -> memref<1x128xi32, #tpu.memory_space<vmem>>
        %dma_wait3A_295 = tpu.memref_squeeze %dma_wait3A_294 : memref<1x128xi32, #tpu.memory_space<vmem>> -> memref<128xi32, #tpu.memory_space<vmem>>
        %dma_wait3A_296 = arith.constant 0 : i32
        %dma_wait3A_297 = arith.constant 0 : i32
        %dma_wait3A_298 = tpu.memref_slice %arg2[%dma_wait3A_296, %dma_wait3A_297] : memref<10000x128xf32, #tpu.memory_space<hbm>> -> memref<10000x128xf32, #tpu.memory_space<hbm>>
        tpu.wait_indirect_dma semaphore(%arg12 : memref<!tpu.dma_semaphore, #tpu.memory_space<semaphore_mem>>) src(%dma_wait3A_298 : memref<10000x128xf32, #tpu.memory_space<hbm>>) dst(%dma_wait3A_292 : memref<128x128xf32, #tpu.memory_space<vmem>>)
        %dma_start3A_299 = arith.constant 1 : i32
        %dma_start3A_300 = arith.constant 5 : i32
        %dma_start3A_301 = arith.constant 0 : i32
        %dma_start3A_302 = arith.constant 0 : i32
        %dma_start3A_303 = tpu.memref_slice %arg9[%dma_start3A_299, %dma_start3A_301, %dma_start3A_302] : memref<2x128x128xf32, #tpu.memory_space<vmem>> -> memref<1x128x128xf32, #tpu.memory_space<vmem>>
        %dma_start3A_304 = tpu.memref_squeeze %dma_start3A_303 : memref<1x128x128xf32, #tpu.memory_space<vmem>> -> memref<128x128xf32, #tpu.memory_space<vmem>>
        %dma_start3A_305 = arith.constant 0 : i32
        %dma_start3A_306 = tpu.memref_slice %arg8[%dma_start3A_300, %dma_start3A_305] : memref<8x128xi32, #tpu.memory_space<vmem>> -> memref<1x128xi32, #tpu.memory_space<vmem>>
        %dma_start3A_307 = tpu.memref_squeeze %dma_start3A_306 : memref<1x128xi32, #tpu.memory_space<vmem>> -> memref<128xi32, #tpu.memory_space<vmem>>
        %dma_start3A_308 = arith.constant 0 : i32
        %dma_start3A_309 = arith.constant 0 : i32
        %dma_start3A_310 = tpu.memref_slice %arg10[%dma_start3A_308, %dma_start3A_309] : memref<10112x128xf32, #tpu.memory_space<vmem_shared>> -> memref<10112x128xf32, #tpu.memory_space<vmem_shared>>
        tpu.enqueue_indirect_dma source(%dma_start3A_304 : memref<128x128xf32, #tpu.memory_space<vmem>>) target(%dma_start3A_310 : memref<10112x128xf32, #tpu.memory_space<vmem_shared>>) offsets(%dma_start3A_307 : memref<128xi32, #tpu.memory_space<vmem>>) semaphore(%arg14 : memref<!tpu.dma_semaphore, #tpu.memory_space<semaphore_mem>>) {add = true}
        %dma_wait3A_311 = arith.constant 1 : i32
        %dma_wait3A_312 = arith.constant 0 : i32
        %dma_wait3A_313 = arith.constant 0 : i32
        %dma_wait3A_314 = arith.constant 0 : i32
        %dma_wait3A_315 = tpu.memref_slice %arg9[%dma_wait3A_311, %dma_wait3A_313, %dma_wait3A_314] : memref<2x128x128xf32, #tpu.memory_space<vmem>> -> memref<1x128x128xf32, #tpu.memory_space<vmem>>
        %dma_wait3A_316 = tpu.memref_squeeze %dma_wait3A_315 : memref<1x128x128xf32, #tpu.memory_space<vmem>> -> memref<128x128xf32, #tpu.memory_space<vmem>>
        %dma_wait3A_317 = arith.constant 0 : i32
        %dma_wait3A_318 = tpu.memref_slice %arg8[%dma_wait3A_312, %dma_wait3A_317] : memref<8x128xi32, #tpu.memory_space<vmem>> -> memref<1x128xi32, #tpu.memory_space<vmem>>
        %dma_wait3A_319 = tpu.memref_squeeze %dma_wait3A_318 : memref<1x128xi32, #tpu.memory_space<vmem>> -> memref<128xi32, #tpu.memory_space<vmem>>
        %dma_wait3A_320 = arith.constant 0 : i32
        %dma_wait3A_321 = arith.constant 0 : i32
        %dma_wait3A_322 = tpu.memref_slice %arg10[%dma_wait3A_320, %dma_wait3A_321] : memref<10112x128xf32, #tpu.memory_space<vmem_shared>> -> memref<10112x128xf32, #tpu.memory_space<vmem_shared>>
        tpu.wait_indirect_dma semaphore(%arg14 : memref<!tpu.dma_semaphore, #tpu.memory_space<semaphore_mem>>) src(%dma_wait3A_316 : memref<128x128xf32, #tpu.memory_space<vmem>>) dst(%dma_wait3A_322 : memref<10112x128xf32, #tpu.memory_space<vmem_shared>>)
        %dma_start3A_323 = arith.constant 7 : i32
        %dma_start3A_324 = arith.constant 1 : i32
        %dma_start3A_325 = arith.constant 0 : i32
        %dma_start3A_326 = arith.constant 0 : i32
        %dma_start3A_327 = tpu.memref_slice %arg9[%dma_start3A_324, %dma_start3A_325, %dma_start3A_326] : memref<2x128x128xf32, #tpu.memory_space<vmem>> -> memref<1x128x128xf32, #tpu.memory_space<vmem>>
        %dma_start3A_328 = tpu.memref_squeeze %dma_start3A_327 : memref<1x128x128xf32, #tpu.memory_space<vmem>> -> memref<128x128xf32, #tpu.memory_space<vmem>>
        %dma_start3A_329 = arith.constant 0 : i32
        %dma_start3A_330 = tpu.memref_slice %arg7[%dma_start3A_323, %dma_start3A_329] : memref<8x128xi32, #tpu.memory_space<vmem>> -> memref<1x128xi32, #tpu.memory_space<vmem>>
        %dma_start3A_331 = tpu.memref_squeeze %dma_start3A_330 : memref<1x128xi32, #tpu.memory_space<vmem>> -> memref<128xi32, #tpu.memory_space<vmem>>
        %dma_start3A_332 = arith.constant 0 : i32
        %dma_start3A_333 = arith.constant 0 : i32
        %dma_start3A_334 = tpu.memref_slice %arg2[%dma_start3A_332, %dma_start3A_333] : memref<10000x128xf32, #tpu.memory_space<hbm>> -> memref<10000x128xf32, #tpu.memory_space<hbm>>
        tpu.enqueue_indirect_dma source(%dma_start3A_334 : memref<10000x128xf32, #tpu.memory_space<hbm>>) target(%dma_start3A_328 : memref<128x128xf32, #tpu.memory_space<vmem>>) offsets(%dma_start3A_331 : memref<128xi32, #tpu.memory_space<vmem>>) semaphore(%arg12 : memref<!tpu.dma_semaphore, #tpu.memory_space<semaphore_mem>>)
        %dma_wait3A_335 = arith.constant 0 : i32
        %dma_wait3A_336 = arith.constant 0 : i32
        %dma_wait3A_337 = arith.constant 0 : i32
        %dma_wait3A_338 = arith.constant 0 : i32
        %dma_wait3A_339 = tpu.memref_slice %arg9[%dma_wait3A_336, %dma_wait3A_337, %dma_wait3A_338] : memref<2x128x128xf32, #tpu.memory_space<vmem>> -> memref<1x128x128xf32, #tpu.memory_space<vmem>>
        %dma_wait3A_340 = tpu.memref_squeeze %dma_wait3A_339 : memref<1x128x128xf32, #tpu.memory_space<vmem>> -> memref<128x128xf32, #tpu.memory_space<vmem>>
        %dma_wait3A_341 = arith.constant 0 : i32
        %dma_wait3A_342 = tpu.memref_slice %arg7[%dma_wait3A_335, %dma_wait3A_341] : memref<8x128xi32, #tpu.memory_space<vmem>> -> memref<1x128xi32, #tpu.memory_space<vmem>>
        %dma_wait3A_343 = tpu.memref_squeeze %dma_wait3A_342 : memref<1x128xi32, #tpu.memory_space<vmem>> -> memref<128xi32, #tpu.memory_space<vmem>>
        %dma_wait3A_344 = arith.constant 0 : i32
        %dma_wait3A_345 = arith.constant 0 : i32
        %dma_wait3A_346 = tpu.memref_slice %arg2[%dma_wait3A_344, %dma_wait3A_345] : memref<10000x128xf32, #tpu.memory_space<hbm>> -> memref<10000x128xf32, #tpu.memory_space<hbm>>
        tpu.wait_indirect_dma semaphore(%arg11 : memref<!tpu.dma_semaphore, #tpu.memory_space<semaphore_mem>>) src(%dma_wait3A_346 : memref<10000x128xf32, #tpu.memory_space<hbm>>) dst(%dma_wait3A_340 : memref<128x128xf32, #tpu.memory_space<vmem>>)
        %dma_start3A_347 = arith.constant 0 : i32
        %dma_start3A_348 = arith.constant 6 : i32
        %dma_start3A_349 = arith.constant 0 : i32
        %dma_start3A_350 = arith.constant 0 : i32
        %dma_start3A_351 = tpu.memref_slice %arg9[%dma_start3A_347, %dma_start3A_349, %dma_start3A_350] : memref<2x128x128xf32, #tpu.memory_space<vmem>> -> memref<1x128x128xf32, #tpu.memory_space<vmem>>
        %dma_start3A_352 = tpu.memref_squeeze %dma_start3A_351 : memref<1x128x128xf32, #tpu.memory_space<vmem>> -> memref<128x128xf32, #tpu.memory_space<vmem>>
        %dma_start3A_353 = arith.constant 0 : i32
        %dma_start3A_354 = tpu.memref_slice %arg8[%dma_start3A_348, %dma_start3A_353] : memref<8x128xi32, #tpu.memory_space<vmem>> -> memref<1x128xi32, #tpu.memory_space<vmem>>
        %dma_start3A_355 = tpu.memref_squeeze %dma_start3A_354 : memref<1x128xi32, #tpu.memory_space<vmem>> -> memref<128xi32, #tpu.memory_space<vmem>>
        %dma_start3A_356 = arith.constant 0 : i32
        %dma_start3A_357 = arith.constant 0 : i32
        %dma_start3A_358 = tpu.memref_slice %arg10[%dma_start3A_356, %dma_start3A_357] : memref<10112x128xf32, #tpu.memory_space<vmem_shared>> -> memref<10112x128xf32, #tpu.memory_space<vmem_shared>>
        tpu.enqueue_indirect_dma source(%dma_start3A_352 : memref<128x128xf32, #tpu.memory_space<vmem>>) target(%dma_start3A_358 : memref<10112x128xf32, #tpu.memory_space<vmem_shared>>) offsets(%dma_start3A_355 : memref<128xi32, #tpu.memory_space<vmem>>) semaphore(%arg13 : memref<!tpu.dma_semaphore, #tpu.memory_space<semaphore_mem>>) {add = true}
        %dma_wait3A_359 = arith.constant 0 : i32
        %dma_wait3A_360 = arith.constant 0 : i32
        %dma_wait3A_361 = arith.constant 0 : i32
        %dma_wait3A_362 = arith.constant 0 : i32
        %dma_wait3A_363 = tpu.memref_slice %arg9[%dma_wait3A_359, %dma_wait3A_361, %dma_wait3A_362] : memref<2x128x128xf32, #tpu.memory_space<vmem>> -> memref<1x128x128xf32, #tpu.memory_space<vmem>>
        %dma_wait3A_364 = tpu.memref_squeeze %dma_wait3A_363 : memref<1x128x128xf32, #tpu.memory_space<vmem>> -> memref<128x128xf32, #tpu.memory_space<vmem>>
        %dma_wait3A_365 = arith.constant 0 : i32
        %dma_wait3A_366 = tpu.memref_slice %arg8[%dma_wait3A_360, %dma_wait3A_365] : memref<8x128xi32, #tpu.memory_space<vmem>> -> memref<1x128xi32, #tpu.memory_space<vmem>>
        %dma_wait3A_367 = tpu.memref_squeeze %dma_wait3A_366 : memref<1x128xi32, #tpu.memory_space<vmem>> -> memref<128xi32, #tpu.memory_space<vmem>>
        %dma_wait3A_368 = arith.constant 0 : i32
        %dma_wait3A_369 = arith.constant 0 : i32
        %dma_wait3A_370 = tpu.memref_slice %arg10[%dma_wait3A_368, %dma_wait3A_369] : memref<10112x128xf32, #tpu.memory_space<vmem_shared>> -> memref<10112x128xf32, #tpu.memory_space<vmem_shared>>
        tpu.wait_indirect_dma semaphore(%arg13 : memref<!tpu.dma_semaphore, #tpu.memory_space<semaphore_mem>>) src(%dma_wait3A_364 : memref<128x128xf32, #tpu.memory_space<vmem>>) dst(%dma_wait3A_370 : memref<10112x128xf32, #tpu.memory_space<vmem_shared>>)
        %dma_wait3A_371 = arith.constant 0 : i32
        %dma_wait3A_372 = arith.constant 1 : i32
        %dma_wait3A_373 = arith.constant 0 : i32
        %dma_wait3A_374 = arith.constant 0 : i32
        %dma_wait3A_375 = tpu.memref_slice %arg9[%dma_wait3A_372, %dma_wait3A_373, %dma_wait3A_374] : memref<2x128x128xf32, #tpu.memory_space<vmem>> -> memref<1x128x128xf32, #tpu.memory_space<vmem>>
        %dma_wait3A_376 = tpu.memref_squeeze %dma_wait3A_375 : memref<1x128x128xf32, #tpu.memory_space<vmem>> -> memref<128x128xf32, #tpu.memory_space<vmem>>
        %dma_wait3A_377 = arith.constant 0 : i32
        %dma_wait3A_378 = tpu.memref_slice %arg7[%dma_wait3A_371, %dma_wait3A_377] : memref<8x128xi32, #tpu.memory_space<vmem>> -> memref<1x128xi32, #tpu.memory_space<vmem>>
        %dma_wait3A_379 = tpu.memref_squeeze %dma_wait3A_378 : memref<1x128xi32, #tpu.memory_space<vmem>> -> memref<128xi32, #tpu.memory_space<vmem>>
        %dma_wait3A_380 = arith.constant 0 : i32
        %dma_wait3A_381 = arith.constant 0 : i32
        %dma_wait3A_382 = tpu.memref_slice %arg2[%dma_wait3A_380, %dma_wait3A_381] : memref<10000x128xf32, #tpu.memory_space<hbm>> -> memref<10000x128xf32, #tpu.memory_space<hbm>>
        tpu.wait_indirect_dma semaphore(%arg12 : memref<!tpu.dma_semaphore, #tpu.memory_space<semaphore_mem>>) src(%dma_wait3A_382 : memref<10000x128xf32, #tpu.memory_space<hbm>>) dst(%dma_wait3A_376 : memref<128x128xf32, #tpu.memory_space<vmem>>)
        %dma_start3A_383 = arith.constant 1 : i32
        %dma_start3A_384 = arith.constant 7 : i32
        %dma_start3A_385 = arith.constant 0 : i32
        %dma_start3A_386 = arith.constant 0 : i32
        %dma_start3A_387 = tpu.memref_slice %arg9[%dma_start3A_383, %dma_start3A_385, %dma_start3A_386] : memref<2x128x128xf32, #tpu.memory_space<vmem>> -> memref<1x128x128xf32, #tpu.memory_space<vmem>>
        %dma_start3A_388 = tpu.memref_squeeze %dma_start3A_387 : memref<1x128x128xf32, #tpu.memory_space<vmem>> -> memref<128x128xf32, #tpu.memory_space<vmem>>
        %dma_start3A_389 = arith.constant 0 : i32
        %dma_start3A_390 = tpu.memref_slice %arg8[%dma_start3A_384, %dma_start3A_389] : memref<8x128xi32, #tpu.memory_space<vmem>> -> memref<1x128xi32, #tpu.memory_space<vmem>>
        %dma_start3A_391 = tpu.memref_squeeze %dma_start3A_390 : memref<1x128xi32, #tpu.memory_space<vmem>> -> memref<128xi32, #tpu.memory_space<vmem>>
        %dma_start3A_392 = arith.constant 0 : i32
        %dma_start3A_393 = arith.constant 0 : i32
        %dma_start3A_394 = tpu.memref_slice %arg10[%dma_start3A_392, %dma_start3A_393] : memref<10112x128xf32, #tpu.memory_space<vmem_shared>> -> memref<10112x128xf32, #tpu.memory_space<vmem_shared>>
        tpu.enqueue_indirect_dma source(%dma_start3A_388 : memref<128x128xf32, #tpu.memory_space<vmem>>) target(%dma_start3A_394 : memref<10112x128xf32, #tpu.memory_space<vmem_shared>>) offsets(%dma_start3A_391 : memref<128xi32, #tpu.memory_space<vmem>>) semaphore(%arg14 : memref<!tpu.dma_semaphore, #tpu.memory_space<semaphore_mem>>) {add = true}
        %dma_wait3A_395 = arith.constant 1 : i32
        %dma_wait3A_396 = arith.constant 0 : i32
        %dma_wait3A_397 = arith.constant 0 : i32
        %dma_wait3A_398 = arith.constant 0 : i32
        %dma_wait3A_399 = tpu.memref_slice %arg9[%dma_wait3A_395, %dma_wait3A_397, %dma_wait3A_398] : memref<2x128x128xf32, #tpu.memory_space<vmem>> -> memref<1x128x128xf32, #tpu.memory_space<vmem>>
        %dma_wait3A_400 = tpu.memref_squeeze %dma_wait3A_399 : memref<1x128x128xf32, #tpu.memory_space<vmem>> -> memref<128x128xf32, #tpu.memory_space<vmem>>
        %dma_wait3A_401 = arith.constant 0 : i32
        %dma_wait3A_402 = tpu.memref_slice %arg8[%dma_wait3A_396, %dma_wait3A_401] : memref<8x128xi32, #tpu.memory_space<vmem>> -> memref<1x128xi32, #tpu.memory_space<vmem>>
        %dma_wait3A_403 = tpu.memref_squeeze %dma_wait3A_402 : memref<1x128xi32, #tpu.memory_space<vmem>> -> memref<128xi32, #tpu.memory_space<vmem>>
        %dma_wait3A_404 = arith.constant 0 : i32
        %dma_wait3A_405 = arith.constant 0 : i32
        %dma_wait3A_406 = tpu.memref_slice %arg10[%dma_wait3A_404, %dma_wait3A_405] : memref<10112x128xf32, #tpu.memory_space<vmem_shared>> -> memref<10112x128xf32, #tpu.memory_space<vmem_shared>>
        tpu.wait_indirect_dma semaphore(%arg14 : memref<!tpu.dma_semaphore, #tpu.memory_space<semaphore_mem>>) src(%dma_wait3A_400 : memref<128x128xf32, #tpu.memory_space<vmem>>) dst(%dma_wait3A_406 : memref<10112x128xf32, #tpu.memory_space<vmem_shared>>)
      }
      %scan3A_21 = arith.constant 19 : i32
    } else {
    }
    %eq3A_5 = arith.constant 1 : i32
    %eq3A_6 = arith.cmpi eq, %arg0, %eq3A_5 : i32
    %convert_element_type3A_7 = arith.extui %eq3A_6 : i1 to i32
    %cond3A_8 = arith.constant 0 : i32
    %cond3A_9 = arith.cmpi ne, %convert_element_type3A_7, %cond3A_8 : i32
    scf.if %cond3A_9 {
      %mul3A_15 = arith.constant 8 : i32
      %mul3A_16 = arith.muli %arg1, %mul3A_15 : i32
      %add3A = arith.constant 2432 : i32
      %add3A_17 = arith.addi %add3A, %mul3A_16 : i32
      %scan3A = arith.constant 0 : i32
      %scan3A_18 = arith.constant 0 : i32
      %mul3A_19 = arith.constant 8 : i32
      %mul3A_20 = arith.muli %scan3A_18, %mul3A_19 : i32
      %add3A_21 = arith.addi %add3A_17, %mul3A_20 : i32
      "tpu.region"() ({
        %run_scoped3A = tpu.sem_alloc : memref<!tpu.dma_semaphore, #tpu.memory_space<semaphore_mem>>
        %dma_start3A_405 = arith.constant 0 : i32
        %dma_start3A_406 = tpu.memref_slice %arg3[%add3A_21, %dma_start3A_405] : memref<2560x128xi32, #tpu.memory_space<hbm>> -> memref<8x128xi32, #tpu.memory_space<hbm>>
        %dma_start3A_407 = arith.constant 0 : i32
        %dma_start3A_408 = tpu.memref_slice %arg3[%add3A_21, %dma_start3A_407] : memref<2560x128xi32, #tpu.memory_space<hbm>> -> memref<8x128xi32, #tpu.memory_space<hbm>>
        tpu.enqueue_dma source(%dma_start3A_408 : memref<8x128xi32, #tpu.memory_space<hbm>>) target(%arg7 : memref<8x128xi32, #tpu.memory_space<vmem>>) target_semaphore(%run_scoped3A : memref<!tpu.dma_semaphore, #tpu.memory_space<semaphore_mem>>)
        %dma_wait3A_409 = arith.constant 0 : i32
        %dma_wait3A_410 = tpu.memref_slice %arg3[%add3A_21, %dma_wait3A_409] : memref<2560x128xi32, #tpu.memory_space<hbm>> -> memref<8x128xi32, #tpu.memory_space<hbm>>
        %dma_wait3A_411 = arith.constant 0 : i32
        %dma_wait3A_412 = tpu.memref_slice %arg3[%add3A_21, %dma_wait3A_411] : memref<2560x128xi32, #tpu.memory_space<hbm>> -> memref<8x128xi32, #tpu.memory_space<hbm>>
        tpu.wait_dma2 semaphore(%run_scoped3A : memref<!tpu.dma_semaphore, #tpu.memory_space<semaphore_mem>>) src(%dma_wait3A_412 : memref<8x128xi32, #tpu.memory_space<hbm>>) dst(%arg7 : memref<8x128xi32, #tpu.memory_space<vmem>>)
        tpu.yield
      }) : () -> ()
      "tpu.region"() ({
        %run_scoped3A = tpu.sem_alloc : memref<!tpu.dma_semaphore, #tpu.memory_space<semaphore_mem>>
        %dma_start3A_405 = arith.constant 0 : i32
        %dma_start3A_406 = tpu.memref_slice %arg4[%add3A_21, %dma_start3A_405] : memref<2560x128xi32, #tpu.memory_space<hbm>> -> memref<8x128xi32, #tpu.memory_space<hbm>>
        %dma_start3A_407 = arith.constant 0 : i32
        %dma_start3A_408 = tpu.memref_slice %arg4[%add3A_21, %dma_start3A_407] : memref<2560x128xi32, #tpu.memory_space<hbm>> -> memref<8x128xi32, #tpu.memory_space<hbm>>
        tpu.enqueue_dma source(%dma_start3A_408 : memref<8x128xi32, #tpu.memory_space<hbm>>) target(%arg8 : memref<8x128xi32, #tpu.memory_space<vmem>>) target_semaphore(%run_scoped3A : memref<!tpu.dma_semaphore, #tpu.memory_space<semaphore_mem>>)
        %dma_wait3A_409 = arith.constant 0 : i32
        %dma_wait3A_410 = tpu.memref_slice %arg4[%add3A_21, %dma_wait3A_409] : memref<2560x128xi32, #tpu.memory_space<hbm>> -> memref<8x128xi32, #tpu.memory_space<hbm>>
        %dma_wait3A_411 = arith.constant 0 : i32
        %dma_wait3A_412 = tpu.memref_slice %arg4[%add3A_21, %dma_wait3A_411] : memref<2560x128xi32, #tpu.memory_space<hbm>> -> memref<8x128xi32, #tpu.memory_space<hbm>>
        tpu.wait_dma2 semaphore(%run_scoped3A : memref<!tpu.dma_semaphore, #tpu.memory_space<semaphore_mem>>) src(%dma_wait3A_412 : memref<8x128xi32, #tpu.memory_space<hbm>>) dst(%arg8 : memref<8x128xi32, #tpu.memory_space<vmem>>)
        tpu.yield
      }) : () -> ()
      %dma_start3A = arith.constant 0 : i32
      %dma_start3A_22 = arith.constant 0 : i32
      %dma_start3A_23 = arith.constant 0 : i32
      %dma_start3A_24 = arith.constant 0 : i32
      %dma_start3A_25 = tpu.memref_slice %arg9[%dma_start3A_22, %dma_start3A_23, %dma_start3A_24] : memref<2x128x128xf32, #tpu.memory_space<vmem>> -> memref<1x128x128xf32, #tpu.memory_space<vmem>>
      %dma_start3A_26 = tpu.memref_squeeze %dma_start3A_25 : memref<1x128x128xf32, #tpu.memory_space<vmem>> -> memref<128x128xf32, #tpu.memory_space<vmem>>
      %dma_start3A_27 = arith.constant 0 : i32
      %dma_start3A_28 = tpu.memref_slice %arg7[%dma_start3A, %dma_start3A_27] : memref<8x128xi32, #tpu.memory_space<vmem>> -> memref<1x128xi32, #tpu.memory_space<vmem>>
      %dma_start3A_29 = tpu.memref_squeeze %dma_start3A_28 : memref<1x128xi32, #tpu.memory_space<vmem>> -> memref<128xi32, #tpu.memory_space<vmem>>
      %dma_start3A_30 = arith.constant 0 : i32
      %dma_start3A_31 = arith.constant 0 : i32
      %dma_start3A_32 = tpu.memref_slice %arg2[%dma_start3A_30, %dma_start3A_31] : memref<10000x128xf32, #tpu.memory_space<hbm>> -> memref<10000x128xf32, #tpu.memory_space<hbm>>
      tpu.enqueue_indirect_dma source(%dma_start3A_32 : memref<10000x128xf32, #tpu.memory_space<hbm>>) target(%dma_start3A_26 : memref<128x128xf32, #tpu.memory_space<vmem>>) offsets(%dma_start3A_29 : memref<128xi32, #tpu.memory_space<vmem>>) semaphore(%arg11 : memref<!tpu.dma_semaphore, #tpu.memory_space<semaphore_mem>>)
      %dma_start3A_33 = arith.constant 1 : i32
      %dma_start3A_34 = arith.constant 1 : i32
      %dma_start3A_35 = arith.constant 0 : i32
      %dma_start3A_36 = arith.constant 0 : i32
      %dma_start3A_37 = tpu.memref_slice %arg9[%dma_start3A_34, %dma_start3A_35, %dma_start3A_36] : memref<2x128x128xf32, #tpu.memory_space<vmem>> -> memref<1x128x128xf32, #tpu.memory_space<vmem>>
      %dma_start3A_38 = tpu.memref_squeeze %dma_start3A_37 : memref<1x128x128xf32, #tpu.memory_space<vmem>> -> memref<128x128xf32, #tpu.memory_space<vmem>>
      %dma_start3A_39 = arith.constant 0 : i32
      %dma_start3A_40 = tpu.memref_slice %arg7[%dma_start3A_33, %dma_start3A_39] : memref<8x128xi32, #tpu.memory_space<vmem>> -> memref<1x128xi32, #tpu.memory_space<vmem>>
      %dma_start3A_41 = tpu.memref_squeeze %dma_start3A_40 : memref<1x128xi32, #tpu.memory_space<vmem>> -> memref<128xi32, #tpu.memory_space<vmem>>
      %dma_start3A_42 = arith.constant 0 : i32
      %dma_start3A_43 = arith.constant 0 : i32
      %dma_start3A_44 = tpu.memref_slice %arg2[%dma_start3A_42, %dma_start3A_43] : memref<10000x128xf32, #tpu.memory_space<hbm>> -> memref<10000x128xf32, #tpu.memory_space<hbm>>
      tpu.enqueue_indirect_dma source(%dma_start3A_44 : memref<10000x128xf32, #tpu.memory_space<hbm>>) target(%dma_start3A_38 : memref<128x128xf32, #tpu.memory_space<vmem>>) offsets(%dma_start3A_41 : memref<128xi32, #tpu.memory_space<vmem>>) semaphore(%arg12 : memref<!tpu.dma_semaphore, #tpu.memory_space<semaphore_mem>>)
      %dma_wait3A = arith.constant 0 : i32
      %dma_wait3A_45 = arith.constant 0 : i32
      %dma_wait3A_46 = arith.constant 0 : i32
      %dma_wait3A_47 = arith.constant 0 : i32
      %dma_wait3A_48 = tpu.memref_slice %arg9[%dma_wait3A_45, %dma_wait3A_46, %dma_wait3A_47] : memref<2x128x128xf32, #tpu.memory_space<vmem>> -> memref<1x128x128xf32, #tpu.memory_space<vmem>>
      %dma_wait3A_49 = tpu.memref_squeeze %dma_wait3A_48 : memref<1x128x128xf32, #tpu.memory_space<vmem>> -> memref<128x128xf32, #tpu.memory_space<vmem>>
      %dma_wait3A_50 = arith.constant 0 : i32
      %dma_wait3A_51 = tpu.memref_slice %arg7[%dma_wait3A, %dma_wait3A_50] : memref<8x128xi32, #tpu.memory_space<vmem>> -> memref<1x128xi32, #tpu.memory_space<vmem>>
      %dma_wait3A_52 = tpu.memref_squeeze %dma_wait3A_51 : memref<1x128xi32, #tpu.memory_space<vmem>> -> memref<128xi32, #tpu.memory_space<vmem>>
      %dma_wait3A_53 = arith.constant 0 : i32
      %dma_wait3A_54 = arith.constant 0 : i32
      %dma_wait3A_55 = tpu.memref_slice %arg2[%dma_wait3A_53, %dma_wait3A_54] : memref<10000x128xf32, #tpu.memory_space<hbm>> -> memref<10000x128xf32, #tpu.memory_space<hbm>>
      tpu.wait_indirect_dma semaphore(%arg11 : memref<!tpu.dma_semaphore, #tpu.memory_space<semaphore_mem>>) src(%dma_wait3A_55 : memref<10000x128xf32, #tpu.memory_space<hbm>>) dst(%dma_wait3A_49 : memref<128x128xf32, #tpu.memory_space<vmem>>)
      %dma_start3A_56 = arith.constant 0 : i32
      %dma_start3A_57 = arith.constant 0 : i32
      %dma_start3A_58 = arith.constant 0 : i32
      %dma_start3A_59 = arith.constant 0 : i32
      %dma_start3A_60 = tpu.memref_slice %arg9[%dma_start3A_56, %dma_start3A_58, %dma_start3A_59] : memref<2x128x128xf32, #tpu.memory_space<vmem>> -> memref<1x128x128xf32, #tpu.memory_space<vmem>>
      %dma_start3A_61 = tpu.memref_squeeze %dma_start3A_60 : memref<1x128x128xf32, #tpu.memory_space<vmem>> -> memref<128x128xf32, #tpu.memory_space<vmem>>
      %dma_start3A_62 = arith.constant 0 : i32
      %dma_start3A_63 = tpu.memref_slice %arg8[%dma_start3A_57, %dma_start3A_62] : memref<8x128xi32, #tpu.memory_space<vmem>> -> memref<1x128xi32, #tpu.memory_space<vmem>>
      %dma_start3A_64 = tpu.memref_squeeze %dma_start3A_63 : memref<1x128xi32, #tpu.memory_space<vmem>> -> memref<128xi32, #tpu.memory_space<vmem>>
      %dma_start3A_65 = arith.constant 0 : i32
      %dma_start3A_66 = arith.constant 0 : i32
      %dma_start3A_67 = tpu.memref_slice %arg10[%dma_start3A_65, %dma_start3A_66] : memref<10112x128xf32, #tpu.memory_space<vmem_shared>> -> memref<10112x128xf32, #tpu.memory_space<vmem_shared>>
      tpu.enqueue_indirect_dma source(%dma_start3A_61 : memref<128x128xf32, #tpu.memory_space<vmem>>) target(%dma_start3A_67 : memref<10112x128xf32, #tpu.memory_space<vmem_shared>>) offsets(%dma_start3A_64 : memref<128xi32, #tpu.memory_space<vmem>>) semaphore(%arg13 : memref<!tpu.dma_semaphore, #tpu.memory_space<semaphore_mem>>) {add = true}
      %dma_wait3A_68 = arith.constant 0 : i32
      %dma_wait3A_69 = arith.constant 0 : i32
      %dma_wait3A_70 = arith.constant 0 : i32
      %dma_wait3A_71 = arith.constant 0 : i32
      %dma_wait3A_72 = tpu.memref_slice %arg9[%dma_wait3A_68, %dma_wait3A_70, %dma_wait3A_71] : memref<2x128x128xf32, #tpu.memory_space<vmem>> -> memref<1x128x128xf32, #tpu.memory_space<vmem>>
      %dma_wait3A_73 = tpu.memref_squeeze %dma_wait3A_72 : memref<1x128x128xf32, #tpu.memory_space<vmem>> -> memref<128x128xf32, #tpu.memory_space<vmem>>
      %dma_wait3A_74 = arith.constant 0 : i32
      %dma_wait3A_75 = tpu.memref_slice %arg8[%dma_wait3A_69, %dma_wait3A_74] : memref<8x128xi32, #tpu.memory_space<vmem>> -> memref<1x128xi32, #tpu.memory_space<vmem>>
      %dma_wait3A_76 = tpu.memref_squeeze %dma_wait3A_75 : memref<1x128xi32, #tpu.memory_space<vmem>> -> memref<128xi32, #tpu.memory_space<vmem>>
      %dma_wait3A_77 = arith.constant 0 : i32
      %dma_wait3A_78 = arith.constant 0 : i32
      %dma_wait3A_79 = tpu.memref_slice %arg10[%dma_wait3A_77, %dma_wait3A_78] : memref<10112x128xf32, #tpu.memory_space<vmem_shared>> -> memref<10112x128xf32, #tpu.memory_space<vmem_shared>>
      tpu.wait_indirect_dma semaphore(%arg13 : memref<!tpu.dma_semaphore, #tpu.memory_space<semaphore_mem>>) src(%dma_wait3A_73 : memref<128x128xf32, #tpu.memory_space<vmem>>) dst(%dma_wait3A_79 : memref<10112x128xf32, #tpu.memory_space<vmem_shared>>)
      %dma_start3A_80 = arith.constant 2 : i32
      %dma_start3A_81 = arith.constant 0 : i32
      %dma_start3A_82 = arith.constant 0 : i32
      %dma_start3A_83 = arith.constant 0 : i32
      %dma_start3A_84 = tpu.memref_slice %arg9[%dma_start3A_81, %dma_start3A_82, %dma_start3A_83] : memref<2x128x128xf32, #tpu.memory_space<vmem>> -> memref<1x128x128xf32, #tpu.memory_space<vmem>>
      %dma_start3A_85 = tpu.memref_squeeze %dma_start3A_84 : memref<1x128x128xf32, #tpu.memory_space<vmem>> -> memref<128x128xf32, #tpu.memory_space<vmem>>
      %dma_start3A_86 = arith.constant 0 : i32
      %dma_start3A_87 = tpu.memref_slice %arg7[%dma_start3A_80, %dma_start3A_86] : memref<8x128xi32, #tpu.memory_space<vmem>> -> memref<1x128xi32, #tpu.memory_space<vmem>>
      %dma_start3A_88 = tpu.memref_squeeze %dma_start3A_87 : memref<1x128xi32, #tpu.memory_space<vmem>> -> memref<128xi32, #tpu.memory_space<vmem>>
      %dma_start3A_89 = arith.constant 0 : i32
      %dma_start3A_90 = arith.constant 0 : i32
      %dma_start3A_91 = tpu.memref_slice %arg2[%dma_start3A_89, %dma_start3A_90] : memref<10000x128xf32, #tpu.memory_space<hbm>> -> memref<10000x128xf32, #tpu.memory_space<hbm>>
      tpu.enqueue_indirect_dma source(%dma_start3A_91 : memref<10000x128xf32, #tpu.memory_space<hbm>>) target(%dma_start3A_85 : memref<128x128xf32, #tpu.memory_space<vmem>>) offsets(%dma_start3A_88 : memref<128xi32, #tpu.memory_space<vmem>>) semaphore(%arg11 : memref<!tpu.dma_semaphore, #tpu.memory_space<semaphore_mem>>)
      %dma_wait3A_92 = arith.constant 0 : i32
      %dma_wait3A_93 = arith.constant 1 : i32
      %dma_wait3A_94 = arith.constant 0 : i32
      %dma_wait3A_95 = arith.constant 0 : i32
      %dma_wait3A_96 = tpu.memref_slice %arg9[%dma_wait3A_93, %dma_wait3A_94, %dma_wait3A_95] : memref<2x128x128xf32, #tpu.memory_space<vmem>> -> memref<1x128x128xf32, #tpu.memory_space<vmem>>
      %dma_wait3A_97 = tpu.memref_squeeze %dma_wait3A_96 : memref<1x128x128xf32, #tpu.memory_space<vmem>> -> memref<128x128xf32, #tpu.memory_space<vmem>>
      %dma_wait3A_98 = arith.constant 0 : i32
      %dma_wait3A_99 = tpu.memref_slice %arg7[%dma_wait3A_92, %dma_wait3A_98] : memref<8x128xi32, #tpu.memory_space<vmem>> -> memref<1x128xi32, #tpu.memory_space<vmem>>
      %dma_wait3A_100 = tpu.memref_squeeze %dma_wait3A_99 : memref<1x128xi32, #tpu.memory_space<vmem>> -> memref<128xi32, #tpu.memory_space<vmem>>
      %dma_wait3A_101 = arith.constant 0 : i32
      %dma_wait3A_102 = arith.constant 0 : i32
      %dma_wait3A_103 = tpu.memref_slice %arg2[%dma_wait3A_101, %dma_wait3A_102] : memref<10000x128xf32, #tpu.memory_space<hbm>> -> memref<10000x128xf32, #tpu.memory_space<hbm>>
      tpu.wait_indirect_dma semaphore(%arg12 : memref<!tpu.dma_semaphore, #tpu.memory_space<semaphore_mem>>) src(%dma_wait3A_103 : memref<10000x128xf32, #tpu.memory_space<hbm>>) dst(%dma_wait3A_97 : memref<128x128xf32, #tpu.memory_space<vmem>>)
      %dma_start3A_104 = arith.constant 1 : i32
      %dma_start3A_105 = arith.constant 1 : i32
      %dma_start3A_106 = arith.constant 0 : i32
      %dma_start3A_107 = arith.constant 0 : i32
      %dma_start3A_108 = tpu.memref_slice %arg9[%dma_start3A_104, %dma_start3A_106, %dma_start3A_107] : memref<2x128x128xf32, #tpu.memory_space<vmem>> -> memref<1x128x128xf32, #tpu.memory_space<vmem>>
      %dma_start3A_109 = tpu.memref_squeeze %dma_start3A_108 : memref<1x128x128xf32, #tpu.memory_space<vmem>> -> memref<128x128xf32, #tpu.memory_space<vmem>>
      %dma_start3A_110 = arith.constant 0 : i32
      %dma_start3A_111 = tpu.memref_slice %arg8[%dma_start3A_105, %dma_start3A_110] : memref<8x128xi32, #tpu.memory_space<vmem>> -> memref<1x128xi32, #tpu.memory_space<vmem>>
      %dma_start3A_112 = tpu.memref_squeeze %dma_start3A_111 : memref<1x128xi32, #tpu.memory_space<vmem>> -> memref<128xi32, #tpu.memory_space<vmem>>
      %dma_start3A_113 = arith.constant 0 : i32
      %dma_start3A_114 = arith.constant 0 : i32
      %dma_start3A_115 = tpu.memref_slice %arg10[%dma_start3A_113, %dma_start3A_114] : memref<10112x128xf32, #tpu.memory_space<vmem_shared>> -> memref<10112x128xf32, #tpu.memory_space<vmem_shared>>
      tpu.enqueue_indirect_dma source(%dma_start3A_109 : memref<128x128xf32, #tpu.memory_space<vmem>>) target(%dma_start3A_115 : memref<10112x128xf32, #tpu.memory_space<vmem_shared>>) offsets(%dma_start3A_112 : memref<128xi32, #tpu.memory_space<vmem>>) semaphore(%arg14 : memref<!tpu.dma_semaphore, #tpu.memory_space<semaphore_mem>>) {add = true}
      %dma_wait3A_116 = arith.constant 1 : i32
      %dma_wait3A_117 = arith.constant 0 : i32
      %dma_wait3A_118 = arith.constant 0 : i32
      %dma_wait3A_119 = arith.constant 0 : i32
      %dma_wait3A_120 = tpu.memref_slice %arg9[%dma_wait3A_116, %dma_wait3A_118, %dma_wait3A_119] : memref<2x128x128xf32, #tpu.memory_space<vmem>> -> memref<1x128x128xf32, #tpu.memory_space<vmem>>
      %dma_wait3A_121 = tpu.memref_squeeze %dma_wait3A_120 : memref<1x128x128xf32, #tpu.memory_space<vmem>> -> memref<128x128xf32, #tpu.memory_space<vmem>>
      %dma_wait3A_122 = arith.constant 0 : i32
      %dma_wait3A_123 = tpu.memref_slice %arg8[%dma_wait3A_117, %dma_wait3A_122] : memref<8x128xi32, #tpu.memory_space<vmem>> -> memref<1x128xi32, #tpu.memory_space<vmem>>
      %dma_wait3A_124 = tpu.memref_squeeze %dma_wait3A_123 : memref<1x128xi32, #tpu.memory_space<vmem>> -> memref<128xi32, #tpu.memory_space<vmem>>
      %dma_wait3A_125 = arith.constant 0 : i32
      %dma_wait3A_126 = arith.constant 0 : i32
      %dma_wait3A_127 = tpu.memref_slice %arg10[%dma_wait3A_125, %dma_wait3A_126] : memref<10112x128xf32, #tpu.memory_space<vmem_shared>> -> memref<10112x128xf32, #tpu.memory_space<vmem_shared>>
      tpu.wait_indirect_dma semaphore(%arg14 : memref<!tpu.dma_semaphore, #tpu.memory_space<semaphore_mem>>) src(%dma_wait3A_121 : memref<128x128xf32, #tpu.memory_space<vmem>>) dst(%dma_wait3A_127 : memref<10112x128xf32, #tpu.memory_space<vmem_shared>>)
      %dma_start3A_128 = arith.constant 3 : i32
      %dma_start3A_129 = arith.constant 1 : i32
      %dma_start3A_130 = arith.constant 0 : i32
      %dma_start3A_131 = arith.constant 0 : i32
      %dma_start3A_132 = tpu.memref_slice %arg9[%dma_start3A_129, %dma_start3A_130, %dma_start3A_131] : memref<2x128x128xf32, #tpu.memory_space<vmem>> -> memref<1x128x128xf32, #tpu.memory_space<vmem>>
      %dma_start3A_133 = tpu.memref_squeeze %dma_start3A_132 : memref<1x128x128xf32, #tpu.memory_space<vmem>> -> memref<128x128xf32, #tpu.memory_space<vmem>>
      %dma_start3A_134 = arith.constant 0 : i32
      %dma_start3A_135 = tpu.memref_slice %arg7[%dma_start3A_128, %dma_start3A_134] : memref<8x128xi32, #tpu.memory_space<vmem>> -> memref<1x128xi32, #tpu.memory_space<vmem>>
      %dma_start3A_136 = tpu.memref_squeeze %dma_start3A_135 : memref<1x128xi32, #tpu.memory_space<vmem>> -> memref<128xi32, #tpu.memory_space<vmem>>
      %dma_start3A_137 = arith.constant 0 : i32
      %dma_start3A_138 = arith.constant 0 : i32
      %dma_start3A_139 = tpu.memref_slice %arg2[%dma_start3A_137, %dma_start3A_138] : memref<10000x128xf32, #tpu.memory_space<hbm>> -> memref<10000x128xf32, #tpu.memory_space<hbm>>
      tpu.enqueue_indirect_dma source(%dma_start3A_139 : memref<10000x128xf32, #tpu.memory_space<hbm>>) target(%dma_start3A_133 : memref<128x128xf32, #tpu.memory_space<vmem>>) offsets(%dma_start3A_136 : memref<128xi32, #tpu.memory_space<vmem>>) semaphore(%arg12 : memref<!tpu.dma_semaphore, #tpu.memory_space<semaphore_mem>>)
      %dma_wait3A_140 = arith.constant 0 : i32
      %dma_wait3A_141 = arith.constant 0 : i32
      %dma_wait3A_142 = arith.constant 0 : i32
      %dma_wait3A_143 = arith.constant 0 : i32
      %dma_wait3A_144 = tpu.memref_slice %arg9[%dma_wait3A_141, %dma_wait3A_142, %dma_wait3A_143] : memref<2x128x128xf32, #tpu.memory_space<vmem>> -> memref<1x128x128xf32, #tpu.memory_space<vmem>>
      %dma_wait3A_145 = tpu.memref_squeeze %dma_wait3A_144 : memref<1x128x128xf32, #tpu.memory_space<vmem>> -> memref<128x128xf32, #tpu.memory_space<vmem>>
      %dma_wait3A_146 = arith.constant 0 : i32
      %dma_wait3A_147 = tpu.memref_slice %arg7[%dma_wait3A_140, %dma_wait3A_146] : memref<8x128xi32, #tpu.memory_space<vmem>> -> memref<1x128xi32, #tpu.memory_space<vmem>>
      %dma_wait3A_148 = tpu.memref_squeeze %dma_wait3A_147 : memref<1x128xi32, #tpu.memory_space<vmem>> -> memref<128xi32, #tpu.memory_space<vmem>>
      %dma_wait3A_149 = arith.constant 0 : i32
      %dma_wait3A_150 = arith.constant 0 : i32
      %dma_wait3A_151 = tpu.memref_slice %arg2[%dma_wait3A_149, %dma_wait3A_150] : memref<10000x128xf32, #tpu.memory_space<hbm>> -> memref<10000x128xf32, #tpu.memory_space<hbm>>
      tpu.wait_indirect_dma semaphore(%arg11 : memref<!tpu.dma_semaphore, #tpu.memory_space<semaphore_mem>>) src(%dma_wait3A_151 : memref<10000x128xf32, #tpu.memory_space<hbm>>) dst(%dma_wait3A_145 : memref<128x128xf32, #tpu.memory_space<vmem>>)
      %dma_start3A_152 = arith.constant 0 : i32
      %dma_start3A_153 = arith.constant 2 : i32
      %dma_start3A_154 = arith.constant 0 : i32
      %dma_start3A_155 = arith.constant 0 : i32
      %dma_start3A_156 = tpu.memref_slice %arg9[%dma_start3A_152, %dma_start3A_154, %dma_start3A_155] : memref<2x128x128xf32, #tpu.memory_space<vmem>> -> memref<1x128x128xf32, #tpu.memory_space<vmem>>
      %dma_start3A_157 = tpu.memref_squeeze %dma_start3A_156 : memref<1x128x128xf32, #tpu.memory_space<vmem>> -> memref<128x128xf32, #tpu.memory_space<vmem>>
      %dma_start3A_158 = arith.constant 0 : i32
      %dma_start3A_159 = tpu.memref_slice %arg8[%dma_start3A_153, %dma_start3A_158] : memref<8x128xi32, #tpu.memory_space<vmem>> -> memref<1x128xi32, #tpu.memory_space<vmem>>
      %dma_start3A_160 = tpu.memref_squeeze %dma_start3A_159 : memref<1x128xi32, #tpu.memory_space<vmem>> -> memref<128xi32, #tpu.memory_space<vmem>>
      %dma_start3A_161 = arith.constant 0 : i32
      %dma_start3A_162 = arith.constant 0 : i32
      %dma_start3A_163 = tpu.memref_slice %arg10[%dma_start3A_161, %dma_start3A_162] : memref<10112x128xf32, #tpu.memory_space<vmem_shared>> -> memref<10112x128xf32, #tpu.memory_space<vmem_shared>>
      tpu.enqueue_indirect_dma source(%dma_start3A_157 : memref<128x128xf32, #tpu.memory_space<vmem>>) target(%dma_start3A_163 : memref<10112x128xf32, #tpu.memory_space<vmem_shared>>) offsets(%dma_start3A_160 : memref<128xi32, #tpu.memory_space<vmem>>) semaphore(%arg13 : memref<!tpu.dma_semaphore, #tpu.memory_space<semaphore_mem>>) {add = true}
      %dma_wait3A_164 = arith.constant 0 : i32
      %dma_wait3A_165 = arith.constant 0 : i32
      %dma_wait3A_166 = arith.constant 0 : i32
      %dma_wait3A_167 = arith.constant 0 : i32
      %dma_wait3A_168 = tpu.memref_slice %arg9[%dma_wait3A_164, %dma_wait3A_166, %dma_wait3A_167] : memref<2x128x128xf32, #tpu.memory_space<vmem>> -> memref<1x128x128xf32, #tpu.memory_space<vmem>>
      %dma_wait3A_169 = tpu.memref_squeeze %dma_wait3A_168 : memref<1x128x128xf32, #tpu.memory_space<vmem>> -> memref<128x128xf32, #tpu.memory_space<vmem>>
      %dma_wait3A_170 = arith.constant 0 : i32
      %dma_wait3A_171 = tpu.memref_slice %arg8[%dma_wait3A_165, %dma_wait3A_170] : memref<8x128xi32, #tpu.memory_space<vmem>> -> memref<1x128xi32, #tpu.memory_space<vmem>>
      %dma_wait3A_172 = tpu.memref_squeeze %dma_wait3A_171 : memref<1x128xi32, #tpu.memory_space<vmem>> -> memref<128xi32, #tpu.memory_space<vmem>>
      %dma_wait3A_173 = arith.constant 0 : i32
      %dma_wait3A_174 = arith.constant 0 : i32
      %dma_wait3A_175 = tpu.memref_slice %arg10[%dma_wait3A_173, %dma_wait3A_174] : memref<10112x128xf32, #tpu.memory_space<vmem_shared>> -> memref<10112x128xf32, #tpu.memory_space<vmem_shared>>
      tpu.wait_indirect_dma semaphore(%arg13 : memref<!tpu.dma_semaphore, #tpu.memory_space<semaphore_mem>>) src(%dma_wait3A_169 : memref<128x128xf32, #tpu.memory_space<vmem>>) dst(%dma_wait3A_175 : memref<10112x128xf32, #tpu.memory_space<vmem_shared>>)
      %dma_start3A_176 = arith.constant 4 : i32
      %dma_start3A_177 = arith.constant 0 : i32
      %dma_start3A_178 = arith.constant 0 : i32
      %dma_start3A_179 = arith.constant 0 : i32
      %dma_start3A_180 = tpu.memref_slice %arg9[%dma_start3A_177, %dma_start3A_178, %dma_start3A_179] : memref<2x128x128xf32, #tpu.memory_space<vmem>> -> memref<1x128x128xf32, #tpu.memory_space<vmem>>
      %dma_start3A_181 = tpu.memref_squeeze %dma_start3A_180 : memref<1x128x128xf32, #tpu.memory_space<vmem>> -> memref<128x128xf32, #tpu.memory_space<vmem>>
      %dma_start3A_182 = arith.constant 0 : i32
      %dma_start3A_183 = tpu.memref_slice %arg7[%dma_start3A_176, %dma_start3A_182] : memref<8x128xi32, #tpu.memory_space<vmem>> -> memref<1x128xi32, #tpu.memory_space<vmem>>
      %dma_start3A_184 = tpu.memref_squeeze %dma_start3A_183 : memref<1x128xi32, #tpu.memory_space<vmem>> -> memref<128xi32, #tpu.memory_space<vmem>>
      %dma_start3A_185 = arith.constant 0 : i32
      %dma_start3A_186 = arith.constant 0 : i32
      %dma_start3A_187 = tpu.memref_slice %arg2[%dma_start3A_185, %dma_start3A_186] : memref<10000x128xf32, #tpu.memory_space<hbm>> -> memref<10000x128xf32, #tpu.memory_space<hbm>>
      tpu.enqueue_indirect_dma source(%dma_start3A_187 : memref<10000x128xf32, #tpu.memory_space<hbm>>) target(%dma_start3A_181 : memref<128x128xf32, #tpu.memory_space<vmem>>) offsets(%dma_start3A_184 : memref<128xi32, #tpu.memory_space<vmem>>) semaphore(%arg11 : memref<!tpu.dma_semaphore, #tpu.memory_space<semaphore_mem>>)
      %dma_wait3A_188 = arith.constant 0 : i32
      %dma_wait3A_189 = arith.constant 1 : i32
      %dma_wait3A_190 = arith.constant 0 : i32
      %dma_wait3A_191 = arith.constant 0 : i32
      %dma_wait3A_192 = tpu.memref_slice %arg9[%dma_wait3A_189, %dma_wait3A_190, %dma_wait3A_191] : memref<2x128x128xf32, #tpu.memory_space<vmem>> -> memref<1x128x128xf32, #tpu.memory_space<vmem>>
      %dma_wait3A_193 = tpu.memref_squeeze %dma_wait3A_192 : memref<1x128x128xf32, #tpu.memory_space<vmem>> -> memref<128x128xf32, #tpu.memory_space<vmem>>
      %dma_wait3A_194 = arith.constant 0 : i32
      %dma_wait3A_195 = tpu.memref_slice %arg7[%dma_wait3A_188, %dma_wait3A_194] : memref<8x128xi32, #tpu.memory_space<vmem>> -> memref<1x128xi32, #tpu.memory_space<vmem>>
      %dma_wait3A_196 = tpu.memref_squeeze %dma_wait3A_195 : memref<1x128xi32, #tpu.memory_space<vmem>> -> memref<128xi32, #tpu.memory_space<vmem>>
      %dma_wait3A_197 = arith.constant 0 : i32
      %dma_wait3A_198 = arith.constant 0 : i32
      %dma_wait3A_199 = tpu.memref_slice %arg2[%dma_wait3A_197, %dma_wait3A_198] : memref<10000x128xf32, #tpu.memory_space<hbm>> -> memref<10000x128xf32, #tpu.memory_space<hbm>>
      tpu.wait_indirect_dma semaphore(%arg12 : memref<!tpu.dma_semaphore, #tpu.memory_space<semaphore_mem>>) src(%dma_wait3A_199 : memref<10000x128xf32, #tpu.memory_space<hbm>>) dst(%dma_wait3A_193 : memref<128x128xf32, #tpu.memory_space<vmem>>)
      %dma_start3A_200 = arith.constant 1 : i32
      %dma_start3A_201 = arith.constant 3 : i32
      %dma_start3A_202 = arith.constant 0 : i32
      %dma_start3A_203 = arith.constant 0 : i32
      %dma_start3A_204 = tpu.memref_slice %arg9[%dma_start3A_200, %dma_start3A_202, %dma_start3A_203] : memref<2x128x128xf32, #tpu.memory_space<vmem>> -> memref<1x128x128xf32, #tpu.memory_space<vmem>>
      %dma_start3A_205 = tpu.memref_squeeze %dma_start3A_204 : memref<1x128x128xf32, #tpu.memory_space<vmem>> -> memref<128x128xf32, #tpu.memory_space<vmem>>
      %dma_start3A_206 = arith.constant 0 : i32
      %dma_start3A_207 = tpu.memref_slice %arg8[%dma_start3A_201, %dma_start3A_206] : memref<8x128xi32, #tpu.memory_space<vmem>> -> memref<1x128xi32, #tpu.memory_space<vmem>>
      %dma_start3A_208 = tpu.memref_squeeze %dma_start3A_207 : memref<1x128xi32, #tpu.memory_space<vmem>> -> memref<128xi32, #tpu.memory_space<vmem>>
      %dma_start3A_209 = arith.constant 0 : i32
      %dma_start3A_210 = arith.constant 0 : i32
      %dma_start3A_211 = tpu.memref_slice %arg10[%dma_start3A_209, %dma_start3A_210] : memref<10112x128xf32, #tpu.memory_space<vmem_shared>> -> memref<10112x128xf32, #tpu.memory_space<vmem_shared>>
      tpu.enqueue_indirect_dma source(%dma_start3A_205 : memref<128x128xf32, #tpu.memory_space<vmem>>) target(%dma_start3A_211 : memref<10112x128xf32, #tpu.memory_space<vmem_shared>>) offsets(%dma_start3A_208 : memref<128xi32, #tpu.memory_space<vmem>>) semaphore(%arg14 : memref<!tpu.dma_semaphore, #tpu.memory_space<semaphore_mem>>) {add = true}
      %dma_wait3A_212 = arith.constant 1 : i32
      %dma_wait3A_213 = arith.constant 0 : i32
      %dma_wait3A_214 = arith.constant 0 : i32
      %dma_wait3A_215 = arith.constant 0 : i32
      %dma_wait3A_216 = tpu.memref_slice %arg9[%dma_wait3A_212, %dma_wait3A_214, %dma_wait3A_215] : memref<2x128x128xf32, #tpu.memory_space<vmem>> -> memref<1x128x128xf32, #tpu.memory_space<vmem>>
      %dma_wait3A_217 = tpu.memref_squeeze %dma_wait3A_216 : memref<1x128x128xf32, #tpu.memory_space<vmem>> -> memref<128x128xf32, #tpu.memory_space<vmem>>
      %dma_wait3A_218 = arith.constant 0 : i32
      %dma_wait3A_219 = tpu.memref_slice %arg8[%dma_wait3A_213, %dma_wait3A_218] : memref<8x128xi32, #tpu.memory_space<vmem>> -> memref<1x128xi32, #tpu.memory_space<vmem>>
      %dma_wait3A_220 = tpu.memref_squeeze %dma_wait3A_219 : memref<1x128xi32, #tpu.memory_space<vmem>> -> memref<128xi32, #tpu.memory_space<vmem>>
      %dma_wait3A_221 = arith.constant 0 : i32
      %dma_wait3A_222 = arith.constant 0 : i32
      %dma_wait3A_223 = tpu.memref_slice %arg10[%dma_wait3A_221, %dma_wait3A_222] : memref<10112x128xf32, #tpu.memory_space<vmem_shared>> -> memref<10112x128xf32, #tpu.memory_space<vmem_shared>>
      tpu.wait_indirect_dma semaphore(%arg14 : memref<!tpu.dma_semaphore, #tpu.memory_space<semaphore_mem>>) src(%dma_wait3A_217 : memref<128x128xf32, #tpu.memory_space<vmem>>) dst(%dma_wait3A_223 : memref<10112x128xf32, #tpu.memory_space<vmem_shared>>)
      %dma_start3A_224 = arith.constant 5 : i32
      %dma_start3A_225 = arith.constant 1 : i32
      %dma_start3A_226 = arith.constant 0 : i32
      %dma_start3A_227 = arith.constant 0 : i32
      %dma_start3A_228 = tpu.memref_slice %arg9[%dma_start3A_225, %dma_start3A_226, %dma_start3A_227] : memref<2x128x128xf32, #tpu.memory_space<vmem>> -> memref<1x128x128xf32, #tpu.memory_space<vmem>>
      %dma_start3A_229 = tpu.memref_squeeze %dma_start3A_228 : memref<1x128x128xf32, #tpu.memory_space<vmem>> -> memref<128x128xf32, #tpu.memory_space<vmem>>
      %dma_start3A_230 = arith.constant 0 : i32
      %dma_start3A_231 = tpu.memref_slice %arg7[%dma_start3A_224, %dma_start3A_230] : memref<8x128xi32, #tpu.memory_space<vmem>> -> memref<1x128xi32, #tpu.memory_space<vmem>>
      %dma_start3A_232 = tpu.memref_squeeze %dma_start3A_231 : memref<1x128xi32, #tpu.memory_space<vmem>> -> memref<128xi32, #tpu.memory_space<vmem>>
      %dma_start3A_233 = arith.constant 0 : i32
      %dma_start3A_234 = arith.constant 0 : i32
      %dma_start3A_235 = tpu.memref_slice %arg2[%dma_start3A_233, %dma_start3A_234] : memref<10000x128xf32, #tpu.memory_space<hbm>> -> memref<10000x128xf32, #tpu.memory_space<hbm>>
      tpu.enqueue_indirect_dma source(%dma_start3A_235 : memref<10000x128xf32, #tpu.memory_space<hbm>>) target(%dma_start3A_229 : memref<128x128xf32, #tpu.memory_space<vmem>>) offsets(%dma_start3A_232 : memref<128xi32, #tpu.memory_space<vmem>>) semaphore(%arg12 : memref<!tpu.dma_semaphore, #tpu.memory_space<semaphore_mem>>)
      %dma_wait3A_236 = arith.constant 0 : i32
      %dma_wait3A_237 = arith.constant 0 : i32
      %dma_wait3A_238 = arith.constant 0 : i32
      %dma_wait3A_239 = arith.constant 0 : i32
      %dma_wait3A_240 = tpu.memref_slice %arg9[%dma_wait3A_237, %dma_wait3A_238, %dma_wait3A_239] : memref<2x128x128xf32, #tpu.memory_space<vmem>> -> memref<1x128x128xf32, #tpu.memory_space<vmem>>
      %dma_wait3A_241 = tpu.memref_squeeze %dma_wait3A_240 : memref<1x128x128xf32, #tpu.memory_space<vmem>> -> memref<128x128xf32, #tpu.memory_space<vmem>>
      %dma_wait3A_242 = arith.constant 0 : i32
      %dma_wait3A_243 = tpu.memref_slice %arg7[%dma_wait3A_236, %dma_wait3A_242] : memref<8x128xi32, #tpu.memory_space<vmem>> -> memref<1x128xi32, #tpu.memory_space<vmem>>
      %dma_wait3A_244 = tpu.memref_squeeze %dma_wait3A_243 : memref<1x128xi32, #tpu.memory_space<vmem>> -> memref<128xi32, #tpu.memory_space<vmem>>
      %dma_wait3A_245 = arith.constant 0 : i32
      %dma_wait3A_246 = arith.constant 0 : i32
      %dma_wait3A_247 = tpu.memref_slice %arg2[%dma_wait3A_245, %dma_wait3A_246] : memref<10000x128xf32, #tpu.memory_space<hbm>> -> memref<10000x128xf32, #tpu.memory_space<hbm>>
      tpu.wait_indirect_dma semaphore(%arg11 : memref<!tpu.dma_semaphore, #tpu.memory_space<semaphore_mem>>) src(%dma_wait3A_247 : memref<10000x128xf32, #tpu.memory_space<hbm>>) dst(%dma_wait3A_241 : memref<128x128xf32, #tpu.memory_space<vmem>>)
      %dma_start3A_248 = arith.constant 0 : i32
      %dma_start3A_249 = arith.constant 4 : i32
      %dma_start3A_250 = arith.constant 0 : i32
      %dma_start3A_251 = arith.constant 0 : i32
      %dma_start3A_252 = tpu.memref_slice %arg9[%dma_start3A_248, %dma_start3A_250, %dma_start3A_251] : memref<2x128x128xf32, #tpu.memory_space<vmem>> -> memref<1x128x128xf32, #tpu.memory_space<vmem>>
      %dma_start3A_253 = tpu.memref_squeeze %dma_start3A_252 : memref<1x128x128xf32, #tpu.memory_space<vmem>> -> memref<128x128xf32, #tpu.memory_space<vmem>>
      %dma_start3A_254 = arith.constant 0 : i32
      %dma_start3A_255 = tpu.memref_slice %arg8[%dma_start3A_249, %dma_start3A_254] : memref<8x128xi32, #tpu.memory_space<vmem>> -> memref<1x128xi32, #tpu.memory_space<vmem>>
      %dma_start3A_256 = tpu.memref_squeeze %dma_start3A_255 : memref<1x128xi32, #tpu.memory_space<vmem>> -> memref<128xi32, #tpu.memory_space<vmem>>
      %dma_start3A_257 = arith.constant 0 : i32
      %dma_start3A_258 = arith.constant 0 : i32
      %dma_start3A_259 = tpu.memref_slice %arg10[%dma_start3A_257, %dma_start3A_258] : memref<10112x128xf32, #tpu.memory_space<vmem_shared>> -> memref<10112x128xf32, #tpu.memory_space<vmem_shared>>
      tpu.enqueue_indirect_dma source(%dma_start3A_253 : memref<128x128xf32, #tpu.memory_space<vmem>>) target(%dma_start3A_259 : memref<10112x128xf32, #tpu.memory_space<vmem_shared>>) offsets(%dma_start3A_256 : memref<128xi32, #tpu.memory_space<vmem>>) semaphore(%arg13 : memref<!tpu.dma_semaphore, #tpu.memory_space<semaphore_mem>>) {add = true}
      %dma_wait3A_260 = arith.constant 0 : i32
      %dma_wait3A_261 = arith.constant 0 : i32
      %dma_wait3A_262 = arith.constant 0 : i32
      %dma_wait3A_263 = arith.constant 0 : i32
      %dma_wait3A_264 = tpu.memref_slice %arg9[%dma_wait3A_260, %dma_wait3A_262, %dma_wait3A_263] : memref<2x128x128xf32, #tpu.memory_space<vmem>> -> memref<1x128x128xf32, #tpu.memory_space<vmem>>
      %dma_wait3A_265 = tpu.memref_squeeze %dma_wait3A_264 : memref<1x128x128xf32, #tpu.memory_space<vmem>> -> memref<128x128xf32, #tpu.memory_space<vmem>>
      %dma_wait3A_266 = arith.constant 0 : i32
      %dma_wait3A_267 = tpu.memref_slice %arg8[%dma_wait3A_261, %dma_wait3A_266] : memref<8x128xi32, #tpu.memory_space<vmem>> -> memref<1x128xi32, #tpu.memory_space<vmem>>
      %dma_wait3A_268 = tpu.memref_squeeze %dma_wait3A_267 : memref<1x128xi32, #tpu.memory_space<vmem>> -> memref<128xi32, #tpu.memory_space<vmem>>
      %dma_wait3A_269 = arith.constant 0 : i32
      %dma_wait3A_270 = arith.constant 0 : i32
      %dma_wait3A_271 = tpu.memref_slice %arg10[%dma_wait3A_269, %dma_wait3A_270] : memref<10112x128xf32, #tpu.memory_space<vmem_shared>> -> memref<10112x128xf32, #tpu.memory_space<vmem_shared>>
      tpu.wait_indirect_dma semaphore(%arg13 : memref<!tpu.dma_semaphore, #tpu.memory_space<semaphore_mem>>) src(%dma_wait3A_265 : memref<128x128xf32, #tpu.memory_space<vmem>>) dst(%dma_wait3A_271 : memref<10112x128xf32, #tpu.memory_space<vmem_shared>>)
      %dma_start3A_272 = arith.constant 6 : i32
      %dma_start3A_273 = arith.constant 0 : i32
      %dma_start3A_274 = arith.constant 0 : i32
      %dma_start3A_275 = arith.constant 0 : i32
      %dma_start3A_276 = tpu.memref_slice %arg9[%dma_start3A_273, %dma_start3A_274, %dma_start3A_275] : memref<2x128x128xf32, #tpu.memory_space<vmem>> -> memref<1x128x128xf32, #tpu.memory_space<vmem>>
      %dma_start3A_277 = tpu.memref_squeeze %dma_start3A_276 : memref<1x128x128xf32, #tpu.memory_space<vmem>> -> memref<128x128xf32, #tpu.memory_space<vmem>>
      %dma_start3A_278 = arith.constant 0 : i32
      %dma_start3A_279 = tpu.memref_slice %arg7[%dma_start3A_272, %dma_start3A_278] : memref<8x128xi32, #tpu.memory_space<vmem>> -> memref<1x128xi32, #tpu.memory_space<vmem>>
      %dma_start3A_280 = tpu.memref_squeeze %dma_start3A_279 : memref<1x128xi32, #tpu.memory_space<vmem>> -> memref<128xi32, #tpu.memory_space<vmem>>
      %dma_start3A_281 = arith.constant 0 : i32
      %dma_start3A_282 = arith.constant 0 : i32
      %dma_start3A_283 = tpu.memref_slice %arg2[%dma_start3A_281, %dma_start3A_282] : memref<10000x128xf32, #tpu.memory_space<hbm>> -> memref<10000x128xf32, #tpu.memory_space<hbm>>
      tpu.enqueue_indirect_dma source(%dma_start3A_283 : memref<10000x128xf32, #tpu.memory_space<hbm>>) target(%dma_start3A_277 : memref<128x128xf32, #tpu.memory_space<vmem>>) offsets(%dma_start3A_280 : memref<128xi32, #tpu.memory_space<vmem>>) semaphore(%arg11 : memref<!tpu.dma_semaphore, #tpu.memory_space<semaphore_mem>>)
      %dma_wait3A_284 = arith.constant 0 : i32
      %dma_wait3A_285 = arith.constant 1 : i32
      %dma_wait3A_286 = arith.constant 0 : i32
      %dma_wait3A_287 = arith.constant 0 : i32
      %dma_wait3A_288 = tpu.memref_slice %arg9[%dma_wait3A_285, %dma_wait3A_286, %dma_wait3A_287] : memref<2x128x128xf32, #tpu.memory_space<vmem>> -> memref<1x128x128xf32, #tpu.memory_space<vmem>>
      %dma_wait3A_289 = tpu.memref_squeeze %dma_wait3A_288 : memref<1x128x128xf32, #tpu.memory_space<vmem>> -> memref<128x128xf32, #tpu.memory_space<vmem>>
      %dma_wait3A_290 = arith.constant 0 : i32
      %dma_wait3A_291 = tpu.memref_slice %arg7[%dma_wait3A_284, %dma_wait3A_290] : memref<8x128xi32, #tpu.memory_space<vmem>> -> memref<1x128xi32, #tpu.memory_space<vmem>>
      %dma_wait3A_292 = tpu.memref_squeeze %dma_wait3A_291 : memref<1x128xi32, #tpu.memory_space<vmem>> -> memref<128xi32, #tpu.memory_space<vmem>>
      %dma_wait3A_293 = arith.constant 0 : i32
      %dma_wait3A_294 = arith.constant 0 : i32
      %dma_wait3A_295 = tpu.memref_slice %arg2[%dma_wait3A_293, %dma_wait3A_294] : memref<10000x128xf32, #tpu.memory_space<hbm>> -> memref<10000x128xf32, #tpu.memory_space<hbm>>
      tpu.wait_indirect_dma semaphore(%arg12 : memref<!tpu.dma_semaphore, #tpu.memory_space<semaphore_mem>>) src(%dma_wait3A_295 : memref<10000x128xf32, #tpu.memory_space<hbm>>) dst(%dma_wait3A_289 : memref<128x128xf32, #tpu.memory_space<vmem>>)
      %dma_start3A_296 = arith.constant 1 : i32
      %dma_start3A_297 = arith.constant 5 : i32
      %dma_start3A_298 = arith.constant 0 : i32
      %dma_start3A_299 = arith.constant 0 : i32
      %dma_start3A_300 = tpu.memref_slice %arg9[%dma_start3A_296, %dma_start3A_298, %dma_start3A_299] : memref<2x128x128xf32, #tpu.memory_space<vmem>> -> memref<1x128x128xf32, #tpu.memory_space<vmem>>
      %dma_start3A_301 = tpu.memref_squeeze %dma_start3A_300 : memref<1x128x128xf32, #tpu.memory_space<vmem>> -> memref<128x128xf32, #tpu.memory_space<vmem>>
      %dma_start3A_302 = arith.constant 0 : i32
      %dma_start3A_303 = tpu.memref_slice %arg8[%dma_start3A_297, %dma_start3A_302] : memref<8x128xi32, #tpu.memory_space<vmem>> -> memref<1x128xi32, #tpu.memory_space<vmem>>
      %dma_start3A_304 = tpu.memref_squeeze %dma_start3A_303 : memref<1x128xi32, #tpu.memory_space<vmem>> -> memref<128xi32, #tpu.memory_space<vmem>>
      %dma_start3A_305 = arith.constant 0 : i32
      %dma_start3A_306 = arith.constant 0 : i32
      %dma_start3A_307 = tpu.memref_slice %arg10[%dma_start3A_305, %dma_start3A_306] : memref<10112x128xf32, #tpu.memory_space<vmem_shared>> -> memref<10112x128xf32, #tpu.memory_space<vmem_shared>>
      tpu.enqueue_indirect_dma source(%dma_start3A_301 : memref<128x128xf32, #tpu.memory_space<vmem>>) target(%dma_start3A_307 : memref<10112x128xf32, #tpu.memory_space<vmem_shared>>) offsets(%dma_start3A_304 : memref<128xi32, #tpu.memory_space<vmem>>) semaphore(%arg14 : memref<!tpu.dma_semaphore, #tpu.memory_space<semaphore_mem>>) {add = true}
      %dma_wait3A_308 = arith.constant 1 : i32
      %dma_wait3A_309 = arith.constant 0 : i32
      %dma_wait3A_310 = arith.constant 0 : i32
      %dma_wait3A_311 = arith.constant 0 : i32
      %dma_wait3A_312 = tpu.memref_slice %arg9[%dma_wait3A_308, %dma_wait3A_310, %dma_wait3A_311] : memref<2x128x128xf32, #tpu.memory_space<vmem>> -> memref<1x128x128xf32, #tpu.memory_space<vmem>>
      %dma_wait3A_313 = tpu.memref_squeeze %dma_wait3A_312 : memref<1x128x128xf32, #tpu.memory_space<vmem>> -> memref<128x128xf32, #tpu.memory_space<vmem>>
      %dma_wait3A_314 = arith.constant 0 : i32
      %dma_wait3A_315 = tpu.memref_slice %arg8[%dma_wait3A_309, %dma_wait3A_314] : memref<8x128xi32, #tpu.memory_space<vmem>> -> memref<1x128xi32, #tpu.memory_space<vmem>>
      %dma_wait3A_316 = tpu.memref_squeeze %dma_wait3A_315 : memref<1x128xi32, #tpu.memory_space<vmem>> -> memref<128xi32, #tpu.memory_space<vmem>>
      %dma_wait3A_317 = arith.constant 0 : i32
      %dma_wait3A_318 = arith.constant 0 : i32
      %dma_wait3A_319 = tpu.memref_slice %arg10[%dma_wait3A_317, %dma_wait3A_318] : memref<10112x128xf32, #tpu.memory_space<vmem_shared>> -> memref<10112x128xf32, #tpu.memory_space<vmem_shared>>
      tpu.wait_indirect_dma semaphore(%arg14 : memref<!tpu.dma_semaphore, #tpu.memory_space<semaphore_mem>>) src(%dma_wait3A_313 : memref<128x128xf32, #tpu.memory_space<vmem>>) dst(%dma_wait3A_319 : memref<10112x128xf32, #tpu.memory_space<vmem_shared>>)
      %dma_start3A_320 = arith.constant 7 : i32
      %dma_start3A_321 = arith.constant 1 : i32
      %dma_start3A_322 = arith.constant 0 : i32
      %dma_start3A_323 = arith.constant 0 : i32
      %dma_start3A_324 = tpu.memref_slice %arg9[%dma_start3A_321, %dma_start3A_322, %dma_start3A_323] : memref<2x128x128xf32, #tpu.memory_space<vmem>> -> memref<1x128x128xf32, #tpu.memory_space<vmem>>
      %dma_start3A_325 = tpu.memref_squeeze %dma_start3A_324 : memref<1x128x128xf32, #tpu.memory_space<vmem>> -> memref<128x128xf32, #tpu.memory_space<vmem>>
      %dma_start3A_326 = arith.constant 0 : i32
      %dma_start3A_327 = tpu.memref_slice %arg7[%dma_start3A_320, %dma_start3A_326] : memref<8x128xi32, #tpu.memory_space<vmem>> -> memref<1x128xi32, #tpu.memory_space<vmem>>
      %dma_start3A_328 = tpu.memref_squeeze %dma_start3A_327 : memref<1x128xi32, #tpu.memory_space<vmem>> -> memref<128xi32, #tpu.memory_space<vmem>>
      %dma_start3A_329 = arith.constant 0 : i32
      %dma_start3A_330 = arith.constant 0 : i32
      %dma_start3A_331 = tpu.memref_slice %arg2[%dma_start3A_329, %dma_start3A_330] : memref<10000x128xf32, #tpu.memory_space<hbm>> -> memref<10000x128xf32, #tpu.memory_space<hbm>>
      tpu.enqueue_indirect_dma source(%dma_start3A_331 : memref<10000x128xf32, #tpu.memory_space<hbm>>) target(%dma_start3A_325 : memref<128x128xf32, #tpu.memory_space<vmem>>) offsets(%dma_start3A_328 : memref<128xi32, #tpu.memory_space<vmem>>) semaphore(%arg12 : memref<!tpu.dma_semaphore, #tpu.memory_space<semaphore_mem>>)
      %dma_wait3A_332 = arith.constant 0 : i32
      %dma_wait3A_333 = arith.constant 0 : i32
      %dma_wait3A_334 = arith.constant 0 : i32
      %dma_wait3A_335 = arith.constant 0 : i32
      %dma_wait3A_336 = tpu.memref_slice %arg9[%dma_wait3A_333, %dma_wait3A_334, %dma_wait3A_335] : memref<2x128x128xf32, #tpu.memory_space<vmem>> -> memref<1x128x128xf32, #tpu.memory_space<vmem>>
      %dma_wait3A_337 = tpu.memref_squeeze %dma_wait3A_336 : memref<1x128x128xf32, #tpu.memory_space<vmem>> -> memref<128x128xf32, #tpu.memory_space<vmem>>
      %dma_wait3A_338 = arith.constant 0 : i32
      %dma_wait3A_339 = tpu.memref_slice %arg7[%dma_wait3A_332, %dma_wait3A_338] : memref<8x128xi32, #tpu.memory_space<vmem>> -> memref<1x128xi32, #tpu.memory_space<vmem>>
      %dma_wait3A_340 = tpu.memref_squeeze %dma_wait3A_339 : memref<1x128xi32, #tpu.memory_space<vmem>> -> memref<128xi32, #tpu.memory_space<vmem>>
      %dma_wait3A_341 = arith.constant 0 : i32
      %dma_wait3A_342 = arith.constant 0 : i32
      %dma_wait3A_343 = tpu.memref_slice %arg2[%dma_wait3A_341, %dma_wait3A_342] : memref<10000x128xf32, #tpu.memory_space<hbm>> -> memref<10000x128xf32, #tpu.memory_space<hbm>>
      tpu.wait_indirect_dma semaphore(%arg11 : memref<!tpu.dma_semaphore, #tpu.memory_space<semaphore_mem>>) src(%dma_wait3A_343 : memref<10000x128xf32, #tpu.memory_space<hbm>>) dst(%dma_wait3A_337 : memref<128x128xf32, #tpu.memory_space<vmem>>)
      %dma_start3A_344 = arith.constant 0 : i32
      %dma_start3A_345 = arith.constant 6 : i32
      %dma_start3A_346 = arith.constant 0 : i32
      %dma_start3A_347 = arith.constant 0 : i32
      %dma_start3A_348 = tpu.memref_slice %arg9[%dma_start3A_344, %dma_start3A_346, %dma_start3A_347] : memref<2x128x128xf32, #tpu.memory_space<vmem>> -> memref<1x128x128xf32, #tpu.memory_space<vmem>>
      %dma_start3A_349 = tpu.memref_squeeze %dma_start3A_348 : memref<1x128x128xf32, #tpu.memory_space<vmem>> -> memref<128x128xf32, #tpu.memory_space<vmem>>
      %dma_start3A_350 = arith.constant 0 : i32
      %dma_start3A_351 = tpu.memref_slice %arg8[%dma_start3A_345, %dma_start3A_350] : memref<8x128xi32, #tpu.memory_space<vmem>> -> memref<1x128xi32, #tpu.memory_space<vmem>>
      %dma_start3A_352 = tpu.memref_squeeze %dma_start3A_351 : memref<1x128xi32, #tpu.memory_space<vmem>> -> memref<128xi32, #tpu.memory_space<vmem>>
      %dma_start3A_353 = arith.constant 0 : i32
      %dma_start3A_354 = arith.constant 0 : i32
      %dma_start3A_355 = tpu.memref_slice %arg10[%dma_start3A_353, %dma_start3A_354] : memref<10112x128xf32, #tpu.memory_space<vmem_shared>> -> memref<10112x128xf32, #tpu.memory_space<vmem_shared>>
      tpu.enqueue_indirect_dma source(%dma_start3A_349 : memref<128x128xf32, #tpu.memory_space<vmem>>) target(%dma_start3A_355 : memref<10112x128xf32, #tpu.memory_space<vmem_shared>>) offsets(%dma_start3A_352 : memref<128xi32, #tpu.memory_space<vmem>>) semaphore(%arg13 : memref<!tpu.dma_semaphore, #tpu.memory_space<semaphore_mem>>) {add = true}
      %dma_wait3A_356 = arith.constant 0 : i32
      %dma_wait3A_357 = arith.constant 0 : i32
      %dma_wait3A_358 = arith.constant 0 : i32
      %dma_wait3A_359 = arith.constant 0 : i32
      %dma_wait3A_360 = tpu.memref_slice %arg9[%dma_wait3A_356, %dma_wait3A_358, %dma_wait3A_359] : memref<2x128x128xf32, #tpu.memory_space<vmem>> -> memref<1x128x128xf32, #tpu.memory_space<vmem>>
      %dma_wait3A_361 = tpu.memref_squeeze %dma_wait3A_360 : memref<1x128x128xf32, #tpu.memory_space<vmem>> -> memref<128x128xf32, #tpu.memory_space<vmem>>
      %dma_wait3A_362 = arith.constant 0 : i32
      %dma_wait3A_363 = tpu.memref_slice %arg8[%dma_wait3A_357, %dma_wait3A_362] : memref<8x128xi32, #tpu.memory_space<vmem>> -> memref<1x128xi32, #tpu.memory_space<vmem>>
      %dma_wait3A_364 = tpu.memref_squeeze %dma_wait3A_363 : memref<1x128xi32, #tpu.memory_space<vmem>> -> memref<128xi32, #tpu.memory_space<vmem>>
      %dma_wait3A_365 = arith.constant 0 : i32
      %dma_wait3A_366 = arith.constant 0 : i32
      %dma_wait3A_367 = tpu.memref_slice %arg10[%dma_wait3A_365, %dma_wait3A_366] : memref<10112x128xf32, #tpu.memory_space<vmem_shared>> -> memref<10112x128xf32, #tpu.memory_space<vmem_shared>>
      tpu.wait_indirect_dma semaphore(%arg13 : memref<!tpu.dma_semaphore, #tpu.memory_space<semaphore_mem>>) src(%dma_wait3A_361 : memref<128x128xf32, #tpu.memory_space<vmem>>) dst(%dma_wait3A_367 : memref<10112x128xf32, #tpu.memory_space<vmem_shared>>)
      %dma_wait3A_368 = arith.constant 0 : i32
      %dma_wait3A_369 = arith.constant 1 : i32
      %dma_wait3A_370 = arith.constant 0 : i32
      %dma_wait3A_371 = arith.constant 0 : i32
      %dma_wait3A_372 = tpu.memref_slice %arg9[%dma_wait3A_369, %dma_wait3A_370, %dma_wait3A_371] : memref<2x128x128xf32, #tpu.memory_space<vmem>> -> memref<1x128x128xf32, #tpu.memory_space<vmem>>
      %dma_wait3A_373 = tpu.memref_squeeze %dma_wait3A_372 : memref<1x128x128xf32, #tpu.memory_space<vmem>> -> memref<128x128xf32, #tpu.memory_space<vmem>>
      %dma_wait3A_374 = arith.constant 0 : i32
      %dma_wait3A_375 = tpu.memref_slice %arg7[%dma_wait3A_368, %dma_wait3A_374] : memref<8x128xi32, #tpu.memory_space<vmem>> -> memref<1x128xi32, #tpu.memory_space<vmem>>
      %dma_wait3A_376 = tpu.memref_squeeze %dma_wait3A_375 : memref<1x128xi32, #tpu.memory_space<vmem>> -> memref<128xi32, #tpu.memory_space<vmem>>
      %dma_wait3A_377 = arith.constant 0 : i32
      %dma_wait3A_378 = arith.constant 0 : i32
      %dma_wait3A_379 = tpu.memref_slice %arg2[%dma_wait3A_377, %dma_wait3A_378] : memref<10000x128xf32, #tpu.memory_space<hbm>> -> memref<10000x128xf32, #tpu.memory_space<hbm>>
      tpu.wait_indirect_dma semaphore(%arg12 : memref<!tpu.dma_semaphore, #tpu.memory_space<semaphore_mem>>) src(%dma_wait3A_379 : memref<10000x128xf32, #tpu.memory_space<hbm>>) dst(%dma_wait3A_373 : memref<128x128xf32, #tpu.memory_space<vmem>>)
      %dma_start3A_380 = arith.constant 1 : i32
      %dma_start3A_381 = arith.constant 7 : i32
      %dma_start3A_382 = arith.constant 0 : i32
      %dma_start3A_383 = arith.constant 0 : i32
      %dma_start3A_384 = tpu.memref_slice %arg9[%dma_start3A_380, %dma_start3A_382, %dma_start3A_383] : memref<2x128x128xf32, #tpu.memory_space<vmem>> -> memref<1x128x128xf32, #tpu.memory_space<vmem>>
      %dma_start3A_385 = tpu.memref_squeeze %dma_start3A_384 : memref<1x128x128xf32, #tpu.memory_space<vmem>> -> memref<128x128xf32, #tpu.memory_space<vmem>>
      %dma_start3A_386 = arith.constant 0 : i32
      %dma_start3A_387 = tpu.memref_slice %arg8[%dma_start3A_381, %dma_start3A_386] : memref<8x128xi32, #tpu.memory_space<vmem>> -> memref<1x128xi32, #tpu.memory_space<vmem>>
      %dma_start3A_388 = tpu.memref_squeeze %dma_start3A_387 : memref<1x128xi32, #tpu.memory_space<vmem>> -> memref<128xi32, #tpu.memory_space<vmem>>
      %dma_start3A_389 = arith.constant 0 : i32
      %dma_start3A_390 = arith.constant 0 : i32
      %dma_start3A_391 = tpu.memref_slice %arg10[%dma_start3A_389, %dma_start3A_390] : memref<10112x128xf32, #tpu.memory_space<vmem_shared>> -> memref<10112x128xf32, #tpu.memory_space<vmem_shared>>
      tpu.enqueue_indirect_dma source(%dma_start3A_385 : memref<128x128xf32, #tpu.memory_space<vmem>>) target(%dma_start3A_391 : memref<10112x128xf32, #tpu.memory_space<vmem_shared>>) offsets(%dma_start3A_388 : memref<128xi32, #tpu.memory_space<vmem>>) semaphore(%arg14 : memref<!tpu.dma_semaphore, #tpu.memory_space<semaphore_mem>>) {add = true}
      %dma_wait3A_392 = arith.constant 1 : i32
      %dma_wait3A_393 = arith.constant 0 : i32
      %dma_wait3A_394 = arith.constant 0 : i32
      %dma_wait3A_395 = arith.constant 0 : i32
      %dma_wait3A_396 = tpu.memref_slice %arg9[%dma_wait3A_392, %dma_wait3A_394, %dma_wait3A_395] : memref<2x128x128xf32, #tpu.memory_space<vmem>> -> memref<1x128x128xf32, #tpu.memory_space<vmem>>
      %dma_wait3A_397 = tpu.memref_squeeze %dma_wait3A_396 : memref<1x128x128xf32, #tpu.memory_space<vmem>> -> memref<128x128xf32, #tpu.memory_space<vmem>>
      %dma_wait3A_398 = arith.constant 0 : i32
      %dma_wait3A_399 = tpu.memref_slice %arg8[%dma_wait3A_393, %dma_wait3A_398] : memref<8x128xi32, #tpu.memory_space<vmem>> -> memref<1x128xi32, #tpu.memory_space<vmem>>
      %dma_wait3A_400 = tpu.memref_squeeze %dma_wait3A_399 : memref<1x128xi32, #tpu.memory_space<vmem>> -> memref<128xi32, #tpu.memory_space<vmem>>
      %dma_wait3A_401 = arith.constant 0 : i32
      %dma_wait3A_402 = arith.constant 0 : i32
      %dma_wait3A_403 = tpu.memref_slice %arg10[%dma_wait3A_401, %dma_wait3A_402] : memref<10112x128xf32, #tpu.memory_space<vmem_shared>> -> memref<10112x128xf32, #tpu.memory_space<vmem_shared>>
      tpu.wait_indirect_dma semaphore(%arg14 : memref<!tpu.dma_semaphore, #tpu.memory_space<semaphore_mem>>) src(%dma_wait3A_397 : memref<128x128xf32, #tpu.memory_space<vmem>>) dst(%dma_wait3A_403 : memref<10112x128xf32, #tpu.memory_space<vmem_shared>>)
      %scan3A_404 = arith.constant 1 : i32
    } else {
    }
    %barrier3A_10 = arith.constant 0 : index
    tpu.barrier barrier_id(%barrier3A_10)
    %mul3A_11 = arith.constant 632 : i32
    %mul3A_12 = arith.muli %arg1, %mul3A_11 : i32
    %mul3A_13 = arith.constant 632 : i32
    %mul3A_14 = arith.muli %arg1, %mul3A_13 : i32
    "tpu.region"() ({
      %run_scoped3A = tpu.sem_alloc : memref<!tpu.dma_semaphore, #tpu.memory_space<semaphore_mem>>
      %dma_start3A = arith.constant 0 : i32
      %dma_start3A_15 = tpu.memref_slice %arg6[%arg0, %mul3A_14, %dma_start3A] : memref<2x10112x128xf32, #tpu.memory_space<hbm>> -> memref<1x632x128xf32, #tpu.memory_space<hbm>>
      %dma_start3A_16 = tpu.memref_squeeze %dma_start3A_15 : memref<1x632x128xf32, #tpu.memory_space<hbm>> -> memref<632x128xf32, #tpu.memory_space<hbm>>
      %dma_start3A_17 = arith.constant 0 : i32
      %dma_start3A_18 = tpu.memref_slice %arg10[%mul3A_12, %dma_start3A_17] : memref<10112x128xf32, #tpu.memory_space<vmem_shared>> -> memref<632x128xf32, #tpu.memory_space<vmem_shared>>
      tpu.enqueue_dma source(%dma_start3A_18 : memref<632x128xf32, #tpu.memory_space<vmem_shared>>) target(%dma_start3A_16 : memref<632x128xf32, #tpu.memory_space<hbm>>) target_semaphore(%run_scoped3A : memref<!tpu.dma_semaphore, #tpu.memory_space<semaphore_mem>>)
      %dma_wait3A = arith.constant 0 : i32
      %dma_wait3A_19 = tpu.memref_slice %arg6[%arg0, %mul3A_14, %dma_wait3A] : memref<2x10112x128xf32, #tpu.memory_space<hbm>> -> memref<1x632x128xf32, #tpu.memory_space<hbm>>
      %dma_wait3A_20 = tpu.memref_squeeze %dma_wait3A_19 : memref<1x632x128xf32, #tpu.memory_space<hbm>> -> memref<632x128xf32, #tpu.memory_space<hbm>>
      %dma_wait3A_21 = arith.constant 0 : i32
      %dma_wait3A_22 = tpu.memref_slice %arg10[%mul3A_12, %dma_wait3A_21] : memref<10112x128xf32, #tpu.memory_space<vmem_shared>> -> memref<632x128xf32, #tpu.memory_space<vmem_shared>>
      tpu.wait_dma2 semaphore(%run_scoped3A : memref<!tpu.dma_semaphore, #tpu.memory_space<semaphore_mem>>) src(%dma_wait3A_22 : memref<632x128xf32, #tpu.memory_space<vmem_shared>>) dst(%dma_wait3A_20 : memref<632x128xf32, #tpu.memory_space<hbm>>)
      tpu.yield
    }) : () -> ()
    return
  }
}

#map = affine_map<(d0, d1) -> (0, 0)>
#map1 = affine_map<(d0, d1) -> (0, 0, 0)>
module attributes {stable_mosaic.version = 14 : i64} {
  func.func @agg_kernel(%arg0: i32, %arg1: i32, %arg2: memref<10000x128xf32, #tpu.memory_space<hbm>>, %arg3: memref<2560x128xi32, #tpu.memory_space<hbm>>, %arg4: memref<2560x128xi32, #tpu.memory_space<hbm>>, %arg5: memref<10112x128xf32, #tpu.memory_space<hbm>>, %arg6: memref<2x10112x128xf32, #tpu.memory_space<hbm>>, %arg7: memref<8x128xi32, #tpu.memory_space<vmem>>, %arg8: memref<8x128xi32, #tpu.memory_space<vmem>>, %arg9: memref<2x128x128xf32, #tpu.memory_space<vmem>>, %arg10: memref<10112x128xf32, #tpu.memory_space<vmem_shared>>, %arg11: memref<!tpu.dma_semaphore, #tpu.memory_space<semaphore_mem>>, %arg12: memref<!tpu.dma_semaphore, #tpu.memory_space<semaphore_mem>>, %arg13: memref<!tpu.dma_semaphore, #tpu.memory_space<semaphore_mem>>, %arg14: memref<!tpu.dma_semaphore, #tpu.memory_space<semaphore_mem>>) attributes {dimension_semantics = [#tpu.dimension_semantics<core_parallel>, #tpu.dimension_semantics<subcore_parallel>], iteration_bounds = array<i64: 2, 16>, scalar_prefetch = 0 : i64, scratch_operands = 8 : i64, tpu.core_type = #tpu.core_type<sc_vector_subcore>, window_params = [{transform_indices = #map}, {transform_indices = #map}, {transform_indices = #map}, {transform_indices = #map}, {transform_indices = #map1}]} {
    %mul3A = arith.constant 632 : i32
    %mul3A_0 = arith.muli %arg1, %mul3A : i32
    %mul3A_1 = arith.constant 632 : i32
    %mul3A_2 = arith.muli %arg1, %mul3A_1 : i32
    "tpu.region"() ({
      %run_scoped3A = tpu.sem_alloc : memref<!tpu.dma_semaphore, #tpu.memory_space<semaphore_mem>>
      %dma_start3A = arith.constant 0 : i32
      %dma_start3A_15 = tpu.memref_slice %arg10[%mul3A_2, %dma_start3A] : memref<10112x128xf32, #tpu.memory_space<vmem_shared>> -> memref<632x128xf32, #tpu.memory_space<vmem_shared>>
      %dma_start3A_16 = arith.constant 0 : i32
      %dma_start3A_17 = tpu.memref_slice %arg5[%mul3A_0, %dma_start3A_16] : memref<10112x128xf32, #tpu.memory_space<hbm>> -> memref<632x128xf32, #tpu.memory_space<hbm>>
      tpu.enqueue_dma source(%dma_start3A_17 : memref<632x128xf32, #tpu.memory_space<hbm>>) target(%dma_start3A_15 : memref<632x128xf32, #tpu.memory_space<vmem_shared>>) target_semaphore(%run_scoped3A : memref<!tpu.dma_semaphore, #tpu.memory_space<semaphore_mem>>)
      %dma_wait3A = arith.constant 0 : i32
      %dma_wait3A_18 = tpu.memref_slice %arg10[%mul3A_2, %dma_wait3A] : memref<10112x128xf32, #tpu.memory_space<vmem_shared>> -> memref<632x128xf32, #tpu.memory_space<vmem_shared>>
      %dma_wait3A_19 = arith.constant 0 : i32
      %dma_wait3A_20 = tpu.memref_slice %arg5[%mul3A_0, %dma_wait3A_19] : memref<10112x128xf32, #tpu.memory_space<hbm>> -> memref<632x128xf32, #tpu.memory_space<hbm>>
      tpu.wait_dma2 semaphore(%run_scoped3A : memref<!tpu.dma_semaphore, #tpu.memory_space<semaphore_mem>>) src(%dma_wait3A_20 : memref<632x128xf32, #tpu.memory_space<hbm>>) dst(%dma_wait3A_18 : memref<632x128xf32, #tpu.memory_space<vmem_shared>>)
      tpu.yield
    }) : () -> ()
    %barrier3A = arith.constant 0 : index
    tpu.barrier barrier_id(%barrier3A)
    %eq3A = arith.constant 0 : i32
    %eq3A_3 = arith.cmpi eq, %arg0, %eq3A : i32
    %convert_element_type3A = arith.extui %eq3A_3 : i1 to i32
    %cond3A = arith.constant 0 : i32
    %cond3A_4 = arith.cmpi ne, %convert_element_type3A, %cond3A : i32
    scf.if %cond3A_4 {
      %mul3A_15 = arith.constant 152 : i32
      %mul3A_16 = arith.muli %arg1, %mul3A_15 : i32
      %scan3A = arith.constant 0 : i32
      %scan3A_17 = arith.constant 0 : i32
      %scan3A_18 = arith.constant 19 : i32
      %scan3A_19 = arith.addi %scan3A_17, %scan3A_18 : i32
      %scan3A_20 = arith.constant 1 : i32
      scf.for %scan3A_22 = %scan3A_17 to %scan3A_19 step %scan3A_20  : i32 {
        %mul3A_23 = arith.constant 8 : i32
        %mul3A_24 = arith.muli %scan3A_22, %mul3A_23 : i32
        %add3A = arith.addi %mul3A_16, %mul3A_24 : i32
        "tpu.region"() ({
          %run_scoped3A = tpu.sem_alloc : memref<!tpu.dma_semaphore, #tpu.memory_space<semaphore_mem>>
          %dma_start3A_407 = arith.constant 0 : i32
          %dma_start3A_408 = tpu.memref_slice %arg3[%add3A, %dma_start3A_407] : memref<2560x128xi32, #tpu.memory_space<hbm>> -> memref<8x128xi32, #tpu.memory_space<hbm>>
          %dma_start3A_409 = arith.constant 0 : i32
          %dma_start3A_410 = tpu.memref_slice %arg3[%add3A, %dma_start3A_409] : memref<2560x128xi32, #tpu.memory_space<hbm>> -> memref<8x128xi32, #tpu.memory_space<hbm>>
          tpu.enqueue_dma source(%dma_start3A_410 : memref<8x128xi32, #tpu.memory_space<hbm>>) target(%arg7 : memref<8x128xi32, #tpu.memory_space<vmem>>) target_semaphore(%run_scoped3A : memref<!tpu.dma_semaphore, #tpu.memory_space<semaphore_mem>>)
          %dma_wait3A_411 = arith.constant 0 : i32
          %dma_wait3A_412 = tpu.memref_slice %arg3[%add3A, %dma_wait3A_411] : memref<2560x128xi32, #tpu.memory_space<hbm>> -> memref<8x128xi32, #tpu.memory_space<hbm>>
          %dma_wait3A_413 = arith.constant 0 : i32
          %dma_wait3A_414 = tpu.memref_slice %arg3[%add3A, %dma_wait3A_413] : memref<2560x128xi32, #tpu.memory_space<hbm>> -> memref<8x128xi32, #tpu.memory_space<hbm>>
          tpu.wait_dma2 semaphore(%run_scoped3A : memref<!tpu.dma_semaphore, #tpu.memory_space<semaphore_mem>>) src(%dma_wait3A_414 : memref<8x128xi32, #tpu.memory_space<hbm>>) dst(%arg7 : memref<8x128xi32, #tpu.memory_space<vmem>>)
          tpu.yield
        }) : () -> ()
        "tpu.region"() ({
          %run_scoped3A = tpu.sem_alloc : memref<!tpu.dma_semaphore, #tpu.memory_space<semaphore_mem>>
          %dma_start3A_407 = arith.constant 0 : i32
          %dma_start3A_408 = tpu.memref_slice %arg4[%add3A, %dma_start3A_407] : memref<2560x128xi32, #tpu.memory_space<hbm>> -> memref<8x128xi32, #tpu.memory_space<hbm>>
          %dma_start3A_409 = arith.constant 0 : i32
          %dma_start3A_410 = tpu.memref_slice %arg4[%add3A, %dma_start3A_409] : memref<2560x128xi32, #tpu.memory_space<hbm>> -> memref<8x128xi32, #tpu.memory_space<hbm>>
          tpu.enqueue_dma source(%dma_start3A_410 : memref<8x128xi32, #tpu.memory_space<hbm>>) target(%arg8 : memref<8x128xi32, #tpu.memory_space<vmem>>) target_semaphore(%run_scoped3A : memref<!tpu.dma_semaphore, #tpu.memory_space<semaphore_mem>>)
          %dma_wait3A_411 = arith.constant 0 : i32
          %dma_wait3A_412 = tpu.memref_slice %arg4[%add3A, %dma_wait3A_411] : memref<2560x128xi32, #tpu.memory_space<hbm>> -> memref<8x128xi32, #tpu.memory_space<hbm>>
          %dma_wait3A_413 = arith.constant 0 : i32
          %dma_wait3A_414 = tpu.memref_slice %arg4[%add3A, %dma_wait3A_413] : memref<2560x128xi32, #tpu.memory_space<hbm>> -> memref<8x128xi32, #tpu.memory_space<hbm>>
          tpu.wait_dma2 semaphore(%run_scoped3A : memref<!tpu.dma_semaphore, #tpu.memory_space<semaphore_mem>>) src(%dma_wait3A_414 : memref<8x128xi32, #tpu.memory_space<hbm>>) dst(%arg8 : memref<8x128xi32, #tpu.memory_space<vmem>>)
          tpu.yield
        }) : () -> ()
        %dma_start3A = arith.constant 0 : i32
        %dma_start3A_25 = arith.constant 0 : i32
        %dma_start3A_26 = arith.constant 0 : i32
        %dma_start3A_27 = arith.constant 0 : i32
        %dma_start3A_28 = tpu.memref_slice %arg9[%dma_start3A_25, %dma_start3A_26, %dma_start3A_27] : memref<2x128x128xf32, #tpu.memory_space<vmem>> -> memref<1x128x128xf32, #tpu.memory_space<vmem>>
        %dma_start3A_29 = tpu.memref_squeeze %dma_start3A_28 : memref<1x128x128xf32, #tpu.memory_space<vmem>> -> memref<128x128xf32, #tpu.memory_space<vmem>>
        %dma_start3A_30 = arith.constant 0 : i32
        %dma_start3A_31 = tpu.memref_slice %arg7[%dma_start3A, %dma_start3A_30] : memref<8x128xi32, #tpu.memory_space<vmem>> -> memref<1x128xi32, #tpu.memory_space<vmem>>
        %dma_start3A_32 = tpu.memref_squeeze %dma_start3A_31 : memref<1x128xi32, #tpu.memory_space<vmem>> -> memref<128xi32, #tpu.memory_space<vmem>>
        %dma_start3A_33 = arith.constant 0 : i32
        %dma_start3A_34 = arith.constant 0 : i32
        %dma_start3A_35 = tpu.memref_slice %arg2[%dma_start3A_33, %dma_start3A_34] : memref<10000x128xf32, #tpu.memory_space<hbm>> -> memref<10000x128xf32, #tpu.memory_space<hbm>>
        tpu.enqueue_indirect_dma source(%dma_start3A_35 : memref<10000x128xf32, #tpu.memory_space<hbm>>) target(%dma_start3A_29 : memref<128x128xf32, #tpu.memory_space<vmem>>) offsets(%dma_start3A_32 : memref<128xi32, #tpu.memory_space<vmem>>) semaphore(%arg11 : memref<!tpu.dma_semaphore, #tpu.memory_space<semaphore_mem>>)
        %dma_start3A_36 = arith.constant 1 : i32
        %dma_start3A_37 = arith.constant 1 : i32
        %dma_start3A_38 = arith.constant 0 : i32
        %dma_start3A_39 = arith.constant 0 : i32
        %dma_start3A_40 = tpu.memref_slice %arg9[%dma_start3A_37, %dma_start3A_38, %dma_start3A_39] : memref<2x128x128xf32, #tpu.memory_space<vmem>> -> memref<1x128x128xf32, #tpu.memory_space<vmem>>
        %dma_start3A_41 = tpu.memref_squeeze %dma_start3A_40 : memref<1x128x128xf32, #tpu.memory_space<vmem>> -> memref<128x128xf32, #tpu.memory_space<vmem>>
        %dma_start3A_42 = arith.constant 0 : i32
        %dma_start3A_43 = tpu.memref_slice %arg7[%dma_start3A_36, %dma_start3A_42] : memref<8x128xi32, #tpu.memory_space<vmem>> -> memref<1x128xi32, #tpu.memory_space<vmem>>
        %dma_start3A_44 = tpu.memref_squeeze %dma_start3A_43 : memref<1x128xi32, #tpu.memory_space<vmem>> -> memref<128xi32, #tpu.memory_space<vmem>>
        %dma_start3A_45 = arith.constant 0 : i32
        %dma_start3A_46 = arith.constant 0 : i32
        %dma_start3A_47 = tpu.memref_slice %arg2[%dma_start3A_45, %dma_start3A_46] : memref<10000x128xf32, #tpu.memory_space<hbm>> -> memref<10000x128xf32, #tpu.memory_space<hbm>>
        tpu.enqueue_indirect_dma source(%dma_start3A_47 : memref<10000x128xf32, #tpu.memory_space<hbm>>) target(%dma_start3A_41 : memref<128x128xf32, #tpu.memory_space<vmem>>) offsets(%dma_start3A_44 : memref<128xi32, #tpu.memory_space<vmem>>) semaphore(%arg12 : memref<!tpu.dma_semaphore, #tpu.memory_space<semaphore_mem>>)
        %dma_wait3A = arith.constant 0 : i32
        %dma_wait3A_48 = arith.constant 0 : i32
        %dma_wait3A_49 = arith.constant 0 : i32
        %dma_wait3A_50 = arith.constant 0 : i32
        %dma_wait3A_51 = tpu.memref_slice %arg9[%dma_wait3A_48, %dma_wait3A_49, %dma_wait3A_50] : memref<2x128x128xf32, #tpu.memory_space<vmem>> -> memref<1x128x128xf32, #tpu.memory_space<vmem>>
        %dma_wait3A_52 = tpu.memref_squeeze %dma_wait3A_51 : memref<1x128x128xf32, #tpu.memory_space<vmem>> -> memref<128x128xf32, #tpu.memory_space<vmem>>
        %dma_wait3A_53 = arith.constant 0 : i32
        %dma_wait3A_54 = tpu.memref_slice %arg7[%dma_wait3A, %dma_wait3A_53] : memref<8x128xi32, #tpu.memory_space<vmem>> -> memref<1x128xi32, #tpu.memory_space<vmem>>
        %dma_wait3A_55 = tpu.memref_squeeze %dma_wait3A_54 : memref<1x128xi32, #tpu.memory_space<vmem>> -> memref<128xi32, #tpu.memory_space<vmem>>
        %dma_wait3A_56 = arith.constant 0 : i32
        %dma_wait3A_57 = arith.constant 0 : i32
        %dma_wait3A_58 = tpu.memref_slice %arg2[%dma_wait3A_56, %dma_wait3A_57] : memref<10000x128xf32, #tpu.memory_space<hbm>> -> memref<10000x128xf32, #tpu.memory_space<hbm>>
        tpu.wait_indirect_dma semaphore(%arg11 : memref<!tpu.dma_semaphore, #tpu.memory_space<semaphore_mem>>) src(%dma_wait3A_58 : memref<10000x128xf32, #tpu.memory_space<hbm>>) dst(%dma_wait3A_52 : memref<128x128xf32, #tpu.memory_space<vmem>>)
        %dma_start3A_59 = arith.constant 0 : i32
        %dma_start3A_60 = arith.constant 0 : i32
        %dma_start3A_61 = arith.constant 0 : i32
        %dma_start3A_62 = arith.constant 0 : i32
        %dma_start3A_63 = tpu.memref_slice %arg9[%dma_start3A_59, %dma_start3A_61, %dma_start3A_62] : memref<2x128x128xf32, #tpu.memory_space<vmem>> -> memref<1x128x128xf32, #tpu.memory_space<vmem>>
        %dma_start3A_64 = tpu.memref_squeeze %dma_start3A_63 : memref<1x128x128xf32, #tpu.memory_space<vmem>> -> memref<128x128xf32, #tpu.memory_space<vmem>>
        %dma_start3A_65 = arith.constant 0 : i32
        %dma_start3A_66 = tpu.memref_slice %arg8[%dma_start3A_60, %dma_start3A_65] : memref<8x128xi32, #tpu.memory_space<vmem>> -> memref<1x128xi32, #tpu.memory_space<vmem>>
        %dma_start3A_67 = tpu.memref_squeeze %dma_start3A_66 : memref<1x128xi32, #tpu.memory_space<vmem>> -> memref<128xi32, #tpu.memory_space<vmem>>
        %dma_start3A_68 = arith.constant 0 : i32
        %dma_start3A_69 = arith.constant 0 : i32
        %dma_start3A_70 = tpu.memref_slice %arg10[%dma_start3A_68, %dma_start3A_69] : memref<10112x128xf32, #tpu.memory_space<vmem_shared>> -> memref<10112x128xf32, #tpu.memory_space<vmem_shared>>
        tpu.enqueue_indirect_dma source(%dma_start3A_64 : memref<128x128xf32, #tpu.memory_space<vmem>>) target(%dma_start3A_70 : memref<10112x128xf32, #tpu.memory_space<vmem_shared>>) offsets(%dma_start3A_67 : memref<128xi32, #tpu.memory_space<vmem>>) semaphore(%arg13 : memref<!tpu.dma_semaphore, #tpu.memory_space<semaphore_mem>>) {add = true}
        %dma_wait3A_71 = arith.constant 0 : i32
        %dma_wait3A_72 = arith.constant 0 : i32
        %dma_wait3A_73 = arith.constant 0 : i32
        %dma_wait3A_74 = arith.constant 0 : i32
        %dma_wait3A_75 = tpu.memref_slice %arg9[%dma_wait3A_71, %dma_wait3A_73, %dma_wait3A_74] : memref<2x128x128xf32, #tpu.memory_space<vmem>> -> memref<1x128x128xf32, #tpu.memory_space<vmem>>
        %dma_wait3A_76 = tpu.memref_squeeze %dma_wait3A_75 : memref<1x128x128xf32, #tpu.memory_space<vmem>> -> memref<128x128xf32, #tpu.memory_space<vmem>>
        %dma_wait3A_77 = arith.constant 0 : i32
        %dma_wait3A_78 = tpu.memref_slice %arg8[%dma_wait3A_72, %dma_wait3A_77] : memref<8x128xi32, #tpu.memory_space<vmem>> -> memref<1x128xi32, #tpu.memory_space<vmem>>
        %dma_wait3A_79 = tpu.memref_squeeze %dma_wait3A_78 : memref<1x128xi32, #tpu.memory_space<vmem>> -> memref<128xi32, #tpu.memory_space<vmem>>
        %dma_wait3A_80 = arith.constant 0 : i32
        %dma_wait3A_81 = arith.constant 0 : i32
        %dma_wait3A_82 = tpu.memref_slice %arg10[%dma_wait3A_80, %dma_wait3A_81] : memref<10112x128xf32, #tpu.memory_space<vmem_shared>> -> memref<10112x128xf32, #tpu.memory_space<vmem_shared>>
        tpu.wait_indirect_dma semaphore(%arg13 : memref<!tpu.dma_semaphore, #tpu.memory_space<semaphore_mem>>) src(%dma_wait3A_76 : memref<128x128xf32, #tpu.memory_space<vmem>>) dst(%dma_wait3A_82 : memref<10112x128xf32, #tpu.memory_space<vmem_shared>>)
        %dma_start3A_83 = arith.constant 2 : i32
        %dma_start3A_84 = arith.constant 0 : i32
        %dma_start3A_85 = arith.constant 0 : i32
        %dma_start3A_86 = arith.constant 0 : i32
        %dma_start3A_87 = tpu.memref_slice %arg9[%dma_start3A_84, %dma_start3A_85, %dma_start3A_86] : memref<2x128x128xf32, #tpu.memory_space<vmem>> -> memref<1x128x128xf32, #tpu.memory_space<vmem>>
        %dma_start3A_88 = tpu.memref_squeeze %dma_start3A_87 : memref<1x128x128xf32, #tpu.memory_space<vmem>> -> memref<128x128xf32, #tpu.memory_space<vmem>>
        %dma_start3A_89 = arith.constant 0 : i32
        %dma_start3A_90 = tpu.memref_slice %arg7[%dma_start3A_83, %dma_start3A_89] : memref<8x128xi32, #tpu.memory_space<vmem>> -> memref<1x128xi32, #tpu.memory_space<vmem>>
        %dma_start3A_91 = tpu.memref_squeeze %dma_start3A_90 : memref<1x128xi32, #tpu.memory_space<vmem>> -> memref<128xi32, #tpu.memory_space<vmem>>
        %dma_start3A_92 = arith.constant 0 : i32
        %dma_start3A_93 = arith.constant 0 : i32
        %dma_start3A_94 = tpu.memref_slice %arg2[%dma_start3A_92, %dma_start3A_93] : memref<10000x128xf32, #tpu.memory_space<hbm>> -> memref<10000x128xf32, #tpu.memory_space<hbm>>
        tpu.enqueue_indirect_dma source(%dma_start3A_94 : memref<10000x128xf32, #tpu.memory_space<hbm>>) target(%dma_start3A_88 : memref<128x128xf32, #tpu.memory_space<vmem>>) offsets(%dma_start3A_91 : memref<128xi32, #tpu.memory_space<vmem>>) semaphore(%arg11 : memref<!tpu.dma_semaphore, #tpu.memory_space<semaphore_mem>>)
        %dma_wait3A_95 = arith.constant 0 : i32
        %dma_wait3A_96 = arith.constant 1 : i32
        %dma_wait3A_97 = arith.constant 0 : i32
        %dma_wait3A_98 = arith.constant 0 : i32
        %dma_wait3A_99 = tpu.memref_slice %arg9[%dma_wait3A_96, %dma_wait3A_97, %dma_wait3A_98] : memref<2x128x128xf32, #tpu.memory_space<vmem>> -> memref<1x128x128xf32, #tpu.memory_space<vmem>>
        %dma_wait3A_100 = tpu.memref_squeeze %dma_wait3A_99 : memref<1x128x128xf32, #tpu.memory_space<vmem>> -> memref<128x128xf32, #tpu.memory_space<vmem>>
        %dma_wait3A_101 = arith.constant 0 : i32
        %dma_wait3A_102 = tpu.memref_slice %arg7[%dma_wait3A_95, %dma_wait3A_101] : memref<8x128xi32, #tpu.memory_space<vmem>> -> memref<1x128xi32, #tpu.memory_space<vmem>>
        %dma_wait3A_103 = tpu.memref_squeeze %dma_wait3A_102 : memref<1x128xi32, #tpu.memory_space<vmem>> -> memref<128xi32, #tpu.memory_space<vmem>>
        %dma_wait3A_104 = arith.constant 0 : i32
        %dma_wait3A_105 = arith.constant 0 : i32
        %dma_wait3A_106 = tpu.memref_slice %arg2[%dma_wait3A_104, %dma_wait3A_105] : memref<10000x128xf32, #tpu.memory_space<hbm>> -> memref<10000x128xf32, #tpu.memory_space<hbm>>
        tpu.wait_indirect_dma semaphore(%arg12 : memref<!tpu.dma_semaphore, #tpu.memory_space<semaphore_mem>>) src(%dma_wait3A_106 : memref<10000x128xf32, #tpu.memory_space<hbm>>) dst(%dma_wait3A_100 : memref<128x128xf32, #tpu.memory_space<vmem>>)
        %dma_start3A_107 = arith.constant 1 : i32
        %dma_start3A_108 = arith.constant 1 : i32
        %dma_start3A_109 = arith.constant 0 : i32
        %dma_start3A_110 = arith.constant 0 : i32
        %dma_start3A_111 = tpu.memref_slice %arg9[%dma_start3A_107, %dma_start3A_109, %dma_start3A_110] : memref<2x128x128xf32, #tpu.memory_space<vmem>> -> memref<1x128x128xf32, #tpu.memory_space<vmem>>
        %dma_start3A_112 = tpu.memref_squeeze %dma_start3A_111 : memref<1x128x128xf32, #tpu.memory_space<vmem>> -> memref<128x128xf32, #tpu.memory_space<vmem>>
        %dma_start3A_113 = arith.constant 0 : i32
        %dma_start3A_114 = tpu.memref_slice %arg8[%dma_start3A_108, %dma_start3A_113] : memref<8x128xi32, #tpu.memory_space<vmem>> -> memref<1x128xi32, #tpu.memory_space<vmem>>
        %dma_start3A_115 = tpu.memref_squeeze %dma_start3A_114 : memref<1x128xi32, #tpu.memory_space<vmem>> -> memref<128xi32, #tpu.memory_space<vmem>>
        %dma_start3A_116 = arith.constant 0 : i32
        %dma_start3A_117 = arith.constant 0 : i32
        %dma_start3A_118 = tpu.memref_slice %arg10[%dma_start3A_116, %dma_start3A_117] : memref<10112x128xf32, #tpu.memory_space<vmem_shared>> -> memref<10112x128xf32, #tpu.memory_space<vmem_shared>>
        tpu.enqueue_indirect_dma source(%dma_start3A_112 : memref<128x128xf32, #tpu.memory_space<vmem>>) target(%dma_start3A_118 : memref<10112x128xf32, #tpu.memory_space<vmem_shared>>) offsets(%dma_start3A_115 : memref<128xi32, #tpu.memory_space<vmem>>) semaphore(%arg14 : memref<!tpu.dma_semaphore, #tpu.memory_space<semaphore_mem>>) {add = true}
        %dma_wait3A_119 = arith.constant 1 : i32
        %dma_wait3A_120 = arith.constant 0 : i32
        %dma_wait3A_121 = arith.constant 0 : i32
        %dma_wait3A_122 = arith.constant 0 : i32
        %dma_wait3A_123 = tpu.memref_slice %arg9[%dma_wait3A_119, %dma_wait3A_121, %dma_wait3A_122] : memref<2x128x128xf32, #tpu.memory_space<vmem>> -> memref<1x128x128xf32, #tpu.memory_space<vmem>>
        %dma_wait3A_124 = tpu.memref_squeeze %dma_wait3A_123 : memref<1x128x128xf32, #tpu.memory_space<vmem>> -> memref<128x128xf32, #tpu.memory_space<vmem>>
        %dma_wait3A_125 = arith.constant 0 : i32
        %dma_wait3A_126 = tpu.memref_slice %arg8[%dma_wait3A_120, %dma_wait3A_125] : memref<8x128xi32, #tpu.memory_space<vmem>> -> memref<1x128xi32, #tpu.memory_space<vmem>>
        %dma_wait3A_127 = tpu.memref_squeeze %dma_wait3A_126 : memref<1x128xi32, #tpu.memory_space<vmem>> -> memref<128xi32, #tpu.memory_space<vmem>>
        %dma_wait3A_128 = arith.constant 0 : i32
        %dma_wait3A_129 = arith.constant 0 : i32
        %dma_wait3A_130 = tpu.memref_slice %arg10[%dma_wait3A_128, %dma_wait3A_129] : memref<10112x128xf32, #tpu.memory_space<vmem_shared>> -> memref<10112x128xf32, #tpu.memory_space<vmem_shared>>
        tpu.wait_indirect_dma semaphore(%arg14 : memref<!tpu.dma_semaphore, #tpu.memory_space<semaphore_mem>>) src(%dma_wait3A_124 : memref<128x128xf32, #tpu.memory_space<vmem>>) dst(%dma_wait3A_130 : memref<10112x128xf32, #tpu.memory_space<vmem_shared>>)
        %dma_start3A_131 = arith.constant 3 : i32
        %dma_start3A_132 = arith.constant 1 : i32
        %dma_start3A_133 = arith.constant 0 : i32
        %dma_start3A_134 = arith.constant 0 : i32
        %dma_start3A_135 = tpu.memref_slice %arg9[%dma_start3A_132, %dma_start3A_133, %dma_start3A_134] : memref<2x128x128xf32, #tpu.memory_space<vmem>> -> memref<1x128x128xf32, #tpu.memory_space<vmem>>
        %dma_start3A_136 = tpu.memref_squeeze %dma_start3A_135 : memref<1x128x128xf32, #tpu.memory_space<vmem>> -> memref<128x128xf32, #tpu.memory_space<vmem>>
        %dma_start3A_137 = arith.constant 0 : i32
        %dma_start3A_138 = tpu.memref_slice %arg7[%dma_start3A_131, %dma_start3A_137] : memref<8x128xi32, #tpu.memory_space<vmem>> -> memref<1x128xi32, #tpu.memory_space<vmem>>
        %dma_start3A_139 = tpu.memref_squeeze %dma_start3A_138 : memref<1x128xi32, #tpu.memory_space<vmem>> -> memref<128xi32, #tpu.memory_space<vmem>>
        %dma_start3A_140 = arith.constant 0 : i32
        %dma_start3A_141 = arith.constant 0 : i32
        %dma_start3A_142 = tpu.memref_slice %arg2[%dma_start3A_140, %dma_start3A_141] : memref<10000x128xf32, #tpu.memory_space<hbm>> -> memref<10000x128xf32, #tpu.memory_space<hbm>>
        tpu.enqueue_indirect_dma source(%dma_start3A_142 : memref<10000x128xf32, #tpu.memory_space<hbm>>) target(%dma_start3A_136 : memref<128x128xf32, #tpu.memory_space<vmem>>) offsets(%dma_start3A_139 : memref<128xi32, #tpu.memory_space<vmem>>) semaphore(%arg12 : memref<!tpu.dma_semaphore, #tpu.memory_space<semaphore_mem>>)
        %dma_wait3A_143 = arith.constant 0 : i32
        %dma_wait3A_144 = arith.constant 0 : i32
        %dma_wait3A_145 = arith.constant 0 : i32
        %dma_wait3A_146 = arith.constant 0 : i32
        %dma_wait3A_147 = tpu.memref_slice %arg9[%dma_wait3A_144, %dma_wait3A_145, %dma_wait3A_146] : memref<2x128x128xf32, #tpu.memory_space<vmem>> -> memref<1x128x128xf32, #tpu.memory_space<vmem>>
        %dma_wait3A_148 = tpu.memref_squeeze %dma_wait3A_147 : memref<1x128x128xf32, #tpu.memory_space<vmem>> -> memref<128x128xf32, #tpu.memory_space<vmem>>
        %dma_wait3A_149 = arith.constant 0 : i32
        %dma_wait3A_150 = tpu.memref_slice %arg7[%dma_wait3A_143, %dma_wait3A_149] : memref<8x128xi32, #tpu.memory_space<vmem>> -> memref<1x128xi32, #tpu.memory_space<vmem>>
        %dma_wait3A_151 = tpu.memref_squeeze %dma_wait3A_150 : memref<1x128xi32, #tpu.memory_space<vmem>> -> memref<128xi32, #tpu.memory_space<vmem>>
        %dma_wait3A_152 = arith.constant 0 : i32
        %dma_wait3A_153 = arith.constant 0 : i32
        %dma_wait3A_154 = tpu.memref_slice %arg2[%dma_wait3A_152, %dma_wait3A_153] : memref<10000x128xf32, #tpu.memory_space<hbm>> -> memref<10000x128xf32, #tpu.memory_space<hbm>>
        tpu.wait_indirect_dma semaphore(%arg11 : memref<!tpu.dma_semaphore, #tpu.memory_space<semaphore_mem>>) src(%dma_wait3A_154 : memref<10000x128xf32, #tpu.memory_space<hbm>>) dst(%dma_wait3A_148 : memref<128x128xf32, #tpu.memory_space<vmem>>)
        %dma_start3A_155 = arith.constant 0 : i32
        %dma_start3A_156 = arith.constant 2 : i32
        %dma_start3A_157 = arith.constant 0 : i32
        %dma_start3A_158 = arith.constant 0 : i32
        %dma_start3A_159 = tpu.memref_slice %arg9[%dma_start3A_155, %dma_start3A_157, %dma_start3A_158] : memref<2x128x128xf32, #tpu.memory_space<vmem>> -> memref<1x128x128xf32, #tpu.memory_space<vmem>>
        %dma_start3A_160 = tpu.memref_squeeze %dma_start3A_159 : memref<1x128x128xf32, #tpu.memory_space<vmem>> -> memref<128x128xf32, #tpu.memory_space<vmem>>
        %dma_start3A_161 = arith.constant 0 : i32
        %dma_start3A_162 = tpu.memref_slice %arg8[%dma_start3A_156, %dma_start3A_161] : memref<8x128xi32, #tpu.memory_space<vmem>> -> memref<1x128xi32, #tpu.memory_space<vmem>>
        %dma_start3A_163 = tpu.memref_squeeze %dma_start3A_162 : memref<1x128xi32, #tpu.memory_space<vmem>> -> memref<128xi32, #tpu.memory_space<vmem>>
        %dma_start3A_164 = arith.constant 0 : i32
        %dma_start3A_165 = arith.constant 0 : i32
        %dma_start3A_166 = tpu.memref_slice %arg10[%dma_start3A_164, %dma_start3A_165] : memref<10112x128xf32, #tpu.memory_space<vmem_shared>> -> memref<10112x128xf32, #tpu.memory_space<vmem_shared>>
        tpu.enqueue_indirect_dma source(%dma_start3A_160 : memref<128x128xf32, #tpu.memory_space<vmem>>) target(%dma_start3A_166 : memref<10112x128xf32, #tpu.memory_space<vmem_shared>>) offsets(%dma_start3A_163 : memref<128xi32, #tpu.memory_space<vmem>>) semaphore(%arg13 : memref<!tpu.dma_semaphore, #tpu.memory_space<semaphore_mem>>) {add = true}
        %dma_wait3A_167 = arith.constant 0 : i32
        %dma_wait3A_168 = arith.constant 0 : i32
        %dma_wait3A_169 = arith.constant 0 : i32
        %dma_wait3A_170 = arith.constant 0 : i32
        %dma_wait3A_171 = tpu.memref_slice %arg9[%dma_wait3A_167, %dma_wait3A_169, %dma_wait3A_170] : memref<2x128x128xf32, #tpu.memory_space<vmem>> -> memref<1x128x128xf32, #tpu.memory_space<vmem>>
        %dma_wait3A_172 = tpu.memref_squeeze %dma_wait3A_171 : memref<1x128x128xf32, #tpu.memory_space<vmem>> -> memref<128x128xf32, #tpu.memory_space<vmem>>
        %dma_wait3A_173 = arith.constant 0 : i32
        %dma_wait3A_174 = tpu.memref_slice %arg8[%dma_wait3A_168, %dma_wait3A_173] : memref<8x128xi32, #tpu.memory_space<vmem>> -> memref<1x128xi32, #tpu.memory_space<vmem>>
        %dma_wait3A_175 = tpu.memref_squeeze %dma_wait3A_174 : memref<1x128xi32, #tpu.memory_space<vmem>> -> memref<128xi32, #tpu.memory_space<vmem>>
        %dma_wait3A_176 = arith.constant 0 : i32
        %dma_wait3A_177 = arith.constant 0 : i32
        %dma_wait3A_178 = tpu.memref_slice %arg10[%dma_wait3A_176, %dma_wait3A_177] : memref<10112x128xf32, #tpu.memory_space<vmem_shared>> -> memref<10112x128xf32, #tpu.memory_space<vmem_shared>>
        tpu.wait_indirect_dma semaphore(%arg13 : memref<!tpu.dma_semaphore, #tpu.memory_space<semaphore_mem>>) src(%dma_wait3A_172 : memref<128x128xf32, #tpu.memory_space<vmem>>) dst(%dma_wait3A_178 : memref<10112x128xf32, #tpu.memory_space<vmem_shared>>)
        %dma_start3A_179 = arith.constant 4 : i32
        %dma_start3A_180 = arith.constant 0 : i32
        %dma_start3A_181 = arith.constant 0 : i32
        %dma_start3A_182 = arith.constant 0 : i32
        %dma_start3A_183 = tpu.memref_slice %arg9[%dma_start3A_180, %dma_start3A_181, %dma_start3A_182] : memref<2x128x128xf32, #tpu.memory_space<vmem>> -> memref<1x128x128xf32, #tpu.memory_space<vmem>>
        %dma_start3A_184 = tpu.memref_squeeze %dma_start3A_183 : memref<1x128x128xf32, #tpu.memory_space<vmem>> -> memref<128x128xf32, #tpu.memory_space<vmem>>
        %dma_start3A_185 = arith.constant 0 : i32
        %dma_start3A_186 = tpu.memref_slice %arg7[%dma_start3A_179, %dma_start3A_185] : memref<8x128xi32, #tpu.memory_space<vmem>> -> memref<1x128xi32, #tpu.memory_space<vmem>>
        %dma_start3A_187 = tpu.memref_squeeze %dma_start3A_186 : memref<1x128xi32, #tpu.memory_space<vmem>> -> memref<128xi32, #tpu.memory_space<vmem>>
        %dma_start3A_188 = arith.constant 0 : i32
        %dma_start3A_189 = arith.constant 0 : i32
        %dma_start3A_190 = tpu.memref_slice %arg2[%dma_start3A_188, %dma_start3A_189] : memref<10000x128xf32, #tpu.memory_space<hbm>> -> memref<10000x128xf32, #tpu.memory_space<hbm>>
        tpu.enqueue_indirect_dma source(%dma_start3A_190 : memref<10000x128xf32, #tpu.memory_space<hbm>>) target(%dma_start3A_184 : memref<128x128xf32, #tpu.memory_space<vmem>>) offsets(%dma_start3A_187 : memref<128xi32, #tpu.memory_space<vmem>>) semaphore(%arg11 : memref<!tpu.dma_semaphore, #tpu.memory_space<semaphore_mem>>)
        %dma_wait3A_191 = arith.constant 0 : i32
        %dma_wait3A_192 = arith.constant 1 : i32
        %dma_wait3A_193 = arith.constant 0 : i32
        %dma_wait3A_194 = arith.constant 0 : i32
        %dma_wait3A_195 = tpu.memref_slice %arg9[%dma_wait3A_192, %dma_wait3A_193, %dma_wait3A_194] : memref<2x128x128xf32, #tpu.memory_space<vmem>> -> memref<1x128x128xf32, #tpu.memory_space<vmem>>
        %dma_wait3A_196 = tpu.memref_squeeze %dma_wait3A_195 : memref<1x128x128xf32, #tpu.memory_space<vmem>> -> memref<128x128xf32, #tpu.memory_space<vmem>>
        %dma_wait3A_197 = arith.constant 0 : i32
        %dma_wait3A_198 = tpu.memref_slice %arg7[%dma_wait3A_191, %dma_wait3A_197] : memref<8x128xi32, #tpu.memory_space<vmem>> -> memref<1x128xi32, #tpu.memory_space<vmem>>
        %dma_wait3A_199 = tpu.memref_squeeze %dma_wait3A_198 : memref<1x128xi32, #tpu.memory_space<vmem>> -> memref<128xi32, #tpu.memory_space<vmem>>
        %dma_wait3A_200 = arith.constant 0 : i32
        %dma_wait3A_201 = arith.constant 0 : i32
        %dma_wait3A_202 = tpu.memref_slice %arg2[%dma_wait3A_200, %dma_wait3A_201] : memref<10000x128xf32, #tpu.memory_space<hbm>> -> memref<10000x128xf32, #tpu.memory_space<hbm>>
        tpu.wait_indirect_dma semaphore(%arg12 : memref<!tpu.dma_semaphore, #tpu.memory_space<semaphore_mem>>) src(%dma_wait3A_202 : memref<10000x128xf32, #tpu.memory_space<hbm>>) dst(%dma_wait3A_196 : memref<128x128xf32, #tpu.memory_space<vmem>>)
        %dma_start3A_203 = arith.constant 1 : i32
        %dma_start3A_204 = arith.constant 3 : i32
        %dma_start3A_205 = arith.constant 0 : i32
        %dma_start3A_206 = arith.constant 0 : i32
        %dma_start3A_207 = tpu.memref_slice %arg9[%dma_start3A_203, %dma_start3A_205, %dma_start3A_206] : memref<2x128x128xf32, #tpu.memory_space<vmem>> -> memref<1x128x128xf32, #tpu.memory_space<vmem>>
        %dma_start3A_208 = tpu.memref_squeeze %dma_start3A_207 : memref<1x128x128xf32, #tpu.memory_space<vmem>> -> memref<128x128xf32, #tpu.memory_space<vmem>>
        %dma_start3A_209 = arith.constant 0 : i32
        %dma_start3A_210 = tpu.memref_slice %arg8[%dma_start3A_204, %dma_start3A_209] : memref<8x128xi32, #tpu.memory_space<vmem>> -> memref<1x128xi32, #tpu.memory_space<vmem>>
        %dma_start3A_211 = tpu.memref_squeeze %dma_start3A_210 : memref<1x128xi32, #tpu.memory_space<vmem>> -> memref<128xi32, #tpu.memory_space<vmem>>
        %dma_start3A_212 = arith.constant 0 : i32
        %dma_start3A_213 = arith.constant 0 : i32
        %dma_start3A_214 = tpu.memref_slice %arg10[%dma_start3A_212, %dma_start3A_213] : memref<10112x128xf32, #tpu.memory_space<vmem_shared>> -> memref<10112x128xf32, #tpu.memory_space<vmem_shared>>
        tpu.enqueue_indirect_dma source(%dma_start3A_208 : memref<128x128xf32, #tpu.memory_space<vmem>>) target(%dma_start3A_214 : memref<10112x128xf32, #tpu.memory_space<vmem_shared>>) offsets(%dma_start3A_211 : memref<128xi32, #tpu.memory_space<vmem>>) semaphore(%arg14 : memref<!tpu.dma_semaphore, #tpu.memory_space<semaphore_mem>>) {add = true}
        %dma_wait3A_215 = arith.constant 1 : i32
        %dma_wait3A_216 = arith.constant 0 : i32
        %dma_wait3A_217 = arith.constant 0 : i32
        %dma_wait3A_218 = arith.constant 0 : i32
        %dma_wait3A_219 = tpu.memref_slice %arg9[%dma_wait3A_215, %dma_wait3A_217, %dma_wait3A_218] : memref<2x128x128xf32, #tpu.memory_space<vmem>> -> memref<1x128x128xf32, #tpu.memory_space<vmem>>
        %dma_wait3A_220 = tpu.memref_squeeze %dma_wait3A_219 : memref<1x128x128xf32, #tpu.memory_space<vmem>> -> memref<128x128xf32, #tpu.memory_space<vmem>>
        %dma_wait3A_221 = arith.constant 0 : i32
        %dma_wait3A_222 = tpu.memref_slice %arg8[%dma_wait3A_216, %dma_wait3A_221] : memref<8x128xi32, #tpu.memory_space<vmem>> -> memref<1x128xi32, #tpu.memory_space<vmem>>
        %dma_wait3A_223 = tpu.memref_squeeze %dma_wait3A_222 : memref<1x128xi32, #tpu.memory_space<vmem>> -> memref<128xi32, #tpu.memory_space<vmem>>
        %dma_wait3A_224 = arith.constant 0 : i32
        %dma_wait3A_225 = arith.constant 0 : i32
        %dma_wait3A_226 = tpu.memref_slice %arg10[%dma_wait3A_224, %dma_wait3A_225] : memref<10112x128xf32, #tpu.memory_space<vmem_shared>> -> memref<10112x128xf32, #tpu.memory_space<vmem_shared>>
        tpu.wait_indirect_dma semaphore(%arg14 : memref<!tpu.dma_semaphore, #tpu.memory_space<semaphore_mem>>) src(%dma_wait3A_220 : memref<128x128xf32, #tpu.memory_space<vmem>>) dst(%dma_wait3A_226 : memref<10112x128xf32, #tpu.memory_space<vmem_shared>>)
        %dma_start3A_227 = arith.constant 5 : i32
        %dma_start3A_228 = arith.constant 1 : i32
        %dma_start3A_229 = arith.constant 0 : i32
        %dma_start3A_230 = arith.constant 0 : i32
        %dma_start3A_231 = tpu.memref_slice %arg9[%dma_start3A_228, %dma_start3A_229, %dma_start3A_230] : memref<2x128x128xf32, #tpu.memory_space<vmem>> -> memref<1x128x128xf32, #tpu.memory_space<vmem>>
        %dma_start3A_232 = tpu.memref_squeeze %dma_start3A_231 : memref<1x128x128xf32, #tpu.memory_space<vmem>> -> memref<128x128xf32, #tpu.memory_space<vmem>>
        %dma_start3A_233 = arith.constant 0 : i32
        %dma_start3A_234 = tpu.memref_slice %arg7[%dma_start3A_227, %dma_start3A_233] : memref<8x128xi32, #tpu.memory_space<vmem>> -> memref<1x128xi32, #tpu.memory_space<vmem>>
        %dma_start3A_235 = tpu.memref_squeeze %dma_start3A_234 : memref<1x128xi32, #tpu.memory_space<vmem>> -> memref<128xi32, #tpu.memory_space<vmem>>
        %dma_start3A_236 = arith.constant 0 : i32
        %dma_start3A_237 = arith.constant 0 : i32
        %dma_start3A_238 = tpu.memref_slice %arg2[%dma_start3A_236, %dma_start3A_237] : memref<10000x128xf32, #tpu.memory_space<hbm>> -> memref<10000x128xf32, #tpu.memory_space<hbm>>
        tpu.enqueue_indirect_dma source(%dma_start3A_238 : memref<10000x128xf32, #tpu.memory_space<hbm>>) target(%dma_start3A_232 : memref<128x128xf32, #tpu.memory_space<vmem>>) offsets(%dma_start3A_235 : memref<128xi32, #tpu.memory_space<vmem>>) semaphore(%arg12 : memref<!tpu.dma_semaphore, #tpu.memory_space<semaphore_mem>>)
        %dma_wait3A_239 = arith.constant 0 : i32
        %dma_wait3A_240 = arith.constant 0 : i32
        %dma_wait3A_241 = arith.constant 0 : i32
        %dma_wait3A_242 = arith.constant 0 : i32
        %dma_wait3A_243 = tpu.memref_slice %arg9[%dma_wait3A_240, %dma_wait3A_241, %dma_wait3A_242] : memref<2x128x128xf32, #tpu.memory_space<vmem>> -> memref<1x128x128xf32, #tpu.memory_space<vmem>>
        %dma_wait3A_244 = tpu.memref_squeeze %dma_wait3A_243 : memref<1x128x128xf32, #tpu.memory_space<vmem>> -> memref<128x128xf32, #tpu.memory_space<vmem>>
        %dma_wait3A_245 = arith.constant 0 : i32
        %dma_wait3A_246 = tpu.memref_slice %arg7[%dma_wait3A_239, %dma_wait3A_245] : memref<8x128xi32, #tpu.memory_space<vmem>> -> memref<1x128xi32, #tpu.memory_space<vmem>>
        %dma_wait3A_247 = tpu.memref_squeeze %dma_wait3A_246 : memref<1x128xi32, #tpu.memory_space<vmem>> -> memref<128xi32, #tpu.memory_space<vmem>>
        %dma_wait3A_248 = arith.constant 0 : i32
        %dma_wait3A_249 = arith.constant 0 : i32
        %dma_wait3A_250 = tpu.memref_slice %arg2[%dma_wait3A_248, %dma_wait3A_249] : memref<10000x128xf32, #tpu.memory_space<hbm>> -> memref<10000x128xf32, #tpu.memory_space<hbm>>
        tpu.wait_indirect_dma semaphore(%arg11 : memref<!tpu.dma_semaphore, #tpu.memory_space<semaphore_mem>>) src(%dma_wait3A_250 : memref<10000x128xf32, #tpu.memory_space<hbm>>) dst(%dma_wait3A_244 : memref<128x128xf32, #tpu.memory_space<vmem>>)
        %dma_start3A_251 = arith.constant 0 : i32
        %dma_start3A_252 = arith.constant 4 : i32
        %dma_start3A_253 = arith.constant 0 : i32
        %dma_start3A_254 = arith.constant 0 : i32
        %dma_start3A_255 = tpu.memref_slice %arg9[%dma_start3A_251, %dma_start3A_253, %dma_start3A_254] : memref<2x128x128xf32, #tpu.memory_space<vmem>> -> memref<1x128x128xf32, #tpu.memory_space<vmem>>
        %dma_start3A_256 = tpu.memref_squeeze %dma_start3A_255 : memref<1x128x128xf32, #tpu.memory_space<vmem>> -> memref<128x128xf32, #tpu.memory_space<vmem>>
        %dma_start3A_257 = arith.constant 0 : i32
        %dma_start3A_258 = tpu.memref_slice %arg8[%dma_start3A_252, %dma_start3A_257] : memref<8x128xi32, #tpu.memory_space<vmem>> -> memref<1x128xi32, #tpu.memory_space<vmem>>
        %dma_start3A_259 = tpu.memref_squeeze %dma_start3A_258 : memref<1x128xi32, #tpu.memory_space<vmem>> -> memref<128xi32, #tpu.memory_space<vmem>>
        %dma_start3A_260 = arith.constant 0 : i32
        %dma_start3A_261 = arith.constant 0 : i32
        %dma_start3A_262 = tpu.memref_slice %arg10[%dma_start3A_260, %dma_start3A_261] : memref<10112x128xf32, #tpu.memory_space<vmem_shared>> -> memref<10112x128xf32, #tpu.memory_space<vmem_shared>>
        tpu.enqueue_indirect_dma source(%dma_start3A_256 : memref<128x128xf32, #tpu.memory_space<vmem>>) target(%dma_start3A_262 : memref<10112x128xf32, #tpu.memory_space<vmem_shared>>) offsets(%dma_start3A_259 : memref<128xi32, #tpu.memory_space<vmem>>) semaphore(%arg13 : memref<!tpu.dma_semaphore, #tpu.memory_space<semaphore_mem>>) {add = true}
        %dma_wait3A_263 = arith.constant 0 : i32
        %dma_wait3A_264 = arith.constant 0 : i32
        %dma_wait3A_265 = arith.constant 0 : i32
        %dma_wait3A_266 = arith.constant 0 : i32
        %dma_wait3A_267 = tpu.memref_slice %arg9[%dma_wait3A_263, %dma_wait3A_265, %dma_wait3A_266] : memref<2x128x128xf32, #tpu.memory_space<vmem>> -> memref<1x128x128xf32, #tpu.memory_space<vmem>>
        %dma_wait3A_268 = tpu.memref_squeeze %dma_wait3A_267 : memref<1x128x128xf32, #tpu.memory_space<vmem>> -> memref<128x128xf32, #tpu.memory_space<vmem>>
        %dma_wait3A_269 = arith.constant 0 : i32
        %dma_wait3A_270 = tpu.memref_slice %arg8[%dma_wait3A_264, %dma_wait3A_269] : memref<8x128xi32, #tpu.memory_space<vmem>> -> memref<1x128xi32, #tpu.memory_space<vmem>>
        %dma_wait3A_271 = tpu.memref_squeeze %dma_wait3A_270 : memref<1x128xi32, #tpu.memory_space<vmem>> -> memref<128xi32, #tpu.memory_space<vmem>>
        %dma_wait3A_272 = arith.constant 0 : i32
        %dma_wait3A_273 = arith.constant 0 : i32
        %dma_wait3A_274 = tpu.memref_slice %arg10[%dma_wait3A_272, %dma_wait3A_273] : memref<10112x128xf32, #tpu.memory_space<vmem_shared>> -> memref<10112x128xf32, #tpu.memory_space<vmem_shared>>
        tpu.wait_indirect_dma semaphore(%arg13 : memref<!tpu.dma_semaphore, #tpu.memory_space<semaphore_mem>>) src(%dma_wait3A_268 : memref<128x128xf32, #tpu.memory_space<vmem>>) dst(%dma_wait3A_274 : memref<10112x128xf32, #tpu.memory_space<vmem_shared>>)
        %dma_start3A_275 = arith.constant 6 : i32
        %dma_start3A_276 = arith.constant 0 : i32
        %dma_start3A_277 = arith.constant 0 : i32
        %dma_start3A_278 = arith.constant 0 : i32
        %dma_start3A_279 = tpu.memref_slice %arg9[%dma_start3A_276, %dma_start3A_277, %dma_start3A_278] : memref<2x128x128xf32, #tpu.memory_space<vmem>> -> memref<1x128x128xf32, #tpu.memory_space<vmem>>
        %dma_start3A_280 = tpu.memref_squeeze %dma_start3A_279 : memref<1x128x128xf32, #tpu.memory_space<vmem>> -> memref<128x128xf32, #tpu.memory_space<vmem>>
        %dma_start3A_281 = arith.constant 0 : i32
        %dma_start3A_282 = tpu.memref_slice %arg7[%dma_start3A_275, %dma_start3A_281] : memref<8x128xi32, #tpu.memory_space<vmem>> -> memref<1x128xi32, #tpu.memory_space<vmem>>
        %dma_start3A_283 = tpu.memref_squeeze %dma_start3A_282 : memref<1x128xi32, #tpu.memory_space<vmem>> -> memref<128xi32, #tpu.memory_space<vmem>>
        %dma_start3A_284 = arith.constant 0 : i32
        %dma_start3A_285 = arith.constant 0 : i32
        %dma_start3A_286 = tpu.memref_slice %arg2[%dma_start3A_284, %dma_start3A_285] : memref<10000x128xf32, #tpu.memory_space<hbm>> -> memref<10000x128xf32, #tpu.memory_space<hbm>>
        tpu.enqueue_indirect_dma source(%dma_start3A_286 : memref<10000x128xf32, #tpu.memory_space<hbm>>) target(%dma_start3A_280 : memref<128x128xf32, #tpu.memory_space<vmem>>) offsets(%dma_start3A_283 : memref<128xi32, #tpu.memory_space<vmem>>) semaphore(%arg11 : memref<!tpu.dma_semaphore, #tpu.memory_space<semaphore_mem>>)
        %dma_wait3A_287 = arith.constant 0 : i32
        %dma_wait3A_288 = arith.constant 1 : i32
        %dma_wait3A_289 = arith.constant 0 : i32
        %dma_wait3A_290 = arith.constant 0 : i32
        %dma_wait3A_291 = tpu.memref_slice %arg9[%dma_wait3A_288, %dma_wait3A_289, %dma_wait3A_290] : memref<2x128x128xf32, #tpu.memory_space<vmem>> -> memref<1x128x128xf32, #tpu.memory_space<vmem>>
        %dma_wait3A_292 = tpu.memref_squeeze %dma_wait3A_291 : memref<1x128x128xf32, #tpu.memory_space<vmem>> -> memref<128x128xf32, #tpu.memory_space<vmem>>
        %dma_wait3A_293 = arith.constant 0 : i32
        %dma_wait3A_294 = tpu.memref_slice %arg7[%dma_wait3A_287, %dma_wait3A_293] : memref<8x128xi32, #tpu.memory_space<vmem>> -> memref<1x128xi32, #tpu.memory_space<vmem>>
        %dma_wait3A_295 = tpu.memref_squeeze %dma_wait3A_294 : memref<1x128xi32, #tpu.memory_space<vmem>> -> memref<128xi32, #tpu.memory_space<vmem>>
        %dma_wait3A_296 = arith.constant 0 : i32
        %dma_wait3A_297 = arith.constant 0 : i32
        %dma_wait3A_298 = tpu.memref_slice %arg2[%dma_wait3A_296, %dma_wait3A_297] : memref<10000x128xf32, #tpu.memory_space<hbm>> -> memref<10000x128xf32, #tpu.memory_space<hbm>>
        tpu.wait_indirect_dma semaphore(%arg12 : memref<!tpu.dma_semaphore, #tpu.memory_space<semaphore_mem>>) src(%dma_wait3A_298 : memref<10000x128xf32, #tpu.memory_space<hbm>>) dst(%dma_wait3A_292 : memref<128x128xf32, #tpu.memory_space<vmem>>)
        %dma_start3A_299 = arith.constant 1 : i32
        %dma_start3A_300 = arith.constant 5 : i32
        %dma_start3A_301 = arith.constant 0 : i32
        %dma_start3A_302 = arith.constant 0 : i32
        %dma_start3A_303 = tpu.memref_slice %arg9[%dma_start3A_299, %dma_start3A_301, %dma_start3A_302] : memref<2x128x128xf32, #tpu.memory_space<vmem>> -> memref<1x128x128xf32, #tpu.memory_space<vmem>>
        %dma_start3A_304 = tpu.memref_squeeze %dma_start3A_303 : memref<1x128x128xf32, #tpu.memory_space<vmem>> -> memref<128x128xf32, #tpu.memory_space<vmem>>
        %dma_start3A_305 = arith.constant 0 : i32
        %dma_start3A_306 = tpu.memref_slice %arg8[%dma_start3A_300, %dma_start3A_305] : memref<8x128xi32, #tpu.memory_space<vmem>> -> memref<1x128xi32, #tpu.memory_space<vmem>>
        %dma_start3A_307 = tpu.memref_squeeze %dma_start3A_306 : memref<1x128xi32, #tpu.memory_space<vmem>> -> memref<128xi32, #tpu.memory_space<vmem>>
        %dma_start3A_308 = arith.constant 0 : i32
        %dma_start3A_309 = arith.constant 0 : i32
        %dma_start3A_310 = tpu.memref_slice %arg10[%dma_start3A_308, %dma_start3A_309] : memref<10112x128xf32, #tpu.memory_space<vmem_shared>> -> memref<10112x128xf32, #tpu.memory_space<vmem_shared>>
        tpu.enqueue_indirect_dma source(%dma_start3A_304 : memref<128x128xf32, #tpu.memory_space<vmem>>) target(%dma_start3A_310 : memref<10112x128xf32, #tpu.memory_space<vmem_shared>>) offsets(%dma_start3A_307 : memref<128xi32, #tpu.memory_space<vmem>>) semaphore(%arg14 : memref<!tpu.dma_semaphore, #tpu.memory_space<semaphore_mem>>) {add = true}
        %dma_wait3A_311 = arith.constant 1 : i32
        %dma_wait3A_312 = arith.constant 0 : i32
        %dma_wait3A_313 = arith.constant 0 : i32
        %dma_wait3A_314 = arith.constant 0 : i32
        %dma_wait3A_315 = tpu.memref_slice %arg9[%dma_wait3A_311, %dma_wait3A_313, %dma_wait3A_314] : memref<2x128x128xf32, #tpu.memory_space<vmem>> -> memref<1x128x128xf32, #tpu.memory_space<vmem>>
        %dma_wait3A_316 = tpu.memref_squeeze %dma_wait3A_315 : memref<1x128x128xf32, #tpu.memory_space<vmem>> -> memref<128x128xf32, #tpu.memory_space<vmem>>
        %dma_wait3A_317 = arith.constant 0 : i32
        %dma_wait3A_318 = tpu.memref_slice %arg8[%dma_wait3A_312, %dma_wait3A_317] : memref<8x128xi32, #tpu.memory_space<vmem>> -> memref<1x128xi32, #tpu.memory_space<vmem>>
        %dma_wait3A_319 = tpu.memref_squeeze %dma_wait3A_318 : memref<1x128xi32, #tpu.memory_space<vmem>> -> memref<128xi32, #tpu.memory_space<vmem>>
        %dma_wait3A_320 = arith.constant 0 : i32
        %dma_wait3A_321 = arith.constant 0 : i32
        %dma_wait3A_322 = tpu.memref_slice %arg10[%dma_wait3A_320, %dma_wait3A_321] : memref<10112x128xf32, #tpu.memory_space<vmem_shared>> -> memref<10112x128xf32, #tpu.memory_space<vmem_shared>>
        tpu.wait_indirect_dma semaphore(%arg14 : memref<!tpu.dma_semaphore, #tpu.memory_space<semaphore_mem>>) src(%dma_wait3A_316 : memref<128x128xf32, #tpu.memory_space<vmem>>) dst(%dma_wait3A_322 : memref<10112x128xf32, #tpu.memory_space<vmem_shared>>)
        %dma_start3A_323 = arith.constant 7 : i32
        %dma_start3A_324 = arith.constant 1 : i32
        %dma_start3A_325 = arith.constant 0 : i32
        %dma_start3A_326 = arith.constant 0 : i32
        %dma_start3A_327 = tpu.memref_slice %arg9[%dma_start3A_324, %dma_start3A_325, %dma_start3A_326] : memref<2x128x128xf32, #tpu.memory_space<vmem>> -> memref<1x128x128xf32, #tpu.memory_space<vmem>>
        %dma_start3A_328 = tpu.memref_squeeze %dma_start3A_327 : memref<1x128x128xf32, #tpu.memory_space<vmem>> -> memref<128x128xf32, #tpu.memory_space<vmem>>
        %dma_start3A_329 = arith.constant 0 : i32
        %dma_start3A_330 = tpu.memref_slice %arg7[%dma_start3A_323, %dma_start3A_329] : memref<8x128xi32, #tpu.memory_space<vmem>> -> memref<1x128xi32, #tpu.memory_space<vmem>>
        %dma_start3A_331 = tpu.memref_squeeze %dma_start3A_330 : memref<1x128xi32, #tpu.memory_space<vmem>> -> memref<128xi32, #tpu.memory_space<vmem>>
        %dma_start3A_332 = arith.constant 0 : i32
        %dma_start3A_333 = arith.constant 0 : i32
        %dma_start3A_334 = tpu.memref_slice %arg2[%dma_start3A_332, %dma_start3A_333] : memref<10000x128xf32, #tpu.memory_space<hbm>> -> memref<10000x128xf32, #tpu.memory_space<hbm>>
        tpu.enqueue_indirect_dma source(%dma_start3A_334 : memref<10000x128xf32, #tpu.memory_space<hbm>>) target(%dma_start3A_328 : memref<128x128xf32, #tpu.memory_space<vmem>>) offsets(%dma_start3A_331 : memref<128xi32, #tpu.memory_space<vmem>>) semaphore(%arg12 : memref<!tpu.dma_semaphore, #tpu.memory_space<semaphore_mem>>)
        %dma_wait3A_335 = arith.constant 0 : i32
        %dma_wait3A_336 = arith.constant 0 : i32
        %dma_wait3A_337 = arith.constant 0 : i32
        %dma_wait3A_338 = arith.constant 0 : i32
        %dma_wait3A_339 = tpu.memref_slice %arg9[%dma_wait3A_336, %dma_wait3A_337, %dma_wait3A_338] : memref<2x128x128xf32, #tpu.memory_space<vmem>> -> memref<1x128x128xf32, #tpu.memory_space<vmem>>
        %dma_wait3A_340 = tpu.memref_squeeze %dma_wait3A_339 : memref<1x128x128xf32, #tpu.memory_space<vmem>> -> memref<128x128xf32, #tpu.memory_space<vmem>>
        %dma_wait3A_341 = arith.constant 0 : i32
        %dma_wait3A_342 = tpu.memref_slice %arg7[%dma_wait3A_335, %dma_wait3A_341] : memref<8x128xi32, #tpu.memory_space<vmem>> -> memref<1x128xi32, #tpu.memory_space<vmem>>
        %dma_wait3A_343 = tpu.memref_squeeze %dma_wait3A_342 : memref<1x128xi32, #tpu.memory_space<vmem>> -> memref<128xi32, #tpu.memory_space<vmem>>
        %dma_wait3A_344 = arith.constant 0 : i32
        %dma_wait3A_345 = arith.constant 0 : i32
        %dma_wait3A_346 = tpu.memref_slice %arg2[%dma_wait3A_344, %dma_wait3A_345] : memref<10000x128xf32, #tpu.memory_space<hbm>> -> memref<10000x128xf32, #tpu.memory_space<hbm>>
        tpu.wait_indirect_dma semaphore(%arg11 : memref<!tpu.dma_semaphore, #tpu.memory_space<semaphore_mem>>) src(%dma_wait3A_346 : memref<10000x128xf32, #tpu.memory_space<hbm>>) dst(%dma_wait3A_340 : memref<128x128xf32, #tpu.memory_space<vmem>>)
        %dma_start3A_347 = arith.constant 0 : i32
        %dma_start3A_348 = arith.constant 6 : i32
        %dma_start3A_349 = arith.constant 0 : i32
        %dma_start3A_350 = arith.constant 0 : i32
        %dma_start3A_351 = tpu.memref_slice %arg9[%dma_start3A_347, %dma_start3A_349, %dma_start3A_350] : memref<2x128x128xf32, #tpu.memory_space<vmem>> -> memref<1x128x128xf32, #tpu.memory_space<vmem>>
        %dma_start3A_352 = tpu.memref_squeeze %dma_start3A_351 : memref<1x128x128xf32, #tpu.memory_space<vmem>> -> memref<128x128xf32, #tpu.memory_space<vmem>>
        %dma_start3A_353 = arith.constant 0 : i32
        %dma_start3A_354 = tpu.memref_slice %arg8[%dma_start3A_348, %dma_start3A_353] : memref<8x128xi32, #tpu.memory_space<vmem>> -> memref<1x128xi32, #tpu.memory_space<vmem>>
        %dma_start3A_355 = tpu.memref_squeeze %dma_start3A_354 : memref<1x128xi32, #tpu.memory_space<vmem>> -> memref<128xi32, #tpu.memory_space<vmem>>
        %dma_start3A_356 = arith.constant 0 : i32
        %dma_start3A_357 = arith.constant 0 : i32
        %dma_start3A_358 = tpu.memref_slice %arg10[%dma_start3A_356, %dma_start3A_357] : memref<10112x128xf32, #tpu.memory_space<vmem_shared>> -> memref<10112x128xf32, #tpu.memory_space<vmem_shared>>
        tpu.enqueue_indirect_dma source(%dma_start3A_352 : memref<128x128xf32, #tpu.memory_space<vmem>>) target(%dma_start3A_358 : memref<10112x128xf32, #tpu.memory_space<vmem_shared>>) offsets(%dma_start3A_355 : memref<128xi32, #tpu.memory_space<vmem>>) semaphore(%arg13 : memref<!tpu.dma_semaphore, #tpu.memory_space<semaphore_mem>>) {add = true}
        %dma_wait3A_359 = arith.constant 0 : i32
        %dma_wait3A_360 = arith.constant 0 : i32
        %dma_wait3A_361 = arith.constant 0 : i32
        %dma_wait3A_362 = arith.constant 0 : i32
        %dma_wait3A_363 = tpu.memref_slice %arg9[%dma_wait3A_359, %dma_wait3A_361, %dma_wait3A_362] : memref<2x128x128xf32, #tpu.memory_space<vmem>> -> memref<1x128x128xf32, #tpu.memory_space<vmem>>
        %dma_wait3A_364 = tpu.memref_squeeze %dma_wait3A_363 : memref<1x128x128xf32, #tpu.memory_space<vmem>> -> memref<128x128xf32, #tpu.memory_space<vmem>>
        %dma_wait3A_365 = arith.constant 0 : i32
        %dma_wait3A_366 = tpu.memref_slice %arg8[%dma_wait3A_360, %dma_wait3A_365] : memref<8x128xi32, #tpu.memory_space<vmem>> -> memref<1x128xi32, #tpu.memory_space<vmem>>
        %dma_wait3A_367 = tpu.memref_squeeze %dma_wait3A_366 : memref<1x128xi32, #tpu.memory_space<vmem>> -> memref<128xi32, #tpu.memory_space<vmem>>
        %dma_wait3A_368 = arith.constant 0 : i32
        %dma_wait3A_369 = arith.constant 0 : i32
        %dma_wait3A_370 = tpu.memref_slice %arg10[%dma_wait3A_368, %dma_wait3A_369] : memref<10112x128xf32, #tpu.memory_space<vmem_shared>> -> memref<10112x128xf32, #tpu.memory_space<vmem_shared>>
        tpu.wait_indirect_dma semaphore(%arg13 : memref<!tpu.dma_semaphore, #tpu.memory_space<semaphore_mem>>) src(%dma_wait3A_364 : memref<128x128xf32, #tpu.memory_space<vmem>>) dst(%dma_wait3A_370 : memref<10112x128xf32, #tpu.memory_space<vmem_shared>>)
        %dma_wait3A_371 = arith.constant 0 : i32
        %dma_wait3A_372 = arith.constant 1 : i32
        %dma_wait3A_373 = arith.constant 0 : i32
        %dma_wait3A_374 = arith.constant 0 : i32
        %dma_wait3A_375 = tpu.memref_slice %arg9[%dma_wait3A_372, %dma_wait3A_373, %dma_wait3A_374] : memref<2x128x128xf32, #tpu.memory_space<vmem>> -> memref<1x128x128xf32, #tpu.memory_space<vmem>>
        %dma_wait3A_376 = tpu.memref_squeeze %dma_wait3A_375 : memref<1x128x128xf32, #tpu.memory_space<vmem>> -> memref<128x128xf32, #tpu.memory_space<vmem>>
        %dma_wait3A_377 = arith.constant 0 : i32
        %dma_wait3A_378 = tpu.memref_slice %arg7[%dma_wait3A_371, %dma_wait3A_377] : memref<8x128xi32, #tpu.memory_space<vmem>> -> memref<1x128xi32, #tpu.memory_space<vmem>>
        %dma_wait3A_379 = tpu.memref_squeeze %dma_wait3A_378 : memref<1x128xi32, #tpu.memory_space<vmem>> -> memref<128xi32, #tpu.memory_space<vmem>>
        %dma_wait3A_380 = arith.constant 0 : i32
        %dma_wait3A_381 = arith.constant 0 : i32
        %dma_wait3A_382 = tpu.memref_slice %arg2[%dma_wait3A_380, %dma_wait3A_381] : memref<10000x128xf32, #tpu.memory_space<hbm>> -> memref<10000x128xf32, #tpu.memory_space<hbm>>
        tpu.wait_indirect_dma semaphore(%arg12 : memref<!tpu.dma_semaphore, #tpu.memory_space<semaphore_mem>>) src(%dma_wait3A_382 : memref<10000x128xf32, #tpu.memory_space<hbm>>) dst(%dma_wait3A_376 : memref<128x128xf32, #tpu.memory_space<vmem>>)
        %dma_start3A_383 = arith.constant 1 : i32
        %dma_start3A_384 = arith.constant 7 : i32
        %dma_start3A_385 = arith.constant 0 : i32
        %dma_start3A_386 = arith.constant 0 : i32
        %dma_start3A_387 = tpu.memref_slice %arg9[%dma_start3A_383, %dma_start3A_385, %dma_start3A_386] : memref<2x128x128xf32, #tpu.memory_space<vmem>> -> memref<1x128x128xf32, #tpu.memory_space<vmem>>
        %dma_start3A_388 = tpu.memref_squeeze %dma_start3A_387 : memref<1x128x128xf32, #tpu.memory_space<vmem>> -> memref<128x128xf32, #tpu.memory_space<vmem>>
        %dma_start3A_389 = arith.constant 0 : i32
        %dma_start3A_390 = tpu.memref_slice %arg8[%dma_start3A_384, %dma_start3A_389] : memref<8x128xi32, #tpu.memory_space<vmem>> -> memref<1x128xi32, #tpu.memory_space<vmem>>
        %dma_start3A_391 = tpu.memref_squeeze %dma_start3A_390 : memref<1x128xi32, #tpu.memory_space<vmem>> -> memref<128xi32, #tpu.memory_space<vmem>>
        %dma_start3A_392 = arith.constant 0 : i32
        %dma_start3A_393 = arith.constant 0 : i32
        %dma_start3A_394 = tpu.memref_slice %arg10[%dma_start3A_392, %dma_start3A_393] : memref<10112x128xf32, #tpu.memory_space<vmem_shared>> -> memref<10112x128xf32, #tpu.memory_space<vmem_shared>>
        tpu.enqueue_indirect_dma source(%dma_start3A_388 : memref<128x128xf32, #tpu.memory_space<vmem>>) target(%dma_start3A_394 : memref<10112x128xf32, #tpu.memory_space<vmem_shared>>) offsets(%dma_start3A_391 : memref<128xi32, #tpu.memory_space<vmem>>) semaphore(%arg14 : memref<!tpu.dma_semaphore, #tpu.memory_space<semaphore_mem>>) {add = true}
        %dma_wait3A_395 = arith.constant 1 : i32
        %dma_wait3A_396 = arith.constant 0 : i32
        %dma_wait3A_397 = arith.constant 0 : i32
        %dma_wait3A_398 = arith.constant 0 : i32
        %dma_wait3A_399 = tpu.memref_slice %arg9[%dma_wait3A_395, %dma_wait3A_397, %dma_wait3A_398] : memref<2x128x128xf32, #tpu.memory_space<vmem>> -> memref<1x128x128xf32, #tpu.memory_space<vmem>>
        %dma_wait3A_400 = tpu.memref_squeeze %dma_wait3A_399 : memref<1x128x128xf32, #tpu.memory_space<vmem>> -> memref<128x128xf32, #tpu.memory_space<vmem>>
        %dma_wait3A_401 = arith.constant 0 : i32
        %dma_wait3A_402 = tpu.memref_slice %arg8[%dma_wait3A_396, %dma_wait3A_401] : memref<8x128xi32, #tpu.memory_space<vmem>> -> memref<1x128xi32, #tpu.memory_space<vmem>>
        %dma_wait3A_403 = tpu.memref_squeeze %dma_wait3A_402 : memref<1x128xi32, #tpu.memory_space<vmem>> -> memref<128xi32, #tpu.memory_space<vmem>>
        %dma_wait3A_404 = arith.constant 0 : i32
        %dma_wait3A_405 = arith.constant 0 : i32
        %dma_wait3A_406 = tpu.memref_slice %arg10[%dma_wait3A_404, %dma_wait3A_405] : memref<10112x128xf32, #tpu.memory_space<vmem_shared>> -> memref<10112x128xf32, #tpu.memory_space<vmem_shared>>
        tpu.wait_indirect_dma semaphore(%arg14 : memref<!tpu.dma_semaphore, #tpu.memory_space<semaphore_mem>>) src(%dma_wait3A_400 : memref<128x128xf32, #tpu.memory_space<vmem>>) dst(%dma_wait3A_406 : memref<10112x128xf32, #tpu.memory_space<vmem_shared>>)
      }
      %scan3A_21 = arith.constant 19 : i32
    } else {
    }
    %eq3A_5 = arith.constant 1 : i32
    %eq3A_6 = arith.cmpi eq, %arg0, %eq3A_5 : i32
    %convert_element_type3A_7 = arith.extui %eq3A_6 : i1 to i32
    %cond3A_8 = arith.constant 0 : i32
    %cond3A_9 = arith.cmpi ne, %convert_element_type3A_7, %cond3A_8 : i32
    scf.if %cond3A_9 {
      %mul3A_15 = arith.constant 8 : i32
      %mul3A_16 = arith.muli %arg1, %mul3A_15 : i32
      %add3A = arith.constant 2432 : i32
      %add3A_17 = arith.addi %add3A, %mul3A_16 : i32
      %scan3A = arith.constant 0 : i32
      %scan3A_18 = arith.constant 0 : i32
      %mul3A_19 = arith.constant 8 : i32
      %mul3A_20 = arith.muli %scan3A_18, %mul3A_19 : i32
      %add3A_21 = arith.addi %add3A_17, %mul3A_20 : i32
      "tpu.region"() ({
        %run_scoped3A = tpu.sem_alloc : memref<!tpu.dma_semaphore, #tpu.memory_space<semaphore_mem>>
        %dma_start3A_405 = arith.constant 0 : i32
        %dma_start3A_406 = tpu.memref_slice %arg3[%add3A_21, %dma_start3A_405] : memref<2560x128xi32, #tpu.memory_space<hbm>> -> memref<8x128xi32, #tpu.memory_space<hbm>>
        %dma_start3A_407 = arith.constant 0 : i32
        %dma_start3A_408 = tpu.memref_slice %arg3[%add3A_21, %dma_start3A_407] : memref<2560x128xi32, #tpu.memory_space<hbm>> -> memref<8x128xi32, #tpu.memory_space<hbm>>
        tpu.enqueue_dma source(%dma_start3A_408 : memref<8x128xi32, #tpu.memory_space<hbm>>) target(%arg7 : memref<8x128xi32, #tpu.memory_space<vmem>>) target_semaphore(%run_scoped3A : memref<!tpu.dma_semaphore, #tpu.memory_space<semaphore_mem>>)
        %dma_wait3A_409 = arith.constant 0 : i32
        %dma_wait3A_410 = tpu.memref_slice %arg3[%add3A_21, %dma_wait3A_409] : memref<2560x128xi32, #tpu.memory_space<hbm>> -> memref<8x128xi32, #tpu.memory_space<hbm>>
        %dma_wait3A_411 = arith.constant 0 : i32
        %dma_wait3A_412 = tpu.memref_slice %arg3[%add3A_21, %dma_wait3A_411] : memref<2560x128xi32, #tpu.memory_space<hbm>> -> memref<8x128xi32, #tpu.memory_space<hbm>>
        tpu.wait_dma2 semaphore(%run_scoped3A : memref<!tpu.dma_semaphore, #tpu.memory_space<semaphore_mem>>) src(%dma_wait3A_412 : memref<8x128xi32, #tpu.memory_space<hbm>>) dst(%arg7 : memref<8x128xi32, #tpu.memory_space<vmem>>)
        tpu.yield
      }) : () -> ()
      "tpu.region"() ({
        %run_scoped3A = tpu.sem_alloc : memref<!tpu.dma_semaphore, #tpu.memory_space<semaphore_mem>>
        %dma_start3A_405 = arith.constant 0 : i32
        %dma_start3A_406 = tpu.memref_slice %arg4[%add3A_21, %dma_start3A_405] : memref<2560x128xi32, #tpu.memory_space<hbm>> -> memref<8x128xi32, #tpu.memory_space<hbm>>
        %dma_start3A_407 = arith.constant 0 : i32
        %dma_start3A_408 = tpu.memref_slice %arg4[%add3A_21, %dma_start3A_407] : memref<2560x128xi32, #tpu.memory_space<hbm>> -> memref<8x128xi32, #tpu.memory_space<hbm>>
        tpu.enqueue_dma source(%dma_start3A_408 : memref<8x128xi32, #tpu.memory_space<hbm>>) target(%arg8 : memref<8x128xi32, #tpu.memory_space<vmem>>) target_semaphore(%run_scoped3A : memref<!tpu.dma_semaphore, #tpu.memory_space<semaphore_mem>>)
        %dma_wait3A_409 = arith.constant 0 : i32
        %dma_wait3A_410 = tpu.memref_slice %arg4[%add3A_21, %dma_wait3A_409] : memref<2560x128xi32, #tpu.memory_space<hbm>> -> memref<8x128xi32, #tpu.memory_space<hbm>>
        %dma_wait3A_411 = arith.constant 0 : i32
        %dma_wait3A_412 = tpu.memref_slice %arg4[%add3A_21, %dma_wait3A_411] : memref<2560x128xi32, #tpu.memory_space<hbm>> -> memref<8x128xi32, #tpu.memory_space<hbm>>
        tpu.wait_dma2 semaphore(%run_scoped3A : memref<!tpu.dma_semaphore, #tpu.memory_space<semaphore_mem>>) src(%dma_wait3A_412 : memref<8x128xi32, #tpu.memory_space<hbm>>) dst(%arg8 : memref<8x128xi32, #tpu.memory_space<vmem>>)
        tpu.yield
      }) : () -> ()
      %dma_start3A = arith.constant 0 : i32
      %dma_start3A_22 = arith.constant 0 : i32
      %dma_start3A_23 = arith.constant 0 : i32
      %dma_start3A_24 = arith.constant 0 : i32
      %dma_start3A_25 = tpu.memref_slice %arg9[%dma_start3A_22, %dma_start3A_23, %dma_start3A_24] : memref<2x128x128xf32, #tpu.memory_space<vmem>> -> memref<1x128x128xf32, #tpu.memory_space<vmem>>
      %dma_start3A_26 = tpu.memref_squeeze %dma_start3A_25 : memref<1x128x128xf32, #tpu.memory_space<vmem>> -> memref<128x128xf32, #tpu.memory_space<vmem>>
      %dma_start3A_27 = arith.constant 0 : i32
      %dma_start3A_28 = tpu.memref_slice %arg7[%dma_start3A, %dma_start3A_27] : memref<8x128xi32, #tpu.memory_space<vmem>> -> memref<1x128xi32, #tpu.memory_space<vmem>>
      %dma_start3A_29 = tpu.memref_squeeze %dma_start3A_28 : memref<1x128xi32, #tpu.memory_space<vmem>> -> memref<128xi32, #tpu.memory_space<vmem>>
      %dma_start3A_30 = arith.constant 0 : i32
      %dma_start3A_31 = arith.constant 0 : i32
      %dma_start3A_32 = tpu.memref_slice %arg2[%dma_start3A_30, %dma_start3A_31] : memref<10000x128xf32, #tpu.memory_space<hbm>> -> memref<10000x128xf32, #tpu.memory_space<hbm>>
      tpu.enqueue_indirect_dma source(%dma_start3A_32 : memref<10000x128xf32, #tpu.memory_space<hbm>>) target(%dma_start3A_26 : memref<128x128xf32, #tpu.memory_space<vmem>>) offsets(%dma_start3A_29 : memref<128xi32, #tpu.memory_space<vmem>>) semaphore(%arg11 : memref<!tpu.dma_semaphore, #tpu.memory_space<semaphore_mem>>)
      %dma_start3A_33 = arith.constant 1 : i32
      %dma_start3A_34 = arith.constant 1 : i32
      %dma_start3A_35 = arith.constant 0 : i32
      %dma_start3A_36 = arith.constant 0 : i32
      %dma_start3A_37 = tpu.memref_slice %arg9[%dma_start3A_34, %dma_start3A_35, %dma_start3A_36] : memref<2x128x128xf32, #tpu.memory_space<vmem>> -> memref<1x128x128xf32, #tpu.memory_space<vmem>>
      %dma_start3A_38 = tpu.memref_squeeze %dma_start3A_37 : memref<1x128x128xf32, #tpu.memory_space<vmem>> -> memref<128x128xf32, #tpu.memory_space<vmem>>
      %dma_start3A_39 = arith.constant 0 : i32
      %dma_start3A_40 = tpu.memref_slice %arg7[%dma_start3A_33, %dma_start3A_39] : memref<8x128xi32, #tpu.memory_space<vmem>> -> memref<1x128xi32, #tpu.memory_space<vmem>>
      %dma_start3A_41 = tpu.memref_squeeze %dma_start3A_40 : memref<1x128xi32, #tpu.memory_space<vmem>> -> memref<128xi32, #tpu.memory_space<vmem>>
      %dma_start3A_42 = arith.constant 0 : i32
      %dma_start3A_43 = arith.constant 0 : i32
      %dma_start3A_44 = tpu.memref_slice %arg2[%dma_start3A_42, %dma_start3A_43] : memref<10000x128xf32, #tpu.memory_space<hbm>> -> memref<10000x128xf32, #tpu.memory_space<hbm>>
      tpu.enqueue_indirect_dma source(%dma_start3A_44 : memref<10000x128xf32, #tpu.memory_space<hbm>>) target(%dma_start3A_38 : memref<128x128xf32, #tpu.memory_space<vmem>>) offsets(%dma_start3A_41 : memref<128xi32, #tpu.memory_space<vmem>>) semaphore(%arg12 : memref<!tpu.dma_semaphore, #tpu.memory_space<semaphore_mem>>)
      %dma_wait3A = arith.constant 0 : i32
      %dma_wait3A_45 = arith.constant 0 : i32
      %dma_wait3A_46 = arith.constant 0 : i32
      %dma_wait3A_47 = arith.constant 0 : i32
      %dma_wait3A_48 = tpu.memref_slice %arg9[%dma_wait3A_45, %dma_wait3A_46, %dma_wait3A_47] : memref<2x128x128xf32, #tpu.memory_space<vmem>> -> memref<1x128x128xf32, #tpu.memory_space<vmem>>
      %dma_wait3A_49 = tpu.memref_squeeze %dma_wait3A_48 : memref<1x128x128xf32, #tpu.memory_space<vmem>> -> memref<128x128xf32, #tpu.memory_space<vmem>>
      %dma_wait3A_50 = arith.constant 0 : i32
      %dma_wait3A_51 = tpu.memref_slice %arg7[%dma_wait3A, %dma_wait3A_50] : memref<8x128xi32, #tpu.memory_space<vmem>> -> memref<1x128xi32, #tpu.memory_space<vmem>>
      %dma_wait3A_52 = tpu.memref_squeeze %dma_wait3A_51 : memref<1x128xi32, #tpu.memory_space<vmem>> -> memref<128xi32, #tpu.memory_space<vmem>>
      %dma_wait3A_53 = arith.constant 0 : i32
      %dma_wait3A_54 = arith.constant 0 : i32
      %dma_wait3A_55 = tpu.memref_slice %arg2[%dma_wait3A_53, %dma_wait3A_54] : memref<10000x128xf32, #tpu.memory_space<hbm>> -> memref<10000x128xf32, #tpu.memory_space<hbm>>
      tpu.wait_indirect_dma semaphore(%arg11 : memref<!tpu.dma_semaphore, #tpu.memory_space<semaphore_mem>>) src(%dma_wait3A_55 : memref<10000x128xf32, #tpu.memory_space<hbm>>) dst(%dma_wait3A_49 : memref<128x128xf32, #tpu.memory_space<vmem>>)
      %dma_start3A_56 = arith.constant 0 : i32
      %dma_start3A_57 = arith.constant 0 : i32
      %dma_start3A_58 = arith.constant 0 : i32
      %dma_start3A_59 = arith.constant 0 : i32
      %dma_start3A_60 = tpu.memref_slice %arg9[%dma_start3A_56, %dma_start3A_58, %dma_start3A_59] : memref<2x128x128xf32, #tpu.memory_space<vmem>> -> memref<1x128x128xf32, #tpu.memory_space<vmem>>
      %dma_start3A_61 = tpu.memref_squeeze %dma_start3A_60 : memref<1x128x128xf32, #tpu.memory_space<vmem>> -> memref<128x128xf32, #tpu.memory_space<vmem>>
      %dma_start3A_62 = arith.constant 0 : i32
      %dma_start3A_63 = tpu.memref_slice %arg8[%dma_start3A_57, %dma_start3A_62] : memref<8x128xi32, #tpu.memory_space<vmem>> -> memref<1x128xi32, #tpu.memory_space<vmem>>
      %dma_start3A_64 = tpu.memref_squeeze %dma_start3A_63 : memref<1x128xi32, #tpu.memory_space<vmem>> -> memref<128xi32, #tpu.memory_space<vmem>>
      %dma_start3A_65 = arith.constant 0 : i32
      %dma_start3A_66 = arith.constant 0 : i32
      %dma_start3A_67 = tpu.memref_slice %arg10[%dma_start3A_65, %dma_start3A_66] : memref<10112x128xf32, #tpu.memory_space<vmem_shared>> -> memref<10112x128xf32, #tpu.memory_space<vmem_shared>>
      tpu.enqueue_indirect_dma source(%dma_start3A_61 : memref<128x128xf32, #tpu.memory_space<vmem>>) target(%dma_start3A_67 : memref<10112x128xf32, #tpu.memory_space<vmem_shared>>) offsets(%dma_start3A_64 : memref<128xi32, #tpu.memory_space<vmem>>) semaphore(%arg13 : memref<!tpu.dma_semaphore, #tpu.memory_space<semaphore_mem>>) {add = true}
      %dma_wait3A_68 = arith.constant 0 : i32
      %dma_wait3A_69 = arith.constant 0 : i32
      %dma_wait3A_70 = arith.constant 0 : i32
      %dma_wait3A_71 = arith.constant 0 : i32
      %dma_wait3A_72 = tpu.memref_slice %arg9[%dma_wait3A_68, %dma_wait3A_70, %dma_wait3A_71] : memref<2x128x128xf32, #tpu.memory_space<vmem>> -> memref<1x128x128xf32, #tpu.memory_space<vmem>>
      %dma_wait3A_73 = tpu.memref_squeeze %dma_wait3A_72 : memref<1x128x128xf32, #tpu.memory_space<vmem>> -> memref<128x128xf32, #tpu.memory_space<vmem>>
      %dma_wait3A_74 = arith.constant 0 : i32
      %dma_wait3A_75 = tpu.memref_slice %arg8[%dma_wait3A_69, %dma_wait3A_74] : memref<8x128xi32, #tpu.memory_space<vmem>> -> memref<1x128xi32, #tpu.memory_space<vmem>>
      %dma_wait3A_76 = tpu.memref_squeeze %dma_wait3A_75 : memref<1x128xi32, #tpu.memory_space<vmem>> -> memref<128xi32, #tpu.memory_space<vmem>>
      %dma_wait3A_77 = arith.constant 0 : i32
      %dma_wait3A_78 = arith.constant 0 : i32
      %dma_wait3A_79 = tpu.memref_slice %arg10[%dma_wait3A_77, %dma_wait3A_78] : memref<10112x128xf32, #tpu.memory_space<vmem_shared>> -> memref<10112x128xf32, #tpu.memory_space<vmem_shared>>
      tpu.wait_indirect_dma semaphore(%arg13 : memref<!tpu.dma_semaphore, #tpu.memory_space<semaphore_mem>>) src(%dma_wait3A_73 : memref<128x128xf32, #tpu.memory_space<vmem>>) dst(%dma_wait3A_79 : memref<10112x128xf32, #tpu.memory_space<vmem_shared>>)
      %dma_start3A_80 = arith.constant 2 : i32
      %dma_start3A_81 = arith.constant 0 : i32
      %dma_start3A_82 = arith.constant 0 : i32
      %dma_start3A_83 = arith.constant 0 : i32
      %dma_start3A_84 = tpu.memref_slice %arg9[%dma_start3A_81, %dma_start3A_82, %dma_start3A_83] : memref<2x128x128xf32, #tpu.memory_space<vmem>> -> memref<1x128x128xf32, #tpu.memory_space<vmem>>
      %dma_start3A_85 = tpu.memref_squeeze %dma_start3A_84 : memref<1x128x128xf32, #tpu.memory_space<vmem>> -> memref<128x128xf32, #tpu.memory_space<vmem>>
      %dma_start3A_86 = arith.constant 0 : i32
      %dma_start3A_87 = tpu.memref_slice %arg7[%dma_start3A_80, %dma_start3A_86] : memref<8x128xi32, #tpu.memory_space<vmem>> -> memref<1x128xi32, #tpu.memory_space<vmem>>
      %dma_start3A_88 = tpu.memref_squeeze %dma_start3A_87 : memref<1x128xi32, #tpu.memory_space<vmem>> -> memref<128xi32, #tpu.memory_space<vmem>>
      %dma_start3A_89 = arith.constant 0 : i32
      %dma_start3A_90 = arith.constant 0 : i32
      %dma_start3A_91 = tpu.memref_slice %arg2[%dma_start3A_89, %dma_start3A_90] : memref<10000x128xf32, #tpu.memory_space<hbm>> -> memref<10000x128xf32, #tpu.memory_space<hbm>>
      tpu.enqueue_indirect_dma source(%dma_start3A_91 : memref<10000x128xf32, #tpu.memory_space<hbm>>) target(%dma_start3A_85 : memref<128x128xf32, #tpu.memory_space<vmem>>) offsets(%dma_start3A_88 : memref<128xi32, #tpu.memory_space<vmem>>) semaphore(%arg11 : memref<!tpu.dma_semaphore, #tpu.memory_space<semaphore_mem>>)
      %dma_wait3A_92 = arith.constant 0 : i32
      %dma_wait3A_93 = arith.constant 1 : i32
      %dma_wait3A_94 = arith.constant 0 : i32
      %dma_wait3A_95 = arith.constant 0 : i32
      %dma_wait3A_96 = tpu.memref_slice %arg9[%dma_wait3A_93, %dma_wait3A_94, %dma_wait3A_95] : memref<2x128x128xf32, #tpu.memory_space<vmem>> -> memref<1x128x128xf32, #tpu.memory_space<vmem>>
      %dma_wait3A_97 = tpu.memref_squeeze %dma_wait3A_96 : memref<1x128x128xf32, #tpu.memory_space<vmem>> -> memref<128x128xf32, #tpu.memory_space<vmem>>
      %dma_wait3A_98 = arith.constant 0 : i32
      %dma_wait3A_99 = tpu.memref_slice %arg7[%dma_wait3A_92, %dma_wait3A_98] : memref<8x128xi32, #tpu.memory_space<vmem>> -> memref<1x128xi32, #tpu.memory_space<vmem>>
      %dma_wait3A_100 = tpu.memref_squeeze %dma_wait3A_99 : memref<1x128xi32, #tpu.memory_space<vmem>> -> memref<128xi32, #tpu.memory_space<vmem>>
      %dma_wait3A_101 = arith.constant 0 : i32
      %dma_wait3A_102 = arith.constant 0 : i32
      %dma_wait3A_103 = tpu.memref_slice %arg2[%dma_wait3A_101, %dma_wait3A_102] : memref<10000x128xf32, #tpu.memory_space<hbm>> -> memref<10000x128xf32, #tpu.memory_space<hbm>>
      tpu.wait_indirect_dma semaphore(%arg12 : memref<!tpu.dma_semaphore, #tpu.memory_space<semaphore_mem>>) src(%dma_wait3A_103 : memref<10000x128xf32, #tpu.memory_space<hbm>>) dst(%dma_wait3A_97 : memref<128x128xf32, #tpu.memory_space<vmem>>)
      %dma_start3A_104 = arith.constant 1 : i32
      %dma_start3A_105 = arith.constant 1 : i32
      %dma_start3A_106 = arith.constant 0 : i32
      %dma_start3A_107 = arith.constant 0 : i32
      %dma_start3A_108 = tpu.memref_slice %arg9[%dma_start3A_104, %dma_start3A_106, %dma_start3A_107] : memref<2x128x128xf32, #tpu.memory_space<vmem>> -> memref<1x128x128xf32, #tpu.memory_space<vmem>>
      %dma_start3A_109 = tpu.memref_squeeze %dma_start3A_108 : memref<1x128x128xf32, #tpu.memory_space<vmem>> -> memref<128x128xf32, #tpu.memory_space<vmem>>
      %dma_start3A_110 = arith.constant 0 : i32
      %dma_start3A_111 = tpu.memref_slice %arg8[%dma_start3A_105, %dma_start3A_110] : memref<8x128xi32, #tpu.memory_space<vmem>> -> memref<1x128xi32, #tpu.memory_space<vmem>>
      %dma_start3A_112 = tpu.memref_squeeze %dma_start3A_111 : memref<1x128xi32, #tpu.memory_space<vmem>> -> memref<128xi32, #tpu.memory_space<vmem>>
      %dma_start3A_113 = arith.constant 0 : i32
      %dma_start3A_114 = arith.constant 0 : i32
      %dma_start3A_115 = tpu.memref_slice %arg10[%dma_start3A_113, %dma_start3A_114] : memref<10112x128xf32, #tpu.memory_space<vmem_shared>> -> memref<10112x128xf32, #tpu.memory_space<vmem_shared>>
      tpu.enqueue_indirect_dma source(%dma_start3A_109 : memref<128x128xf32, #tpu.memory_space<vmem>>) target(%dma_start3A_115 : memref<10112x128xf32, #tpu.memory_space<vmem_shared>>) offsets(%dma_start3A_112 : memref<128xi32, #tpu.memory_space<vmem>>) semaphore(%arg14 : memref<!tpu.dma_semaphore, #tpu.memory_space<semaphore_mem>>) {add = true}
      %dma_wait3A_116 = arith.constant 1 : i32
      %dma_wait3A_117 = arith.constant 0 : i32
      %dma_wait3A_118 = arith.constant 0 : i32
      %dma_wait3A_119 = arith.constant 0 : i32
      %dma_wait3A_120 = tpu.memref_slice %arg9[%dma_wait3A_116, %dma_wait3A_118, %dma_wait3A_119] : memref<2x128x128xf32, #tpu.memory_space<vmem>> -> memref<1x128x128xf32, #tpu.memory_space<vmem>>
      %dma_wait3A_121 = tpu.memref_squeeze %dma_wait3A_120 : memref<1x128x128xf32, #tpu.memory_space<vmem>> -> memref<128x128xf32, #tpu.memory_space<vmem>>
      %dma_wait3A_122 = arith.constant 0 : i32
      %dma_wait3A_123 = tpu.memref_slice %arg8[%dma_wait3A_117, %dma_wait3A_122] : memref<8x128xi32, #tpu.memory_space<vmem>> -> memref<1x128xi32, #tpu.memory_space<vmem>>
      %dma_wait3A_124 = tpu.memref_squeeze %dma_wait3A_123 : memref<1x128xi32, #tpu.memory_space<vmem>> -> memref<128xi32, #tpu.memory_space<vmem>>
      %dma_wait3A_125 = arith.constant 0 : i32
      %dma_wait3A_126 = arith.constant 0 : i32
      %dma_wait3A_127 = tpu.memref_slice %arg10[%dma_wait3A_125, %dma_wait3A_126] : memref<10112x128xf32, #tpu.memory_space<vmem_shared>> -> memref<10112x128xf32, #tpu.memory_space<vmem_shared>>
      tpu.wait_indirect_dma semaphore(%arg14 : memref<!tpu.dma_semaphore, #tpu.memory_space<semaphore_mem>>) src(%dma_wait3A_121 : memref<128x128xf32, #tpu.memory_space<vmem>>) dst(%dma_wait3A_127 : memref<10112x128xf32, #tpu.memory_space<vmem_shared>>)
      %dma_start3A_128 = arith.constant 3 : i32
      %dma_start3A_129 = arith.constant 1 : i32
      %dma_start3A_130 = arith.constant 0 : i32
      %dma_start3A_131 = arith.constant 0 : i32
      %dma_start3A_132 = tpu.memref_slice %arg9[%dma_start3A_129, %dma_start3A_130, %dma_start3A_131] : memref<2x128x128xf32, #tpu.memory_space<vmem>> -> memref<1x128x128xf32, #tpu.memory_space<vmem>>
      %dma_start3A_133 = tpu.memref_squeeze %dma_start3A_132 : memref<1x128x128xf32, #tpu.memory_space<vmem>> -> memref<128x128xf32, #tpu.memory_space<vmem>>
      %dma_start3A_134 = arith.constant 0 : i32
      %dma_start3A_135 = tpu.memref_slice %arg7[%dma_start3A_128, %dma_start3A_134] : memref<8x128xi32, #tpu.memory_space<vmem>> -> memref<1x128xi32, #tpu.memory_space<vmem>>
      %dma_start3A_136 = tpu.memref_squeeze %dma_start3A_135 : memref<1x128xi32, #tpu.memory_space<vmem>> -> memref<128xi32, #tpu.memory_space<vmem>>
      %dma_start3A_137 = arith.constant 0 : i32
      %dma_start3A_138 = arith.constant 0 : i32
      %dma_start3A_139 = tpu.memref_slice %arg2[%dma_start3A_137, %dma_start3A_138] : memref<10000x128xf32, #tpu.memory_space<hbm>> -> memref<10000x128xf32, #tpu.memory_space<hbm>>
      tpu.enqueue_indirect_dma source(%dma_start3A_139 : memref<10000x128xf32, #tpu.memory_space<hbm>>) target(%dma_start3A_133 : memref<128x128xf32, #tpu.memory_space<vmem>>) offsets(%dma_start3A_136 : memref<128xi32, #tpu.memory_space<vmem>>) semaphore(%arg12 : memref<!tpu.dma_semaphore, #tpu.memory_space<semaphore_mem>>)
      %dma_wait3A_140 = arith.constant 0 : i32
      %dma_wait3A_141 = arith.constant 0 : i32
      %dma_wait3A_142 = arith.constant 0 : i32
      %dma_wait3A_143 = arith.constant 0 : i32
      %dma_wait3A_144 = tpu.memref_slice %arg9[%dma_wait3A_141, %dma_wait3A_142, %dma_wait3A_143] : memref<2x128x128xf32, #tpu.memory_space<vmem>> -> memref<1x128x128xf32, #tpu.memory_space<vmem>>
      %dma_wait3A_145 = tpu.memref_squeeze %dma_wait3A_144 : memref<1x128x128xf32, #tpu.memory_space<vmem>> -> memref<128x128xf32, #tpu.memory_space<vmem>>
      %dma_wait3A_146 = arith.constant 0 : i32
      %dma_wait3A_147 = tpu.memref_slice %arg7[%dma_wait3A_140, %dma_wait3A_146] : memref<8x128xi32, #tpu.memory_space<vmem>> -> memref<1x128xi32, #tpu.memory_space<vmem>>
      %dma_wait3A_148 = tpu.memref_squeeze %dma_wait3A_147 : memref<1x128xi32, #tpu.memory_space<vmem>> -> memref<128xi32, #tpu.memory_space<vmem>>
      %dma_wait3A_149 = arith.constant 0 : i32
      %dma_wait3A_150 = arith.constant 0 : i32
      %dma_wait3A_151 = tpu.memref_slice %arg2[%dma_wait3A_149, %dma_wait3A_150] : memref<10000x128xf32, #tpu.memory_space<hbm>> -> memref<10000x128xf32, #tpu.memory_space<hbm>>
      tpu.wait_indirect_dma semaphore(%arg11 : memref<!tpu.dma_semaphore, #tpu.memory_space<semaphore_mem>>) src(%dma_wait3A_151 : memref<10000x128xf32, #tpu.memory_space<hbm>>) dst(%dma_wait3A_145 : memref<128x128xf32, #tpu.memory_space<vmem>>)
      %dma_start3A_152 = arith.constant 0 : i32
      %dma_start3A_153 = arith.constant 2 : i32
      %dma_start3A_154 = arith.constant 0 : i32
      %dma_start3A_155 = arith.constant 0 : i32
      %dma_start3A_156 = tpu.memref_slice %arg9[%dma_start3A_152, %dma_start3A_154, %dma_start3A_155] : memref<2x128x128xf32, #tpu.memory_space<vmem>> -> memref<1x128x128xf32, #tpu.memory_space<vmem>>
      %dma_start3A_157 = tpu.memref_squeeze %dma_start3A_156 : memref<1x128x128xf32, #tpu.memory_space<vmem>> -> memref<128x128xf32, #tpu.memory_space<vmem>>
      %dma_start3A_158 = arith.constant 0 : i32
      %dma_start3A_159 = tpu.memref_slice %arg8[%dma_start3A_153, %dma_start3A_158] : memref<8x128xi32, #tpu.memory_space<vmem>> -> memref<1x128xi32, #tpu.memory_space<vmem>>
      %dma_start3A_160 = tpu.memref_squeeze %dma_start3A_159 : memref<1x128xi32, #tpu.memory_space<vmem>> -> memref<128xi32, #tpu.memory_space<vmem>>
      %dma_start3A_161 = arith.constant 0 : i32
      %dma_start3A_162 = arith.constant 0 : i32
      %dma_start3A_163 = tpu.memref_slice %arg10[%dma_start3A_161, %dma_start3A_162] : memref<10112x128xf32, #tpu.memory_space<vmem_shared>> -> memref<10112x128xf32, #tpu.memory_space<vmem_shared>>
      tpu.enqueue_indirect_dma source(%dma_start3A_157 : memref<128x128xf32, #tpu.memory_space<vmem>>) target(%dma_start3A_163 : memref<10112x128xf32, #tpu.memory_space<vmem_shared>>) offsets(%dma_start3A_160 : memref<128xi32, #tpu.memory_space<vmem>>) semaphore(%arg13 : memref<!tpu.dma_semaphore, #tpu.memory_space<semaphore_mem>>) {add = true}
      %dma_wait3A_164 = arith.constant 0 : i32
      %dma_wait3A_165 = arith.constant 0 : i32
      %dma_wait3A_166 = arith.constant 0 : i32
      %dma_wait3A_167 = arith.constant 0 : i32
      %dma_wait3A_168 = tpu.memref_slice %arg9[%dma_wait3A_164, %dma_wait3A_166, %dma_wait3A_167] : memref<2x128x128xf32, #tpu.memory_space<vmem>> -> memref<1x128x128xf32, #tpu.memory_space<vmem>>
      %dma_wait3A_169 = tpu.memref_squeeze %dma_wait3A_168 : memref<1x128x128xf32, #tpu.memory_space<vmem>> -> memref<128x128xf32, #tpu.memory_space<vmem>>
      %dma_wait3A_170 = arith.constant 0 : i32
      %dma_wait3A_171 = tpu.memref_slice %arg8[%dma_wait3A_165, %dma_wait3A_170] : memref<8x128xi32, #tpu.memory_space<vmem>> -> memref<1x128xi32, #tpu.memory_space<vmem>>
      %dma_wait3A_172 = tpu.memref_squeeze %dma_wait3A_171 : memref<1x128xi32, #tpu.memory_space<vmem>> -> memref<128xi32, #tpu.memory_space<vmem>>
      %dma_wait3A_173 = arith.constant 0 : i32
      %dma_wait3A_174 = arith.constant 0 : i32
      %dma_wait3A_175 = tpu.memref_slice %arg10[%dma_wait3A_173, %dma_wait3A_174] : memref<10112x128xf32, #tpu.memory_space<vmem_shared>> -> memref<10112x128xf32, #tpu.memory_space<vmem_shared>>
      tpu.wait_indirect_dma semaphore(%arg13 : memref<!tpu.dma_semaphore, #tpu.memory_space<semaphore_mem>>) src(%dma_wait3A_169 : memref<128x128xf32, #tpu.memory_space<vmem>>) dst(%dma_wait3A_175 : memref<10112x128xf32, #tpu.memory_space<vmem_shared>>)
      %dma_start3A_176 = arith.constant 4 : i32
      %dma_start3A_177 = arith.constant 0 : i32
      %dma_start3A_178 = arith.constant 0 : i32
      %dma_start3A_179 = arith.constant 0 : i32
      %dma_start3A_180 = tpu.memref_slice %arg9[%dma_start3A_177, %dma_start3A_178, %dma_start3A_179] : memref<2x128x128xf32, #tpu.memory_space<vmem>> -> memref<1x128x128xf32, #tpu.memory_space<vmem>>
      %dma_start3A_181 = tpu.memref_squeeze %dma_start3A_180 : memref<1x128x128xf32, #tpu.memory_space<vmem>> -> memref<128x128xf32, #tpu.memory_space<vmem>>
      %dma_start3A_182 = arith.constant 0 : i32
      %dma_start3A_183 = tpu.memref_slice %arg7[%dma_start3A_176, %dma_start3A_182] : memref<8x128xi32, #tpu.memory_space<vmem>> -> memref<1x128xi32, #tpu.memory_space<vmem>>
      %dma_start3A_184 = tpu.memref_squeeze %dma_start3A_183 : memref<1x128xi32, #tpu.memory_space<vmem>> -> memref<128xi32, #tpu.memory_space<vmem>>
      %dma_start3A_185 = arith.constant 0 : i32
      %dma_start3A_186 = arith.constant 0 : i32
      %dma_start3A_187 = tpu.memref_slice %arg2[%dma_start3A_185, %dma_start3A_186] : memref<10000x128xf32, #tpu.memory_space<hbm>> -> memref<10000x128xf32, #tpu.memory_space<hbm>>
      tpu.enqueue_indirect_dma source(%dma_start3A_187 : memref<10000x128xf32, #tpu.memory_space<hbm>>) target(%dma_start3A_181 : memref<128x128xf32, #tpu.memory_space<vmem>>) offsets(%dma_start3A_184 : memref<128xi32, #tpu.memory_space<vmem>>) semaphore(%arg11 : memref<!tpu.dma_semaphore, #tpu.memory_space<semaphore_mem>>)
      %dma_wait3A_188 = arith.constant 0 : i32
      %dma_wait3A_189 = arith.constant 1 : i32
      %dma_wait3A_190 = arith.constant 0 : i32
      %dma_wait3A_191 = arith.constant 0 : i32
      %dma_wait3A_192 = tpu.memref_slice %arg9[%dma_wait3A_189, %dma_wait3A_190, %dma_wait3A_191] : memref<2x128x128xf32, #tpu.memory_space<vmem>> -> memref<1x128x128xf32, #tpu.memory_space<vmem>>
      %dma_wait3A_193 = tpu.memref_squeeze %dma_wait3A_192 : memref<1x128x128xf32, #tpu.memory_space<vmem>> -> memref<128x128xf32, #tpu.memory_space<vmem>>
      %dma_wait3A_194 = arith.constant 0 : i32
      %dma_wait3A_195 = tpu.memref_slice %arg7[%dma_wait3A_188, %dma_wait3A_194] : memref<8x128xi32, #tpu.memory_space<vmem>> -> memref<1x128xi32, #tpu.memory_space<vmem>>
      %dma_wait3A_196 = tpu.memref_squeeze %dma_wait3A_195 : memref<1x128xi32, #tpu.memory_space<vmem>> -> memref<128xi32, #tpu.memory_space<vmem>>
      %dma_wait3A_197 = arith.constant 0 : i32
      %dma_wait3A_198 = arith.constant 0 : i32
      %dma_wait3A_199 = tpu.memref_slice %arg2[%dma_wait3A_197, %dma_wait3A_198] : memref<10000x128xf32, #tpu.memory_space<hbm>> -> memref<10000x128xf32, #tpu.memory_space<hbm>>
      tpu.wait_indirect_dma semaphore(%arg12 : memref<!tpu.dma_semaphore, #tpu.memory_space<semaphore_mem>>) src(%dma_wait3A_199 : memref<10000x128xf32, #tpu.memory_space<hbm>>) dst(%dma_wait3A_193 : memref<128x128xf32, #tpu.memory_space<vmem>>)
      %dma_start3A_200 = arith.constant 1 : i32
      %dma_start3A_201 = arith.constant 3 : i32
      %dma_start3A_202 = arith.constant 0 : i32
      %dma_start3A_203 = arith.constant 0 : i32
      %dma_start3A_204 = tpu.memref_slice %arg9[%dma_start3A_200, %dma_start3A_202, %dma_start3A_203] : memref<2x128x128xf32, #tpu.memory_space<vmem>> -> memref<1x128x128xf32, #tpu.memory_space<vmem>>
      %dma_start3A_205 = tpu.memref_squeeze %dma_start3A_204 : memref<1x128x128xf32, #tpu.memory_space<vmem>> -> memref<128x128xf32, #tpu.memory_space<vmem>>
      %dma_start3A_206 = arith.constant 0 : i32
      %dma_start3A_207 = tpu.memref_slice %arg8[%dma_start3A_201, %dma_start3A_206] : memref<8x128xi32, #tpu.memory_space<vmem>> -> memref<1x128xi32, #tpu.memory_space<vmem>>
      %dma_start3A_208 = tpu.memref_squeeze %dma_start3A_207 : memref<1x128xi32, #tpu.memory_space<vmem>> -> memref<128xi32, #tpu.memory_space<vmem>>
      %dma_start3A_209 = arith.constant 0 : i32
      %dma_start3A_210 = arith.constant 0 : i32
      %dma_start3A_211 = tpu.memref_slice %arg10[%dma_start3A_209, %dma_start3A_210] : memref<10112x128xf32, #tpu.memory_space<vmem_shared>> -> memref<10112x128xf32, #tpu.memory_space<vmem_shared>>
      tpu.enqueue_indirect_dma source(%dma_start3A_205 : memref<128x128xf32, #tpu.memory_space<vmem>>) target(%dma_start3A_211 : memref<10112x128xf32, #tpu.memory_space<vmem_shared>>) offsets(%dma_start3A_208 : memref<128xi32, #tpu.memory_space<vmem>>) semaphore(%arg14 : memref<!tpu.dma_semaphore, #tpu.memory_space<semaphore_mem>>) {add = true}
      %dma_wait3A_212 = arith.constant 1 : i32
      %dma_wait3A_213 = arith.constant 0 : i32
      %dma_wait3A_214 = arith.constant 0 : i32
      %dma_wait3A_215 = arith.constant 0 : i32
      %dma_wait3A_216 = tpu.memref_slice %arg9[%dma_wait3A_212, %dma_wait3A_214, %dma_wait3A_215] : memref<2x128x128xf32, #tpu.memory_space<vmem>> -> memref<1x128x128xf32, #tpu.memory_space<vmem>>
      %dma_wait3A_217 = tpu.memref_squeeze %dma_wait3A_216 : memref<1x128x128xf32, #tpu.memory_space<vmem>> -> memref<128x128xf32, #tpu.memory_space<vmem>>
      %dma_wait3A_218 = arith.constant 0 : i32
      %dma_wait3A_219 = tpu.memref_slice %arg8[%dma_wait3A_213, %dma_wait3A_218] : memref<8x128xi32, #tpu.memory_space<vmem>> -> memref<1x128xi32, #tpu.memory_space<vmem>>
      %dma_wait3A_220 = tpu.memref_squeeze %dma_wait3A_219 : memref<1x128xi32, #tpu.memory_space<vmem>> -> memref<128xi32, #tpu.memory_space<vmem>>
      %dma_wait3A_221 = arith.constant 0 : i32
      %dma_wait3A_222 = arith.constant 0 : i32
      %dma_wait3A_223 = tpu.memref_slice %arg10[%dma_wait3A_221, %dma_wait3A_222] : memref<10112x128xf32, #tpu.memory_space<vmem_shared>> -> memref<10112x128xf32, #tpu.memory_space<vmem_shared>>
      tpu.wait_indirect_dma semaphore(%arg14 : memref<!tpu.dma_semaphore, #tpu.memory_space<semaphore_mem>>) src(%dma_wait3A_217 : memref<128x128xf32, #tpu.memory_space<vmem>>) dst(%dma_wait3A_223 : memref<10112x128xf32, #tpu.memory_space<vmem_shared>>)
      %dma_start3A_224 = arith.constant 5 : i32
      %dma_start3A_225 = arith.constant 1 : i32
      %dma_start3A_226 = arith.constant 0 : i32
      %dma_start3A_227 = arith.constant 0 : i32
      %dma_start3A_228 = tpu.memref_slice %arg9[%dma_start3A_225, %dma_start3A_226, %dma_start3A_227] : memref<2x128x128xf32, #tpu.memory_space<vmem>> -> memref<1x128x128xf32, #tpu.memory_space<vmem>>
      %dma_start3A_229 = tpu.memref_squeeze %dma_start3A_228 : memref<1x128x128xf32, #tpu.memory_space<vmem>> -> memref<128x128xf32, #tpu.memory_space<vmem>>
      %dma_start3A_230 = arith.constant 0 : i32
      %dma_start3A_231 = tpu.memref_slice %arg7[%dma_start3A_224, %dma_start3A_230] : memref<8x128xi32, #tpu.memory_space<vmem>> -> memref<1x128xi32, #tpu.memory_space<vmem>>
      %dma_start3A_232 = tpu.memref_squeeze %dma_start3A_231 : memref<1x128xi32, #tpu.memory_space<vmem>> -> memref<128xi32, #tpu.memory_space<vmem>>
      %dma_start3A_233 = arith.constant 0 : i32
      %dma_start3A_234 = arith.constant 0 : i32
      %dma_start3A_235 = tpu.memref_slice %arg2[%dma_start3A_233, %dma_start3A_234] : memref<10000x128xf32, #tpu.memory_space<hbm>> -> memref<10000x128xf32, #tpu.memory_space<hbm>>
      tpu.enqueue_indirect_dma source(%dma_start3A_235 : memref<10000x128xf32, #tpu.memory_space<hbm>>) target(%dma_start3A_229 : memref<128x128xf32, #tpu.memory_space<vmem>>) offsets(%dma_start3A_232 : memref<128xi32, #tpu.memory_space<vmem>>) semaphore(%arg12 : memref<!tpu.dma_semaphore, #tpu.memory_space<semaphore_mem>>)
      %dma_wait3A_236 = arith.constant 0 : i32
      %dma_wait3A_237 = arith.constant 0 : i32
      %dma_wait3A_238 = arith.constant 0 : i32
      %dma_wait3A_239 = arith.constant 0 : i32
      %dma_wait3A_240 = tpu.memref_slice %arg9[%dma_wait3A_237, %dma_wait3A_238, %dma_wait3A_239] : memref<2x128x128xf32, #tpu.memory_space<vmem>> -> memref<1x128x128xf32, #tpu.memory_space<vmem>>
      %dma_wait3A_241 = tpu.memref_squeeze %dma_wait3A_240 : memref<1x128x128xf32, #tpu.memory_space<vmem>> -> memref<128x128xf32, #tpu.memory_space<vmem>>
      %dma_wait3A_242 = arith.constant 0 : i32
      %dma_wait3A_243 = tpu.memref_slice %arg7[%dma_wait3A_236, %dma_wait3A_242] : memref<8x128xi32, #tpu.memory_space<vmem>> -> memref<1x128xi32, #tpu.memory_space<vmem>>
      %dma_wait3A_244 = tpu.memref_squeeze %dma_wait3A_243 : memref<1x128xi32, #tpu.memory_space<vmem>> -> memref<128xi32, #tpu.memory_space<vmem>>
      %dma_wait3A_245 = arith.constant 0 : i32
      %dma_wait3A_246 = arith.constant 0 : i32
      %dma_wait3A_247 = tpu.memref_slice %arg2[%dma_wait3A_245, %dma_wait3A_246] : memref<10000x128xf32, #tpu.memory_space<hbm>> -> memref<10000x128xf32, #tpu.memory_space<hbm>>
      tpu.wait_indirect_dma semaphore(%arg11 : memref<!tpu.dma_semaphore, #tpu.memory_space<semaphore_mem>>) src(%dma_wait3A_247 : memref<10000x128xf32, #tpu.memory_space<hbm>>) dst(%dma_wait3A_241 : memref<128x128xf32, #tpu.memory_space<vmem>>)
      %dma_start3A_248 = arith.constant 0 : i32
      %dma_start3A_249 = arith.constant 4 : i32
      %dma_start3A_250 = arith.constant 0 : i32
      %dma_start3A_251 = arith.constant 0 : i32
      %dma_start3A_252 = tpu.memref_slice %arg9[%dma_start3A_248, %dma_start3A_250, %dma_start3A_251] : memref<2x128x128xf32, #tpu.memory_space<vmem>> -> memref<1x128x128xf32, #tpu.memory_space<vmem>>
      %dma_start3A_253 = tpu.memref_squeeze %dma_start3A_252 : memref<1x128x128xf32, #tpu.memory_space<vmem>> -> memref<128x128xf32, #tpu.memory_space<vmem>>
      %dma_start3A_254 = arith.constant 0 : i32
      %dma_start3A_255 = tpu.memref_slice %arg8[%dma_start3A_249, %dma_start3A_254] : memref<8x128xi32, #tpu.memory_space<vmem>> -> memref<1x128xi32, #tpu.memory_space<vmem>>
      %dma_start3A_256 = tpu.memref_squeeze %dma_start3A_255 : memref<1x128xi32, #tpu.memory_space<vmem>> -> memref<128xi32, #tpu.memory_space<vmem>>
      %dma_start3A_257 = arith.constant 0 : i32
      %dma_start3A_258 = arith.constant 0 : i32
      %dma_start3A_259 = tpu.memref_slice %arg10[%dma_start3A_257, %dma_start3A_258] : memref<10112x128xf32, #tpu.memory_space<vmem_shared>> -> memref<10112x128xf32, #tpu.memory_space<vmem_shared>>
      tpu.enqueue_indirect_dma source(%dma_start3A_253 : memref<128x128xf32, #tpu.memory_space<vmem>>) target(%dma_start3A_259 : memref<10112x128xf32, #tpu.memory_space<vmem_shared>>) offsets(%dma_start3A_256 : memref<128xi32, #tpu.memory_space<vmem>>) semaphore(%arg13 : memref<!tpu.dma_semaphore, #tpu.memory_space<semaphore_mem>>) {add = true}
      %dma_wait3A_260 = arith.constant 0 : i32
      %dma_wait3A_261 = arith.constant 0 : i32
      %dma_wait3A_262 = arith.constant 0 : i32
      %dma_wait3A_263 = arith.constant 0 : i32
      %dma_wait3A_264 = tpu.memref_slice %arg9[%dma_wait3A_260, %dma_wait3A_262, %dma_wait3A_263] : memref<2x128x128xf32, #tpu.memory_space<vmem>> -> memref<1x128x128xf32, #tpu.memory_space<vmem>>
      %dma_wait3A_265 = tpu.memref_squeeze %dma_wait3A_264 : memref<1x128x128xf32, #tpu.memory_space<vmem>> -> memref<128x128xf32, #tpu.memory_space<vmem>>
      %dma_wait3A_266 = arith.constant 0 : i32
      %dma_wait3A_267 = tpu.memref_slice %arg8[%dma_wait3A_261, %dma_wait3A_266] : memref<8x128xi32, #tpu.memory_space<vmem>> -> memref<1x128xi32, #tpu.memory_space<vmem>>
      %dma_wait3A_268 = tpu.memref_squeeze %dma_wait3A_267 : memref<1x128xi32, #tpu.memory_space<vmem>> -> memref<128xi32, #tpu.memory_space<vmem>>
      %dma_wait3A_269 = arith.constant 0 : i32
      %dma_wait3A_270 = arith.constant 0 : i32
      %dma_wait3A_271 = tpu.memref_slice %arg10[%dma_wait3A_269, %dma_wait3A_270] : memref<10112x128xf32, #tpu.memory_space<vmem_shared>> -> memref<10112x128xf32, #tpu.memory_space<vmem_shared>>
      tpu.wait_indirect_dma semaphore(%arg13 : memref<!tpu.dma_semaphore, #tpu.memory_space<semaphore_mem>>) src(%dma_wait3A_265 : memref<128x128xf32, #tpu.memory_space<vmem>>) dst(%dma_wait3A_271 : memref<10112x128xf32, #tpu.memory_space<vmem_shared>>)
      %dma_start3A_272 = arith.constant 6 : i32
      %dma_start3A_273 = arith.constant 0 : i32
      %dma_start3A_274 = arith.constant 0 : i32
      %dma_start3A_275 = arith.constant 0 : i32
      %dma_start3A_276 = tpu.memref_slice %arg9[%dma_start3A_273, %dma_start3A_274, %dma_start3A_275] : memref<2x128x128xf32, #tpu.memory_space<vmem>> -> memref<1x128x128xf32, #tpu.memory_space<vmem>>
      %dma_start3A_277 = tpu.memref_squeeze %dma_start3A_276 : memref<1x128x128xf32, #tpu.memory_space<vmem>> -> memref<128x128xf32, #tpu.memory_space<vmem>>
      %dma_start3A_278 = arith.constant 0 : i32
      %dma_start3A_279 = tpu.memref_slice %arg7[%dma_start3A_272, %dma_start3A_278] : memref<8x128xi32, #tpu.memory_space<vmem>> -> memref<1x128xi32, #tpu.memory_space<vmem>>
      %dma_start3A_280 = tpu.memref_squeeze %dma_start3A_279 : memref<1x128xi32, #tpu.memory_space<vmem>> -> memref<128xi32, #tpu.memory_space<vmem>>
      %dma_start3A_281 = arith.constant 0 : i32
      %dma_start3A_282 = arith.constant 0 : i32
      %dma_start3A_283 = tpu.memref_slice %arg2[%dma_start3A_281, %dma_start3A_282] : memref<10000x128xf32, #tpu.memory_space<hbm>> -> memref<10000x128xf32, #tpu.memory_space<hbm>>
      tpu.enqueue_indirect_dma source(%dma_start3A_283 : memref<10000x128xf32, #tpu.memory_space<hbm>>) target(%dma_start3A_277 : memref<128x128xf32, #tpu.memory_space<vmem>>) offsets(%dma_start3A_280 : memref<128xi32, #tpu.memory_space<vmem>>) semaphore(%arg11 : memref<!tpu.dma_semaphore, #tpu.memory_space<semaphore_mem>>)
      %dma_wait3A_284 = arith.constant 0 : i32
      %dma_wait3A_285 = arith.constant 1 : i32
      %dma_wait3A_286 = arith.constant 0 : i32
      %dma_wait3A_287 = arith.constant 0 : i32
      %dma_wait3A_288 = tpu.memref_slice %arg9[%dma_wait3A_285, %dma_wait3A_286, %dma_wait3A_287] : memref<2x128x128xf32, #tpu.memory_space<vmem>> -> memref<1x128x128xf32, #tpu.memory_space<vmem>>
      %dma_wait3A_289 = tpu.memref_squeeze %dma_wait3A_288 : memref<1x128x128xf32, #tpu.memory_space<vmem>> -> memref<128x128xf32, #tpu.memory_space<vmem>>
      %dma_wait3A_290 = arith.constant 0 : i32
      %dma_wait3A_291 = tpu.memref_slice %arg7[%dma_wait3A_284, %dma_wait3A_290] : memref<8x128xi32, #tpu.memory_space<vmem>> -> memref<1x128xi32, #tpu.memory_space<vmem>>
      %dma_wait3A_292 = tpu.memref_squeeze %dma_wait3A_291 : memref<1x128xi32, #tpu.memory_space<vmem>> -> memref<128xi32, #tpu.memory_space<vmem>>
      %dma_wait3A_293 = arith.constant 0 : i32
      %dma_wait3A_294 = arith.constant 0 : i32
      %dma_wait3A_295 = tpu.memref_slice %arg2[%dma_wait3A_293, %dma_wait3A_294] : memref<10000x128xf32, #tpu.memory_space<hbm>> -> memref<10000x128xf32, #tpu.memory_space<hbm>>
      tpu.wait_indirect_dma semaphore(%arg12 : memref<!tpu.dma_semaphore, #tpu.memory_space<semaphore_mem>>) src(%dma_wait3A_295 : memref<10000x128xf32, #tpu.memory_space<hbm>>) dst(%dma_wait3A_289 : memref<128x128xf32, #tpu.memory_space<vmem>>)
      %dma_start3A_296 = arith.constant 1 : i32
      %dma_start3A_297 = arith.constant 5 : i32
      %dma_start3A_298 = arith.constant 0 : i32
      %dma_start3A_299 = arith.constant 0 : i32
      %dma_start3A_300 = tpu.memref_slice %arg9[%dma_start3A_296, %dma_start3A_298, %dma_start3A_299] : memref<2x128x128xf32, #tpu.memory_space<vmem>> -> memref<1x128x128xf32, #tpu.memory_space<vmem>>
      %dma_start3A_301 = tpu.memref_squeeze %dma_start3A_300 : memref<1x128x128xf32, #tpu.memory_space<vmem>> -> memref<128x128xf32, #tpu.memory_space<vmem>>
      %dma_start3A_302 = arith.constant 0 : i32
      %dma_start3A_303 = tpu.memref_slice %arg8[%dma_start3A_297, %dma_start3A_302] : memref<8x128xi32, #tpu.memory_space<vmem>> -> memref<1x128xi32, #tpu.memory_space<vmem>>
      %dma_start3A_304 = tpu.memref_squeeze %dma_start3A_303 : memref<1x128xi32, #tpu.memory_space<vmem>> -> memref<128xi32, #tpu.memory_space<vmem>>
      %dma_start3A_305 = arith.constant 0 : i32
      %dma_start3A_306 = arith.constant 0 : i32
      %dma_start3A_307 = tpu.memref_slice %arg10[%dma_start3A_305, %dma_start3A_306] : memref<10112x128xf32, #tpu.memory_space<vmem_shared>> -> memref<10112x128xf32, #tpu.memory_space<vmem_shared>>
      tpu.enqueue_indirect_dma source(%dma_start3A_301 : memref<128x128xf32, #tpu.memory_space<vmem>>) target(%dma_start3A_307 : memref<10112x128xf32, #tpu.memory_space<vmem_shared>>) offsets(%dma_start3A_304 : memref<128xi32, #tpu.memory_space<vmem>>) semaphore(%arg14 : memref<!tpu.dma_semaphore, #tpu.memory_space<semaphore_mem>>) {add = true}
      %dma_wait3A_308 = arith.constant 1 : i32
      %dma_wait3A_309 = arith.constant 0 : i32
      %dma_wait3A_310 = arith.constant 0 : i32
      %dma_wait3A_311 = arith.constant 0 : i32
      %dma_wait3A_312 = tpu.memref_slice %arg9[%dma_wait3A_308, %dma_wait3A_310, %dma_wait3A_311] : memref<2x128x128xf32, #tpu.memory_space<vmem>> -> memref<1x128x128xf32, #tpu.memory_space<vmem>>
      %dma_wait3A_313 = tpu.memref_squeeze %dma_wait3A_312 : memref<1x128x128xf32, #tpu.memory_space<vmem>> -> memref<128x128xf32, #tpu.memory_space<vmem>>
      %dma_wait3A_314 = arith.constant 0 : i32
      %dma_wait3A_315 = tpu.memref_slice %arg8[%dma_wait3A_309, %dma_wait3A_314] : memref<8x128xi32, #tpu.memory_space<vmem>> -> memref<1x128xi32, #tpu.memory_space<vmem>>
      %dma_wait3A_316 = tpu.memref_squeeze %dma_wait3A_315 : memref<1x128xi32, #tpu.memory_space<vmem>> -> memref<128xi32, #tpu.memory_space<vmem>>
      %dma_wait3A_317 = arith.constant 0 : i32
      %dma_wait3A_318 = arith.constant 0 : i32
      %dma_wait3A_319 = tpu.memref_slice %arg10[%dma_wait3A_317, %dma_wait3A_318] : memref<10112x128xf32, #tpu.memory_space<vmem_shared>> -> memref<10112x128xf32, #tpu.memory_space<vmem_shared>>
      tpu.wait_indirect_dma semaphore(%arg14 : memref<!tpu.dma_semaphore, #tpu.memory_space<semaphore_mem>>) src(%dma_wait3A_313 : memref<128x128xf32, #tpu.memory_space<vmem>>) dst(%dma_wait3A_319 : memref<10112x128xf32, #tpu.memory_space<vmem_shared>>)
      %dma_start3A_320 = arith.constant 7 : i32
      %dma_start3A_321 = arith.constant 1 : i32
      %dma_start3A_322 = arith.constant 0 : i32
      %dma_start3A_323 = arith.constant 0 : i32
      %dma_start3A_324 = tpu.memref_slice %arg9[%dma_start3A_321, %dma_start3A_322, %dma_start3A_323] : memref<2x128x128xf32, #tpu.memory_space<vmem>> -> memref<1x128x128xf32, #tpu.memory_space<vmem>>
      %dma_start3A_325 = tpu.memref_squeeze %dma_start3A_324 : memref<1x128x128xf32, #tpu.memory_space<vmem>> -> memref<128x128xf32, #tpu.memory_space<vmem>>
      %dma_start3A_326 = arith.constant 0 : i32
      %dma_start3A_327 = tpu.memref_slice %arg7[%dma_start3A_320, %dma_start3A_326] : memref<8x128xi32, #tpu.memory_space<vmem>> -> memref<1x128xi32, #tpu.memory_space<vmem>>
      %dma_start3A_328 = tpu.memref_squeeze %dma_start3A_327 : memref<1x128xi32, #tpu.memory_space<vmem>> -> memref<128xi32, #tpu.memory_space<vmem>>
      %dma_start3A_329 = arith.constant 0 : i32
      %dma_start3A_330 = arith.constant 0 : i32
      %dma_start3A_331 = tpu.memref_slice %arg2[%dma_start3A_329, %dma_start3A_330] : memref<10000x128xf32, #tpu.memory_space<hbm>> -> memref<10000x128xf32, #tpu.memory_space<hbm>>
      tpu.enqueue_indirect_dma source(%dma_start3A_331 : memref<10000x128xf32, #tpu.memory_space<hbm>>) target(%dma_start3A_325 : memref<128x128xf32, #tpu.memory_space<vmem>>) offsets(%dma_start3A_328 : memref<128xi32, #tpu.memory_space<vmem>>) semaphore(%arg12 : memref<!tpu.dma_semaphore, #tpu.memory_space<semaphore_mem>>)
      %dma_wait3A_332 = arith.constant 0 : i32
      %dma_wait3A_333 = arith.constant 0 : i32
      %dma_wait3A_334 = arith.constant 0 : i32
      %dma_wait3A_335 = arith.constant 0 : i32
      %dma_wait3A_336 = tpu.memref_slice %arg9[%dma_wait3A_333, %dma_wait3A_334, %dma_wait3A_335] : memref<2x128x128xf32, #tpu.memory_space<vmem>> -> memref<1x128x128xf32, #tpu.memory_space<vmem>>
      %dma_wait3A_337 = tpu.memref_squeeze %dma_wait3A_336 : memref<1x128x128xf32, #tpu.memory_space<vmem>> -> memref<128x128xf32, #tpu.memory_space<vmem>>
      %dma_wait3A_338 = arith.constant 0 : i32
      %dma_wait3A_339 = tpu.memref_slice %arg7[%dma_wait3A_332, %dma_wait3A_338] : memref<8x128xi32, #tpu.memory_space<vmem>> -> memref<1x128xi32, #tpu.memory_space<vmem>>
      %dma_wait3A_340 = tpu.memref_squeeze %dma_wait3A_339 : memref<1x128xi32, #tpu.memory_space<vmem>> -> memref<128xi32, #tpu.memory_space<vmem>>
      %dma_wait3A_341 = arith.constant 0 : i32
      %dma_wait3A_342 = arith.constant 0 : i32
      %dma_wait3A_343 = tpu.memref_slice %arg2[%dma_wait3A_341, %dma_wait3A_342] : memref<10000x128xf32, #tpu.memory_space<hbm>> -> memref<10000x128xf32, #tpu.memory_space<hbm>>
      tpu.wait_indirect_dma semaphore(%arg11 : memref<!tpu.dma_semaphore, #tpu.memory_space<semaphore_mem>>) src(%dma_wait3A_343 : memref<10000x128xf32, #tpu.memory_space<hbm>>) dst(%dma_wait3A_337 : memref<128x128xf32, #tpu.memory_space<vmem>>)
      %dma_start3A_344 = arith.constant 0 : i32
      %dma_start3A_345 = arith.constant 6 : i32
      %dma_start3A_346 = arith.constant 0 : i32
      %dma_start3A_347 = arith.constant 0 : i32
      %dma_start3A_348 = tpu.memref_slice %arg9[%dma_start3A_344, %dma_start3A_346, %dma_start3A_347] : memref<2x128x128xf32, #tpu.memory_space<vmem>> -> memref<1x128x128xf32, #tpu.memory_space<vmem>>
      %dma_start3A_349 = tpu.memref_squeeze %dma_start3A_348 : memref<1x128x128xf32, #tpu.memory_space<vmem>> -> memref<128x128xf32, #tpu.memory_space<vmem>>
      %dma_start3A_350 = arith.constant 0 : i32
      %dma_start3A_351 = tpu.memref_slice %arg8[%dma_start3A_345, %dma_start3A_350] : memref<8x128xi32, #tpu.memory_space<vmem>> -> memref<1x128xi32, #tpu.memory_space<vmem>>
      %dma_start3A_352 = tpu.memref_squeeze %dma_start3A_351 : memref<1x128xi32, #tpu.memory_space<vmem>> -> memref<128xi32, #tpu.memory_space<vmem>>
      %dma_start3A_353 = arith.constant 0 : i32
      %dma_start3A_354 = arith.constant 0 : i32
      %dma_start3A_355 = tpu.memref_slice %arg10[%dma_start3A_353, %dma_start3A_354] : memref<10112x128xf32, #tpu.memory_space<vmem_shared>> -> memref<10112x128xf32, #tpu.memory_space<vmem_shared>>
      tpu.enqueue_indirect_dma source(%dma_start3A_349 : memref<128x128xf32, #tpu.memory_space<vmem>>) target(%dma_start3A_355 : memref<10112x128xf32, #tpu.memory_space<vmem_shared>>) offsets(%dma_start3A_352 : memref<128xi32, #tpu.memory_space<vmem>>) semaphore(%arg13 : memref<!tpu.dma_semaphore, #tpu.memory_space<semaphore_mem>>) {add = true}
      %dma_wait3A_356 = arith.constant 0 : i32
      %dma_wait3A_357 = arith.constant 0 : i32
      %dma_wait3A_358 = arith.constant 0 : i32
      %dma_wait3A_359 = arith.constant 0 : i32
      %dma_wait3A_360 = tpu.memref_slice %arg9[%dma_wait3A_356, %dma_wait3A_358, %dma_wait3A_359] : memref<2x128x128xf32, #tpu.memory_space<vmem>> -> memref<1x128x128xf32, #tpu.memory_space<vmem>>
      %dma_wait3A_361 = tpu.memref_squeeze %dma_wait3A_360 : memref<1x128x128xf32, #tpu.memory_space<vmem>> -> memref<128x128xf32, #tpu.memory_space<vmem>>
      %dma_wait3A_362 = arith.constant 0 : i32
      %dma_wait3A_363 = tpu.memref_slice %arg8[%dma_wait3A_357, %dma_wait3A_362] : memref<8x128xi32, #tpu.memory_space<vmem>> -> memref<1x128xi32, #tpu.memory_space<vmem>>
      %dma_wait3A_364 = tpu.memref_squeeze %dma_wait3A_363 : memref<1x128xi32, #tpu.memory_space<vmem>> -> memref<128xi32, #tpu.memory_space<vmem>>
      %dma_wait3A_365 = arith.constant 0 : i32
      %dma_wait3A_366 = arith.constant 0 : i32
      %dma_wait3A_367 = tpu.memref_slice %arg10[%dma_wait3A_365, %dma_wait3A_366] : memref<10112x128xf32, #tpu.memory_space<vmem_shared>> -> memref<10112x128xf32, #tpu.memory_space<vmem_shared>>
      tpu.wait_indirect_dma semaphore(%arg13 : memref<!tpu.dma_semaphore, #tpu.memory_space<semaphore_mem>>) src(%dma_wait3A_361 : memref<128x128xf32, #tpu.memory_space<vmem>>) dst(%dma_wait3A_367 : memref<10112x128xf32, #tpu.memory_space<vmem_shared>>)
      %dma_wait3A_368 = arith.constant 0 : i32
      %dma_wait3A_369 = arith.constant 1 : i32
      %dma_wait3A_370 = arith.constant 0 : i32
      %dma_wait3A_371 = arith.constant 0 : i32
      %dma_wait3A_372 = tpu.memref_slice %arg9[%dma_wait3A_369, %dma_wait3A_370, %dma_wait3A_371] : memref<2x128x128xf32, #tpu.memory_space<vmem>> -> memref<1x128x128xf32, #tpu.memory_space<vmem>>
      %dma_wait3A_373 = tpu.memref_squeeze %dma_wait3A_372 : memref<1x128x128xf32, #tpu.memory_space<vmem>> -> memref<128x128xf32, #tpu.memory_space<vmem>>
      %dma_wait3A_374 = arith.constant 0 : i32
      %dma_wait3A_375 = tpu.memref_slice %arg7[%dma_wait3A_368, %dma_wait3A_374] : memref<8x128xi32, #tpu.memory_space<vmem>> -> memref<1x128xi32, #tpu.memory_space<vmem>>
      %dma_wait3A_376 = tpu.memref_squeeze %dma_wait3A_375 : memref<1x128xi32, #tpu.memory_space<vmem>> -> memref<128xi32, #tpu.memory_space<vmem>>
      %dma_wait3A_377 = arith.constant 0 : i32
      %dma_wait3A_378 = arith.constant 0 : i32
      %dma_wait3A_379 = tpu.memref_slice %arg2[%dma_wait3A_377, %dma_wait3A_378] : memref<10000x128xf32, #tpu.memory_space<hbm>> -> memref<10000x128xf32, #tpu.memory_space<hbm>>
      tpu.wait_indirect_dma semaphore(%arg12 : memref<!tpu.dma_semaphore, #tpu.memory_space<semaphore_mem>>) src(%dma_wait3A_379 : memref<10000x128xf32, #tpu.memory_space<hbm>>) dst(%dma_wait3A_373 : memref<128x128xf32, #tpu.memory_space<vmem>>)
      %dma_start3A_380 = arith.constant 1 : i32
      %dma_start3A_381 = arith.constant 7 : i32
      %dma_start3A_382 = arith.constant 0 : i32
      %dma_start3A_383 = arith.constant 0 : i32
      %dma_start3A_384 = tpu.memref_slice %arg9[%dma_start3A_380, %dma_start3A_382, %dma_start3A_383] : memref<2x128x128xf32, #tpu.memory_space<vmem>> -> memref<1x128x128xf32, #tpu.memory_space<vmem>>
      %dma_start3A_385 = tpu.memref_squeeze %dma_start3A_384 : memref<1x128x128xf32, #tpu.memory_space<vmem>> -> memref<128x128xf32, #tpu.memory_space<vmem>>
      %dma_start3A_386 = arith.constant 0 : i32
      %dma_start3A_387 = tpu.memref_slice %arg8[%dma_start3A_381, %dma_start3A_386] : memref<8x128xi32, #tpu.memory_space<vmem>> -> memref<1x128xi32, #tpu.memory_space<vmem>>
      %dma_start3A_388 = tpu.memref_squeeze %dma_start3A_387 : memref<1x128xi32, #tpu.memory_space<vmem>> -> memref<128xi32, #tpu.memory_space<vmem>>
      %dma_start3A_389 = arith.constant 0 : i32
      %dma_start3A_390 = arith.constant 0 : i32
      %dma_start3A_391 = tpu.memref_slice %arg10[%dma_start3A_389, %dma_start3A_390] : memref<10112x128xf32, #tpu.memory_space<vmem_shared>> -> memref<10112x128xf32, #tpu.memory_space<vmem_shared>>
      tpu.enqueue_indirect_dma source(%dma_start3A_385 : memref<128x128xf32, #tpu.memory_space<vmem>>) target(%dma_start3A_391 : memref<10112x128xf32, #tpu.memory_space<vmem_shared>>) offsets(%dma_start3A_388 : memref<128xi32, #tpu.memory_space<vmem>>) semaphore(%arg14 : memref<!tpu.dma_semaphore, #tpu.memory_space<semaphore_mem>>) {add = true}
      %dma_wait3A_392 = arith.constant 1 : i32
      %dma_wait3A_393 = arith.constant 0 : i32
      %dma_wait3A_394 = arith.constant 0 : i32
      %dma_wait3A_395 = arith.constant 0 : i32
      %dma_wait3A_396 = tpu.memref_slice %arg9[%dma_wait3A_392, %dma_wait3A_394, %dma_wait3A_395] : memref<2x128x128xf32, #tpu.memory_space<vmem>> -> memref<1x128x128xf32, #tpu.memory_space<vmem>>
      %dma_wait3A_397 = tpu.memref_squeeze %dma_wait3A_396 : memref<1x128x128xf32, #tpu.memory_space<vmem>> -> memref<128x128xf32, #tpu.memory_space<vmem>>
      %dma_wait3A_398 = arith.constant 0 : i32
      %dma_wait3A_399 = tpu.memref_slice %arg8[%dma_wait3A_393, %dma_wait3A_398] : memref<8x128xi32, #tpu.memory_space<vmem>> -> memref<1x128xi32, #tpu.memory_space<vmem>>
      %dma_wait3A_400 = tpu.memref_squeeze %dma_wait3A_399 : memref<1x128xi32, #tpu.memory_space<vmem>> -> memref<128xi32, #tpu.memory_space<vmem>>
      %dma_wait3A_401 = arith.constant 0 : i32
      %dma_wait3A_402 = arith.constant 0 : i32
      %dma_wait3A_403 = tpu.memref_slice %arg10[%dma_wait3A_401, %dma_wait3A_402] : memref<10112x128xf32, #tpu.memory_space<vmem_shared>> -> memref<10112x128xf32, #tpu.memory_space<vmem_shared>>
      tpu.wait_indirect_dma semaphore(%arg14 : memref<!tpu.dma_semaphore, #tpu.memory_space<semaphore_mem>>) src(%dma_wait3A_397 : memref<128x128xf32, #tpu.memory_space<vmem>>) dst(%dma_wait3A_403 : memref<10112x128xf32, #tpu.memory_space<vmem_shared>>)
      %scan3A_404 = arith.constant 1 : i32
    } else {
    }
    %barrier3A_10 = arith.constant 0 : index
    tpu.barrier barrier_id(%barrier3A_10)
    %mul3A_11 = arith.constant 632 : i32
    %mul3A_12 = arith.muli %arg1, %mul3A_11 : i32
    %mul3A_13 = arith.constant 632 : i32
    %mul3A_14 = arith.muli %arg1, %mul3A_13 : i32
    "tpu.region"() ({
      %run_scoped3A = tpu.sem_alloc : memref<!tpu.dma_semaphore, #tpu.memory_space<semaphore_mem>>
      %dma_start3A = arith.constant 0 : i32
      %dma_start3A_15 = tpu.memref_slice %arg6[%arg0, %mul3A_14, %dma_start3A] : memref<2x10112x128xf32, #tpu.memory_space<hbm>> -> memref<1x632x128xf32, #tpu.memory_space<hbm>>
      %dma_start3A_16 = tpu.memref_squeeze %dma_start3A_15 : memref<1x632x128xf32, #tpu.memory_space<hbm>> -> memref<632x128xf32, #tpu.memory_space<hbm>>
      %dma_start3A_17 = arith.constant 0 : i32
      %dma_start3A_18 = tpu.memref_slice %arg10[%mul3A_12, %dma_start3A_17] : memref<10112x128xf32, #tpu.memory_space<vmem_shared>> -> memref<632x128xf32, #tpu.memory_space<vmem_shared>>
      tpu.enqueue_dma source(%dma_start3A_18 : memref<632x128xf32, #tpu.memory_space<vmem_shared>>) target(%dma_start3A_16 : memref<632x128xf32, #tpu.memory_space<hbm>>) target_semaphore(%run_scoped3A : memref<!tpu.dma_semaphore, #tpu.memory_space<semaphore_mem>>)
      %dma_wait3A = arith.constant 0 : i32
      %dma_wait3A_19 = tpu.memref_slice %arg6[%arg0, %mul3A_14, %dma_wait3A] : memref<2x10112x128xf32, #tpu.memory_space<hbm>> -> memref<1x632x128xf32, #tpu.memory_space<hbm>>
      %dma_wait3A_20 = tpu.memref_squeeze %dma_wait3A_19 : memref<1x632x128xf32, #tpu.memory_space<hbm>> -> memref<632x128xf32, #tpu.memory_space<hbm>>
      %dma_wait3A_21 = arith.constant 0 : i32
      %dma_wait3A_22 = tpu.memref_slice %arg10[%mul3A_12, %dma_wait3A_21] : memref<10112x128xf32, #tpu.memory_space<vmem_shared>> -> memref<632x128xf32, #tpu.memory_space<vmem_shared>>
      tpu.wait_dma2 semaphore(%run_scoped3A : memref<!tpu.dma_semaphore, #tpu.memory_space<semaphore_mem>>) src(%dma_wait3A_22 : memref<632x128xf32, #tpu.memory_space<vmem_shared>>) dst(%dma_wait3A_20 : memref<632x128xf32, #tpu.memory_space<hbm>>)
      tpu.yield
    }) : () -> ()
    return
  }
}

#map = affine_map<(d0, d1) -> (0, 0)>
#map1 = affine_map<(d0, d1) -> (0, 0, 0)>
module attributes {stable_mosaic.version = 14 : i64} {
  func.func @deg_kernel(%arg0: i32, %arg1: i32, %arg2: memref<2560x128xi32, #tpu.memory_space<hbm>>, %arg3: memref<128x128xf32, #tpu.memory_space<hbm>>, %arg4: memref<10112x128xf32, #tpu.memory_space<hbm>>, %arg5: memref<2x10112x128xf32, #tpu.memory_space<hbm>>, %arg6: memref<80x128xi32, #tpu.memory_space<vmem>>, %arg7: memref<128x128xf32, #tpu.memory_space<vmem>>, %arg8: memref<10112x128xf32, #tpu.memory_space<vmem_shared>>, %arg9: memref<!tpu.dma_semaphore, #tpu.memory_space<semaphore_mem>>, %arg10: memref<!tpu.dma_semaphore, #tpu.memory_space<semaphore_mem>>, %arg11: memref<!tpu.dma_semaphore, #tpu.memory_space<semaphore_mem>>, %arg12: memref<!tpu.dma_semaphore, #tpu.memory_space<semaphore_mem>>) attributes {dimension_semantics = [#tpu.dimension_semantics<core_parallel>, #tpu.dimension_semantics<subcore_parallel>], iteration_bounds = array<i64: 2, 16>, scalar_prefetch = 0 : i64, scratch_operands = 7 : i64, tpu.core_type = #tpu.core_type<sc_vector_subcore>, window_params = [{transform_indices = #map}, {transform_indices = #map}, {transform_indices = #map}, {transform_indices = #map1}]} {
    %mul3A = arith.constant 2 : i32
    %mul3A_0 = arith.muli %arg1, %mul3A : i32
    %add3A = arith.addi %mul3A_0, %arg0 : i32
    %mul3A_1 = arith.constant 632 : i32
    %mul3A_2 = arith.muli %arg1, %mul3A_1 : i32
    %mul3A_3 = arith.constant 632 : i32
    %mul3A_4 = arith.muli %arg1, %mul3A_3 : i32
    "tpu.region"() ({
      %run_scoped3A = tpu.sem_alloc : memref<!tpu.dma_semaphore, #tpu.memory_space<semaphore_mem>>
      %dma_start3A_71 = arith.constant 0 : i32
      %dma_start3A_72 = tpu.memref_slice %arg8[%mul3A_4, %dma_start3A_71] : memref<10112x128xf32, #tpu.memory_space<vmem_shared>> -> memref<632x128xf32, #tpu.memory_space<vmem_shared>>
      %dma_start3A_73 = arith.constant 0 : i32
      %dma_start3A_74 = tpu.memref_slice %arg4[%mul3A_2, %dma_start3A_73] : memref<10112x128xf32, #tpu.memory_space<hbm>> -> memref<632x128xf32, #tpu.memory_space<hbm>>
      tpu.enqueue_dma source(%dma_start3A_74 : memref<632x128xf32, #tpu.memory_space<hbm>>) target(%dma_start3A_72 : memref<632x128xf32, #tpu.memory_space<vmem_shared>>) target_semaphore(%run_scoped3A : memref<!tpu.dma_semaphore, #tpu.memory_space<semaphore_mem>>)
      %dma_wait3A_75 = arith.constant 0 : i32
      %dma_wait3A_76 = tpu.memref_slice %arg8[%mul3A_4, %dma_wait3A_75] : memref<10112x128xf32, #tpu.memory_space<vmem_shared>> -> memref<632x128xf32, #tpu.memory_space<vmem_shared>>
      %dma_wait3A_77 = arith.constant 0 : i32
      %dma_wait3A_78 = tpu.memref_slice %arg4[%mul3A_2, %dma_wait3A_77] : memref<10112x128xf32, #tpu.memory_space<hbm>> -> memref<632x128xf32, #tpu.memory_space<hbm>>
      tpu.wait_dma2 semaphore(%run_scoped3A : memref<!tpu.dma_semaphore, #tpu.memory_space<semaphore_mem>>) src(%dma_wait3A_78 : memref<632x128xf32, #tpu.memory_space<hbm>>) dst(%dma_wait3A_76 : memref<632x128xf32, #tpu.memory_space<vmem_shared>>)
      tpu.yield
    }) : () -> ()
    "tpu.region"() ({
      %run_scoped3A = tpu.sem_alloc : memref<!tpu.dma_semaphore, #tpu.memory_space<semaphore_mem>>
      tpu.enqueue_dma source(%arg3 : memref<128x128xf32, #tpu.memory_space<hbm>>) target(%arg7 : memref<128x128xf32, #tpu.memory_space<vmem>>) target_semaphore(%run_scoped3A : memref<!tpu.dma_semaphore, #tpu.memory_space<semaphore_mem>>)
      tpu.wait_dma2 semaphore(%run_scoped3A : memref<!tpu.dma_semaphore, #tpu.memory_space<semaphore_mem>>) src(%arg3 : memref<128x128xf32, #tpu.memory_space<hbm>>) dst(%arg7 : memref<128x128xf32, #tpu.memory_space<vmem>>)
      tpu.yield
    }) : () -> ()
    %mul3A_5 = arith.constant 80 : i32
    %mul3A_6 = arith.muli %add3A, %mul3A_5 : i32
    "tpu.region"() ({
      %run_scoped3A = tpu.sem_alloc : memref<!tpu.dma_semaphore, #tpu.memory_space<semaphore_mem>>
      %dma_start3A_71 = arith.constant 0 : i32
      %dma_start3A_72 = tpu.memref_slice %arg2[%mul3A_6, %dma_start3A_71] : memref<2560x128xi32, #tpu.memory_space<hbm>> -> memref<80x128xi32, #tpu.memory_space<hbm>>
      %dma_start3A_73 = arith.constant 0 : i32
      %dma_start3A_74 = tpu.memref_slice %arg2[%mul3A_6, %dma_start3A_73] : memref<2560x128xi32, #tpu.memory_space<hbm>> -> memref<80x128xi32, #tpu.memory_space<hbm>>
      tpu.enqueue_dma source(%dma_start3A_74 : memref<80x128xi32, #tpu.memory_space<hbm>>) target(%arg6 : memref<80x128xi32, #tpu.memory_space<vmem>>) target_semaphore(%run_scoped3A : memref<!tpu.dma_semaphore, #tpu.memory_space<semaphore_mem>>)
      %dma_wait3A_75 = arith.constant 0 : i32
      %dma_wait3A_76 = tpu.memref_slice %arg2[%mul3A_6, %dma_wait3A_75] : memref<2560x128xi32, #tpu.memory_space<hbm>> -> memref<80x128xi32, #tpu.memory_space<hbm>>
      %dma_wait3A_77 = arith.constant 0 : i32
      %dma_wait3A_78 = tpu.memref_slice %arg2[%mul3A_6, %dma_wait3A_77] : memref<2560x128xi32, #tpu.memory_space<hbm>> -> memref<80x128xi32, #tpu.memory_space<hbm>>
      tpu.wait_dma2 semaphore(%run_scoped3A : memref<!tpu.dma_semaphore, #tpu.memory_space<semaphore_mem>>) src(%dma_wait3A_78 : memref<80x128xi32, #tpu.memory_space<hbm>>) dst(%arg6 : memref<80x128xi32, #tpu.memory_space<vmem>>)
      tpu.yield
    }) : () -> ()
    %barrier3A = arith.constant 0 : index
    tpu.barrier barrier_id(%barrier3A)
    %dma_start3A = arith.constant 0 : i32
    %dma_start3A_7 = arith.constant 0 : i32
    %dma_start3A_8 = tpu.memref_slice %arg6[%dma_start3A, %dma_start3A_7] : memref<80x128xi32, #tpu.memory_space<vmem>> -> memref<1x128xi32, #tpu.memory_space<vmem>>
    %dma_start3A_9 = tpu.memref_squeeze %dma_start3A_8 : memref<1x128xi32, #tpu.memory_space<vmem>> -> memref<128xi32, #tpu.memory_space<vmem>>
    %dma_start3A_10 = arith.constant 0 : i32
    %dma_start3A_11 = arith.constant 0 : i32
    %dma_start3A_12 = tpu.memref_slice %arg8[%dma_start3A_10, %dma_start3A_11] : memref<10112x128xf32, #tpu.memory_space<vmem_shared>> -> memref<10112x128xf32, #tpu.memory_space<vmem_shared>>
    tpu.enqueue_indirect_dma source(%arg7 : memref<128x128xf32, #tpu.memory_space<vmem>>) target(%dma_start3A_12 : memref<10112x128xf32, #tpu.memory_space<vmem_shared>>) offsets(%dma_start3A_9 : memref<128xi32, #tpu.memory_space<vmem>>) semaphore(%arg9 : memref<!tpu.dma_semaphore, #tpu.memory_space<semaphore_mem>>) {add = true}
    %dma_start3A_13 = arith.constant 1 : i32
    %dma_start3A_14 = arith.constant 0 : i32
    %dma_start3A_15 = tpu.memref_slice %arg6[%dma_start3A_13, %dma_start3A_14] : memref<80x128xi32, #tpu.memory_space<vmem>> -> memref<1x128xi32, #tpu.memory_space<vmem>>
    %dma_start3A_16 = tpu.memref_squeeze %dma_start3A_15 : memref<1x128xi32, #tpu.memory_space<vmem>> -> memref<128xi32, #tpu.memory_space<vmem>>
    %dma_start3A_17 = arith.constant 0 : i32
    %dma_start3A_18 = arith.constant 0 : i32
    %dma_start3A_19 = tpu.memref_slice %arg8[%dma_start3A_17, %dma_start3A_18] : memref<10112x128xf32, #tpu.memory_space<vmem_shared>> -> memref<10112x128xf32, #tpu.memory_space<vmem_shared>>
    tpu.enqueue_indirect_dma source(%arg7 : memref<128x128xf32, #tpu.memory_space<vmem>>) target(%dma_start3A_19 : memref<10112x128xf32, #tpu.memory_space<vmem_shared>>) offsets(%dma_start3A_16 : memref<128xi32, #tpu.memory_space<vmem>>) semaphore(%arg10 : memref<!tpu.dma_semaphore, #tpu.memory_space<semaphore_mem>>) {add = true}
    %dma_start3A_20 = arith.constant 2 : i32
    %dma_start3A_21 = arith.constant 0 : i32
    %dma_start3A_22 = tpu.memref_slice %arg6[%dma_start3A_20, %dma_start3A_21] : memref<80x128xi32, #tpu.memory_space<vmem>> -> memref<1x128xi32, #tpu.memory_space<vmem>>
    %dma_start3A_23 = tpu.memref_squeeze %dma_start3A_22 : memref<1x128xi32, #tpu.memory_space<vmem>> -> memref<128xi32, #tpu.memory_space<vmem>>
    %dma_start3A_24 = arith.constant 0 : i32
    %dma_start3A_25 = arith.constant 0 : i32
    %dma_start3A_26 = tpu.memref_slice %arg8[%dma_start3A_24, %dma_start3A_25] : memref<10112x128xf32, #tpu.memory_space<vmem_shared>> -> memref<10112x128xf32, #tpu.memory_space<vmem_shared>>
    tpu.enqueue_indirect_dma source(%arg7 : memref<128x128xf32, #tpu.memory_space<vmem>>) target(%dma_start3A_26 : memref<10112x128xf32, #tpu.memory_space<vmem_shared>>) offsets(%dma_start3A_23 : memref<128xi32, #tpu.memory_space<vmem>>) semaphore(%arg11 : memref<!tpu.dma_semaphore, #tpu.memory_space<semaphore_mem>>) {add = true}
    %dma_start3A_27 = arith.constant 3 : i32
    %dma_start3A_28 = arith.constant 0 : i32
    %dma_start3A_29 = tpu.memref_slice %arg6[%dma_start3A_27, %dma_start3A_28] : memref<80x128xi32, #tpu.memory_space<vmem>> -> memref<1x128xi32, #tpu.memory_space<vmem>>
    %dma_start3A_30 = tpu.memref_squeeze %dma_start3A_29 : memref<1x128xi32, #tpu.memory_space<vmem>> -> memref<128xi32, #tpu.memory_space<vmem>>
    %dma_start3A_31 = arith.constant 0 : i32
    %dma_start3A_32 = arith.constant 0 : i32
    %dma_start3A_33 = tpu.memref_slice %arg8[%dma_start3A_31, %dma_start3A_32] : memref<10112x128xf32, #tpu.memory_space<vmem_shared>> -> memref<10112x128xf32, #tpu.memory_space<vmem_shared>>
    tpu.enqueue_indirect_dma source(%arg7 : memref<128x128xf32, #tpu.memory_space<vmem>>) target(%dma_start3A_33 : memref<10112x128xf32, #tpu.memory_space<vmem_shared>>) offsets(%dma_start3A_30 : memref<128xi32, #tpu.memory_space<vmem>>) semaphore(%arg12 : memref<!tpu.dma_semaphore, #tpu.memory_space<semaphore_mem>>) {add = true}
    %scan3A = arith.constant 0 : i32
    %scan3A_34 = arith.constant 1 : i32
    %scan3A_35 = arith.constant 19 : i32
    %scan3A_36 = arith.addi %scan3A_34, %scan3A_35 : i32
    %scan3A_37 = arith.constant 1 : i32
    scf.for %scan3A_71 = %scan3A_34 to %scan3A_36 step %scan3A_37  : i32 {
      %dma_wait3A_72 = arith.constant 0 : i32
      %dma_wait3A_73 = arith.constant 0 : i32
      %dma_wait3A_74 = tpu.memref_slice %arg6[%dma_wait3A_72, %dma_wait3A_73] : memref<80x128xi32, #tpu.memory_space<vmem>> -> memref<1x128xi32, #tpu.memory_space<vmem>>
      %dma_wait3A_75 = tpu.memref_squeeze %dma_wait3A_74 : memref<1x128xi32, #tpu.memory_space<vmem>> -> memref<128xi32, #tpu.memory_space<vmem>>
      %dma_wait3A_76 = arith.constant 0 : i32
      %dma_wait3A_77 = arith.constant 0 : i32
      %dma_wait3A_78 = tpu.memref_slice %arg8[%dma_wait3A_76, %dma_wait3A_77] : memref<10112x128xf32, #tpu.memory_space<vmem_shared>> -> memref<10112x128xf32, #tpu.memory_space<vmem_shared>>
      tpu.wait_indirect_dma semaphore(%arg9 : memref<!tpu.dma_semaphore, #tpu.memory_space<semaphore_mem>>) src(%arg7 : memref<128x128xf32, #tpu.memory_space<vmem>>) dst(%dma_wait3A_78 : memref<10112x128xf32, #tpu.memory_space<vmem_shared>>)
      %mul3A_79 = arith.constant 4 : i32
      %mul3A_80 = arith.muli %scan3A_71, %mul3A_79 : i32
      %add3A_81 = arith.constant 0 : i32
      %add3A_82 = arith.addi %mul3A_80, %add3A_81 : i32
      %dma_start3A_83 = arith.constant 0 : i32
      %dma_start3A_84 = tpu.memref_slice %arg6[%add3A_82, %dma_start3A_83] : memref<80x128xi32, #tpu.memory_space<vmem>> -> memref<1x128xi32, #tpu.memory_space<vmem>>
      %dma_start3A_85 = tpu.memref_squeeze %dma_start3A_84 : memref<1x128xi32, #tpu.memory_space<vmem>> -> memref<128xi32, #tpu.memory_space<vmem>>
      %dma_start3A_86 = arith.constant 0 : i32
      %dma_start3A_87 = arith.constant 0 : i32
      %dma_start3A_88 = tpu.memref_slice %arg8[%dma_start3A_86, %dma_start3A_87] : memref<10112x128xf32, #tpu.memory_space<vmem_shared>> -> memref<10112x128xf32, #tpu.memory_space<vmem_shared>>
      tpu.enqueue_indirect_dma source(%arg7 : memref<128x128xf32, #tpu.memory_space<vmem>>) target(%dma_start3A_88 : memref<10112x128xf32, #tpu.memory_space<vmem_shared>>) offsets(%dma_start3A_85 : memref<128xi32, #tpu.memory_space<vmem>>) semaphore(%arg9 : memref<!tpu.dma_semaphore, #tpu.memory_space<semaphore_mem>>) {add = true}
      %dma_wait3A_89 = arith.constant 0 : i32
      %dma_wait3A_90 = arith.constant 0 : i32
      %dma_wait3A_91 = tpu.memref_slice %arg6[%dma_wait3A_89, %dma_wait3A_90] : memref<80x128xi32, #tpu.memory_space<vmem>> -> memref<1x128xi32, #tpu.memory_space<vmem>>
      %dma_wait3A_92 = tpu.memref_squeeze %dma_wait3A_91 : memref<1x128xi32, #tpu.memory_space<vmem>> -> memref<128xi32, #tpu.memory_space<vmem>>
      %dma_wait3A_93 = arith.constant 0 : i32
      %dma_wait3A_94 = arith.constant 0 : i32
      %dma_wait3A_95 = tpu.memref_slice %arg8[%dma_wait3A_93, %dma_wait3A_94] : memref<10112x128xf32, #tpu.memory_space<vmem_shared>> -> memref<10112x128xf32, #tpu.memory_space<vmem_shared>>
      tpu.wait_indirect_dma semaphore(%arg10 : memref<!tpu.dma_semaphore, #tpu.memory_space<semaphore_mem>>) src(%arg7 : memref<128x128xf32, #tpu.memory_space<vmem>>) dst(%dma_wait3A_95 : memref<10112x128xf32, #tpu.memory_space<vmem_shared>>)
      %mul3A_96 = arith.constant 4 : i32
      %mul3A_97 = arith.muli %scan3A_71, %mul3A_96 : i32
      %add3A_98 = arith.constant 1 : i32
      %add3A_99 = arith.addi %mul3A_97, %add3A_98 : i32
      %dma_start3A_100 = arith.constant 0 : i32
      %dma_start3A_101 = tpu.memref_slice %arg6[%add3A_99, %dma_start3A_100] : memref<80x128xi32, #tpu.memory_space<vmem>> -> memref<1x128xi32, #tpu.memory_space<vmem>>
      %dma_start3A_102 = tpu.memref_squeeze %dma_start3A_101 : memref<1x128xi32, #tpu.memory_space<vmem>> -> memref<128xi32, #tpu.memory_space<vmem>>
      %dma_start3A_103 = arith.constant 0 : i32
      %dma_start3A_104 = arith.constant 0 : i32
      %dma_start3A_105 = tpu.memref_slice %arg8[%dma_start3A_103, %dma_start3A_104] : memref<10112x128xf32, #tpu.memory_space<vmem_shared>> -> memref<10112x128xf32, #tpu.memory_space<vmem_shared>>
      tpu.enqueue_indirect_dma source(%arg7 : memref<128x128xf32, #tpu.memory_space<vmem>>) target(%dma_start3A_105 : memref<10112x128xf32, #tpu.memory_space<vmem_shared>>) offsets(%dma_start3A_102 : memref<128xi32, #tpu.memory_space<vmem>>) semaphore(%arg10 : memref<!tpu.dma_semaphore, #tpu.memory_space<semaphore_mem>>) {add = true}
      %dma_wait3A_106 = arith.constant 0 : i32
      %dma_wait3A_107 = arith.constant 0 : i32
      %dma_wait3A_108 = tpu.memref_slice %arg6[%dma_wait3A_106, %dma_wait3A_107] : memref<80x128xi32, #tpu.memory_space<vmem>> -> memref<1x128xi32, #tpu.memory_space<vmem>>
      %dma_wait3A_109 = tpu.memref_squeeze %dma_wait3A_108 : memref<1x128xi32, #tpu.memory_space<vmem>> -> memref<128xi32, #tpu.memory_space<vmem>>
      %dma_wait3A_110 = arith.constant 0 : i32
      %dma_wait3A_111 = arith.constant 0 : i32
      %dma_wait3A_112 = tpu.memref_slice %arg8[%dma_wait3A_110, %dma_wait3A_111] : memref<10112x128xf32, #tpu.memory_space<vmem_shared>> -> memref<10112x128xf32, #tpu.memory_space<vmem_shared>>
      tpu.wait_indirect_dma semaphore(%arg11 : memref<!tpu.dma_semaphore, #tpu.memory_space<semaphore_mem>>) src(%arg7 : memref<128x128xf32, #tpu.memory_space<vmem>>) dst(%dma_wait3A_112 : memref<10112x128xf32, #tpu.memory_space<vmem_shared>>)
      %mul3A_113 = arith.constant 4 : i32
      %mul3A_114 = arith.muli %scan3A_71, %mul3A_113 : i32
      %add3A_115 = arith.constant 2 : i32
      %add3A_116 = arith.addi %mul3A_114, %add3A_115 : i32
      %dma_start3A_117 = arith.constant 0 : i32
      %dma_start3A_118 = tpu.memref_slice %arg6[%add3A_116, %dma_start3A_117] : memref<80x128xi32, #tpu.memory_space<vmem>> -> memref<1x128xi32, #tpu.memory_space<vmem>>
      %dma_start3A_119 = tpu.memref_squeeze %dma_start3A_118 : memref<1x128xi32, #tpu.memory_space<vmem>> -> memref<128xi32, #tpu.memory_space<vmem>>
      %dma_start3A_120 = arith.constant 0 : i32
      %dma_start3A_121 = arith.constant 0 : i32
      %dma_start3A_122 = tpu.memref_slice %arg8[%dma_start3A_120, %dma_start3A_121] : memref<10112x128xf32, #tpu.memory_space<vmem_shared>> -> memref<10112x128xf32, #tpu.memory_space<vmem_shared>>
      tpu.enqueue_indirect_dma source(%arg7 : memref<128x128xf32, #tpu.memory_space<vmem>>) target(%dma_start3A_122 : memref<10112x128xf32, #tpu.memory_space<vmem_shared>>) offsets(%dma_start3A_119 : memref<128xi32, #tpu.memory_space<vmem>>) semaphore(%arg11 : memref<!tpu.dma_semaphore, #tpu.memory_space<semaphore_mem>>) {add = true}
      %dma_wait3A_123 = arith.constant 0 : i32
      %dma_wait3A_124 = arith.constant 0 : i32
      %dma_wait3A_125 = tpu.memref_slice %arg6[%dma_wait3A_123, %dma_wait3A_124] : memref<80x128xi32, #tpu.memory_space<vmem>> -> memref<1x128xi32, #tpu.memory_space<vmem>>
      %dma_wait3A_126 = tpu.memref_squeeze %dma_wait3A_125 : memref<1x128xi32, #tpu.memory_space<vmem>> -> memref<128xi32, #tpu.memory_space<vmem>>
      %dma_wait3A_127 = arith.constant 0 : i32
      %dma_wait3A_128 = arith.constant 0 : i32
      %dma_wait3A_129 = tpu.memref_slice %arg8[%dma_wait3A_127, %dma_wait3A_128] : memref<10112x128xf32, #tpu.memory_space<vmem_shared>> -> memref<10112x128xf32, #tpu.memory_space<vmem_shared>>
      tpu.wait_indirect_dma semaphore(%arg12 : memref<!tpu.dma_semaphore, #tpu.memory_space<semaphore_mem>>) src(%arg7 : memref<128x128xf32, #tpu.memory_space<vmem>>) dst(%dma_wait3A_129 : memref<10112x128xf32, #tpu.memory_space<vmem_shared>>)
      %mul3A_130 = arith.constant 4 : i32
      %mul3A_131 = arith.muli %scan3A_71, %mul3A_130 : i32
      %add3A_132 = arith.constant 3 : i32
      %add3A_133 = arith.addi %mul3A_131, %add3A_132 : i32
      %dma_start3A_134 = arith.constant 0 : i32
      %dma_start3A_135 = tpu.memref_slice %arg6[%add3A_133, %dma_start3A_134] : memref<80x128xi32, #tpu.memory_space<vmem>> -> memref<1x128xi32, #tpu.memory_space<vmem>>
      %dma_start3A_136 = tpu.memref_squeeze %dma_start3A_135 : memref<1x128xi32, #tpu.memory_space<vmem>> -> memref<128xi32, #tpu.memory_space<vmem>>
      %dma_start3A_137 = arith.constant 0 : i32
      %dma_start3A_138 = arith.constant 0 : i32
      %dma_start3A_139 = tpu.memref_slice %arg8[%dma_start3A_137, %dma_start3A_138] : memref<10112x128xf32, #tpu.memory_space<vmem_shared>> -> memref<10112x128xf32, #tpu.memory_space<vmem_shared>>
      tpu.enqueue_indirect_dma source(%arg7 : memref<128x128xf32, #tpu.memory_space<vmem>>) target(%dma_start3A_139 : memref<10112x128xf32, #tpu.memory_space<vmem_shared>>) offsets(%dma_start3A_136 : memref<128xi32, #tpu.memory_space<vmem>>) semaphore(%arg12 : memref<!tpu.dma_semaphore, #tpu.memory_space<semaphore_mem>>) {add = true}
    }
    %scan3A_38 = arith.constant 19 : i32
    %dma_wait3A = arith.constant 0 : i32
    %dma_wait3A_39 = arith.constant 0 : i32
    %dma_wait3A_40 = tpu.memref_slice %arg6[%dma_wait3A, %dma_wait3A_39] : memref<80x128xi32, #tpu.memory_space<vmem>> -> memref<1x128xi32, #tpu.memory_space<vmem>>
    %dma_wait3A_41 = tpu.memref_squeeze %dma_wait3A_40 : memref<1x128xi32, #tpu.memory_space<vmem>> -> memref<128xi32, #tpu.memory_space<vmem>>
    %dma_wait3A_42 = arith.constant 0 : i32
    %dma_wait3A_43 = arith.constant 0 : i32
    %dma_wait3A_44 = tpu.memref_slice %arg8[%dma_wait3A_42, %dma_wait3A_43] : memref<10112x128xf32, #tpu.memory_space<vmem_shared>> -> memref<10112x128xf32, #tpu.memory_space<vmem_shared>>
    tpu.wait_indirect_dma semaphore(%arg9 : memref<!tpu.dma_semaphore, #tpu.memory_space<semaphore_mem>>) src(%arg7 : memref<128x128xf32, #tpu.memory_space<vmem>>) dst(%dma_wait3A_44 : memref<10112x128xf32, #tpu.memory_space<vmem_shared>>)
    %dma_wait3A_45 = arith.constant 0 : i32
    %dma_wait3A_46 = arith.constant 0 : i32
    %dma_wait3A_47 = tpu.memref_slice %arg6[%dma_wait3A_45, %dma_wait3A_46] : memref<80x128xi32, #tpu.memory_space<vmem>> -> memref<1x128xi32, #tpu.memory_space<vmem>>
    %dma_wait3A_48 = tpu.memref_squeeze %dma_wait3A_47 : memref<1x128xi32, #tpu.memory_space<vmem>> -> memref<128xi32, #tpu.memory_space<vmem>>
    %dma_wait3A_49 = arith.constant 0 : i32
    %dma_wait3A_50 = arith.constant 0 : i32
    %dma_wait3A_51 = tpu.memref_slice %arg8[%dma_wait3A_49, %dma_wait3A_50] : memref<10112x128xf32, #tpu.memory_space<vmem_shared>> -> memref<10112x128xf32, #tpu.memory_space<vmem_shared>>
    tpu.wait_indirect_dma semaphore(%arg10 : memref<!tpu.dma_semaphore, #tpu.memory_space<semaphore_mem>>) src(%arg7 : memref<128x128xf32, #tpu.memory_space<vmem>>) dst(%dma_wait3A_51 : memref<10112x128xf32, #tpu.memory_space<vmem_shared>>)
    %dma_wait3A_52 = arith.constant 0 : i32
    %dma_wait3A_53 = arith.constant 0 : i32
    %dma_wait3A_54 = tpu.memref_slice %arg6[%dma_wait3A_52, %dma_wait3A_53] : memref<80x128xi32, #tpu.memory_space<vmem>> -> memref<1x128xi32, #tpu.memory_space<vmem>>
    %dma_wait3A_55 = tpu.memref_squeeze %dma_wait3A_54 : memref<1x128xi32, #tpu.memory_space<vmem>> -> memref<128xi32, #tpu.memory_space<vmem>>
    %dma_wait3A_56 = arith.constant 0 : i32
    %dma_wait3A_57 = arith.constant 0 : i32
    %dma_wait3A_58 = tpu.memref_slice %arg8[%dma_wait3A_56, %dma_wait3A_57] : memref<10112x128xf32, #tpu.memory_space<vmem_shared>> -> memref<10112x128xf32, #tpu.memory_space<vmem_shared>>
    tpu.wait_indirect_dma semaphore(%arg11 : memref<!tpu.dma_semaphore, #tpu.memory_space<semaphore_mem>>) src(%arg7 : memref<128x128xf32, #tpu.memory_space<vmem>>) dst(%dma_wait3A_58 : memref<10112x128xf32, #tpu.memory_space<vmem_shared>>)
    %dma_wait3A_59 = arith.constant 0 : i32
    %dma_wait3A_60 = arith.constant 0 : i32
    %dma_wait3A_61 = tpu.memref_slice %arg6[%dma_wait3A_59, %dma_wait3A_60] : memref<80x128xi32, #tpu.memory_space<vmem>> -> memref<1x128xi32, #tpu.memory_space<vmem>>
    %dma_wait3A_62 = tpu.memref_squeeze %dma_wait3A_61 : memref<1x128xi32, #tpu.memory_space<vmem>> -> memref<128xi32, #tpu.memory_space<vmem>>
    %dma_wait3A_63 = arith.constant 0 : i32
    %dma_wait3A_64 = arith.constant 0 : i32
    %dma_wait3A_65 = tpu.memref_slice %arg8[%dma_wait3A_63, %dma_wait3A_64] : memref<10112x128xf32, #tpu.memory_space<vmem_shared>> -> memref<10112x128xf32, #tpu.memory_space<vmem_shared>>
    tpu.wait_indirect_dma semaphore(%arg12 : memref<!tpu.dma_semaphore, #tpu.memory_space<semaphore_mem>>) src(%arg7 : memref<128x128xf32, #tpu.memory_space<vmem>>) dst(%dma_wait3A_65 : memref<10112x128xf32, #tpu.memory_space<vmem_shared>>)
    %barrier3A_66 = arith.constant 0 : index
    tpu.barrier barrier_id(%barrier3A_66)
    %mul3A_67 = arith.constant 632 : i32
    %mul3A_68 = arith.muli %arg1, %mul3A_67 : i32
    %mul3A_69 = arith.constant 632 : i32
    %mul3A_70 = arith.muli %arg1, %mul3A_69 : i32
    "tpu.region"() ({
      %run_scoped3A = tpu.sem_alloc : memref<!tpu.dma_semaphore, #tpu.memory_space<semaphore_mem>>
      %dma_start3A_71 = arith.constant 0 : i32
      %dma_start3A_72 = tpu.memref_slice %arg5[%arg0, %mul3A_70, %dma_start3A_71] : memref<2x10112x128xf32, #tpu.memory_space<hbm>> -> memref<1x632x128xf32, #tpu.memory_space<hbm>>
      %dma_start3A_73 = tpu.memref_squeeze %dma_start3A_72 : memref<1x632x128xf32, #tpu.memory_space<hbm>> -> memref<632x128xf32, #tpu.memory_space<hbm>>
      %dma_start3A_74 = arith.constant 0 : i32
      %dma_start3A_75 = tpu.memref_slice %arg8[%mul3A_68, %dma_start3A_74] : memref<10112x128xf32, #tpu.memory_space<vmem_shared>> -> memref<632x128xf32, #tpu.memory_space<vmem_shared>>
      tpu.enqueue_dma source(%dma_start3A_75 : memref<632x128xf32, #tpu.memory_space<vmem_shared>>) target(%dma_start3A_73 : memref<632x128xf32, #tpu.memory_space<hbm>>) target_semaphore(%run_scoped3A : memref<!tpu.dma_semaphore, #tpu.memory_space<semaphore_mem>>)
      %dma_wait3A_76 = arith.constant 0 : i32
      %dma_wait3A_77 = tpu.memref_slice %arg5[%arg0, %mul3A_70, %dma_wait3A_76] : memref<2x10112x128xf32, #tpu.memory_space<hbm>> -> memref<1x632x128xf32, #tpu.memory_space<hbm>>
      %dma_wait3A_78 = tpu.memref_squeeze %dma_wait3A_77 : memref<1x632x128xf32, #tpu.memory_space<hbm>> -> memref<632x128xf32, #tpu.memory_space<hbm>>
      %dma_wait3A_79 = arith.constant 0 : i32
      %dma_wait3A_80 = tpu.memref_slice %arg8[%mul3A_68, %dma_wait3A_79] : memref<10112x128xf32, #tpu.memory_space<vmem_shared>> -> memref<632x128xf32, #tpu.memory_space<vmem_shared>>
      tpu.wait_dma2 semaphore(%run_scoped3A : memref<!tpu.dma_semaphore, #tpu.memory_space<semaphore_mem>>) src(%dma_wait3A_80 : memref<632x128xf32, #tpu.memory_space<vmem_shared>>) dst(%dma_wait3A_78 : memref<632x128xf32, #tpu.memory_space<hbm>>)
      tpu.yield
    }) : () -> ()
    return
  }
}

module attributes {stable_mosaic.version = 14 : i64} {
  func.func @_tc_in_body(%arg0: i32, %arg1: memref<1000x128xf32, #tpu.memory_space<vmem>>, %arg2: memref<128x128xf32, #tpu.memory_space<vmem>>, %arg3: memref<2x1000x128xf32, #tpu.memory_space<vmem>>, %arg4: memref<1000x128xf32, #tpu.memory_space<vmem>>, %arg5: memref<1000x1xf32, #tpu.memory_space<vmem>>) attributes {dimension_semantics = [#tpu.dimension_semantics<arbitrary>], iteration_bounds = array<i64: 10>, scalar_prefetch = 0 : i64, scratch_operands = 0 : i64, tpu.core_type = #tpu.core_type<tc>, window_params = [{transform_indices = @transform_0, window_bounds = array<i64: 1000, 128>}, {pipeline_mode = #tpu.pipeline_mode<synchronous>, transform_indices = @transform_1, window_bounds = array<i64: 128, 128>}, {transform_indices = @transform_2, window_bounds = array<i64: 2, 1000, 128>}, {transform_indices = @transform_3, window_bounds = array<i64: 1000, 128>}, {transform_indices = @transform_4, window_bounds = array<i64: 1000, 1>}]} {
    %get3A = arith.constant 0 : index
    %get3A_0 = arith.constant 0 : index
    %get3A_1 = arith.constant 0 : index
    %get3A_2 = vector.load %arg3[%get3A, %get3A_0, %get3A_1] : memref<2x1000x128xf32, #tpu.memory_space<vmem>>, vector<1x1000x1xf32>
    %get3A_3 = vector.shape_cast %get3A_2 : vector<1x1000x1xf32> to vector<1000x1xf32>
    %get3A_4 = arith.constant 1 : index
    %get3A_5 = arith.constant 0 : index
    %get3A_6 = arith.constant 0 : index
    %get3A_7 = vector.load %arg3[%get3A_4, %get3A_5, %get3A_6] : memref<2x1000x128xf32, #tpu.memory_space<vmem>>, vector<1x1000x1xf32>
    %get3A_8 = vector.shape_cast %get3A_7 : vector<1x1000x1xf32> to vector<1000x1xf32>
    %add3A = arith.addf %get3A_3, %get3A_8 : vector<1000x1xf32>
    %add3A_9 = arith.constant 1.000000e+00 : f32
    %add3A_10 = vector.broadcast %add3A_9 : f32 to vector<1000x1xf32>
    %add3A_11 = arith.addf %add3A, %add3A_10 : vector<1000x1xf32>
    %rsqrt3A = math.rsqrt %add3A_11 : vector<1000x1xf32>
    %get3A_12 = arith.constant 0 : index
    %get3A_13 = arith.constant 0 : index
    %get3A_14 = vector.load %arg1[%get3A_12, %get3A_13] : memref<1000x128xf32, #tpu.memory_space<vmem>>, vector<1000x128xf32>
    %get3A_15 = arith.constant 0 : index
    %get3A_16 = arith.constant 0 : index
    %get3A_17 = vector.load %arg2[%get3A_15, %get3A_16] : memref<128x128xf32, #tpu.memory_space<vmem>>, vector<128x128xf32>
    %dot_general3A = arith.constant dense<0.000000e+00> : vector<1000x128xf32>
    %dot_general3A_18 = tpu.matmul %get3A_14, %get3A_17, %dot_general3A {dimension_numbers = #tpu.dot_dimension_numbers<[1], [0], [0], [1], [0, 0, 1, 1], [], []>, transpose_lhs_hint = false} : vector<1000x128xf32>, vector<128x128xf32>, vector<1000x128xf32> -> vector<1000x128xf32>
    %mul3A = vector.broadcast %rsqrt3A : vector<1000x1xf32> to vector<1000x128xf32>
    %mul3A_19 = arith.mulf %dot_general3A_18, %mul3A : vector<1000x128xf32>
    %swap3A = arith.constant 0 : index
    %swap3A_20 = arith.constant 0 : index
    %swap3A_21 = vector.load %arg4[%swap3A, %swap3A_20] : memref<1000x128xf32, #tpu.memory_space<vmem>>, vector<1000x128xf32>
    tpu.vector_store %arg4[%swap3A, %swap3A_20], %mul3A_19 {strides = array<i32>} : memref<1000x128xf32, #tpu.memory_space<vmem>>, vector<1000x128xf32>,
    %swap3A_22 = arith.constant 0 : index
    %swap3A_23 = arith.constant 0 : index
    %swap3A_24 = vector.load %arg5[%swap3A_22, %swap3A_23] : memref<1000x1xf32, #tpu.memory_space<vmem>>, vector<1000x1xf32>
    tpu.vector_store %arg5[%swap3A_22, %swap3A_23], %rsqrt3A {strides = array<i32>} : memref<1000x1xf32, #tpu.memory_space<vmem>>, vector<1000x1xf32>,
    return
  }
  func.func @transform_0(%arg0: i32) -> (i32, i32) {
    %c0_i32 = arith.constant 0 : i32
    %c0_i32_0 = arith.constant 0 : i32
    return %arg0, %c0_i32 : i32, i32
  }
  func.func @transform_1(%arg0: i32) -> (i32, i32) {
    %c0_i32 = arith.constant 0 : i32
    %c0_i32_0 = arith.constant 0 : i32
    %c0_i32_1 = arith.constant 0 : i32
    return %c0_i32, %c0_i32_0 : i32, i32
  }
  func.func @transform_2(%arg0: i32) -> (i32, i32, i32) {
    %c0_i32 = arith.constant 0 : i32
    %c0_i32_0 = arith.constant 0 : i32
    %c0_i32_1 = arith.constant 0 : i32
    return %c0_i32, %arg0, %c0_i32_0 : i32, i32, i32
  }
  func.func @transform_3(%arg0: i32) -> (i32, i32) {
    %c0_i32 = arith.constant 0 : i32
    %c0_i32_0 = arith.constant 0 : i32
    return %arg0, %c0_i32 : i32, i32
  }
  func.func @transform_4(%arg0: i32) -> (i32, i32) {
    %c0_i32 = arith.constant 0 : i32
    %c0_i32_0 = arith.constant 0 : i32
    return %arg0, %c0_i32 : i32, i32
  }
}

module attributes {stable_mosaic.version = 14 : i64} {
  func.func @_tc_mid_body(%arg0: i32, %arg1: memref<2x1000x128xf32, #tpu.memory_space<vmem>>, %arg2: memref<1000x128xf32, #tpu.memory_space<vmem>>, %arg3: memref<1000x1xf32, #tpu.memory_space<vmem>>, %arg4: memref<1x128xf32, #tpu.memory_space<vmem>>, %arg5: memref<128x128xf32, #tpu.memory_space<vmem>>, %arg6: memref<1000x128xf32, #tpu.memory_space<vmem>>) attributes {dimension_semantics = [#tpu.dimension_semantics<arbitrary>], iteration_bounds = array<i64: 10>, scalar_prefetch = 0 : i64, scratch_operands = 0 : i64, tpu.core_type = #tpu.core_type<tc>, window_params = [{transform_indices = @transform_0, window_bounds = array<i64: 2, 1000, 128>}, {transform_indices = @transform_1, window_bounds = array<i64: 1000, 128>}, {transform_indices = @transform_2, window_bounds = array<i64: 1000, 1>}, {pipeline_mode = #tpu.pipeline_mode<synchronous>, transform_indices = @transform_3, window_bounds = array<i64: 1, 128>}, {pipeline_mode = #tpu.pipeline_mode<synchronous>, transform_indices = @transform_4, window_bounds = array<i64: 128, 128>}, {transform_indices = @transform_5, window_bounds = array<i64: 1000, 128>}]} {
    %get3A = arith.constant 0 : index
    %get3A_0 = arith.constant 0 : index
    %get3A_1 = arith.constant 0 : index
    %get3A_2 = vector.load %arg1[%get3A, %get3A_0, %get3A_1] : memref<2x1000x128xf32, #tpu.memory_space<vmem>>, vector<1x1000x128xf32>
    %get3A_3 = vector.shape_cast %get3A_2 : vector<1x1000x128xf32> to vector<1000x128xf32>
    %get3A_4 = arith.constant 1 : index
    %get3A_5 = arith.constant 0 : index
    %get3A_6 = arith.constant 0 : index
    %get3A_7 = vector.load %arg1[%get3A_4, %get3A_5, %get3A_6] : memref<2x1000x128xf32, #tpu.memory_space<vmem>>, vector<1x1000x128xf32>
    %get3A_8 = vector.shape_cast %get3A_7 : vector<1x1000x128xf32> to vector<1000x128xf32>
    %add3A = arith.addf %get3A_3, %get3A_8 : vector<1000x128xf32>
    %get3A_9 = arith.constant 0 : index
    %get3A_10 = arith.constant 0 : index
    %get3A_11 = vector.load %arg2[%get3A_9, %get3A_10] : memref<1000x128xf32, #tpu.memory_space<vmem>>, vector<1000x128xf32>
    %add3A_12 = arith.addf %add3A, %get3A_11 : vector<1000x128xf32>
    %get3A_13 = arith.constant 0 : index
    %get3A_14 = arith.constant 0 : index
    %get3A_15 = vector.load %arg3[%get3A_13, %get3A_14] : memref<1000x1xf32, #tpu.memory_space<vmem>>, vector<1000x1xf32>
    %mul3A = vector.broadcast %get3A_15 : vector<1000x1xf32> to vector<1000x128xf32>
    %mul3A_16 = arith.mulf %add3A_12, %mul3A : vector<1000x128xf32>
    %get3A_17 = arith.constant 0 : index
    %get3A_18 = arith.constant 0 : index
    %get3A_19 = vector.load %arg4[%get3A_17, %get3A_18] : memref<1x128xf32, #tpu.memory_space<vmem>>, vector<1x128xf32>
    %add3A_20 = vector.broadcast %get3A_19 : vector<1x128xf32> to vector<1000x128xf32>
    %add3A_21 = arith.addf %mul3A_16, %add3A_20 : vector<1000x128xf32>
    %max3A = arith.constant 0.000000e+00 : f32
    %max3A_22 = vector.broadcast %max3A : f32 to vector<1000x128xf32>
    %max3A_23 = arith.maximumf %add3A_21, %max3A_22 : vector<1000x128xf32>
    %get3A_24 = arith.constant 0 : index
    %get3A_25 = arith.constant 0 : index
    %get3A_26 = vector.load %arg5[%get3A_24, %get3A_25] : memref<128x128xf32, #tpu.memory_space<vmem>>, vector<128x128xf32>
    %dot_general3A = arith.constant dense<0.000000e+00> : vector<1000x128xf32>
    %dot_general3A_27 = tpu.matmul %max3A_23, %get3A_26, %dot_general3A {dimension_numbers = #tpu.dot_dimension_numbers<[1], [0], [0], [1], [0, 0, 1, 1], [], []>, transpose_lhs_hint = false} : vector<1000x128xf32>, vector<128x128xf32>, vector<1000x128xf32> -> vector<1000x128xf32>
    %get3A_28 = arith.constant 0 : index
    %get3A_29 = arith.constant 0 : index
    %get3A_30 = vector.load %arg3[%get3A_28, %get3A_29] : memref<1000x1xf32, #tpu.memory_space<vmem>>, vector<1000x1xf32>
    %mul3A_31 = vector.broadcast %get3A_30 : vector<1000x1xf32> to vector<1000x128xf32>
    %mul3A_32 = arith.mulf %dot_general3A_27, %mul3A_31 : vector<1000x128xf32>
    %swap3A = arith.constant 0 : index
    %swap3A_33 = arith.constant 0 : index
    %swap3A_34 = vector.load %arg6[%swap3A, %swap3A_33] : memref<1000x128xf32, #tpu.memory_space<vmem>>, vector<1000x128xf32>
    tpu.vector_store %arg6[%swap3A, %swap3A_33], %mul3A_32 {strides = array<i32>} : memref<1000x128xf32, #tpu.memory_space<vmem>>, vector<1000x128xf32>,
    return
  }
  func.func @transform_0(%arg0: i32) -> (i32, i32, i32) {
    %c0_i32 = arith.constant 0 : i32
    %c0_i32_0 = arith.constant 0 : i32
    %c0_i32_1 = arith.constant 0 : i32
    return %c0_i32, %arg0, %c0_i32_0 : i32, i32, i32
  }
  func.func @transform_1(%arg0: i32) -> (i32, i32) {
    %c0_i32 = arith.constant 0 : i32
    %c0_i32_0 = arith.constant 0 : i32
    return %arg0, %c0_i32 : i32, i32
  }
  func.func @transform_2(%arg0: i32) -> (i32, i32) {
    %c0_i32 = arith.constant 0 : i32
    %c0_i32_0 = arith.constant 0 : i32
    return %arg0, %c0_i32 : i32, i32
  }
  func.func @transform_3(%arg0: i32) -> (i32, i32) {
    %c0_i32 = arith.constant 0 : i32
    %c0_i32_0 = arith.constant 0 : i32
    %c0_i32_1 = arith.constant 0 : i32
    return %c0_i32, %c0_i32_0 : i32, i32
  }
  func.func @transform_4(%arg0: i32) -> (i32, i32) {
    %c0_i32 = arith.constant 0 : i32
    %c0_i32_0 = arith.constant 0 : i32
    %c0_i32_1 = arith.constant 0 : i32
    return %c0_i32, %c0_i32_0 : i32, i32
  }
  func.func @transform_5(%arg0: i32) -> (i32, i32) {
    %c0_i32 = arith.constant 0 : i32
    %c0_i32_0 = arith.constant 0 : i32
    return %arg0, %c0_i32 : i32, i32
  }
}

module attributes {stable_mosaic.version = 14 : i64} {
  func.func @_tc_out_body(%arg0: i32, %arg1: memref<2x1000x128xf32, #tpu.memory_space<vmem>>, %arg2: memref<1000x128xf32, #tpu.memory_space<vmem>>, %arg3: memref<1000x1xf32, #tpu.memory_space<vmem>>, %arg4: memref<1x128xf32, #tpu.memory_space<vmem>>, %arg5: memref<1000x128xf32, #tpu.memory_space<vmem>>) attributes {dimension_semantics = [#tpu.dimension_semantics<arbitrary>], iteration_bounds = array<i64: 10>, scalar_prefetch = 0 : i64, scratch_operands = 0 : i64, tpu.core_type = #tpu.core_type<tc>, window_params = [{transform_indices = @transform_0, window_bounds = array<i64: 2, 1000, 128>}, {transform_indices = @transform_1, window_bounds = array<i64: 1000, 128>}, {transform_indices = @transform_2, window_bounds = array<i64: 1000, 1>}, {pipeline_mode = #tpu.pipeline_mode<synchronous>, transform_indices = @transform_3, window_bounds = array<i64: 1, 128>}, {transform_indices = @transform_4, window_bounds = array<i64: 1000, 128>}]} {
    %get3A = arith.constant 0 : index
    %get3A_0 = arith.constant 0 : index
    %get3A_1 = arith.constant 0 : index
    %get3A_2 = vector.load %arg1[%get3A, %get3A_0, %get3A_1] : memref<2x1000x128xf32, #tpu.memory_space<vmem>>, vector<1x1000x128xf32>
    %get3A_3 = vector.shape_cast %get3A_2 : vector<1x1000x128xf32> to vector<1000x128xf32>
    %get3A_4 = arith.constant 1 : index
    %get3A_5 = arith.constant 0 : index
    %get3A_6 = arith.constant 0 : index
    %get3A_7 = vector.load %arg1[%get3A_4, %get3A_5, %get3A_6] : memref<2x1000x128xf32, #tpu.memory_space<vmem>>, vector<1x1000x128xf32>
    %get3A_8 = vector.shape_cast %get3A_7 : vector<1x1000x128xf32> to vector<1000x128xf32>
    %add3A = arith.addf %get3A_3, %get3A_8 : vector<1000x128xf32>
    %get3A_9 = arith.constant 0 : index
    %get3A_10 = arith.constant 0 : index
    %get3A_11 = vector.load %arg2[%get3A_9, %get3A_10] : memref<1000x128xf32, #tpu.memory_space<vmem>>, vector<1000x128xf32>
    %add3A_12 = arith.addf %add3A, %get3A_11 : vector<1000x128xf32>
    %get3A_13 = arith.constant 0 : index
    %get3A_14 = arith.constant 0 : index
    %get3A_15 = vector.load %arg3[%get3A_13, %get3A_14] : memref<1000x1xf32, #tpu.memory_space<vmem>>, vector<1000x1xf32>
    %mul3A = vector.broadcast %get3A_15 : vector<1000x1xf32> to vector<1000x128xf32>
    %mul3A_16 = arith.mulf %add3A_12, %mul3A : vector<1000x128xf32>
    %get3A_17 = arith.constant 0 : index
    %get3A_18 = arith.constant 0 : index
    %get3A_19 = vector.load %arg4[%get3A_17, %get3A_18] : memref<1x128xf32, #tpu.memory_space<vmem>>, vector<1x128xf32>
    %add3A_20 = vector.broadcast %get3A_19 : vector<1x128xf32> to vector<1000x128xf32>
    %add3A_21 = arith.addf %mul3A_16, %add3A_20 : vector<1000x128xf32>
    %swap3A = arith.constant 0 : index
    %swap3A_22 = arith.constant 0 : index
    %swap3A_23 = vector.load %arg5[%swap3A, %swap3A_22] : memref<1000x128xf32, #tpu.memory_space<vmem>>, vector<1000x128xf32>
    tpu.vector_store %arg5[%swap3A, %swap3A_22], %add3A_21 {strides = array<i32>} : memref<1000x128xf32, #tpu.memory_space<vmem>>, vector<1000x128xf32>,
    return
  }
  func.func @transform_0(%arg0: i32) -> (i32, i32, i32) {
    %c0_i32 = arith.constant 0 : i32
    %c0_i32_0 = arith.constant 0 : i32
    %c0_i32_1 = arith.constant 0 : i32
    return %c0_i32, %arg0, %c0_i32_0 : i32, i32, i32
  }
  func.func @transform_1(%arg0: i32) -> (i32, i32) {
    %c0_i32 = arith.constant 0 : i32
    %c0_i32_0 = arith.constant 0 : i32
    return %arg0, %c0_i32 : i32, i32
  }
  func.func @transform_2(%arg0: i32) -> (i32, i32) {
    %c0_i32 = arith.constant 0 : i32
    %c0_i32_0 = arith.constant 0 : i32
    return %arg0, %c0_i32 : i32, i32
  }
  func.func @transform_3(%arg0: i32) -> (i32, i32) {
    %c0_i32 = arith.constant 0 : i32
    %c0_i32_0 = arith.constant 0 : i32
    %c0_i32_1 = arith.constant 0 : i32
    return %c0_i32, %c0_i32_0 : i32, i32
  }
  func.func @transform_4(%arg0: i32) -> (i32, i32) {
    %c0_i32 = arith.constant 0 : i32
    %c0_i32_0 = arith.constant 0 : i32
    return %arg0, %c0_i32 : i32, i32
  }
}

</mosaic_0001>

<sc_bundles>
// kernel: kernel.11.cloned.1.call-start
scs
__scs_entry_jumppad:
0x0: {  	(pc) =	sbr.rel $0x88, $3  }
0x1: {  	(tag) =	ssettag $0x0;
	lr =	simm.s32 $0x1  }
0x2: {  	[smem:$0x3F9B] =	sst lr;
	_ =	strace $0xD0000000  }
0x3: {  	_ = 	snop  }
0x4: {  	_ = 	snop  }
0x5: {  	_ = 	snop  }
0x6: {  	_ = 	snop  }
0x7: {  	_ = 	snop  }
__scs_overlays_trampoline_lowered:
0x8: {  	[smem:$0x3FAA] =	sst s0  }
0x9: {  	[smem:$0x3FAB] =	sst s1  }
0xa: {  	[smem:$0x3FAC] =	sst s2  }
0xb: {  	[smem:$0x3FAD] =	sst s3  }
0xc: {  	[smem:$0x3FAE] =	sst s4  }
0xd: {  	[smem:$0x3FAF] =	sst s5  }
0xe: {  	[smem:$0x3FB0] =	sst s6  }
0xf: {  	[smem:$0x3FB1] =	sst s7  }
0x10: {  	[smem:$0x3FB2] =	sst s8  }
0x11: {  	[smem:$0x3FB3] =	sst s9;
	s0 =	simm.s32 @!p0 $0x0  }
0x12: {  	s1 =	sld [smem:$0x3F99];
	s0 =	simm.s32 @p0 $0x1  }
0x13: {  	[smem:$0x3FB4] =	sst s0;
	s0 =	simm.s32 @!p1 $0x0  }
0x14: {  	s2 =	sld [smem:$0x3F98];
	s0 =	simm.s32 @p1 $0x1  }
0x15: {  	[smem:$0x3FB5] =	sst s0;
	s0 =	simm.s32 @!p2 $0x0  }
0x16: {  	s3 =	sld [smem:$0x3FDB];
	s0 =	simm.s32 @p2 $0x1  }
0x17: {  	s4 =	simm.s32 $0x1BF5;
	[smem:$0x3FB7] =	sst s0  }
0x18: {  	s0 =	sld [smem:$0x3F9A];
	_ =	swait.ge [sflag:s4], $0x0  }
0x19: {  	s7 =	sld [smem:$0x3F9B]  }
0x1a: {  	s8 =	sadd.s32 $0xFFFFE003, lr  }
0x1b: {  	s9 =	sadd.s32 $0xFFFFFEF7, lr;
	s5 =	simm.s32 $0xFFFFFFFF;
	p2 =	slt.u32 s8, $0xFFFFF086  }
0x1c: {  	p1 =	slt.u32 s9, $0xF7A;
	s5 =	simm.s32 @!p2 $0x0  }
0x1d: {  	s5 =	simm.s32 @p1 $0x1;
	p0 =	seq.s32 s7, s2  }
0x1e: {  	s7 =	smul.u32 @!p0 $0xF7A, s2;
	p2 =	seq.s32 @!p0 s5, $0x0  }
0x1f: {  	s9 =	smul.u32 $0xF7A, s1;
	s8 =	simm.s32 @!p0 $0x1BF5;
	p2 =	por !p2, p0  }
0x20: {  	[sflag:s8] =	ssyncset.s32 @!p0 $0xFFFFF086;
	s6 =	sadd.s32 @!p0 s3, s7;
	s7 =	simm.s32 @!p0 $0x108  }
0x21: {  	s3 =	sadd.s32 s3, s9;
	s6 =	sadd.s32 @!p0 $0x88, s6;
	s7 =	simm.s32 @p2 $0x1082  }
0x22: {  	[simem:s7], [sflag:s8] =	dma.local @!p0 [hbm:s6], $0xF7A  }
0x23: {  	s9 =	sor.u32 $0xD0000000, s2;
	s6 =	simm.s32 $0x108;
	_ =	swait.ge @!p0 [sflag:s8], $0x0  }
0x24: {  	s3 =	sadd.s32 $0x88, s3;
	s6 =	simm.s32 @!p1 $0x1082;
	[sflag:s4] =	ssyncset.s32 $0xFFFFF086  }
0x25: {  	[simem:s6], [sflag:s4] =	dma.local [hbm:s3], $0xF7A  }
0x26: {  	[smem:$0x3F9B] =	sst s1;
	(tag) =	ssettag s2;
	_ =	strace s9  }
0x27: {  	s1 =	sld [smem:$0x3FAB]  }
0x28: {  	s2 =	sld [smem:$0x3FAC]  }
0x29: {  	s4 =	sld [smem:$0x3FAE]  }
0x2a: {  	p0 =	seq.s32 s5, $0x0;
	s5 =	sld [smem:$0x3FAF]  }
0x2b: {  	s6 =	sld [smem:$0x3FB0]  }
0x2c: {  	s7 =	sld [smem:$0x3FB1]  }
0x2d: {  	s3 =	simm.s32 $0x108;
	s8 =	sld [smem:$0x3FB2]  }
0x2e: {  	s3 =	simm.s32 @!p0 $0x1082;
	s9 =	sld [smem:$0x3FB3]  }
0x2f: {  	lr =	sadd.s32 s0, s3;
	s0 =	sld [smem:$0x3FAA]  }
0x30: {  	s3 =	sld [smem:$0x3FAD]  }
0x31: {  	[smem:$0x3FB6] =	sst s10  }
0x32: {  	s10 =	sld [smem:$0x3FB4];
	_ =	sdelay $0x3  }
0x33: {  	p0 =	seq.s32 s10, $0x1;
	s10 =	sld [smem:$0x3FB6];
	_ =	sdelay $0x3  }
0x34: {  	[smem:$0x3FB6] =	sst s10  }
0x35: {  	s10 =	sld [smem:$0x3FB5];
	_ =	sdelay $0x3  }
0x36: {  	p1 =	seq.s32 s10, $0x1;
	s10 =	sld [smem:$0x3FB6];
	_ =	sdelay $0x3  }
0x37: {  	[smem:$0x3FB6] =	sst s10  }
0x38: {  	s10 =	sld [smem:$0x3FB7]  }
0x39: {  	_ = 	snop;
	(pc) =	sbr.ind lr, $3  }
0x3a: {  	_ = 	snop  }
0x3b: {  	_ = 	snop  }
0x3c: {  	p2 =	seq.s32 s10, $0x1;
	s10 =	sld [smem:$0x3FB6]  }
0x3d: {  	_ =	shalt  }
0x3e: {  	_ =	shalt  }
0x3f: {  	_ =	shalt  }
0x40: {  	_ =	shalt  }
0x41: {  	_ =	shalt  }
0x42: {  	_ =	shalt  }
0x43: {  	_ =	shalt  }
0x44: {  	_ =	shalt  }
0x45: {  	_ =	shalt  }
0x46: {  	_ =	shalt  }
0x47: {  	_ =	shalt  }
0x48: {  	_ =	shalt  }
0x49: {  	_ =	shalt  }
0x4a: {  	_ =	shalt  }
0x4b: {  	_ =	shalt  }
0x4c: {  	_ =	shalt  }
0x4d: {  	_ =	shalt  }
0x4e: {  	_ =	shalt  }
0x4f: {  	_ =	shalt  }
0x50: {  	_ =	shalt  }
0x51: {  	_ =	shalt  }
0x52: {  	_ =	shalt  }
0x53: {  	_ =	shalt  }
0x54: {  	_ =	shalt  }
0x55: {  	_ =	shalt  }
0x56: {  	_ =	shalt  }
0x57: {  	_ =	shalt  }
0x58: {  	_ =	shalt  }
0x59: {  	_ =	shalt  }
0x5a: {  	_ =	shalt  }
0x5b: {  	_ =	shalt  }
0x5c: {  	_ =	shalt  }
0x5d: {  	_ =	shalt  }
0x5e: {  	_ =	shalt  }
0x5f: {  	_ =	shalt  }
0x60: {  	_ =	shalt  }
0x61: {  	_ =	shalt  }
0x62: {  	_ =	shalt  }
0x63: {  	_ =	shalt  }
0x64: {  	_ =	shalt  }
0x65: {  	_ =	shalt  }
0x66: {  	_ =	shalt  }
0x67: {  	_ =	shalt  }
0x68: {  	_ =	shalt  }
0x69: {  	_ =	shalt  }
0x6a: {  	_ =	shalt  }
0x6b: {  	_ =	shalt  }
0x6c: {  	_ =	shalt  }
0x6d: {  	_ =	shalt  }
0x6e: {  	_ =	shalt  }
0x6f: {  	_ =	shalt  }
0x70: {  	_ =	shalt  }
0x71: {  	_ =	shalt  }
0x72: {  	_ =	shalt  }
0x73: {  	_ =	shalt  }
0x74: {  	_ =	shalt  }
0x75: {  	_ =	shalt  }
0x76: {  	_ =	shalt  }
0x77: {  	_ =	shalt  }
0x78: {  	_ =	shalt  }
0x79: {  	_ =	shalt  }
0x7a: {  	_ =	shalt  }
0x7b: {  	_ =	shalt  }
0x7c: {  	_ =	shalt  }
0x7d: {  	_ =	shalt  }
0x7e: {  	_ =	shalt  }
0x7f: {  	_ =	shalt  }
0x80: {  	_ =	shalt  }
0x81: {  	_ =	shalt  }
0x82: {  	_ =	shalt  }
0x83: {  	_ =	shalt  }
0x84: {  	_ =	shalt  }
0x85: {  	_ =	shalt  }
0x86: {  	_ =	shalt  }
0x87: {  	_ =	shalt  }
.Lfunc_end0:
.L_simem_size_0:
called_computation.1_lowered:
.L_overlay_start_0:
0x88: {  	s2 =	sld [smem:$0x3FD9]  }
0x89: {  	s3 =	sld [smem:$0x3FFE];
	_ =	sdelay $0x1  }
0x8a: {  	s1 =	srdreg.scid  }
0x8b: {  	s0 =	sand.u32 $0x1, s1  }
0x8c: {  	s17 =	sshll.u32 s0, $0xA;
	s2 =	sadd.s32 s3, s2  }
0x8d: {  	s2 =	sadd.s32 s2, s17  }
0x8e: {  	[smem:$0x3FC2] =	sst s2  }
0x8f: {  	_ = 	snop  }
0x90: {  	s2 =	sld [smem:$0x3FD0];
	(tm) =	ssettm $0x1  }
0x91: {  	s18 =	sld [smem:$0x3FFB];
	_ =	sdelay $0x3  }
0x92: {  	_ =	strace s18  }
0x93: {  	s3 =	sld [smem:$0x3FFC];
	_ =	sdelay $0x3  }
0x94: {  	_ =	strace s3  }
0x95: {  	s3 =	sld [smem:$0x3FFD];
	_ =	sdelay $0x3  }
0x96: {  	_ =	strace s3  }
0x97: {  	_ =	strace $0x8FFFFFFF  }
0x98: {  	s19 =	sld [smem:$0x3FDB];
	_ =	sdelay $0x1  }
0x99: {  	s4 =	simm.s32 $_scs_section_size  }
0x9a: {  	s5 =	simm.s32 $_size__tile_overlayer_lowered;
	s6 =	simm.s32 $_tile_overlayer_lowered  }
0x9b: {  	s22 =	simm.s32 $0x1BFF;
	s21 =	sshll.u32 s6, $0x1;
	s3 =	sadd.s32 s4, s19  }
0x9c: {  	s7 =	simm.s32 $0x0;
	s20 =	sshll.u32 s5, $0x1;
	s5 =	sadd.s32 s21, s3  }
0x9d: {  	[timem:s7], [sflag:s22] =	dma.local [hbm:s5], s20  }
0x9e: {  	_ =	swait.ge [sflag:s22], s20  }
0x9f: {  	s4 =	ssub.s32 $0x0, s20;
	[sflag:s22] =	ssyncset.done $0x0  }
0xa0: {  	[sflag:s22] =	ssyncadd.s32 s4;
	_ =	sdelay $0x1  }
0xa1: {  	s23 =	simm.s32 $0x1B8B  }
0xa2: {  	_ =	swait.ge [sflag:s23], $0x1  }
0xa3: {  	[sflag:s23] =	ssyncset.done $0x0  }
0xa4: {  	s25 =	simm.s32 $0x1B8E;
	s24 =	sld [smem:$0x3FFE];
	[sflag:s23] =	ssyncadd.s32 $0xFFFFFFFF  }
0xa5: {  	s26 =	simm.s32 $execute0_lowered;
	[smem:$0x3FD2] =	sst s25  }
0xa6: {  	s5 =	sshll.u32 s26, $0x1;
	_ =	strace $0x80000049;
	[dreg:$0x1] =	wrdreg $0xFFFFFFFF  }
0xa7: {  	s28 =	simm.s32 $_size_execute0_lowered;
	s3 =	sadd.s32 s3, s5;
	[dreg:$0x0] =	wrdreg $0x0  }
0xa8: {  	s5 =	sshll.u32 s28, $0x1;
	[dreg:$0x2] =	wrdreg s3  }
0xa9: {  	[dreg:$0x3] =	wrdreg s5  }
0xaa: {  	[dreg:$0x4] =	wrdreg $0xC0  }
0xab: {  	_ =	task [dreg:s7], $0x5FFFF  }
0xac: {  	[dreg:$0x1] =	wrdreg $0xFFFFFFFF  }
0xad: {  	[dreg:$0x0] =	wrdreg $0x60  }
0xae: {  	[dreg:$0x2] =	wrdreg s2  }
0xaf: {  	[dreg:$0x3] =	wrdreg s24  }
0xb0: {  	[dreg:$0x4] =	wrdreg $0x88000  }
0xb1: {  	[dreg:$0x5] =	wrdreg $0x9  }
0xb2: {  	_ =	task.clear_ibuf [dreg:s7], $0x6FFFF;
	_ =	strace $0x90000049  }
0xb3: {  	s29 =	simm.s32 $0x9;
	_ =	strace $0x8000004B  }
0xb4: {  	_ =	swait.ge [sflag:s29], $0x1  }
0xb5: {  	[sflag:s29] =	ssyncadd.s32 $0xFFFFFFFF  }
0xb6: {  	_ =	strace $0x9000004B  }
0xb7: {  	_ =	sfence  }
0xb8: {  	s30 =	sld [smem:$0x0];
	_ =	sdelay $0x2  }
0xb9: {  	s31 =	sshll.u32 s1, $0xD;
	s1 =	sshrl.u32 s1, $0x2  }
0xba: {  	s3 =	sand.u32 $0x4000, s31;
	s1 =	sadd.s32 s1, s30  }
0xbb: {  	s0 =	sor.u32 s3, s0;
	s1 =	sshll.u32 s1, $0x11  }
0xbc: {  	s0 =	sor.u32 s1, s0  }
0xbd: {  	s0 =	sadd.s32 $0x8F2B, s0  }
0xbe: {  	[sflag:s0] =	ssyncadd.remote.s32 $0x1  }
0xbf: {  	_ =	sfence.sel $0xFFFF  }
0xc0: {  	[dreg:$0x0] =	wrdreg $0xFFFFFFFF;
	(pc) =	sbr.abs _section_cstart, $3  }
0xc1: {  	[dreg:$0x1] =	wrdreg $0xFFFFFFFF  }
0xc2: {  	_ =	task.clear_ibuf [dreg:s7], $0x2FFFF;
	_ =	strace $0x9FFFFFFF  }
0xc3: {  	(tm) =	ssettm $0x7FFFFFFF  }
tec
execute0_lowered:
.L_overlay_start_1:
0x0: {  	(tag) =	ssettag $0x1  }
0x1: {  	s1 =	rddreg [dreg:$0x0]  }
0x2: {  	s0 =	rddreg [dreg:$0x1]  }
0x3: {  	s3 =	rddreg [dreg:$0x2];
	s4 =	simm.s32 $0x0  }
0x4: {  	s12 =	stileid.u32;
	s2 =	srdreg.scid;
	s13 =	simm.s32 $0x5  }
0x5: {  	s14 =	simm.s32 $0x400;
	s15 =	simm.s32 $0x80;
	s16 =	simm.s32 $0x800  }
0x6: {  	s17 =	simm.s32 $0x4800;
	s28 =	simm.s32 $0x580;
	s29 =	simm.s32 $0x280  }
0x7: {  	s30 =	simm.s32 $0x600;
	s31 =	simm.s32 $0x300;
	[smem:$0x7FF] =	sst s4  }
0x8: {  	s5 =	smul.u32 $0x13C00, s12;
	s2 =	sand.u32 $0x1, s2;
	s7 =	sadd.s32 $0x2800, s0  }
0x9: {  	s8 =	sadd.s32 $0xC800, s0;
	s10 =	smul.u32 $0x4F000, s12;
	s21 =	sshll.u32 s12, $0x7  }
0xa: {  	s22 =	sshll.u32 s12, $0x6;
	s23 =	smul.u32 $0x980, s12;
	_ =	strace $0x8000004A  }
0xb: {  	s6 =	smul.u32 $0x13C000, s2;
	s18 =	ssub.s32 $0x2, s2;
	p0 =	seq.s32 s2, $0x1  }
0xc: {  	s2 =	simm.s32 $0x380;
	s9 =	sshrl.u32 s5, $0x3;
	s11 =	sshrl.u32 s18, $0x1  }
0xd: {  	s20 =	sshrl.u32 s10, $0x2;
	s10 =	sor.u32 $0x1C05, s22;
	s26 =	sadd.s32 s23, s8  }
0xe: {  	s22 =	simm.s32 $0x480;
	s5 =	sadd.s32 s5, s6;
	s9 =	sadd.s32 s9, s0  }
0xf: {  	s19 =	ssub.s32 s18, s11;
	s6 =	sadd.s32 s20, s3;
	[dreg:$0x4] =	wrdreg s26  }
0x10: {  	s11 =	sadd.s32 s23, s7;
	s18 =	simm.s32 $0x1;
	s20 =	simm.s32 $0x100  }
0x11: {  	s23 =	simm.s32 $0x4;
	s26 =	simm.s32 $0x200;
	[dreg:$0x6] =	wrdreg s10  }
0x12: {  	s5 =	sshrl.u32 s5, $0x3;
	s9 =	sadd.s32 $0x16800, s9;
	s12 =	smax.u32 s19, $0x1  }
0x13: {  	s6 =	sshrl.u32 s6, $0x3;
	s19 =	simm.s32 $0x3;
	s0 =	sadd.s32 s5, s0  }
0x14: {  	[dreg:$0x5] =	wrdreg s9;
	s9 =	sor.u32 $0x9800, s21;
	s21 =	simm.s32 $0x2  }
.Ltmp0:
0x15: {  	s5 =	simm.s32 $0x0;
	[dreg:$0xa] =	wrdreg s12;
	(pc) =	sbr.rel .LBB2_1-.Ltmp0, $4  }
0x16: {  	[dreg:$0xb] =	wrdreg s6;
	s24 =	sadd.s32 s7, s9;
	s25 =	sadd.s32 s8, s9  }
0x17: {  	s9 =	sadd.s32 $0x3E000, s0;
	s0 =	simm.s32 $0x680;
	[dreg:$0x7] =	wrdreg s24  }
0x18: {  	s7 =	simm.s32 $0x700;
	s8 =	simm.s32 $0x780;
	[dreg:$0x8] =	wrdreg s25  }
0x19: {  	s24 =	simm.s32 $0x180;
	s25 =	simm.s32 $0x500;
	[dreg:$0x9] =	wrdreg s9  }
.LBB2_5:
0x1a: {  	s5 =	rddreg [dreg:$0x7]  }
0x1b: {  	[tilespmem:s4], [sflag:$0x5] =	stream.linear.gather [hbm4b:s5+s4], $0x400, $0x38;
	[tilespmem:$0x1C400] =	vst v63  }
0x1c: {  	_ =	swait.ge [sflag:s13], $0x400  }
0x1d: {  	[sflag:s13] =	ssyncset.done $0x0  }
0x1e: {  	s5 =	rddreg [dreg:$0x8];
	[sflag:s13] =	ssyncadd.s32 $0xFFFFFC00  }
0x1f: {  	[tilespmem:s14], [sflag:$0x5] =	stream.linear.gather [hbm4b:s5+s4], $0x400, $0x38;
	[tilespmem:$0x1C400] =	vst v63  }
0x20: {  	_ =	swait.ge [sflag:s13], $0x400  }
0x21: {  	[sflag:s13] =	ssyncset.done $0x0  }
0x22: {  	[sflag:s13] =	ssyncadd.s32 $0xFFFFFC00  }
0x23: {  	[tilespmem:s16], [sflag:$0x1] =	stream.indirect.gather [hbm4b:s1+s15], $0x80, s4, s15, $0xb8;
	[tilespmem:$0x1C400] =	vst v63  }
0x24: {  	_ = 	snop  }
0x25: {  	[tilespmem:s17], [sflag:$0x2] =	stream.indirect.gather [hbm4b:s1+s15], $0x80, s15, s15, $0xb8;
	[tilespmem:$0x1C400] =	vst v63  }
0x26: {  	_ =	swait.ge [sflag:s18], $0x4000  }
0x27: {  	[sflag:s18] =	ssyncset.done $0x0  }
0x28: {  	[sflag:s18] =	ssyncadd.s32 $0xFFFFC000  }
0x29: {  	[spmem:s3] =	stream.indirect.scatter.add.f32 [tilespmem:s16], [sflag:$0x3], $0x80, s14, s15, $0xb8;
	[tilespmem:$0x1C400] =	vst v63  }
0x2a: {  	_ =	swait.ge [sflag:s19], $0x4000  }
0x2b: {  	[sflag:s19] =	ssyncset.done $0x0  }
0x2c: {  	[sflag:s19] =	ssyncadd.s32 $0xFFFFC000  }
0x2d: {  	[tilespmem:s16], [sflag:$0x1] =	stream.indirect.gather [hbm4b:s1+s15], $0x80, s20, s15, $0xb8;
	[tilespmem:$0x1C400] =	vst v63  }
0x2e: {  	_ =	swait.ge [sflag:s21], $0x4000  }
0x2f: {  	[sflag:s21] =	ssyncset.done $0x0  }
0x30: {  	[sflag:s21] =	ssyncadd.s32 $0xFFFFC000  }
0x31: {  	[spmem:s3] =	stream.indirect.scatter.add.f32 [tilespmem:s17], [sflag:$0x4], $0x80, s22, s15, $0xb8;
	[tilespmem:$0x1C400] =	vst v63  }
0x32: {  	_ =	swait.ge [sflag:s23], $0x4000  }
0x33: {  	[sflag:s23] =	ssyncset.done $0x0  }
0x34: {  	[sflag:s23] =	ssyncadd.s32 $0xFFFFC000  }
0x35: {  	[tilespmem:s17], [sflag:$0x2] =	stream.indirect.gather [hbm4b:s1+s15], $0x80, s24, s15, $0xb8;
	[tilespmem:$0x1C400] =	vst v63  }
0x36: {  	_ =	swait.ge [sflag:s18], $0x4000  }
0x37: {  	[sflag:s18] =	ssyncset.done $0x0  }
0x38: {  	[sflag:s18] =	ssyncadd.s32 $0xFFFFC000  }
0x39: {  	[spmem:s3] =	stream.indirect.scatter.add.f32 [tilespmem:s16], [sflag:$0x3], $0x80, s25, s15, $0xb8;
	[tilespmem:$0x1C400] =	vst v63  }
0x3a: {  	_ =	swait.ge [sflag:s19], $0x4000  }
0x3b: {  	[sflag:s19] =	ssyncset.done $0x0  }
0x3c: {  	[sflag:s19] =	ssyncadd.s32 $0xFFFFC000  }
0x3d: {  	[tilespmem:s16], [sflag:$0x1] =	stream.indirect.gather [hbm4b:s1+s15], $0x80, s26, s15, $0xb8;
	[tilespmem:$0x1C400] =	vst v63  }
0x3e: {  	_ =	swait.ge [sflag:s21], $0x4000  }
0x3f: {  	[sflag:s21] =	ssyncset.done $0x0  }
0x40: {  	[sflag:s21] =	ssyncadd.s32 $0xFFFFC000  }
0x41: {  	[spmem:s3] =	stream.indirect.scatter.add.f32 [tilespmem:s17], [sflag:$0x4], $0x80, s28, s15, $0xb8;
	[tilespmem:$0x1C400] =	vst v63  }
0x42: {  	_ =	swait.ge [sflag:s23], $0x4000  }
0x43: {  	[sflag:s23] =	ssyncset.done $0x0  }
0x44: {  	[sflag:s23] =	ssyncadd.s32 $0xFFFFC000  }
0x45: {  	[tilespmem:s17], [sflag:$0x2] =	stream.indirect.gather [hbm4b:s1+s15], $0x80, s29, s15, $0xb8;
	[tilespmem:$0x1C400] =	vst v63  }
0x46: {  	_ =	swait.ge [sflag:s18], $0x4000  }
0x47: {  	[sflag:s18] =	ssyncset.done $0x0  }
0x48: {  	[sflag:s18] =	ssyncadd.s32 $0xFFFFC000  }
0x49: {  	[spmem:s3] =	stream.indirect.scatter.add.f32 [tilespmem:s16], [sflag:$0x3], $0x80, s30, s15, $0xb8;
	[tilespmem:$0x1C400] =	vst v63  }
0x4a: {  	_ =	swait.ge [sflag:s19], $0x4000  }
0x4b: {  	[sflag:s19] =	ssyncset.done $0x0  }
0x4c: {  	[sflag:s19] =	ssyncadd.s32 $0xFFFFC000  }
0x4d: {  	[tilespmem:s16], [sflag:$0x1] =	stream.indirect.gather [hbm4b:s1+s15], $0x80, s31, s15, $0xb8;
	[tilespmem:$0x1C400] =	vst v63  }
0x4e: {  	_ =	swait.ge [sflag:s21], $0x4000  }
0x4f: {  	[sflag:s21] =	ssyncset.done $0x0  }
0x50: {  	[sflag:s21] =	ssyncadd.s32 $0xFFFFC000  }
0x51: {  	[spmem:s3] =	stream.indirect.scatter.add.f32 [tilespmem:s17], [sflag:$0x4], $0x80, s0, s15, $0xb8;
	[tilespmem:$0x1C400] =	vst v63  }
0x52: {  	_ =	swait.ge [sflag:s23], $0x4000  }
0x53: {  	[sflag:s23] =	ssyncset.done $0x0  }
0x54: {  	[sflag:s23] =	ssyncadd.s32 $0xFFFFC000  }
0x55: {  	[tilespmem:s17], [sflag:$0x2] =	stream.indirect.gather [hbm4b:s1+s15], $0x80, s2, s15, $0xb8;
	[tilespmem:$0x1C400] =	vst v63  }
0x56: {  	_ =	swait.ge [sflag:s18], $0x4000  }
0x57: {  	[sflag:s18] =	ssyncset.done $0x0  }
0x58: {  	[sflag:s18] =	ssyncadd.s32 $0xFFFFC000  }
0x59: {  	[spmem:s3] =	stream.indirect.scatter.add.f32 [tilespmem:s16], [sflag:$0x3], $0x80, s7, s15, $0xb8;
	[tilespmem:$0x1C400] =	vst v63  }
0x5a: {  	_ =	swait.ge [sflag:s19], $0x4000  }
0x5b: {  	[sflag:s19] =	ssyncset.done $0x0  }
0x5c: {  	[sflag:s19] =	ssyncadd.s32 $0xFFFFC000  }
0x5d: {  	_ =	swait.ge [sflag:s21], $0x4000  }
0x5e: {  	[sflag:s21] =	ssyncset.done $0x0  }
0x5f: {  	[sflag:s21] =	ssyncadd.s32 $0xFFFFC000  }
0x60: {  	[spmem:s3] =	stream.indirect.scatter.add.f32 [tilespmem:s17], [sflag:$0x4], $0x80, s8, s15, $0xb8;
	[tilespmem:$0x1C400] =	vst v63  }
0x61: {  	_ =	swait.ge [sflag:s23], $0x4000  }
0x62: {  	[sflag:s23] =	ssyncset.done $0x0  }
0x63: {  	s5 =	rddreg [dreg:$0xc];
	[sflag:s23] =	ssyncadd.s32 $0xFFFFC000  }
.LBB2_6:
0x64: {  	s5 =	sadd.s32 $0x1, s5  }
0x65: {  	p1 =	sne.s32 s5, s12  }
.Ltmp1:
0x66: {  	[bflag:$0x0] =	sbarrier.arrive $0xFFFF;
	(pc) =	sbr.rel @!p1 .LBB2_7-.Ltmp1, $4  }
0x67: {  	[hbm:s9], [sflag:s10] =	dma.local [spmem:s6], $0x2780  }
0x68: {  	_ =	swait.ge [sflag:s13], $0x2780  }
0x69: {  	[sflag:s13] =	ssyncset.done $0x0  }
0x6a: {  	[sflag:s13] =	ssyncadd.s32 $0xFFFFD880  }
.LBB2_1:
0x6b: {  	[dreg:$0xc] =	wrdreg s5  }
0x6c: {  	s5 =	rddreg [dreg:$0x5]  }
0x6d: {  	[spmem:s6], [sflag:s10] =	dma.local [hbm:s5], $0x2780  }
.Ltmp2:
0x6e: {  	_ =	swait.ge [sflag:s13], $0x2780;
	(pc) =	sbr.rel @p0 .LBB2_5-.Ltmp2, $3  }
0x6f: {  	[sflag:s13] =	ssyncset.done $0x0  }
0x70: {  	[sflag:s13] =	ssyncadd.s32 $0xFFFFD880  }
0x71: {  	[bflag:$0x0] =	sbarrier.arrive $0xFFFF;
	_ =	sdelay $0x1  }
0x72: {  	s6 =	sadd.s32 $0x0, s11  }
0x73: {  	[tilespmem:s4], [sflag:$0x5] =	stream.linear.gather [hbm4b:s6+s4], $0x400, $0x38;
	[tilespmem:$0x1C400] =	vst v63  }
0x74: {  	_ =	swait.ge [sflag:s13], $0x400  }
0x75: {  	s12 =	rddreg [dreg:$0x4];
	[sflag:s13] =	ssyncset.done $0x0  }
0x76: {  	[sflag:s13] =	ssyncadd.s32 $0xFFFFFC00;
	s6 =	sadd.s32 $0x0, s12  }
0x77: {  	[tilespmem:s14], [sflag:$0x5] =	stream.linear.gather [hbm4b:s6+s4], $0x400, $0x38;
	[tilespmem:$0x1C400] =	vst v63  }
0x78: {  	_ =	swait.ge [sflag:s13], $0x400  }
0x79: {  	[sflag:s13] =	ssyncset.done $0x0  }
0x7a: {  	[sflag:s13] =	ssyncadd.s32 $0xFFFFFC00  }
0x7b: {  	[tilespmem:s16], [sflag:$0x1] =	stream.indirect.gather [hbm4b:s1+s15], $0x80, s4, s15, $0xb8;
	[tilespmem:$0x1C400] =	vst v63  }
0x7c: {  	_ = 	snop  }
0x7d: {  	[tilespmem:s17], [sflag:$0x2] =	stream.indirect.gather [hbm4b:s1+s15], $0x80, s15, s15, $0xb8;
	[tilespmem:$0x1C400] =	vst v63  }
0x7e: {  	_ =	swait.ge [sflag:s18], $0x4000  }
0x7f: {  	[sflag:s18] =	ssyncset.done $0x0  }
0x80: {  	[sflag:s18] =	ssyncadd.s32 $0xFFFFC000  }
0x81: {  	[spmem:s3] =	stream.indirect.scatter.add.f32 [tilespmem:s16], [sflag:$0x3], $0x80, s14, s15, $0xb8;
	[tilespmem:$0x1C400] =	vst v63  }
0x82: {  	_ =	swait.ge [sflag:s19], $0x4000  }
0x83: {  	[sflag:s19] =	ssyncset.done $0x0  }
0x84: {  	[sflag:s19] =	ssyncadd.s32 $0xFFFFC000  }
0x85: {  	[tilespmem:s16], [sflag:$0x1] =	stream.indirect.gather [hbm4b:s1+s15], $0x80, s20, s15, $0xb8;
	[tilespmem:$0x1C400] =	vst v63  }
0x86: {  	_ =	swait.ge [sflag:s21], $0x4000  }
0x87: {  	[sflag:s21] =	ssyncset.done $0x0  }
0x88: {  	[sflag:s21] =	ssyncadd.s32 $0xFFFFC000  }
0x89: {  	[spmem:s3] =	stream.indirect.scatter.add.f32 [tilespmem:s17], [sflag:$0x4], $0x80, s22, s15, $0xb8;
	[tilespmem:$0x1C400] =	vst v63  }
0x8a: {  	_ =	swait.ge [sflag:s23], $0x4000  }
0x8b: {  	[sflag:s23] =	ssyncset.done $0x0  }
0x8c: {  	[sflag:s23] =	ssyncadd.s32 $0xFFFFC000  }
0x8d: {  	[tilespmem:s17], [sflag:$0x2] =	stream.indirect.gather [hbm4b:s1+s15], $0x80, s24, s15, $0xb8;
	[tilespmem:$0x1C400] =	vst v63  }
0x8e: {  	_ =	swait.ge [sflag:s18], $0x4000  }
0x8f: {  	[sflag:s18] =	ssyncset.done $0x0  }
0x90: {  	[sflag:s18] =	ssyncadd.s32 $0xFFFFC000  }
0x91: {  	[spmem:s3] =	stream.indirect.scatter.add.f32 [tilespmem:s16], [sflag:$0x3], $0x80, s25, s15, $0xb8;
	[tilespmem:$0x1C400] =	vst v63  }
0x92: {  	_ =	swait.ge [sflag:s19], $0x4000  }
0x93: {  	[sflag:s19] =	ssyncset.done $0x0  }
0x94: {  	[sflag:s19] =	ssyncadd.s32 $0xFFFFC000  }
0x95: {  	[tilespmem:s16], [sflag:$0x1] =	stream.indirect.gather [hbm4b:s1+s15], $0x80, s26, s15, $0xb8;
	[tilespmem:$0x1C400] =	vst v63  }
0x96: {  	_ =	swait.ge [sflag:s21], $0x4000  }
0x97: {  	[sflag:s21] =	ssyncset.done $0x0  }
0x98: {  	[sflag:s21] =	ssyncadd.s32 $0xFFFFC000  }
0x99: {  	[spmem:s3] =	stream.indirect.scatter.add.f32 [tilespmem:s17], [sflag:$0x4], $0x80, s28, s15, $0xb8;
	[tilespmem:$0x1C400] =	vst v63  }
0x9a: {  	_ =	swait.ge [sflag:s23], $0x4000  }
0x9b: {  	[sflag:s23] =	ssyncset.done $0x0  }
0x9c: {  	[sflag:s23] =	ssyncadd.s32 $0xFFFFC000  }
0x9d: {  	[tilespmem:s17], [sflag:$0x2] =	stream.indirect.gather [hbm4b:s1+s15], $0x80, s29, s15, $0xb8;
	[tilespmem:$0x1C400] =	vst v63  }
0x9e: {  	_ =	swait.ge [sflag:s18], $0x4000  }
0x9f: {  	[sflag:s18] =	ssyncset.done $0x0  }
0xa0: {  	[sflag:s18] =	ssyncadd.s32 $0xFFFFC000  }
0xa1: {  	[spmem:s3] =	stream.indirect.scatter.add.f32 [tilespmem:s16], [sflag:$0x3], $0x80, s30, s15, $0xb8;
	[tilespmem:$0x1C400] =	vst v63  }
0xa2: {  	_ =	swait.ge [sflag:s19], $0x4000  }
0xa3: {  	[sflag:s19] =	ssyncset.done $0x0  }
0xa4: {  	[sflag:s19] =	ssyncadd.s32 $0xFFFFC000  }
0xa5: {  	[tilespmem:s16], [sflag:$0x1] =	stream.indirect.gather [hbm4b:s1+s15], $0x80, s31, s15, $0xb8;
	[tilespmem:$0x1C400] =	vst v63  }
0xa6: {  	_ =	swait.ge [sflag:s21], $0x4000  }
0xa7: {  	[sflag:s21] =	ssyncset.done $0x0  }
0xa8: {  	[sflag:s21] =	ssyncadd.s32 $0xFFFFC000  }
0xa9: {  	[spmem:s3] =	stream.indirect.scatter.add.f32 [tilespmem:s17], [sflag:$0x4], $0x80, s0, s15, $0xb8;
	[tilespmem:$0x1C400] =	vst v63  }
0xaa: {  	_ =	swait.ge [sflag:s23], $0x4000  }
0xab: {  	[sflag:s23] =	ssyncset.done $0x0  }
0xac: {  	[sflag:s23] =	ssyncadd.s32 $0xFFFFC000  }
0xad: {  	[tilespmem:s17], [sflag:$0x2] =	stream.indirect.gather [hbm4b:s1+s15], $0x80, s2, s15, $0xb8;
	[tilespmem:$0x1C400] =	vst v63  }
0xae: {  	_ =	swait.ge [sflag:s18], $0x4000  }
0xaf: {  	[sflag:s18] =	ssyncset.done $0x0  }
0xb0: {  	[sflag:s18] =	ssyncadd.s32 $0xFFFFC000  }
0xb1: {  	[spmem:s3] =	stream.indirect.scatter.add.f32 [tilespmem:s16], [sflag:$0x3], $0x80, s7, s15, $0xb8;
	[tilespmem:$0x1C400] =	vst v63  }
0xb2: {  	_ =	swait.ge [sflag:s19], $0x4000  }
0xb3: {  	[sflag:s19] =	ssyncset.done $0x0  }
0xb4: {  	[sflag:s19] =	ssyncadd.s32 $0xFFFFC000  }
0xb5: {  	_ =	swait.ge [sflag:s21], $0x4000  }
0xb6: {  	[sflag:s21] =	ssyncset.done $0x0  }
0xb7: {  	[sflag:s21] =	ssyncadd.s32 $0xFFFFC000  }
0xb8: {  	[spmem:s3] =	stream.indirect.scatter.add.f32 [tilespmem:s17], [sflag:$0x4], $0x80, s8, s15, $0xb8;
	[tilespmem:$0x1C400] =	vst v63  }
0xb9: {  	_ =	swait.ge [sflag:s23], $0x4000  }
0xba: {  	s9 =	simm.s32 $0x80;
	s10 =	simm.s32 $0x100;
	[sflag:s23] =	ssyncset.done $0x0  }
.LBB2_3:
0xbb: {  	s12 =	sadd.s32 s9, s11;
	[sflag:s23] =	ssyncadd.s32 $0xFFFFC000  }
0xbc: {  	[tilespmem:s4], [sflag:$0x5] =	stream.linear.gather [hbm4b:s12+s4], $0x400, $0x38;
	[tilespmem:$0x1C400] =	vst v63  }
0xbd: {  	s5 =	smov.u32 s10;
	_ =	swait.ge [sflag:s13], $0x400  }
0xbe: {  	s6 =	sadd.s32 $0x80, s10;
	s12 =	rddreg [dreg:$0x4];
	[sflag:s13] =	ssyncset.done $0x0  }
0xbf: {  	p1 =	seq.s32 s10, $0x900;
	[sflag:s13] =	ssyncadd.s32 $0xFFFFFC00;
	s10 =	sadd.s32 s9, s12  }
0xc0: {  	[tilespmem:s14], [sflag:$0x5] =	stream.linear.gather [hbm4b:s10+s4], $0x400, $0x38;
	[tilespmem:$0x1C400] =	vst v63  }
0xc1: {  	_ =	swait.ge [sflag:s13], $0x400  }
0xc2: {  	[sflag:s13] =	ssyncset.done $0x0  }
0xc3: {  	[sflag:s13] =	ssyncadd.s32 $0xFFFFFC00  }
0xc4: {  	[tilespmem:s16], [sflag:$0x1] =	stream.indirect.gather [hbm4b:s1+s15], $0x80, s4, s15, $0xb8;
	[tilespmem:$0x1C400] =	vst v63  }
0xc5: {  	_ = 	snop  }
0xc6: {  	[tilespmem:s17], [sflag:$0x2] =	stream.indirect.gather [hbm4b:s1+s15], $0x80, s15, s15, $0xb8;
	[tilespmem:$0x1C400] =	vst v63  }
0xc7: {  	_ =	swait.ge [sflag:s18], $0x4000  }
0xc8: {  	[sflag:s18] =	ssyncset.done $0x0  }
0xc9: {  	[sflag:s18] =	ssyncadd.s32 $0xFFFFC000  }
0xca: {  	[spmem:s3] =	stream.indirect.scatter.add.f32 [tilespmem:s16], [sflag:$0x3], $0x80, s14, s15, $0xb8;
	[tilespmem:$0x1C400] =	vst v63  }
0xcb: {  	_ =	swait.ge [sflag:s19], $0x4000  }
0xcc: {  	[sflag:s19] =	ssyncset.done $0x0  }
0xcd: {  	[sflag:s19] =	ssyncadd.s32 $0xFFFFC000  }
0xce: {  	[tilespmem:s16], [sflag:$0x1] =	stream.indirect.gather [hbm4b:s1+s15], $0x80, s20, s15, $0xb8;
	[tilespmem:$0x1C400] =	vst v63  }
0xcf: {  	_ =	swait.ge [sflag:s21], $0x4000  }
0xd0: {  	[sflag:s21] =	ssyncset.done $0x0  }
0xd1: {  	[sflag:s21] =	ssyncadd.s32 $0xFFFFC000  }
0xd2: {  	[spmem:s3] =	stream.indirect.scatter.add.f32 [tilespmem:s17], [sflag:$0x4], $0x80, s22, s15, $0xb8;
	[tilespmem:$0x1C400] =	vst v63  }
0xd3: {  	_ =	swait.ge [sflag:s23], $0x4000  }
0xd4: {  	[sflag:s23] =	ssyncset.done $0x0  }
0xd5: {  	[sflag:s23] =	ssyncadd.s32 $0xFFFFC000  }
0xd6: {  	[tilespmem:s17], [sflag:$0x2] =	stream.indirect.gather [hbm4b:s1+s15], $0x80, s24, s15, $0xb8;
	[tilespmem:$0x1C400] =	vst v63  }
0xd7: {  	_ =	swait.ge [sflag:s18], $0x4000  }
0xd8: {  	[sflag:s18] =	ssyncset.done $0x0  }
0xd9: {  	[sflag:s18] =	ssyncadd.s32 $0xFFFFC000  }
0xda: {  	[spmem:s3] =	stream.indirect.scatter.add.f32 [tilespmem:s16], [sflag:$0x3], $0x80, s25, s15, $0xb8;
	[tilespmem:$0x1C400] =	vst v63  }
0xdb: {  	_ =	swait.ge [sflag:s19], $0x4000  }
0xdc: {  	[sflag:s19] =	ssyncset.done $0x0  }
0xdd: {  	[sflag:s19] =	ssyncadd.s32 $0xFFFFC000  }
0xde: {  	[tilespmem:s16], [sflag:$0x1] =	stream.indirect.gather [hbm4b:s1+s15], $0x80, s26, s15, $0xb8;
	[tilespmem:$0x1C400] =	vst v63  }
0xdf: {  	_ =	swait.ge [sflag:s21], $0x4000  }
0xe0: {  	[sflag:s21] =	ssyncset.done $0x0  }
0xe1: {  	[sflag:s21] =	ssyncadd.s32 $0xFFFFC000  }
0xe2: {  	[spmem:s3] =	stream.indirect.scatter.add.f32 [tilespmem:s17], [sflag:$0x4], $0x80, s28, s15, $0xb8;
	[tilespmem:$0x1C400] =	vst v63  }
0xe3: {  	_ =	swait.ge [sflag:s23], $0x4000  }
0xe4: {  	[sflag:s23] =	ssyncset.done $0x0  }
0xe5: {  	[sflag:s23] =	ssyncadd.s32 $0xFFFFC000  }
0xe6: {  	[tilespmem:s17], [sflag:$0x2] =	stream.indirect.gather [hbm4b:s1+s15], $0x80, s29, s15, $0xb8;
	[tilespmem:$0x1C400] =	vst v63  }
0xe7: {  	_ =	swait.ge [sflag:s18], $0x4000  }
0xe8: {  	[sflag:s18] =	ssyncset.done $0x0  }
0xe9: {  	[sflag:s18] =	ssyncadd.s32 $0xFFFFC000  }
0xea: {  	[spmem:s3] =	stream.indirect.scatter.add.f32 [tilespmem:s16], [sflag:$0x3], $0x80, s30, s15, $0xb8;
	[tilespmem:$0x1C400] =	vst v63  }
0xeb: {  	_ =	swait.ge [sflag:s19], $0x4000  }
0xec: {  	[sflag:s19] =	ssyncset.done $0x0  }
0xed: {  	[sflag:s19] =	ssyncadd.s32 $0xFFFFC000  }
0xee: {  	[tilespmem:s16], [sflag:$0x1] =	stream.indirect.gather [hbm4b:s1+s15], $0x80, s31, s15, $0xb8;
	[tilespmem:$0x1C400] =	vst v63  }
0xef: {  	_ =	swait.ge [sflag:s21], $0x4000  }
0xf0: {  	[sflag:s21] =	ssyncset.done $0x0  }
0xf1: {  	[sflag:s21] =	ssyncadd.s32 $0xFFFFC000  }
0xf2: {  	[spmem:s3] =	stream.indirect.scatter.add.f32 [tilespmem:s17], [sflag:$0x4], $0x80, s0, s15, $0xb8;
	[tilespmem:$0x1C400] =	vst v63  }
0xf3: {  	_ =	swait.ge [sflag:s23], $0x4000  }
0xf4: {  	[sflag:s23] =	ssyncset.done $0x0  }
0xf5: {  	[sflag:s23] =	ssyncadd.s32 $0xFFFFC000  }
0xf6: {  	[tilespmem:s17], [sflag:$0x2] =	stream.indirect.gather [hbm4b:s1+s15], $0x80, s2, s15, $0xb8;
	[tilespmem:$0x1C400] =	vst v63  }
0xf7: {  	_ =	swait.ge [sflag:s18], $0x4000  }
0xf8: {  	[sflag:s18] =	ssyncset.done $0x0  }
0xf9: {  	[sflag:s18] =	ssyncadd.s32 $0xFFFFC000  }
0xfa: {  	[spmem:s3] =	stream.indirect.scatter.add.f32 [tilespmem:s16], [sflag:$0x3], $0x80, s7, s15, $0xb8;
	[tilespmem:$0x1C400] =	vst v63  }
0xfb: {  	_ =	swait.ge [sflag:s19], $0x4000  }
0xfc: {  	[sflag:s19] =	ssyncset.done $0x0  }
0xfd: {  	[sflag:s19] =	ssyncadd.s32 $0xFFFFC000  }
0xfe: {  	_ =	swait.ge [sflag:s21], $0x4000  }
.Ltmp3:
0xff: {  	[sflag:s21] =	ssyncset.done $0x0;
	(pc) =	sbr.rel @!p1 .LBB2_3-.Ltmp3, $4  }
0x100: {  	[sflag:s21] =	ssyncadd.s32 $0xFFFFC000  }
0x101: {  	[spmem:s3] =	stream.indirect.scatter.add.f32 [tilespmem:s17], [sflag:$0x4], $0x80, s8, s15, $0xb8;
	[tilespmem:$0x1C400] =	vst v63  }
0x102: {  	_ =	swait.ge [sflag:s23], $0x4000  }
0x103: {  	s9 =	smov.u32 s5;
	s10 =	smov.u32 s6;
	[sflag:s23] =	ssyncset.done $0x0  }
0x104: {  	s5 =	sadd.s32 s9, s11;
	[sflag:s23] =	ssyncadd.s32 $0xFFFFC000  }
0x105: {  	[tilespmem:s4], [sflag:$0x5] =	stream.linear.gather [hbm4b:s5+s4], $0x400, $0x38;
	[tilespmem:$0x1C400] =	vst v63  }
0x106: {  	_ =	swait.ge [sflag:s13], $0x400  }
0x107: {  	s12 =	rddreg [dreg:$0x4];
	[sflag:s13] =	ssyncset.done $0x0  }
0x108: {  	s5 =	sadd.s32 s9, s12;
	[sflag:s13] =	ssyncadd.s32 $0xFFFFFC00  }
0x109: {  	[tilespmem:s14], [sflag:$0x5] =	stream.linear.gather [hbm4b:s5+s4], $0x400, $0x38;
	[tilespmem:$0x1C400] =	vst v63  }
0x10a: {  	_ =	swait.ge [sflag:s13], $0x400  }
0x10b: {  	[sflag:s13] =	ssyncset.done $0x0  }
0x10c: {  	[sflag:s13] =	ssyncadd.s32 $0xFFFFFC00  }
0x10d: {  	[tilespmem:s16], [sflag:$0x1] =	stream.indirect.gather [hbm4b:s1+s15], $0x80, s4, s15, $0xb8;
	[tilespmem:$0x1C400] =	vst v63  }
0x10e: {  	_ = 	snop  }
0x10f: {  	[tilespmem:s17], [sflag:$0x2] =	stream.indirect.gather [hbm4b:s1+s15], $0x80, s15, s15, $0xb8;
	[tilespmem:$0x1C400] =	vst v63  }
0x110: {  	_ =	swait.ge [sflag:s18], $0x4000  }
0x111: {  	[sflag:s18] =	ssyncset.done $0x0  }
0x112: {  	[sflag:s18] =	ssyncadd.s32 $0xFFFFC000  }
0x113: {  	[spmem:s3] =	stream.indirect.scatter.add.f32 [tilespmem:s16], [sflag:$0x3], $0x80, s14, s15, $0xb8;
	[tilespmem:$0x1C400] =	vst v63  }
0x114: {  	_ =	swait.ge [sflag:s19], $0x4000  }
0x115: {  	[sflag:s19] =	ssyncset.done $0x0  }
0x116: {  	[sflag:s19] =	ssyncadd.s32 $0xFFFFC000  }
0x117: {  	[tilespmem:s16], [sflag:$0x1] =	stream.indirect.gather [hbm4b:s1+s15], $0x80, s20, s15, $0xb8;
	[tilespmem:$0x1C400] =	vst v63  }
0x118: {  	_ =	swait.ge [sflag:s21], $0x4000  }
0x119: {  	[sflag:s21] =	ssyncset.done $0x0  }
0x11a: {  	[sflag:s21] =	ssyncadd.s32 $0xFFFFC000  }
0x11b: {  	[spmem:s3] =	stream.indirect.scatter.add.f32 [tilespmem:s17], [sflag:$0x4], $0x80, s22, s15, $0xb8;
	[tilespmem:$0x1C400] =	vst v63  }
0x11c: {  	_ =	swait.ge [sflag:s23], $0x4000  }
0x11d: {  	[sflag:s23] =	ssyncset.done $0x0  }
0x11e: {  	[sflag:s23] =	ssyncadd.s32 $0xFFFFC000  }
0x11f: {  	[tilespmem:s17], [sflag:$0x2] =	stream.indirect.gather [hbm4b:s1+s15], $0x80, s24, s15, $0xb8;
	[tilespmem:$0x1C400] =	vst v63  }
0x120: {  	_ =	swait.ge [sflag:s18], $0x4000  }
0x121: {  	[sflag:s18] =	ssyncset.done $0x0  }
0x122: {  	[sflag:s18] =	ssyncadd.s32 $0xFFFFC000  }
0x123: {  	[spmem:s3] =	stream.indirect.scatter.add.f32 [tilespmem:s16], [sflag:$0x3], $0x80, s25, s15, $0xb8;
	[tilespmem:$0x1C400] =	vst v63  }
0x124: {  	_ =	swait.ge [sflag:s19], $0x4000  }
0x125: {  	[sflag:s19] =	ssyncset.done $0x0  }
0x126: {  	[sflag:s19] =	ssyncadd.s32 $0xFFFFC000  }
0x127: {  	[tilespmem:s16], [sflag:$0x1] =	stream.indirect.gather [hbm4b:s1+s15], $0x80, s26, s15, $0xb8;
	[tilespmem:$0x1C400] =	vst v63  }
0x128: {  	_ =	swait.ge [sflag:s21], $0x4000  }
0x129: {  	[sflag:s21] =	ssyncset.done $0x0  }
0x12a: {  	[sflag:s21] =	ssyncadd.s32 $0xFFFFC000  }
0x12b: {  	[spmem:s3] =	stream.indirect.scatter.add.f32 [tilespmem:s17], [sflag:$0x4], $0x80, s28, s15, $0xb8;
	[tilespmem:$0x1C400] =	vst v63  }
0x12c: {  	_ =	swait.ge [sflag:s23], $0x4000  }
0x12d: {  	[sflag:s23] =	ssyncset.done $0x0  }
0x12e: {  	[sflag:s23] =	ssyncadd.s32 $0xFFFFC000  }
0x12f: {  	[tilespmem:s17], [sflag:$0x2] =	stream.indirect.gather [hbm4b:s1+s15], $0x80, s29, s15, $0xb8;
	[tilespmem:$0x1C400] =	vst v63  }
0x130: {  	_ =	swait.ge [sflag:s18], $0x4000  }
0x131: {  	[sflag:s18] =	ssyncset.done $0x0  }
0x132: {  	[sflag:s18] =	ssyncadd.s32 $0xFFFFC000  }
0x133: {  	[spmem:s3] =	stream.indirect.scatter.add.f32 [tilespmem:s16], [sflag:$0x3], $0x80, s30, s15, $0xb8;
	[tilespmem:$0x1C400] =	vst v63  }
0x134: {  	_ =	swait.ge [sflag:s19], $0x4000  }
0x135: {  	[sflag:s19] =	ssyncset.done $0x0  }
0x136: {  	[sflag:s19] =	ssyncadd.s32 $0xFFFFC000  }
0x137: {  	[tilespmem:s16], [sflag:$0x1] =	stream.indirect.gather [hbm4b:s1+s15], $0x80, s31, s15, $0xb8;
	[tilespmem:$0x1C400] =	vst v63  }
0x138: {  	_ =	swait.ge [sflag:s21], $0x4000  }
0x139: {  	[sflag:s21] =	ssyncset.done $0x0  }
0x13a: {  	[sflag:s21] =	ssyncadd.s32 $0xFFFFC000  }
0x13b: {  	[spmem:s3] =	stream.indirect.scatter.add.f32 [tilespmem:s17], [sflag:$0x4], $0x80, s0, s15, $0xb8;
	[tilespmem:$0x1C400] =	vst v63  }
0x13c: {  	_ =	swait.ge [sflag:s23], $0x4000  }
0x13d: {  	[sflag:s23] =	ssyncset.done $0x0  }
0x13e: {  	[sflag:s23] =	ssyncadd.s32 $0xFFFFC000  }
0x13f: {  	[tilespmem:s17], [sflag:$0x2] =	stream.indirect.gather [hbm4b:s1+s15], $0x80, s2, s15, $0xb8;
	[tilespmem:$0x1C400] =	vst v63  }
0x140: {  	_ =	swait.ge [sflag:s18], $0x4000  }
0x141: {  	[sflag:s18] =	ssyncset.done $0x0  }
0x142: {  	[sflag:s18] =	ssyncadd.s32 $0xFFFFC000  }
0x143: {  	[spmem:s3] =	stream.indirect.scatter.add.f32 [tilespmem:s16], [sflag:$0x3], $0x80, s7, s15, $0xb8;
	[tilespmem:$0x1C400] =	vst v63  }
0x144: {  	_ =	swait.ge [sflag:s19], $0x4000  }
0x145: {  	[sflag:s19] =	ssyncset.done $0x0  }
0x146: {  	[sflag:s19] =	ssyncadd.s32 $0xFFFFC000  }
0x147: {  	_ =	swait.ge [sflag:s21], $0x4000  }
0x148: {  	[sflag:s21] =	ssyncset.done $0x0  }
0x149: {  	[sflag:s21] =	ssyncadd.s32 $0xFFFFC000  }
0x14a: {  	[spmem:s3] =	stream.indirect.scatter.add.f32 [tilespmem:s17], [sflag:$0x4], $0x80, s8, s15, $0xb8;
	[tilespmem:$0x1C400] =	vst v63  }
0x14b: {  	_ =	swait.ge [sflag:s23], $0x4000  }
.Ltmp4:
0x14c: {  	s10 =	rddreg [dreg:$0x6];
	(pc) =	sbr.rel .LBB2_6-.Ltmp4, $4  }
0x14d: {  	s9 =	rddreg [dreg:$0x9]  }
0x14e: {  	s12 =	rddreg [dreg:$0xa]  }
0x14f: {  	[sflag:s23] =	ssyncset.done $0x0;
	s6 =	rddreg [dreg:$0xb]  }
0x150: {  	s5 =	rddreg [dreg:$0xc];
	[sflag:s23] =	ssyncadd.s32 $0xFFFFC000  }
.LBB2_7:
0x151: {  	_ =	sfence.sel $0x180000  }
0x152: {  	[bflag:$0x0] =	sbarrier.arrive $0xFFFF  }
0x153: {  	_ =	strace $0x9000004A  }
0x154: {  	s0 =	stileid.u32;
	[bflag:$0x2] =	sbarrier.arrive $0xFFFF  }
0x155: {  	p0 =	sne.s32 s0, $0x0;
	s0 =	rddreg [dreg:$0x3]  }
0x156: {  	s0 =	sadd.s32 @!p0 $0x100000, s0  }
0x157: {  	[sflag:s0] =	ssyncadd.tile.s32 @!p0 $0x1;
	_ =	shalt  }
.Lfunc_end2:
_tile_overlayer_lowered:
.L_overlay_start_2:
0x158: {  	(tag) =	ssettag $0x2  }
0x159: {  	s0 =	rddreg [dreg:$0x0];
	s2 =	stileid.u32  }
0x15a: {  	s1 =	rddreg [dreg:$0x1];
	p0 =	sne.s32 s2, $0x0  }
0x15b: {  	s3 =	rddreg [dreg:$0x2];
	[bflag:$0x3] =	sbarrier.arrive $0xFFFF;
	s2 =	simm.s32 @!p0 $0x1C05  }
0x15c: {  	[timem:s3], [sflag:s2] =	dma.local @!p0 [hbm:s0], s1  }
0x15d: {  	s0 =	simm.s32 @!p0 $0x5  }
0x15e: {  	_ =	swait.ge @!p0 [sflag:s0], s1  }
0x15f: {  	s1 =	ssub.s32 @!p0 $0x0, s1;
	[sflag:s0] =	ssyncset.done @!p0 $0x0  }
0x160: {  	[sflag:s0] =	ssyncadd.s32 @!p0 s1  }
0x161: {  	[bflag:$0x3] =	sbarrier.arrive $0xFFFF  }
0x162: {  	_ =	shalt  }

// kernel: kernel.14.cloned.1.call-start
scs
__scs_entry_jumppad:
0x0: {  	(pc) =	sbr.rel $0x88, $3  }
0x1: {  	(tag) =	ssettag $0x0;
	lr =	simm.s32 $0x1  }
0x2: {  	[smem:$0x3F9B] =	sst lr;
	_ =	strace $0xD0000000  }
0x3: {  	_ = 	snop  }
0x4: {  	_ = 	snop  }
0x5: {  	_ = 	snop  }
0x6: {  	_ = 	snop  }
0x7: {  	_ = 	snop  }
__scs_overlays_trampoline_lowered:
0x8: {  	[smem:$0x3FAA] =	sst s0  }
0x9: {  	[smem:$0x3FAB] =	sst s1  }
0xa: {  	[smem:$0x3FAC] =	sst s2  }
0xb: {  	[smem:$0x3FAD] =	sst s3  }
0xc: {  	[smem:$0x3FAE] =	sst s4  }
0xd: {  	[smem:$0x3FAF] =	sst s5  }
0xe: {  	[smem:$0x3FB0] =	sst s6  }
0xf: {  	[smem:$0x3FB1] =	sst s7  }
0x10: {  	[smem:$0x3FB2] =	sst s8  }
0x11: {  	[smem:$0x3FB3] =	sst s9;
	s0 =	simm.s32 @!p0 $0x0  }
0x12: {  	s1 =	sld [smem:$0x3F99];
	s0 =	simm.s32 @p0 $0x1  }
0x13: {  	[smem:$0x3FB4] =	sst s0;
	s0 =	simm.s32 @!p1 $0x0  }
0x14: {  	s2 =	sld [smem:$0x3F98];
	s0 =	simm.s32 @p1 $0x1  }
0x15: {  	[smem:$0x3FB5] =	sst s0;
	s0 =	simm.s32 @!p2 $0x0  }
0x16: {  	s3 =	sld [smem:$0x3FDB];
	s0 =	simm.s32 @p2 $0x1  }
0x17: {  	s4 =	simm.s32 $0x1BF5;
	[smem:$0x3FB7] =	sst s0  }
0x18: {  	s0 =	sld [smem:$0x3F9A];
	_ =	swait.ge [sflag:s4], $0x0  }
0x19: {  	s7 =	sld [smem:$0x3F9B]  }
0x1a: {  	s8 =	sadd.s32 $0xFFFFE003, lr  }
0x1b: {  	s9 =	sadd.s32 $0xFFFFFEF7, lr;
	s5 =	simm.s32 $0xFFFFFFFF;
	p2 =	slt.u32 s8, $0xFFFFF086  }
0x1c: {  	p1 =	slt.u32 s9, $0xF7A;
	s5 =	simm.s32 @!p2 $0x0  }
0x1d: {  	s5 =	simm.s32 @p1 $0x1;
	p0 =	seq.s32 s7, s2  }
0x1e: {  	s7 =	smul.u32 @!p0 $0xF7A, s2;
	p2 =	seq.s32 @!p0 s5, $0x0  }
0x1f: {  	s9 =	smul.u32 $0xF7A, s1;
	s8 =	simm.s32 @!p0 $0x1BF5;
	p2 =	por !p2, p0  }
0x20: {  	[sflag:s8] =	ssyncset.s32 @!p0 $0xFFFFF086;
	s6 =	sadd.s32 @!p0 s3, s7;
	s7 =	simm.s32 @!p0 $0x108  }
0x21: {  	s3 =	sadd.s32 s3, s9;
	s6 =	sadd.s32 @!p0 $0x88, s6;
	s7 =	simm.s32 @p2 $0x1082  }
0x22: {  	[simem:s7], [sflag:s8] =	dma.local @!p0 [hbm:s6], $0xF7A  }
0x23: {  	s9 =	sor.u32 $0xD0000000, s2;
	s6 =	simm.s32 $0x108;
	_ =	swait.ge @!p0 [sflag:s8], $0x0  }
0x24: {  	s3 =	sadd.s32 $0x88, s3;
	s6 =	simm.s32 @!p1 $0x1082;
	[sflag:s4] =	ssyncset.s32 $0xFFFFF086  }
0x25: {  	[simem:s6], [sflag:s4] =	dma.local [hbm:s3], $0xF7A  }
0x26: {  	[smem:$0x3F9B] =	sst s1;
	(tag) =	ssettag s2;
	_ =	strace s9  }
0x27: {  	s1 =	sld [smem:$0x3FAB]  }
0x28: {  	s2 =	sld [smem:$0x3FAC]  }
0x29: {  	s4 =	sld [smem:$0x3FAE]  }
0x2a: {  	p0 =	seq.s32 s5, $0x0;
	s5 =	sld [smem:$0x3FAF]  }
0x2b: {  	s6 =	sld [smem:$0x3FB0]  }
0x2c: {  	s7 =	sld [smem:$0x3FB1]  }
0x2d: {  	s3 =	simm.s32 $0x108;
	s8 =	sld [smem:$0x3FB2]  }
0x2e: {  	s3 =	simm.s32 @!p0 $0x1082;
	s9 =	sld [smem:$0x3FB3]  }
0x2f: {  	lr =	sadd.s32 s0, s3;
	s0 =	sld [smem:$0x3FAA]  }
0x30: {  	s3 =	sld [smem:$0x3FAD]  }
0x31: {  	[smem:$0x3FB6] =	sst s10  }
0x32: {  	s10 =	sld [smem:$0x3FB4];
	_ =	sdelay $0x3  }
0x33: {  	p0 =	seq.s32 s10, $0x1;
	s10 =	sld [smem:$0x3FB6];
	_ =	sdelay $0x3  }
0x34: {  	[smem:$0x3FB6] =	sst s10  }
0x35: {  	s10 =	sld [smem:$0x3FB5];
	_ =	sdelay $0x3  }
0x36: {  	p1 =	seq.s32 s10, $0x1;
	s10 =	sld [smem:$0x3FB6];
	_ =	sdelay $0x3  }
0x37: {  	[smem:$0x3FB6] =	sst s10  }
0x38: {  	s10 =	sld [smem:$0x3FB7]  }
0x39: {  	_ = 	snop;
	(pc) =	sbr.ind lr, $3  }
0x3a: {  	_ = 	snop  }
0x3b: {  	_ = 	snop  }
0x3c: {  	p2 =	seq.s32 s10, $0x1;
	s10 =	sld [smem:$0x3FB6]  }
0x3d: {  	_ =	shalt  }
0x3e: {  	_ =	shalt  }
0x3f: {  	_ =	shalt  }
0x40: {  	_ =	shalt  }
0x41: {  	_ =	shalt  }
0x42: {  	_ =	shalt  }
0x43: {  	_ =	shalt  }
0x44: {  	_ =	shalt  }
0x45: {  	_ =	shalt  }
0x46: {  	_ =	shalt  }
0x47: {  	_ =	shalt  }
0x48: {  	_ =	shalt  }
0x49: {  	_ =	shalt  }
0x4a: {  	_ =	shalt  }
0x4b: {  	_ =	shalt  }
0x4c: {  	_ =	shalt  }
0x4d: {  	_ =	shalt  }
0x4e: {  	_ =	shalt  }
0x4f: {  	_ =	shalt  }
0x50: {  	_ =	shalt  }
0x51: {  	_ =	shalt  }
0x52: {  	_ =	shalt  }
0x53: {  	_ =	shalt  }
0x54: {  	_ =	shalt  }
0x55: {  	_ =	shalt  }
0x56: {  	_ =	shalt  }
0x57: {  	_ =	shalt  }
0x58: {  	_ =	shalt  }
0x59: {  	_ =	shalt  }
0x5a: {  	_ =	shalt  }
0x5b: {  	_ =	shalt  }
0x5c: {  	_ =	shalt  }
0x5d: {  	_ =	shalt  }
0x5e: {  	_ =	shalt  }
0x5f: {  	_ =	shalt  }
0x60: {  	_ =	shalt  }
0x61: {  	_ =	shalt  }
0x62: {  	_ =	shalt  }
0x63: {  	_ =	shalt  }
0x64: {  	_ =	shalt  }
0x65: {  	_ =	shalt  }
0x66: {  	_ =	shalt  }
0x67: {  	_ =	shalt  }
0x68: {  	_ =	shalt  }
0x69: {  	_ =	shalt  }
0x6a: {  	_ =	shalt  }
0x6b: {  	_ =	shalt  }
0x6c: {  	_ =	shalt  }
0x6d: {  	_ =	shalt  }
0x6e: {  	_ =	shalt  }
0x6f: {  	_ =	shalt  }
0x70: {  	_ =	shalt  }
0x71: {  	_ =	shalt  }
0x72: {  	_ =	shalt  }
0x73: {  	_ =	shalt  }
0x74: {  	_ =	shalt  }
0x75: {  	_ =	shalt  }
0x76: {  	_ =	shalt  }
0x77: {  	_ =	shalt  }
0x78: {  	_ =	shalt  }
0x79: {  	_ =	shalt  }
0x7a: {  	_ =	shalt  }
0x7b: {  	_ =	shalt  }
0x7c: {  	_ =	shalt  }
0x7d: {  	_ =	shalt  }
0x7e: {  	_ =	shalt  }
0x7f: {  	_ =	shalt  }
0x80: {  	_ =	shalt  }
0x81: {  	_ =	shalt  }
0x82: {  	_ =	shalt  }
0x83: {  	_ =	shalt  }
0x84: {  	_ =	shalt  }
0x85: {  	_ =	shalt  }
0x86: {  	_ =	shalt  }
0x87: {  	_ =	shalt  }
.Lfunc_end0:
.L_simem_size_0:
called_computation.2_lowered:
.L_overlay_start_0:
0x88: {  	s2 =	sld [smem:$0x3FD9]  }
0x89: {  	s3 =	sld [smem:$0x3FFE];
	_ =	sdelay $0x1  }
0x8a: {  	s1 =	srdreg.scid  }
0x8b: {  	s0 =	sand.u32 $0x1, s1  }
0x8c: {  	s17 =	sshll.u32 s0, $0xA;
	s2 =	sadd.s32 s3, s2  }
0x8d: {  	s2 =	sadd.s32 s2, s17  }
0x8e: {  	[smem:$0x3FC2] =	sst s2  }
0x8f: {  	_ = 	snop  }
0x90: {  	s2 =	sld [smem:$0x3FD0];
	(tm) =	ssettm $0x1  }
0x91: {  	s18 =	sld [smem:$0x3FFB];
	_ =	sdelay $0x3  }
0x92: {  	_ =	strace s18  }
0x93: {  	s3 =	sld [smem:$0x3FFC];
	_ =	sdelay $0x3  }
0x94: {  	_ =	strace s3  }
0x95: {  	s3 =	sld [smem:$0x3FFD];
	_ =	sdelay $0x3  }
0x96: {  	_ =	strace s3  }
0x97: {  	_ =	strace $0x8FFFFFFF  }
0x98: {  	s19 =	sld [smem:$0x3FDB];
	_ =	sdelay $0x1  }
0x99: {  	s4 =	simm.s32 $_scs_section_size  }
0x9a: {  	s5 =	simm.s32 $_size__tile_overlayer_lowered;
	s6 =	simm.s32 $_tile_overlayer_lowered  }
0x9b: {  	s22 =	simm.s32 $0x1BFF;
	s21 =	sshll.u32 s6, $0x1;
	s3 =	sadd.s32 s4, s19  }
0x9c: {  	s7 =	simm.s32 $0x0;
	s20 =	sshll.u32 s5, $0x1;
	s5 =	sadd.s32 s21, s3  }
0x9d: {  	[timem:s7], [sflag:s22] =	dma.local [hbm:s5], s20  }
0x9e: {  	_ =	swait.ge [sflag:s22], s20  }
0x9f: {  	s4 =	ssub.s32 $0x0, s20;
	[sflag:s22] =	ssyncset.done $0x0  }
0xa0: {  	[sflag:s22] =	ssyncadd.s32 s4;
	_ =	sdelay $0x1  }
0xa1: {  	s23 =	simm.s32 $0x1B8B  }
0xa2: {  	_ =	swait.ge [sflag:s23], $0x1  }
0xa3: {  	[sflag:s23] =	ssyncset.done $0x0  }
0xa4: {  	s25 =	simm.s32 $0x1B8E;
	s24 =	sld [smem:$0x3FFE];
	[sflag:s23] =	ssyncadd.s32 $0xFFFFFFFF  }
0xa5: {  	s26 =	simm.s32 $execute0_lowered;
	[smem:$0x3FD2] =	sst s25  }
0xa6: {  	s5 =	sshll.u32 s26, $0x1;
	_ =	strace $0x8000004C;
	[dreg:$0x1] =	wrdreg $0xFFFFFFFF  }
0xa7: {  	s28 =	simm.s32 $_size_execute0_lowered;
	s3 =	sadd.s32 s3, s5;
	[dreg:$0x0] =	wrdreg $0x0  }
0xa8: {  	s5 =	sshll.u32 s28, $0x1;
	[dreg:$0x2] =	wrdreg s3  }
0xa9: {  	[dreg:$0x3] =	wrdreg s5  }
0xaa: {  	[dreg:$0x4] =	wrdreg $0xC0  }
0xab: {  	_ =	task [dreg:s7], $0x5FFFF  }
0xac: {  	[dreg:$0x1] =	wrdreg $0xFFFFFFFF  }
0xad: {  	[dreg:$0x0] =	wrdreg $0x60  }
0xae: {  	[dreg:$0x2] =	wrdreg s2  }
0xaf: {  	[dreg:$0x3] =	wrdreg s24  }
0xb0: {  	[dreg:$0x4] =	wrdreg $0x88000  }
0xb1: {  	[dreg:$0x5] =	wrdreg $0x9  }
0xb2: {  	_ =	task.clear_ibuf [dreg:s7], $0x6FFFF;
	_ =	strace $0x9000004C  }
0xb3: {  	s29 =	simm.s32 $0x9;
	_ =	strace $0x8000004E  }
0xb4: {  	_ =	swait.ge [sflag:s29], $0x1  }
0xb5: {  	[sflag:s29] =	ssyncadd.s32 $0xFFFFFFFF  }
0xb6: {  	_ =	strace $0x9000004E  }
0xb7: {  	_ =	sfence  }
0xb8: {  	s30 =	sld [smem:$0x0];
	_ =	sdelay $0x2  }
0xb9: {  	s31 =	sshll.u32 s1, $0xD;
	s1 =	sshrl.u32 s1, $0x2  }
0xba: {  	s3 =	sand.u32 $0x4000, s31;
	s1 =	sadd.s32 s1, s30  }
0xbb: {  	s0 =	sor.u32 s3, s0;
	s1 =	sshll.u32 s1, $0x11  }
0xbc: {  	s0 =	sor.u32 s1, s0  }
0xbd: {  	s0 =	sadd.s32 $0x8F2B, s0  }
0xbe: {  	[sflag:s0] =	ssyncadd.remote.s32 $0x1  }
0xbf: {  	_ =	sfence.sel $0xFFFF  }
0xc0: {  	[dreg:$0x0] =	wrdreg $0xFFFFFFFF;
	(pc) =	sbr.abs _section_cstart, $3  }
0xc1: {  	[dreg:$0x1] =	wrdreg $0xFFFFFFFF  }
0xc2: {  	_ =	task.clear_ibuf [dreg:s7], $0x2FFFF;
	_ =	strace $0x9FFFFFFF  }
0xc3: {  	(tm) =	ssettm $0x7FFFFFFF  }
tec
execute0_lowered:
.L_overlay_start_1:
0x0: {  	(tag) =	ssettag $0x1  }
0x1: {  	s1 =	rddreg [dreg:$0x0]  }
0x2: {  	s0 =	rddreg [dreg:$0x1]  }
0x3: {  	s3 =	rddreg [dreg:$0x2];
	s4 =	simm.s32 $0x0  }
0x4: {  	s12 =	stileid.u32;
	s2 =	srdreg.scid;
	s13 =	simm.s32 $0x5  }
0x5: {  	s14 =	simm.s32 $0x400;
	s15 =	simm.s32 $0x80;
	s16 =	simm.s32 $0x800  }
0x6: {  	s17 =	simm.s32 $0x4800;
	s28 =	simm.s32 $0x580;
	s29 =	simm.s32 $0x280  }
0x7: {  	s30 =	simm.s32 $0x600;
	s31 =	simm.s32 $0x300;
	[smem:$0x7FF] =	sst s4  }
0x8: {  	s5 =	smul.u32 $0x13C00, s12;
	s2 =	sand.u32 $0x1, s2;
	s7 =	sadd.s32 $0x2800, s0  }
0x9: {  	s8 =	sadd.s32 $0xC800, s0;
	s10 =	smul.u32 $0x4F000, s12;
	s21 =	sshll.u32 s12, $0x7  }
0xa: {  	s22 =	sshll.u32 s12, $0x6;
	s23 =	smul.u32 $0x980, s12;
	_ =	strace $0x8000004D  }
0xb: {  	s6 =	smul.u32 $0x13C000, s2;
	s18 =	ssub.s32 $0x2, s2;
	p0 =	seq.s32 s2, $0x1  }
0xc: {  	s2 =	simm.s32 $0x380;
	s9 =	sshrl.u32 s5, $0x3;
	s11 =	sshrl.u32 s18, $0x1  }
0xd: {  	s20 =	sshrl.u32 s10, $0x2;
	s10 =	sor.u32 $0x1C05, s22;
	s26 =	sadd.s32 s23, s8  }
0xe: {  	s22 =	simm.s32 $0x480;
	s5 =	sadd.s32 s5, s6;
	s9 =	sadd.s32 s9, s0  }
0xf: {  	s19 =	ssub.s32 s18, s11;
	s6 =	sadd.s32 s20, s3;
	[dreg:$0x4] =	wrdreg s26  }
0x10: {  	s11 =	sadd.s32 s23, s7;
	s18 =	simm.s32 $0x1;
	s20 =	simm.s32 $0x100  }
0x11: {  	s23 =	simm.s32 $0x4;
	s26 =	simm.s32 $0x200;
	[dreg:$0x6] =	wrdreg s10  }
0x12: {  	s5 =	sshrl.u32 s5, $0x3;
	s9 =	sadd.s32 $0x16800, s9;
	s12 =	smax.u32 s19, $0x1  }
0x13: {  	s6 =	sshrl.u32 s6, $0x3;
	s19 =	simm.s32 $0x3;
	s0 =	sadd.s32 s5, s0  }
0x14: {  	[dreg:$0x5] =	wrdreg s9;
	s9 =	sor.u32 $0x9800, s21;
	s21 =	simm.s32 $0x2  }
.Ltmp0:
0x15: {  	s5 =	simm.s32 $0x0;
	[dreg:$0xa] =	wrdreg s12;
	(pc) =	sbr.rel .LBB2_1-.Ltmp0, $4  }
0x16: {  	[dreg:$0xb] =	wrdreg s6;
	s24 =	sadd.s32 s7, s9;
	s25 =	sadd.s32 s8, s9  }
0x17: {  	s9 =	sadd.s32 $0x3E000, s0;
	s0 =	simm.s32 $0x680;
	[dreg:$0x7] =	wrdreg s24  }
0x18: {  	s7 =	simm.s32 $0x700;
	s8 =	simm.s32 $0x780;
	[dreg:$0x8] =	wrdreg s25  }
0x19: {  	s24 =	simm.s32 $0x180;
	s25 =	simm.s32 $0x500;
	[dreg:$0x9] =	wrdreg s9  }
.LBB2_5:
0x1a: {  	s5 =	rddreg [dreg:$0x7]  }
0x1b: {  	[tilespmem:s4], [sflag:$0x5] =	stream.linear.gather [hbm4b:s5+s4], $0x400, $0x38;
	[tilespmem:$0x1C400] =	vst v63  }
0x1c: {  	_ =	swait.ge [sflag:s13], $0x400  }
0x1d: {  	[sflag:s13] =	ssyncset.done $0x0  }
0x1e: {  	s5 =	rddreg [dreg:$0x8];
	[sflag:s13] =	ssyncadd.s32 $0xFFFFFC00  }
0x1f: {  	[tilespmem:s14], [sflag:$0x5] =	stream.linear.gather [hbm4b:s5+s4], $0x400, $0x38;
	[tilespmem:$0x1C400] =	vst v63  }
0x20: {  	_ =	swait.ge [sflag:s13], $0x400  }
0x21: {  	[sflag:s13] =	ssyncset.done $0x0  }
0x22: {  	[sflag:s13] =	ssyncadd.s32 $0xFFFFFC00  }
0x23: {  	[tilespmem:s16], [sflag:$0x1] =	stream.indirect.gather [hbm4b:s1+s15], $0x80, s4, s15, $0xb8;
	[tilespmem:$0x1C400] =	vst v63  }
0x24: {  	_ = 	snop  }
0x25: {  	[tilespmem:s17], [sflag:$0x2] =	stream.indirect.gather [hbm4b:s1+s15], $0x80, s15, s15, $0xb8;
	[tilespmem:$0x1C400] =	vst v63  }
0x26: {  	_ =	swait.ge [sflag:s18], $0x4000  }
0x27: {  	[sflag:s18] =	ssyncset.done $0x0  }
0x28: {  	[sflag:s18] =	ssyncadd.s32 $0xFFFFC000  }
0x29: {  	[spmem:s3] =	stream.indirect.scatter.add.f32 [tilespmem:s16], [sflag:$0x3], $0x80, s14, s15, $0xb8;
	[tilespmem:$0x1C400] =	vst v63  }
0x2a: {  	_ =	swait.ge [sflag:s19], $0x4000  }
0x2b: {  	[sflag:s19] =	ssyncset.done $0x0  }
0x2c: {  	[sflag:s19] =	ssyncadd.s32 $0xFFFFC000  }
0x2d: {  	[tilespmem:s16], [sflag:$0x1] =	stream.indirect.gather [hbm4b:s1+s15], $0x80, s20, s15, $0xb8;
	[tilespmem:$0x1C400] =	vst v63  }
0x2e: {  	_ =	swait.ge [sflag:s21], $0x4000  }
0x2f: {  	[sflag:s21] =	ssyncset.done $0x0  }
0x30: {  	[sflag:s21] =	ssyncadd.s32 $0xFFFFC000  }
0x31: {  	[spmem:s3] =	stream.indirect.scatter.add.f32 [tilespmem:s17], [sflag:$0x4], $0x80, s22, s15, $0xb8;
	[tilespmem:$0x1C400] =	vst v63  }
0x32: {  	_ =	swait.ge [sflag:s23], $0x4000  }
0x33: {  	[sflag:s23] =	ssyncset.done $0x0  }
0x34: {  	[sflag:s23] =	ssyncadd.s32 $0xFFFFC000  }
0x35: {  	[tilespmem:s17], [sflag:$0x2] =	stream.indirect.gather [hbm4b:s1+s15], $0x80, s24, s15, $0xb8;
	[tilespmem:$0x1C400] =	vst v63  }
0x36: {  	_ =	swait.ge [sflag:s18], $0x4000  }
0x37: {  	[sflag:s18] =	ssyncset.done $0x0  }
0x38: {  	[sflag:s18] =	ssyncadd.s32 $0xFFFFC000  }
0x39: {  	[spmem:s3] =	stream.indirect.scatter.add.f32 [tilespmem:s16], [sflag:$0x3], $0x80, s25, s15, $0xb8;
	[tilespmem:$0x1C400] =	vst v63  }
0x3a: {  	_ =	swait.ge [sflag:s19], $0x4000  }
0x3b: {  	[sflag:s19] =	ssyncset.done $0x0  }
0x3c: {  	[sflag:s19] =	ssyncadd.s32 $0xFFFFC000  }
0x3d: {  	[tilespmem:s16], [sflag:$0x1] =	stream.indirect.gather [hbm4b:s1+s15], $0x80, s26, s15, $0xb8;
	[tilespmem:$0x1C400] =	vst v63  }
0x3e: {  	_ =	swait.ge [sflag:s21], $0x4000  }
0x3f: {  	[sflag:s21] =	ssyncset.done $0x0  }
0x40: {  	[sflag:s21] =	ssyncadd.s32 $0xFFFFC000  }
0x41: {  	[spmem:s3] =	stream.indirect.scatter.add.f32 [tilespmem:s17], [sflag:$0x4], $0x80, s28, s15, $0xb8;
	[tilespmem:$0x1C400] =	vst v63  }
0x42: {  	_ =	swait.ge [sflag:s23], $0x4000  }
0x43: {  	[sflag:s23] =	ssyncset.done $0x0  }
0x44: {  	[sflag:s23] =	ssyncadd.s32 $0xFFFFC000  }
0x45: {  	[tilespmem:s17], [sflag:$0x2] =	stream.indirect.gather [hbm4b:s1+s15], $0x80, s29, s15, $0xb8;
	[tilespmem:$0x1C400] =	vst v63  }
0x46: {  	_ =	swait.ge [sflag:s18], $0x4000  }
0x47: {  	[sflag:s18] =	ssyncset.done $0x0  }
0x48: {  	[sflag:s18] =	ssyncadd.s32 $0xFFFFC000  }
0x49: {  	[spmem:s3] =	stream.indirect.scatter.add.f32 [tilespmem:s16], [sflag:$0x3], $0x80, s30, s15, $0xb8;
	[tilespmem:$0x1C400] =	vst v63  }
0x4a: {  	_ =	swait.ge [sflag:s19], $0x4000  }
0x4b: {  	[sflag:s19] =	ssyncset.done $0x0  }
0x4c: {  	[sflag:s19] =	ssyncadd.s32 $0xFFFFC000  }
0x4d: {  	[tilespmem:s16], [sflag:$0x1] =	stream.indirect.gather [hbm4b:s1+s15], $0x80, s31, s15, $0xb8;
	[tilespmem:$0x1C400] =	vst v63  }
0x4e: {  	_ =	swait.ge [sflag:s21], $0x4000  }
0x4f: {  	[sflag:s21] =	ssyncset.done $0x0  }
0x50: {  	[sflag:s21] =	ssyncadd.s32 $0xFFFFC000  }
0x51: {  	[spmem:s3] =	stream.indirect.scatter.add.f32 [tilespmem:s17], [sflag:$0x4], $0x80, s0, s15, $0xb8;
	[tilespmem:$0x1C400] =	vst v63  }
0x52: {  	_ =	swait.ge [sflag:s23], $0x4000  }
0x53: {  	[sflag:s23] =	ssyncset.done $0x0  }
0x54: {  	[sflag:s23] =	ssyncadd.s32 $0xFFFFC000  }
0x55: {  	[tilespmem:s17], [sflag:$0x2] =	stream.indirect.gather [hbm4b:s1+s15], $0x80, s2, s15, $0xb8;
	[tilespmem:$0x1C400] =	vst v63  }
0x56: {  	_ =	swait.ge [sflag:s18], $0x4000  }
0x57: {  	[sflag:s18] =	ssyncset.done $0x0  }
0x58: {  	[sflag:s18] =	ssyncadd.s32 $0xFFFFC000  }
0x59: {  	[spmem:s3] =	stream.indirect.scatter.add.f32 [tilespmem:s16], [sflag:$0x3], $0x80, s7, s15, $0xb8;
	[tilespmem:$0x1C400] =	vst v63  }
0x5a: {  	_ =	swait.ge [sflag:s19], $0x4000  }
0x5b: {  	[sflag:s19] =	ssyncset.done $0x0  }
0x5c: {  	[sflag:s19] =	ssyncadd.s32 $0xFFFFC000  }
0x5d: {  	_ =	swait.ge [sflag:s21], $0x4000  }
0x5e: {  	[sflag:s21] =	ssyncset.done $0x0  }
0x5f: {  	[sflag:s21] =	ssyncadd.s32 $0xFFFFC000  }
0x60: {  	[spmem:s3] =	stream.indirect.scatter.add.f32 [tilespmem:s17], [sflag:$0x4], $0x80, s8, s15, $0xb8;
	[tilespmem:$0x1C400] =	vst v63  }
0x61: {  	_ =	swait.ge [sflag:s23], $0x4000  }
0x62: {  	[sflag:s23] =	ssyncset.done $0x0  }
0x63: {  	s5 =	rddreg [dreg:$0xc];
	[sflag:s23] =	ssyncadd.s32 $0xFFFFC000  }
.LBB2_6:
0x64: {  	s5 =	sadd.s32 $0x1, s5  }
0x65: {  	p1 =	sne.s32 s5, s12  }
.Ltmp1:
0x66: {  	[bflag:$0x0] =	sbarrier.arrive $0xFFFF;
	(pc) =	sbr.rel @!p1 .LBB2_7-.Ltmp1, $4  }
0x67: {  	[hbm:s9], [sflag:s10] =	dma.local [spmem:s6], $0x2780  }
0x68: {  	_ =	swait.ge [sflag:s13], $0x2780  }
0x69: {  	[sflag:s13] =	ssyncset.done $0x0  }
0x6a: {  	[sflag:s13] =	ssyncadd.s32 $0xFFFFD880  }
.LBB2_1:
0x6b: {  	[dreg:$0xc] =	wrdreg s5  }
0x6c: {  	s5 =	rddreg [dreg:$0x5]  }
0x6d: {  	[spmem:s6], [sflag:s10] =	dma.local [hbm:s5], $0x2780  }
.Ltmp2:
0x6e: {  	_ =	swait.ge [sflag:s13], $0x2780;
	(pc) =	sbr.rel @p0 .LBB2_5-.Ltmp2, $3  }
0x6f: {  	[sflag:s13] =	ssyncset.done $0x0  }
0x70: {  	[sflag:s13] =	ssyncadd.s32 $0xFFFFD880  }
0x71: {  	[bflag:$0x0] =	sbarrier.arrive $0xFFFF;
	_ =	sdelay $0x1  }
0x72: {  	s6 =	sadd.s32 $0x0, s11  }
0x73: {  	[tilespmem:s4], [sflag:$0x5] =	stream.linear.gather [hbm4b:s6+s4], $0x400, $0x38;
	[tilespmem:$0x1C400] =	vst v63  }
0x74: {  	_ =	swait.ge [sflag:s13], $0x400  }
0x75: {  	s12 =	rddreg [dreg:$0x4];
	[sflag:s13] =	ssyncset.done $0x0  }
0x76: {  	[sflag:s13] =	ssyncadd.s32 $0xFFFFFC00;
	s6 =	sadd.s32 $0x0, s12  }
0x77: {  	[tilespmem:s14], [sflag:$0x5] =	stream.linear.gather [hbm4b:s6+s4], $0x400, $0x38;
	[tilespmem:$0x1C400] =	vst v63  }
0x78: {  	_ =	swait.ge [sflag:s13], $0x400  }
0x79: {  	[sflag:s13] =	ssyncset.done $0x0  }
0x7a: {  	[sflag:s13] =	ssyncadd.s32 $0xFFFFFC00  }
0x7b: {  	[tilespmem:s16], [sflag:$0x1] =	stream.indirect.gather [hbm4b:s1+s15], $0x80, s4, s15, $0xb8;
	[tilespmem:$0x1C400] =	vst v63  }
0x7c: {  	_ = 	snop  }
0x7d: {  	[tilespmem:s17], [sflag:$0x2] =	stream.indirect.gather [hbm4b:s1+s15], $0x80, s15, s15, $0xb8;
	[tilespmem:$0x1C400] =	vst v63  }
0x7e: {  	_ =	swait.ge [sflag:s18], $0x4000  }
0x7f: {  	[sflag:s18] =	ssyncset.done $0x0  }
0x80: {  	[sflag:s18] =	ssyncadd.s32 $0xFFFFC000  }
0x81: {  	[spmem:s3] =	stream.indirect.scatter.add.f32 [tilespmem:s16], [sflag:$0x3], $0x80, s14, s15, $0xb8;
	[tilespmem:$0x1C400] =	vst v63  }
0x82: {  	_ =	swait.ge [sflag:s19], $0x4000  }
0x83: {  	[sflag:s19] =	ssyncset.done $0x0  }
0x84: {  	[sflag:s19] =	ssyncadd.s32 $0xFFFFC000  }
0x85: {  	[tilespmem:s16], [sflag:$0x1] =	stream.indirect.gather [hbm4b:s1+s15], $0x80, s20, s15, $0xb8;
	[tilespmem:$0x1C400] =	vst v63  }
0x86: {  	_ =	swait.ge [sflag:s21], $0x4000  }
0x87: {  	[sflag:s21] =	ssyncset.done $0x0  }
0x88: {  	[sflag:s21] =	ssyncadd.s32 $0xFFFFC000  }
0x89: {  	[spmem:s3] =	stream.indirect.scatter.add.f32 [tilespmem:s17], [sflag:$0x4], $0x80, s22, s15, $0xb8;
	[tilespmem:$0x1C400] =	vst v63  }
0x8a: {  	_ =	swait.ge [sflag:s23], $0x4000  }
0x8b: {  	[sflag:s23] =	ssyncset.done $0x0  }
0x8c: {  	[sflag:s23] =	ssyncadd.s32 $0xFFFFC000  }
0x8d: {  	[tilespmem:s17], [sflag:$0x2] =	stream.indirect.gather [hbm4b:s1+s15], $0x80, s24, s15, $0xb8;
	[tilespmem:$0x1C400] =	vst v63  }
0x8e: {  	_ =	swait.ge [sflag:s18], $0x4000  }
0x8f: {  	[sflag:s18] =	ssyncset.done $0x0  }
0x90: {  	[sflag:s18] =	ssyncadd.s32 $0xFFFFC000  }
0x91: {  	[spmem:s3] =	stream.indirect.scatter.add.f32 [tilespmem:s16], [sflag:$0x3], $0x80, s25, s15, $0xb8;
	[tilespmem:$0x1C400] =	vst v63  }
0x92: {  	_ =	swait.ge [sflag:s19], $0x4000  }
0x93: {  	[sflag:s19] =	ssyncset.done $0x0  }
0x94: {  	[sflag:s19] =	ssyncadd.s32 $0xFFFFC000  }
0x95: {  	[tilespmem:s16], [sflag:$0x1] =	stream.indirect.gather [hbm4b:s1+s15], $0x80, s26, s15, $0xb8;
	[tilespmem:$0x1C400] =	vst v63  }
0x96: {  	_ =	swait.ge [sflag:s21], $0x4000  }
0x97: {  	[sflag:s21] =	ssyncset.done $0x0  }
0x98: {  	[sflag:s21] =	ssyncadd.s32 $0xFFFFC000  }
0x99: {  	[spmem:s3] =	stream.indirect.scatter.add.f32 [tilespmem:s17], [sflag:$0x4], $0x80, s28, s15, $0xb8;
	[tilespmem:$0x1C400] =	vst v63  }
0x9a: {  	_ =	swait.ge [sflag:s23], $0x4000  }
0x9b: {  	[sflag:s23] =	ssyncset.done $0x0  }
0x9c: {  	[sflag:s23] =	ssyncadd.s32 $0xFFFFC000  }
0x9d: {  	[tilespmem:s17], [sflag:$0x2] =	stream.indirect.gather [hbm4b:s1+s15], $0x80, s29, s15, $0xb8;
	[tilespmem:$0x1C400] =	vst v63  }
0x9e: {  	_ =	swait.ge [sflag:s18], $0x4000  }
0x9f: {  	[sflag:s18] =	ssyncset.done $0x0  }
0xa0: {  	[sflag:s18] =	ssyncadd.s32 $0xFFFFC000  }
0xa1: {  	[spmem:s3] =	stream.indirect.scatter.add.f32 [tilespmem:s16], [sflag:$0x3], $0x80, s30, s15, $0xb8;
	[tilespmem:$0x1C400] =	vst v63  }
0xa2: {  	_ =	swait.ge [sflag:s19], $0x4000  }
0xa3: {  	[sflag:s19] =	ssyncset.done $0x0  }
0xa4: {  	[sflag:s19] =	ssyncadd.s32 $0xFFFFC000  }
0xa5: {  	[tilespmem:s16], [sflag:$0x1] =	stream.indirect.gather [hbm4b:s1+s15], $0x80, s31, s15, $0xb8;
	[tilespmem:$0x1C400] =	vst v63  }
0xa6: {  	_ =	swait.ge [sflag:s21], $0x4000  }
0xa7: {  	[sflag:s21] =	ssyncset.done $0x0  }
0xa8: {  	[sflag:s21] =	ssyncadd.s32 $0xFFFFC000  }
0xa9: {  	[spmem:s3] =	stream.indirect.scatter.add.f32 [tilespmem:s17], [sflag:$0x4], $0x80, s0, s15, $0xb8;
	[tilespmem:$0x1C400] =	vst v63  }
0xaa: {  	_ =	swait.ge [sflag:s23], $0x4000  }
0xab: {  	[sflag:s23] =	ssyncset.done $0x0  }
0xac: {  	[sflag:s23] =	ssyncadd.s32 $0xFFFFC000  }
0xad: {  	[tilespmem:s17], [sflag:$0x2] =	stream.indirect.gather [hbm4b:s1+s15], $0x80, s2, s15, $0xb8;
	[tilespmem:$0x1C400] =	vst v63  }
0xae: {  	_ =	swait.ge [sflag:s18], $0x4000  }
0xaf: {  	[sflag:s18] =	ssyncset.done $0x0  }
0xb0: {  	[sflag:s18] =	ssyncadd.s32 $0xFFFFC000  }
0xb1: {  	[spmem:s3] =	stream.indirect.scatter.add.f32 [tilespmem:s16], [sflag:$0x3], $0x80, s7, s15, $0xb8;
	[tilespmem:$0x1C400] =	vst v63  }
0xb2: {  	_ =	swait.ge [sflag:s19], $0x4000  }
0xb3: {  	[sflag:s19] =	ssyncset.done $0x0  }
0xb4: {  	[sflag:s19] =	ssyncadd.s32 $0xFFFFC000  }
0xb5: {  	_ =	swait.ge [sflag:s21], $0x4000  }
0xb6: {  	[sflag:s21] =	ssyncset.done $0x0  }
0xb7: {  	[sflag:s21] =	ssyncadd.s32 $0xFFFFC000  }
0xb8: {  	[spmem:s3] =	stream.indirect.scatter.add.f32 [tilespmem:s17], [sflag:$0x4], $0x80, s8, s15, $0xb8;
	[tilespmem:$0x1C400] =	vst v63  }
0xb9: {  	_ =	swait.ge [sflag:s23], $0x4000  }
0xba: {  	s9 =	simm.s32 $0x80;
	s10 =	simm.s32 $0x100;
	[sflag:s23] =	ssyncset.done $0x0  }
.LBB2_3:
0xbb: {  	s12 =	sadd.s32 s9, s11;
	[sflag:s23] =	ssyncadd.s32 $0xFFFFC000  }
0xbc: {  	[tilespmem:s4], [sflag:$0x5] =	stream.linear.gather [hbm4b:s12+s4], $0x400, $0x38;
	[tilespmem:$0x1C400] =	vst v63  }
0xbd: {  	s5 =	smov.u32 s10;
	_ =	swait.ge [sflag:s13], $0x400  }
0xbe: {  	s6 =	sadd.s32 $0x80, s10;
	s12 =	rddreg [dreg:$0x4];
	[sflag:s13] =	ssyncset.done $0x0  }
0xbf: {  	p1 =	seq.s32 s10, $0x900;
	[sflag:s13] =	ssyncadd.s32 $0xFFFFFC00;
	s10 =	sadd.s32 s9, s12  }
0xc0: {  	[tilespmem:s14], [sflag:$0x5] =	stream.linear.gather [hbm4b:s10+s4], $0x400, $0x38;
	[tilespmem:$0x1C400] =	vst v63  }
0xc1: {  	_ =	swait.ge [sflag:s13], $0x400  }
0xc2: {  	[sflag:s13] =	ssyncset.done $0x0  }
0xc3: {  	[sflag:s13] =	ssyncadd.s32 $0xFFFFFC00  }
0xc4: {  	[tilespmem:s16], [sflag:$0x1] =	stream.indirect.gather [hbm4b:s1+s15], $0x80, s4, s15, $0xb8;
	[tilespmem:$0x1C400] =	vst v63  }
0xc5: {  	_ = 	snop  }
0xc6: {  	[tilespmem:s17], [sflag:$0x2] =	stream.indirect.gather [hbm4b:s1+s15], $0x80, s15, s15, $0xb8;
	[tilespmem:$0x1C400] =	vst v63  }
0xc7: {  	_ =	swait.ge [sflag:s18], $0x4000  }
0xc8: {  	[sflag:s18] =	ssyncset.done $0x0  }
0xc9: {  	[sflag:s18] =	ssyncadd.s32 $0xFFFFC000  }
0xca: {  	[spmem:s3] =	stream.indirect.scatter.add.f32 [tilespmem:s16], [sflag:$0x3], $0x80, s14, s15, $0xb8;
	[tilespmem:$0x1C400] =	vst v63  }
0xcb: {  	_ =	swait.ge [sflag:s19], $0x4000  }
0xcc: {  	[sflag:s19] =	ssyncset.done $0x0  }
0xcd: {  	[sflag:s19] =	ssyncadd.s32 $0xFFFFC000  }
0xce: {  	[tilespmem:s16], [sflag:$0x1] =	stream.indirect.gather [hbm4b:s1+s15], $0x80, s20, s15, $0xb8;
	[tilespmem:$0x1C400] =	vst v63  }
0xcf: {  	_ =	swait.ge [sflag:s21], $0x4000  }
0xd0: {  	[sflag:s21] =	ssyncset.done $0x0  }
0xd1: {  	[sflag:s21] =	ssyncadd.s32 $0xFFFFC000  }
0xd2: {  	[spmem:s3] =	stream.indirect.scatter.add.f32 [tilespmem:s17], [sflag:$0x4], $0x80, s22, s15, $0xb8;
	[tilespmem:$0x1C400] =	vst v63  }
0xd3: {  	_ =	swait.ge [sflag:s23], $0x4000  }
0xd4: {  	[sflag:s23] =	ssyncset.done $0x0  }
0xd5: {  	[sflag:s23] =	ssyncadd.s32 $0xFFFFC000  }
0xd6: {  	[tilespmem:s17], [sflag:$0x2] =	stream.indirect.gather [hbm4b:s1+s15], $0x80, s24, s15, $0xb8;
	[tilespmem:$0x1C400] =	vst v63  }
0xd7: {  	_ =	swait.ge [sflag:s18], $0x4000  }
0xd8: {  	[sflag:s18] =	ssyncset.done $0x0  }
0xd9: {  	[sflag:s18] =	ssyncadd.s32 $0xFFFFC000  }
0xda: {  	[spmem:s3] =	stream.indirect.scatter.add.f32 [tilespmem:s16], [sflag:$0x3], $0x80, s25, s15, $0xb8;
	[tilespmem:$0x1C400] =	vst v63  }
0xdb: {  	_ =	swait.ge [sflag:s19], $0x4000  }
0xdc: {  	[sflag:s19] =	ssyncset.done $0x0  }
0xdd: {  	[sflag:s19] =	ssyncadd.s32 $0xFFFFC000  }
0xde: {  	[tilespmem:s16], [sflag:$0x1] =	stream.indirect.gather [hbm4b:s1+s15], $0x80, s26, s15, $0xb8;
	[tilespmem:$0x1C400] =	vst v63  }
0xdf: {  	_ =	swait.ge [sflag:s21], $0x4000  }
0xe0: {  	[sflag:s21] =	ssyncset.done $0x0  }
0xe1: {  	[sflag:s21] =	ssyncadd.s32 $0xFFFFC000  }
0xe2: {  	[spmem:s3] =	stream.indirect.scatter.add.f32 [tilespmem:s17], [sflag:$0x4], $0x80, s28, s15, $0xb8;
	[tilespmem:$0x1C400] =	vst v63  }
0xe3: {  	_ =	swait.ge [sflag:s23], $0x4000  }
0xe4: {  	[sflag:s23] =	ssyncset.done $0x0  }
0xe5: {  	[sflag:s23] =	ssyncadd.s32 $0xFFFFC000  }
0xe6: {  	[tilespmem:s17], [sflag:$0x2] =	stream.indirect.gather [hbm4b:s1+s15], $0x80, s29, s15, $0xb8;
	[tilespmem:$0x1C400] =	vst v63  }
0xe7: {  	_ =	swait.ge [sflag:s18], $0x4000  }
0xe8: {  	[sflag:s18] =	ssyncset.done $0x0  }
0xe9: {  	[sflag:s18] =	ssyncadd.s32 $0xFFFFC000  }
0xea: {  	[spmem:s3] =	stream.indirect.scatter.add.f32 [tilespmem:s16], [sflag:$0x3], $0x80, s30, s15, $0xb8;
	[tilespmem:$0x1C400] =	vst v63  }
0xeb: {  	_ =	swait.ge [sflag:s19], $0x4000  }
0xec: {  	[sflag:s19] =	ssyncset.done $0x0  }
0xed: {  	[sflag:s19] =	ssyncadd.s32 $0xFFFFC000  }
0xee: {  	[tilespmem:s16], [sflag:$0x1] =	stream.indirect.gather [hbm4b:s1+s15], $0x80, s31, s15, $0xb8;
	[tilespmem:$0x1C400] =	vst v63  }
0xef: {  	_ =	swait.ge [sflag:s21], $0x4000  }
0xf0: {  	[sflag:s21] =	ssyncset.done $0x0  }
0xf1: {  	[sflag:s21] =	ssyncadd.s32 $0xFFFFC000  }
0xf2: {  	[spmem:s3] =	stream.indirect.scatter.add.f32 [tilespmem:s17], [sflag:$0x4], $0x80, s0, s15, $0xb8;
	[tilespmem:$0x1C400] =	vst v63  }
0xf3: {  	_ =	swait.ge [sflag:s23], $0x4000  }
0xf4: {  	[sflag:s23] =	ssyncset.done $0x0  }
0xf5: {  	[sflag:s23] =	ssyncadd.s32 $0xFFFFC000  }
0xf6: {  	[tilespmem:s17], [sflag:$0x2] =	stream.indirect.gather [hbm4b:s1+s15], $0x80, s2, s15, $0xb8;
	[tilespmem:$0x1C400] =	vst v63  }
0xf7: {  	_ =	swait.ge [sflag:s18], $0x4000  }
0xf8: {  	[sflag:s18] =	ssyncset.done $0x0  }
0xf9: {  	[sflag:s18] =	ssyncadd.s32 $0xFFFFC000  }
0xfa: {  	[spmem:s3] =	stream.indirect.scatter.add.f32 [tilespmem:s16], [sflag:$0x3], $0x80, s7, s15, $0xb8;
	[tilespmem:$0x1C400] =	vst v63  }
0xfb: {  	_ =	swait.ge [sflag:s19], $0x4000  }
0xfc: {  	[sflag:s19] =	ssyncset.done $0x0  }
0xfd: {  	[sflag:s19] =	ssyncadd.s32 $0xFFFFC000  }
0xfe: {  	_ =	swait.ge [sflag:s21], $0x4000  }
.Ltmp3:
0xff: {  	[sflag:s21] =	ssyncset.done $0x0;
	(pc) =	sbr.rel @!p1 .LBB2_3-.Ltmp3, $4  }
0x100: {  	[sflag:s21] =	ssyncadd.s32 $0xFFFFC000  }
0x101: {  	[spmem:s3] =	stream.indirect.scatter.add.f32 [tilespmem:s17], [sflag:$0x4], $0x80, s8, s15, $0xb8;
	[tilespmem:$0x1C400] =	vst v63  }
0x102: {  	_ =	swait.ge [sflag:s23], $0x4000  }
0x103: {  	s9 =	smov.u32 s5;
	s10 =	smov.u32 s6;
	[sflag:s23] =	ssyncset.done $0x0  }
0x104: {  	s5 =	sadd.s32 s9, s11;
	[sflag:s23] =	ssyncadd.s32 $0xFFFFC000  }
0x105: {  	[tilespmem:s4], [sflag:$0x5] =	stream.linear.gather [hbm4b:s5+s4], $0x400, $0x38;
	[tilespmem:$0x1C400] =	vst v63  }
0x106: {  	_ =	swait.ge [sflag:s13], $0x400  }
0x107: {  	s12 =	rddreg [dreg:$0x4];
	[sflag:s13] =	ssyncset.done $0x0  }
0x108: {  	s5 =	sadd.s32 s9, s12;
	[sflag:s13] =	ssyncadd.s32 $0xFFFFFC00  }
0x109: {  	[tilespmem:s14], [sflag:$0x5] =	stream.linear.gather [hbm4b:s5+s4], $0x400, $0x38;
	[tilespmem:$0x1C400] =	vst v63  }
0x10a: {  	_ =	swait.ge [sflag:s13], $0x400  }
0x10b: {  	[sflag:s13] =	ssyncset.done $0x0  }
0x10c: {  	[sflag:s13] =	ssyncadd.s32 $0xFFFFFC00  }
0x10d: {  	[tilespmem:s16], [sflag:$0x1] =	stream.indirect.gather [hbm4b:s1+s15], $0x80, s4, s15, $0xb8;
	[tilespmem:$0x1C400] =	vst v63  }
0x10e: {  	_ = 	snop  }
0x10f: {  	[tilespmem:s17], [sflag:$0x2] =	stream.indirect.gather [hbm4b:s1+s15], $0x80, s15, s15, $0xb8;
	[tilespmem:$0x1C400] =	vst v63  }
0x110: {  	_ =	swait.ge [sflag:s18], $0x4000  }
0x111: {  	[sflag:s18] =	ssyncset.done $0x0  }
0x112: {  	[sflag:s18] =	ssyncadd.s32 $0xFFFFC000  }
0x113: {  	[spmem:s3] =	stream.indirect.scatter.add.f32 [tilespmem:s16], [sflag:$0x3], $0x80, s14, s15, $0xb8;
	[tilespmem:$0x1C400] =	vst v63  }
0x114: {  	_ =	swait.ge [sflag:s19], $0x4000  }
0x115: {  	[sflag:s19] =	ssyncset.done $0x0  }
0x116: {  	[sflag:s19] =	ssyncadd.s32 $0xFFFFC000  }
0x117: {  	[tilespmem:s16], [sflag:$0x1] =	stream.indirect.gather [hbm4b:s1+s15], $0x80, s20, s15, $0xb8;
	[tilespmem:$0x1C400] =	vst v63  }
0x118: {  	_ =	swait.ge [sflag:s21], $0x4000  }
0x119: {  	[sflag:s21] =	ssyncset.done $0x0  }
0x11a: {  	[sflag:s21] =	ssyncadd.s32 $0xFFFFC000  }
0x11b: {  	[spmem:s3] =	stream.indirect.scatter.add.f32 [tilespmem:s17], [sflag:$0x4], $0x80, s22, s15, $0xb8;
	[tilespmem:$0x1C400] =	vst v63  }
0x11c: {  	_ =	swait.ge [sflag:s23], $0x4000  }
0x11d: {  	[sflag:s23] =	ssyncset.done $0x0  }
0x11e: {  	[sflag:s23] =	ssyncadd.s32 $0xFFFFC000  }
0x11f: {  	[tilespmem:s17], [sflag:$0x2] =	stream.indirect.gather [hbm4b:s1+s15], $0x80, s24, s15, $0xb8;
	[tilespmem:$0x1C400] =	vst v63  }
0x120: {  	_ =	swait.ge [sflag:s18], $0x4000  }
0x121: {  	[sflag:s18] =	ssyncset.done $0x0  }
0x122: {  	[sflag:s18] =	ssyncadd.s32 $0xFFFFC000  }
0x123: {  	[spmem:s3] =	stream.indirect.scatter.add.f32 [tilespmem:s16], [sflag:$0x3], $0x80, s25, s15, $0xb8;
	[tilespmem:$0x1C400] =	vst v63  }
0x124: {  	_ =	swait.ge [sflag:s19], $0x4000  }
0x125: {  	[sflag:s19] =	ssyncset.done $0x0  }
0x126: {  	[sflag:s19] =	ssyncadd.s32 $0xFFFFC000  }
0x127: {  	[tilespmem:s16], [sflag:$0x1] =	stream.indirect.gather [hbm4b:s1+s15], $0x80, s26, s15, $0xb8;
	[tilespmem:$0x1C400] =	vst v63  }
0x128: {  	_ =	swait.ge [sflag:s21], $0x4000  }
0x129: {  	[sflag:s21] =	ssyncset.done $0x0  }
0x12a: {  	[sflag:s21] =	ssyncadd.s32 $0xFFFFC000  }
0x12b: {  	[spmem:s3] =	stream.indirect.scatter.add.f32 [tilespmem:s17], [sflag:$0x4], $0x80, s28, s15, $0xb8;
	[tilespmem:$0x1C400] =	vst v63  }
0x12c: {  	_ =	swait.ge [sflag:s23], $0x4000  }
0x12d: {  	[sflag:s23] =	ssyncset.done $0x0  }
0x12e: {  	[sflag:s23] =	ssyncadd.s32 $0xFFFFC000  }
0x12f: {  	[tilespmem:s17], [sflag:$0x2] =	stream.indirect.gather [hbm4b:s1+s15], $0x80, s29, s15, $0xb8;
	[tilespmem:$0x1C400] =	vst v63  }
0x130: {  	_ =	swait.ge [sflag:s18], $0x4000  }
0x131: {  	[sflag:s18] =	ssyncset.done $0x0  }
0x132: {  	[sflag:s18] =	ssyncadd.s32 $0xFFFFC000  }
0x133: {  	[spmem:s3] =	stream.indirect.scatter.add.f32 [tilespmem:s16], [sflag:$0x3], $0x80, s30, s15, $0xb8;
	[tilespmem:$0x1C400] =	vst v63  }
0x134: {  	_ =	swait.ge [sflag:s19], $0x4000  }
0x135: {  	[sflag:s19] =	ssyncset.done $0x0  }
0x136: {  	[sflag:s19] =	ssyncadd.s32 $0xFFFFC000  }
0x137: {  	[tilespmem:s16], [sflag:$0x1] =	stream.indirect.gather [hbm4b:s1+s15], $0x80, s31, s15, $0xb8;
	[tilespmem:$0x1C400] =	vst v63  }
0x138: {  	_ =	swait.ge [sflag:s21], $0x4000  }
0x139: {  	[sflag:s21] =	ssyncset.done $0x0  }
0x13a: {  	[sflag:s21] =	ssyncadd.s32 $0xFFFFC000  }
0x13b: {  	[spmem:s3] =	stream.indirect.scatter.add.f32 [tilespmem:s17], [sflag:$0x4], $0x80, s0, s15, $0xb8;
	[tilespmem:$0x1C400] =	vst v63  }
0x13c: {  	_ =	swait.ge [sflag:s23], $0x4000  }
0x13d: {  	[sflag:s23] =	ssyncset.done $0x0  }
0x13e: {  	[sflag:s23] =	ssyncadd.s32 $0xFFFFC000  }
0x13f: {  	[tilespmem:s17], [sflag:$0x2] =	stream.indirect.gather [hbm4b:s1+s15], $0x80, s2, s15, $0xb8;
	[tilespmem:$0x1C400] =	vst v63  }
0x140: {  	_ =	swait.ge [sflag:s18], $0x4000  }
0x141: {  	[sflag:s18] =	ssyncset.done $0x0  }
0x142: {  	[sflag:s18] =	ssyncadd.s32 $0xFFFFC000  }
0x143: {  	[spmem:s3] =	stream.indirect.scatter.add.f32 [tilespmem:s16], [sflag:$0x3], $0x80, s7, s15, $0xb8;
	[tilespmem:$0x1C400] =	vst v63  }
0x144: {  	_ =	swait.ge [sflag:s19], $0x4000  }
0x145: {  	[sflag:s19] =	ssyncset.done $0x0  }
0x146: {  	[sflag:s19] =	ssyncadd.s32 $0xFFFFC000  }
0x147: {  	_ =	swait.ge [sflag:s21], $0x4000  }
0x148: {  	[sflag:s21] =	ssyncset.done $0x0  }
0x149: {  	[sflag:s21] =	ssyncadd.s32 $0xFFFFC000  }
0x14a: {  	[spmem:s3] =	stream.indirect.scatter.add.f32 [tilespmem:s17], [sflag:$0x4], $0x80, s8, s15, $0xb8;
	[tilespmem:$0x1C400] =	vst v63  }
0x14b: {  	_ =	swait.ge [sflag:s23], $0x4000  }
.Ltmp4:
0x14c: {  	s10 =	rddreg [dreg:$0x6];
	(pc) =	sbr.rel .LBB2_6-.Ltmp4, $4  }
0x14d: {  	s9 =	rddreg [dreg:$0x9]  }
0x14e: {  	s12 =	rddreg [dreg:$0xa]  }
0x14f: {  	[sflag:s23] =	ssyncset.done $0x0;
	s6 =	rddreg [dreg:$0xb]  }
0x150: {  	s5 =	rddreg [dreg:$0xc];
	[sflag:s23] =	ssyncadd.s32 $0xFFFFC000  }
.LBB2_7:
0x151: {  	_ =	sfence.sel $0x180000  }
0x152: {  	[bflag:$0x0] =	sbarrier.arrive $0xFFFF  }
0x153: {  	_ =	strace $0x9000004D  }
0x154: {  	s0 =	stileid.u32;
	[bflag:$0x2] =	sbarrier.arrive $0xFFFF  }
0x155: {  	p0 =	sne.s32 s0, $0x0;
	s0 =	rddreg [dreg:$0x3]  }
0x156: {  	s0 =	sadd.s32 @!p0 $0x100000, s0  }
0x157: {  	[sflag:s0] =	ssyncadd.tile.s32 @!p0 $0x1;
	_ =	shalt  }
.Lfunc_end2:
_tile_overlayer_lowered:
.L_overlay_start_2:
0x158: {  	(tag) =	ssettag $0x2  }
0x159: {  	s0 =	rddreg [dreg:$0x0];
	s2 =	stileid.u32  }
0x15a: {  	s1 =	rddreg [dreg:$0x1];
	p0 =	sne.s32 s2, $0x0  }
0x15b: {  	s3 =	rddreg [dreg:$0x2];
	[bflag:$0x3] =	sbarrier.arrive $0xFFFF;
	s2 =	simm.s32 @!p0 $0x1C05  }
0x15c: {  	[timem:s3], [sflag:s2] =	dma.local @!p0 [hbm:s0], s1  }
0x15d: {  	s0 =	simm.s32 @!p0 $0x5  }
0x15e: {  	_ =	swait.ge @!p0 [sflag:s0], s1  }
0x15f: {  	s1 =	ssub.s32 @!p0 $0x0, s1;
	[sflag:s0] =	ssyncset.done @!p0 $0x0  }
0x160: {  	[sflag:s0] =	ssyncadd.s32 @!p0 s1  }
0x161: {  	[bflag:$0x3] =	sbarrier.arrive $0xFFFF  }
0x162: {  	_ =	shalt  }

// kernel: kernel.8.cloned.1.call-start
scs
__scs_entry_jumppad:
0x0: {  	(pc) =	sbr.rel $0x88, $3  }
0x1: {  	(tag) =	ssettag $0x0;
	lr =	simm.s32 $0x1  }
0x2: {  	[smem:$0x3F9B] =	sst lr;
	_ =	strace $0xD0000000  }
0x3: {  	_ = 	snop  }
0x4: {  	_ = 	snop  }
0x5: {  	_ = 	snop  }
0x6: {  	_ = 	snop  }
0x7: {  	_ = 	snop  }
__scs_overlays_trampoline_lowered:
0x8: {  	[smem:$0x3FAA] =	sst s0  }
0x9: {  	[smem:$0x3FAB] =	sst s1  }
0xa: {  	[smem:$0x3FAC] =	sst s2  }
0xb: {  	[smem:$0x3FAD] =	sst s3  }
0xc: {  	[smem:$0x3FAE] =	sst s4  }
0xd: {  	[smem:$0x3FAF] =	sst s5  }
0xe: {  	[smem:$0x3FB0] =	sst s6  }
0xf: {  	[smem:$0x3FB1] =	sst s7  }
0x10: {  	[smem:$0x3FB2] =	sst s8  }
0x11: {  	[smem:$0x3FB3] =	sst s9;
	s0 =	simm.s32 @!p0 $0x0  }
0x12: {  	s1 =	sld [smem:$0x3F99];
	s0 =	simm.s32 @p0 $0x1  }
0x13: {  	[smem:$0x3FB4] =	sst s0;
	s0 =	simm.s32 @!p1 $0x0  }
0x14: {  	s2 =	sld [smem:$0x3F98];
	s0 =	simm.s32 @p1 $0x1  }
0x15: {  	[smem:$0x3FB5] =	sst s0;
	s0 =	simm.s32 @!p2 $0x0  }
0x16: {  	s3 =	sld [smem:$0x3FDB];
	s0 =	simm.s32 @p2 $0x1  }
0x17: {  	s4 =	simm.s32 $0x1BF5;
	[smem:$0x3FB7] =	sst s0  }
0x18: {  	s0 =	sld [smem:$0x3F9A];
	_ =	swait.ge [sflag:s4], $0x0  }
0x19: {  	s7 =	sld [smem:$0x3F9B]  }
0x1a: {  	s8 =	sadd.s32 $0xFFFFE003, lr  }
0x1b: {  	s9 =	sadd.s32 $0xFFFFFEF7, lr;
	s5 =	simm.s32 $0xFFFFFFFF;
	p2 =	slt.u32 s8, $0xFFFFF086  }
0x1c: {  	p1 =	slt.u32 s9, $0xF7A;
	s5 =	simm.s32 @!p2 $0x0  }
0x1d: {  	s5 =	simm.s32 @p1 $0x1;
	p0 =	seq.s32 s7, s2  }
0x1e: {  	s7 =	smul.u32 @!p0 $0xF7A, s2;
	p2 =	seq.s32 @!p0 s5, $0x0  }
0x1f: {  	s9 =	smul.u32 $0xF7A, s1;
	s8 =	simm.s32 @!p0 $0x1BF5;
	p2 =	por !p2, p0  }
0x20: {  	[sflag:s8] =	ssyncset.s32 @!p0 $0xFFFFF086;
	s6 =	sadd.s32 @!p0 s3, s7;
	s7 =	simm.s32 @!p0 $0x108  }
0x21: {  	s3 =	sadd.s32 s3, s9;
	s6 =	sadd.s32 @!p0 $0x88, s6;
	s7 =	simm.s32 @p2 $0x1082  }
0x22: {  	[simem:s7], [sflag:s8] =	dma.local @!p0 [hbm:s6], $0xF7A  }
0x23: {  	s9 =	sor.u32 $0xD0000000, s2;
	s6 =	simm.s32 $0x108;
	_ =	swait.ge @!p0 [sflag:s8], $0x0  }
0x24: {  	s3 =	sadd.s32 $0x88, s3;
	s6 =	simm.s32 @!p1 $0x1082;
	[sflag:s4] =	ssyncset.s32 $0xFFFFF086  }
0x25: {  	[simem:s6], [sflag:s4] =	dma.local [hbm:s3], $0xF7A  }
0x26: {  	[smem:$0x3F9B] =	sst s1;
	(tag) =	ssettag s2;
	_ =	strace s9  }
0x27: {  	s1 =	sld [smem:$0x3FAB]  }
0x28: {  	s2 =	sld [smem:$0x3FAC]  }
0x29: {  	s4 =	sld [smem:$0x3FAE]  }
0x2a: {  	p0 =	seq.s32 s5, $0x0;
	s5 =	sld [smem:$0x3FAF]  }
0x2b: {  	s6 =	sld [smem:$0x3FB0]  }
0x2c: {  	s7 =	sld [smem:$0x3FB1]  }
0x2d: {  	s3 =	simm.s32 $0x108;
	s8 =	sld [smem:$0x3FB2]  }
0x2e: {  	s3 =	simm.s32 @!p0 $0x1082;
	s9 =	sld [smem:$0x3FB3]  }
0x2f: {  	lr =	sadd.s32 s0, s3;
	s0 =	sld [smem:$0x3FAA]  }
0x30: {  	s3 =	sld [smem:$0x3FAD]  }
0x31: {  	[smem:$0x3FB6] =	sst s10  }
0x32: {  	s10 =	sld [smem:$0x3FB4];
	_ =	sdelay $0x3  }
0x33: {  	p0 =	seq.s32 s10, $0x1;
	s10 =	sld [smem:$0x3FB6];
	_ =	sdelay $0x3  }
0x34: {  	[smem:$0x3FB6] =	sst s10  }
0x35: {  	s10 =	sld [smem:$0x3FB5];
	_ =	sdelay $0x3  }
0x36: {  	p1 =	seq.s32 s10, $0x1;
	s10 =	sld [smem:$0x3FB6];
	_ =	sdelay $0x3  }
0x37: {  	[smem:$0x3FB6] =	sst s10  }
0x38: {  	s10 =	sld [smem:$0x3FB7]  }
0x39: {  	_ = 	snop;
	(pc) =	sbr.ind lr, $3  }
0x3a: {  	_ = 	snop  }
0x3b: {  	_ = 	snop  }
0x3c: {  	p2 =	seq.s32 s10, $0x1;
	s10 =	sld [smem:$0x3FB6]  }
0x3d: {  	_ =	shalt  }
0x3e: {  	_ =	shalt  }
0x3f: {  	_ =	shalt  }
0x40: {  	_ =	shalt  }
0x41: {  	_ =	shalt  }
0x42: {  	_ =	shalt  }
0x43: {  	_ =	shalt  }
0x44: {  	_ =	shalt  }
0x45: {  	_ =	shalt  }
0x46: {  	_ =	shalt  }
0x47: {  	_ =	shalt  }
0x48: {  	_ =	shalt  }
0x49: {  	_ =	shalt  }
0x4a: {  	_ =	shalt  }
0x4b: {  	_ =	shalt  }
0x4c: {  	_ =	shalt  }
0x4d: {  	_ =	shalt  }
0x4e: {  	_ =	shalt  }
0x4f: {  	_ =	shalt  }
0x50: {  	_ =	shalt  }
0x51: {  	_ =	shalt  }
0x52: {  	_ =	shalt  }
0x53: {  	_ =	shalt  }
0x54: {  	_ =	shalt  }
0x55: {  	_ =	shalt  }
0x56: {  	_ =	shalt  }
0x57: {  	_ =	shalt  }
0x58: {  	_ =	shalt  }
0x59: {  	_ =	shalt  }
0x5a: {  	_ =	shalt  }
0x5b: {  	_ =	shalt  }
0x5c: {  	_ =	shalt  }
0x5d: {  	_ =	shalt  }
0x5e: {  	_ =	shalt  }
0x5f: {  	_ =	shalt  }
0x60: {  	_ =	shalt  }
0x61: {  	_ =	shalt  }
0x62: {  	_ =	shalt  }
0x63: {  	_ =	shalt  }
0x64: {  	_ =	shalt  }
0x65: {  	_ =	shalt  }
0x66: {  	_ =	shalt  }
0x67: {  	_ =	shalt  }
0x68: {  	_ =	shalt  }
0x69: {  	_ =	shalt  }
0x6a: {  	_ =	shalt  }
0x6b: {  	_ =	shalt  }
0x6c: {  	_ =	shalt  }
0x6d: {  	_ =	shalt  }
0x6e: {  	_ =	shalt  }
0x6f: {  	_ =	shalt  }
0x70: {  	_ =	shalt  }
0x71: {  	_ =	shalt  }
0x72: {  	_ =	shalt  }
0x73: {  	_ =	shalt  }
0x74: {  	_ =	shalt  }
0x75: {  	_ =	shalt  }
0x76: {  	_ =	shalt  }
0x77: {  	_ =	shalt  }
0x78: {  	_ =	shalt  }
0x79: {  	_ =	shalt  }
0x7a: {  	_ =	shalt  }
0x7b: {  	_ =	shalt  }
0x7c: {  	_ =	shalt  }
0x7d: {  	_ =	shalt  }
0x7e: {  	_ =	shalt  }
0x7f: {  	_ =	shalt  }
0x80: {  	_ =	shalt  }
0x81: {  	_ =	shalt  }
0x82: {  	_ =	shalt  }
0x83: {  	_ =	shalt  }
0x84: {  	_ =	shalt  }
0x85: {  	_ =	shalt  }
0x86: {  	_ =	shalt  }
0x87: {  	_ =	shalt  }
.Lfunc_end0:
.L_simem_size_0:
called_computation_lowered:
.L_overlay_start_0:
0x88: {  	s2 =	sld [smem:$0x3FD9]  }
0x89: {  	s3 =	sld [smem:$0x3FFE];
	_ =	sdelay $0x1  }
0x8a: {  	s1 =	srdreg.scid  }
0x8b: {  	s0 =	sand.u32 $0x1, s1  }
0x8c: {  	s17 =	sshll.u32 s0, $0xA;
	s2 =	sadd.s32 s3, s2  }
0x8d: {  	s2 =	sadd.s32 s2, s17  }
0x8e: {  	[smem:$0x3FC2] =	sst s2  }
0x8f: {  	_ = 	snop  }
0x90: {  	s2 =	sld [smem:$0x3FD0];
	(tm) =	ssettm $0x1  }
0x91: {  	s18 =	sld [smem:$0x3FFB];
	_ =	sdelay $0x3  }
0x92: {  	_ =	strace s18  }
0x93: {  	s3 =	sld [smem:$0x3FFC];
	_ =	sdelay $0x3  }
0x94: {  	_ =	strace s3  }
0x95: {  	s3 =	sld [smem:$0x3FFD];
	_ =	sdelay $0x3  }
0x96: {  	_ =	strace s3  }
0x97: {  	_ =	strace $0x8FFFFFFF  }
0x98: {  	s19 =	sld [smem:$0x3FDB];
	_ =	sdelay $0x1  }
0x99: {  	s4 =	simm.s32 $_scs_section_size  }
0x9a: {  	s5 =	simm.s32 $_size__tile_overlayer_lowered;
	s6 =	simm.s32 $_tile_overlayer_lowered  }
0x9b: {  	s22 =	simm.s32 $0x1BFF;
	s21 =	sshll.u32 s6, $0x1;
	s3 =	sadd.s32 s4, s19  }
0x9c: {  	s7 =	simm.s32 $0x0;
	s20 =	sshll.u32 s5, $0x1;
	s5 =	sadd.s32 s21, s3  }
0x9d: {  	[timem:s7], [sflag:s22] =	dma.local [hbm:s5], s20  }
0x9e: {  	_ =	swait.ge [sflag:s22], s20  }
0x9f: {  	s4 =	ssub.s32 $0x0, s20;
	[sflag:s22] =	ssyncset.done $0x0  }
0xa0: {  	[sflag:s22] =	ssyncadd.s32 s4;
	_ =	sdelay $0x1  }
0xa1: {  	s23 =	simm.s32 $0x1B8B  }
0xa2: {  	_ =	swait.ge [sflag:s23], $0x1  }
0xa3: {  	[sflag:s23] =	ssyncset.done $0x0  }
0xa4: {  	s25 =	simm.s32 $0x1B8E;
	s24 =	sld [smem:$0x3FFE];
	[sflag:s23] =	ssyncadd.s32 $0xFFFFFFFF  }
0xa5: {  	s26 =	simm.s32 $execute0_lowered;
	[smem:$0x3FD2] =	sst s25  }
0xa6: {  	s5 =	sshll.u32 s26, $0x1;
	_ =	strace $0x80000046;
	[dreg:$0x1] =	wrdreg $0xFFFFFFFF  }
0xa7: {  	s28 =	simm.s32 $_size_execute0_lowered;
	s3 =	sadd.s32 s3, s5;
	[dreg:$0x0] =	wrdreg $0x0  }
0xa8: {  	s5 =	sshll.u32 s28, $0x1;
	[dreg:$0x2] =	wrdreg s3  }
0xa9: {  	[dreg:$0x3] =	wrdreg s5  }
0xaa: {  	[dreg:$0x4] =	wrdreg $0xC0  }
0xab: {  	_ =	task [dreg:s7], $0x5FFFF  }
0xac: {  	[dreg:$0x1] =	wrdreg $0xFFFFFFFF  }
0xad: {  	[dreg:$0x0] =	wrdreg $0x60  }
0xae: {  	[dreg:$0x2] =	wrdreg s24  }
0xaf: {  	[dreg:$0x3] =	wrdreg s2  }
0xb0: {  	[dreg:$0x4] =	wrdreg $0x68000  }
0xb1: {  	[dreg:$0x5] =	wrdreg $0x9  }
0xb2: {  	_ =	task.clear_ibuf [dreg:s7], $0x6FFFF;
	_ =	strace $0x90000046  }
0xb3: {  	s29 =	simm.s32 $0x9;
	_ =	strace $0x80000048  }
0xb4: {  	_ =	swait.ge [sflag:s29], $0x1  }
0xb5: {  	[sflag:s29] =	ssyncadd.s32 $0xFFFFFFFF  }
0xb6: {  	_ =	strace $0x90000048  }
0xb7: {  	_ =	sfence  }
0xb8: {  	s30 =	sld [smem:$0x0];
	_ =	sdelay $0x2  }
0xb9: {  	s31 =	sshll.u32 s1, $0xD;
	s1 =	sshrl.u32 s1, $0x2  }
0xba: {  	s3 =	sand.u32 $0x4000, s31;
	s1 =	sadd.s32 s1, s30  }
0xbb: {  	s0 =	sor.u32 s3, s0;
	s1 =	sshll.u32 s1, $0x11  }
0xbc: {  	s0 =	sor.u32 s1, s0  }
0xbd: {  	s0 =	sadd.s32 $0x8F2B, s0  }
0xbe: {  	[sflag:s0] =	ssyncadd.remote.s32 $0x1  }
0xbf: {  	_ =	sfence.sel $0xFFFF  }
0xc0: {  	[dreg:$0x0] =	wrdreg $0xFFFFFFFF;
	(pc) =	sbr.abs _section_cstart, $3  }
0xc1: {  	[dreg:$0x1] =	wrdreg $0xFFFFFFFF  }
0xc2: {  	_ =	task.clear_ibuf [dreg:s7], $0x2FFFF;
	_ =	strace $0x9FFFFFFF  }
0xc3: {  	(tm) =	ssettm $0x7FFFFFFF  }
tec
execute0_lowered:
.L_overlay_start_1:
0x0: {  	(tag) =	ssettag $0x1  }
0x1: {  	s5 =	rddreg [dreg:$0x0]  }
0x2: {  	s1 =	srdreg.scid;
	s2 =	rddreg [dreg:$0x1]  }
0x3: {  	s0 =	stileid.u32;
	s3 =	rddreg [dreg:$0x2]  }
0x4: {  	s4 =	simm.s32 $0x0;
	s13 =	simm.s32 $0x80;
	s14 =	simm.s32 $0x100  }
0x5: {  	s15 =	simm.s32 $0x180;
	s16 =	simm.s32 $0x1;
	s17 =	simm.s32 $0x2  }
0x6: {  	s18 =	simm.s32 $0x3;
	s19 =	simm.s32 $0x4;
	s20 =	simm.s32 $0x0  }
0x7: {  	s6 =	sand.u32 $0x1, s1;
	s28 =	sshll.u32 s0, $0x1;
	s8 =	smul.u32 $0x13C00, s0  }
0x8: {  	[smem:$0x7FF] =	sst s4;
	s29 =	smul.u32 $0x4F000, s0;
	s31 =	sshll.u32 s0, $0x6  }
0x9: {  	s1 =	sor.u32 s6, s28;
	s9 =	smul.u32 $0x13C000, s6;
	s6 =	ssub.s32 $0x2, s6  }
0xa: {  	s7 =	smul.u32 $0x500, s1;
	s1 =	rddreg [dreg:$0x3];
	_ =	strace $0x80000047  }
0xb: {  	s10 =	sshrl.u32 s8, $0x3;
	s11 =	sshrl.u32 s6, $0x1;
	s30 =	sshrl.u32 s29, $0x2  }
0xc: {  	s8 =	sadd.s32 s8, s9;
	s10 =	sadd.s32 s10, s5;
	s11 =	ssub.s32 s6, s11  }
0xd: {  	s12 =	sadd.s32 s30, s3;
	s6 =	sor.u32 $0x1C05, s31;
	s7 =	sadd.s32 s7, s5  }
0xe: {  	s8 =	sshrl.u32 s8, $0x3;
	s9 =	smax.u32 s11, $0x1;
	s11 =	simm.s32 $0x5  }
0xf: {  	s8 =	sadd.s32 s8, s5;
	s5 =	sadd.s32 $0x16800, s10;
	s7 =	sadd.s32 $0xC800, s7  }
0x10: {  	s10 =	sshrl.u32 s12, $0x3;
	s12 =	simm.s32 $0x2800;
	s8 =	sadd.s32 $0x3E000, s8  }
.LBB2_1:
0x11: {  	[spmem:s10], [sflag:s6] =	dma.local [hbm:s5], $0x2780  }
0x12: {  	_ =	swait.ge [sflag:s11], $0x2780  }
0x13: {  	[sflag:s11] =	ssyncset.done $0x0  }
0x14: {  	[sflag:s11] =	ssyncadd.s32 $0xFFFFD880  }
0x15: {  	[tilespmem:s12], [sflag:$0x5] =	stream.linear.gather [hbm4b:s2+s4], $0x4000, $0x38;
	[tilespmem:$0x1A400] =	vst v63  }
0x16: {  	_ =	swait.ge [sflag:s11], $0x4000  }
0x17: {  	[sflag:s11] =	ssyncset.done $0x0  }
0x18: {  	[sflag:s11] =	ssyncadd.s32 $0xFFFFC000  }
0x19: {  	[tilespmem:s4], [sflag:$0x5] =	stream.linear.gather [hbm4b:s7+s4], $0x2800, $0x38;
	[tilespmem:$0x1A400] =	vst v63  }
0x1a: {  	_ =	swait.ge [sflag:s11], $0x2800  }
0x1b: {  	[sflag:s11] =	ssyncset.done $0x0  }
0x1c: {  	[sflag:s11] =	ssyncadd.s32 $0xFFFFD800  }
0x1d: {  	[bflag:$0x0] =	sbarrier.arrive $0xFFFF  }
0x1e: {  	[spmem:s3] =	stream.indirect.scatter.add.f32 [tilespmem:s12], [sflag:$0x1], $0x80, s4, s13, $0xb8;
	[tilespmem:$0x1A400] =	vst v63  }
0x1f: {  	_ = 	snop  }
0x20: {  	[spmem:s3] =	stream.indirect.scatter.add.f32 [tilespmem:s12], [sflag:$0x2], $0x80, s13, s13, $0xb8;
	[tilespmem:$0x1A400] =	vst v63  }
0x21: {  	_ = 	snop  }
0x22: {  	[spmem:s3] =	stream.indirect.scatter.add.f32 [tilespmem:s12], [sflag:$0x3], $0x80, s14, s13, $0xb8;
	[tilespmem:$0x1A400] =	vst v63  }
0x23: {  	_ = 	snop  }
0x24: {  	[spmem:s3] =	stream.indirect.scatter.add.f32 [tilespmem:s12], [sflag:$0x4], $0x80, s15, s13, $0xb8;
	[tilespmem:$0x1A400] =	vst v63  }
0x25: {  	_ =	swait.ge [sflag:s16], $0x4000  }
0x26: {  	[sflag:s16] =	ssyncset.done $0x0  }
0x27: {  	s21 =	simm.s32 $0x200;
	[sflag:s16] =	ssyncadd.s32 $0xFFFFC000  }
0x28: {  	[spmem:s3] =	stream.indirect.scatter.add.f32 [tilespmem:s12], [sflag:$0x1], $0x80, s21, s13, $0xb8;
	[tilespmem:$0x1A400] =	vst v63  }
0x29: {  	_ =	swait.ge [sflag:s17], $0x4000  }
0x2a: {  	[sflag:s17] =	ssyncset.done $0x0  }
0x2b: {  	s30 =	simm.s32 $0x280;
	[sflag:s17] =	ssyncadd.s32 $0xFFFFC000  }
0x2c: {  	[spmem:s3] =	stream.indirect.scatter.add.f32 [tilespmem:s12], [sflag:$0x2], $0x80, s30, s13, $0xb8;
	[tilespmem:$0x1A400] =	vst v63  }
0x2d: {  	_ =	swait.ge [sflag:s18], $0x4000  }
0x2e: {  	[sflag:s18] =	ssyncset.done $0x0  }
0x2f: {  	s31 =	simm.s32 $0x300;
	[sflag:s18] =	ssyncadd.s32 $0xFFFFC000  }
0x30: {  	[spmem:s3] =	stream.indirect.scatter.add.f32 [tilespmem:s12], [sflag:$0x3], $0x80, s31, s13, $0xb8;
	[tilespmem:$0x1A400] =	vst v63  }
0x31: {  	_ =	swait.ge [sflag:s19], $0x4000  }
0x32: {  	[sflag:s19] =	ssyncset.done $0x0  }
0x33: {  	s22 =	simm.s32 $0x380;
	s21 =	simm.s32 $0xFFFF7000;
	[sflag:s19] =	ssyncadd.s32 $0xFFFFC000  }
.LBB2_2:
0x34: {  	[spmem:s3] =	stream.indirect.scatter.add.f32 [tilespmem:s12], [sflag:$0x4], $0x80, s22, s13, $0xb8;
	[tilespmem:$0x1A400] =	vst v63  }
0x35: {  	s22 =	smov.u32 s21  }
0x36: {  	p0 =	sne.s32 s21, $0xFFFFF800;
	s21 =	sadd.s32 $0x800, s21;
	_ =	swait.ge [sflag:s16], $0x4000  }
0x37: {  	s22 =	sshra.s32 s22, $0x2;
	[sflag:s16] =	ssyncset.done $0x0  }
0x38: {  	s23 =	sadd.s32 $0x2800, s22;
	[sflag:s16] =	ssyncadd.s32 $0xFFFFC000  }
0x39: {  	[spmem:s3] =	stream.indirect.scatter.add.f32 [tilespmem:s12], [sflag:$0x1], $0x80, s23, s13, $0xb8;
	[tilespmem:$0x1A400] =	vst v63  }
0x3a: {  	_ =	swait.ge [sflag:s17], $0x4000  }
0x3b: {  	[sflag:s17] =	ssyncset.done $0x0  }
0x3c: {  	s23 =	sadd.s32 $0x2880, s22;
	[sflag:s17] =	ssyncadd.s32 $0xFFFFC000  }
0x3d: {  	[spmem:s3] =	stream.indirect.scatter.add.f32 [tilespmem:s12], [sflag:$0x2], $0x80, s23, s13, $0xb8;
	[tilespmem:$0x1A400] =	vst v63  }
0x3e: {  	_ =	swait.ge [sflag:s18], $0x4000  }
0x3f: {  	[sflag:s18] =	ssyncset.done $0x0  }
.Ltmp0:
0x40: {  	s23 =	sadd.s32 $0x2900, s22;
	[sflag:s18] =	ssyncadd.s32 $0xFFFFC000;
	(pc) =	sbr.rel @p0 .LBB2_2-.Ltmp0, $4  }
0x41: {  	[spmem:s3] =	stream.indirect.scatter.add.f32 [tilespmem:s12], [sflag:$0x3], $0x80, s23, s13, $0xb8;
	[tilespmem:$0x1A400] =	vst v63  }
0x42: {  	_ =	swait.ge [sflag:s19], $0x4000  }
0x43: {  	[sflag:s19] =	ssyncset.done $0x0  }
0x44: {  	s22 =	sadd.s32 $0x2980, s22;
	[sflag:s19] =	ssyncadd.s32 $0xFFFFC000  }
0x45: {  	[spmem:s3] =	stream.indirect.scatter.add.f32 [tilespmem:s12], [sflag:$0x4], $0x80, s22, s13, $0xb8;
	[tilespmem:$0x1A400] =	vst v63  }
0x46: {  	_ =	swait.ge [sflag:s16], $0x4000  }
0x47: {  	[sflag:s16] =	ssyncset.done $0x0  }
0x48: {  	[sflag:s16] =	ssyncadd.s32 $0xFFFFC000  }
0x49: {  	_ =	swait.ge [sflag:s17], $0x4000  }
0x4a: {  	[sflag:s17] =	ssyncset.done $0x0  }
0x4b: {  	[sflag:s17] =	ssyncadd.s32 $0xFFFFC000  }
0x4c: {  	_ =	swait.ge [sflag:s18], $0x4000  }
0x4d: {  	[sflag:s18] =	ssyncset.done $0x0  }
0x4e: {  	[sflag:s18] =	ssyncadd.s32 $0xFFFFC000  }
0x4f: {  	_ =	swait.ge [sflag:s19], $0x4000  }
0x50: {  	s20 =	sadd.s32 $0x1, s20;
	[sflag:s19] =	ssyncset.done $0x0  }
0x51: {  	p0 =	sne.s32 s20, s9;
	[sflag:s19] =	ssyncadd.s32 $0xFFFFC000  }
.Ltmp1:
0x52: {  	[bflag:$0x0] =	sbarrier.arrive $0xFFFF;
	(pc) =	sbr.rel @p0 .LBB2_1-.Ltmp1, $4  }
0x53: {  	[hbm:s8], [sflag:s6] =	dma.local [spmem:s10], $0x2780  }
0x54: {  	_ =	swait.ge [sflag:s11], $0x2780  }
0x55: {  	[sflag:s11] =	ssyncset.done $0x0  }
0x56: {  	[sflag:s11] =	ssyncadd.s32 $0xFFFFD880  }
0x57: {  	_ =	sfence.sel $0x180000  }
0x58: {  	[bflag:$0x0] =	sbarrier.arrive $0xFFFF  }
0x59: {  	p0 =	sne.s32 s0, $0x0;
	_ =	strace $0x90000047  }
0x5a: {  	s0 =	sadd.s32 @!p0 $0x100000, s1;
	[bflag:$0x2] =	sbarrier.arrive $0xFFFF  }
0x5b: {  	[sflag:s0] =	ssyncadd.tile.s32 @!p0 $0x1;
	_ =	shalt  }
.Lfunc_end2:
_tile_overlayer_lowered:
.L_overlay_start_2:
0x5c: {  	(tag) =	ssettag $0x2  }
0x5d: {  	s0 =	rddreg [dreg:$0x0];
	s2 =	stileid.u32  }
0x5e: {  	s1 =	rddreg [dreg:$0x1];
	p0 =	sne.s32 s2, $0x0  }
0x5f: {  	s3 =	rddreg [dreg:$0x2];
	[bflag:$0x3] =	sbarrier.arrive $0xFFFF;
	s2 =	simm.s32 @!p0 $0x1C05  }
0x60: {  	[timem:s3], [sflag:s2] =	dma.local @!p0 [hbm:s0], s1  }
0x61: {  	s0 =	simm.s32 @!p0 $0x5  }
0x62: {  	_ =	swait.ge @!p0 [sflag:s0], s1  }
0x63: {  	s1 =	ssub.s32 @!p0 $0x0, s1;
	[sflag:s0] =	ssyncset.done @!p0 $0x0  }
0x64: {  	[sflag:s0] =	ssyncadd.s32 @!p0 s1  }
0x65: {  	[bflag:$0x3] =	sbarrier.arrive $0xFFFF  }
0x66: {  	_ =	shalt  }

</sc_bundles>
